<compile_context>
chip_gen: v7x
topology: tpu7x:2x2x1
jax: 0.10.2.dev20260603
libtpu: 0.0.44.dev20260713+nightly
codegen_flags: <defaults>
</compile_context>

<pallas_src>
import functools

import jax
import jax.numpy as jnp
from jax import lax
from jax.experimental import pallas as pl
from jax.experimental.pallas import tpu as pltpu
from jax.experimental.pallas import tpu_sc as plsc

N = 2048
HID = 1024
BQH = 64
K1, K2 = 16, 32
P1, P2 = 32, 48
R1SQ = 0.1 * 0.1
R2SQ = 0.2 * 0.2

_STACK_NAMES = ["geo_self", "surf_self", "vol_self", "geo_surf", "geo_vol",
                "surf_geo", "vol_geo"]
_STACK_PAIRS = [(0, 0), (1, 1), (2, 2), (0, 1), (0, 2), (1, 0), (2, 0)]
NST = len(_STACK_PAIRS)

_NW = 32
_QPW = N // _NW


def _bq_sc_body(pts_hbm, out1, out2, pts_v,
                b1x, b1y, b1z, b1v, b2x, b2y, b2z, b2v):
    wid = lax.axis_index("s") * 2 + lax.axis_index("c")
    q0 = wid * _QPW
    pltpu.sync_copy(pts_hbm, pts_v)
    zeros = jnp.zeros((16,), jnp.float32)
    lane = lax.iota(jnp.int32, 16)

    def zfill(i, _):
        for b in (b1x, b1y, b1z):
            b[pl.ds(i * 16, 16)] = zeros
        return 0

    def zfill2(i, _):
        for b in (b2x, b2y, b2z):
            b[pl.ds(i * 16, 16)] = zeros
        return 0

    lax.fori_loop(0, _QPW * P1 // 16, zfill, 0)
    lax.fori_loop(0, _QPW * P2 // 16, zfill2, 0)

    def splat(v, j):
        return v.at[jnp.full((16,), j, jnp.int32)].get(mode="promise_in_bounds")

    for st, (qset, sset) in enumerate(_STACK_PAIRS):
        qb = 3 * qset * N
        sb = 3 * sset * N

        def per_pair(qq, carry_unused, qb=qb, sb=sb):
            qa = 2 * qq
            qg = q0 + (qa // 16) * 16
            cx = pts_v[pl.ds(qb + qg, 16)]
            cy = pts_v[pl.ds(qb + N + qg, 16)]
            cz = pts_v[pl.ds(qb + 2 * N + qg, 16)]
            la = qa % 16
            qxa, qya, qza = splat(cx, la), splat(cy, la), splat(cz, la)
            qxb, qyb, qzb = splat(cx, la + 1), splat(cy, la + 1), splat(cz, la + 1)
            base1a, base2a = qa * P1, qa * P2
            base1b, base2b = base1a + P1, base2a + P2
            cap1a = jnp.full((16,), base1a + K1, jnp.int32)
            cap2a = jnp.full((16,), base2a + K2, jnp.int32)
            cap1b = jnp.full((16,), base1b + K1, jnp.int32)
            cap2b = jnp.full((16,), base2b + K2, jnp.int32)

            def per_chunk(ch, carry, sb=sb):
                a1a, a2a, a1b, a2b = carry
                base = ch * 16
                sx = pts_v[pl.ds(sb + base, 16)]
                sy = pts_v[pl.ds(sb + N + base, 16)]
                sz = pts_v[pl.ds(sb + 2 * N + base, 16)]
                out = []
                for (qx, qy, qz, a1, a2, cap1, cap2) in (
                        (qxa, qya, qza, a1a, a2a, cap1a, cap2a),
                        (qxb, qyb, qzb, a1b, a2b, cap1b, cap2b)):
                    dx = sx - qx
                    dy = sy - qy
                    dz = sz - qz
                    d2 = dx * dx + dy * dy + dz * dz
                    w2 = d2 <= R2SQ
                    w1 = d2 <= R1SQ
                    i2 = a2 + plsc.cumsum(w2.astype(jnp.int32))
                    i1 = a1 + plsc.cumsum(w1.astype(jnp.int32))
                    sel2 = jnp.logical_and(w2, i2 < cap2)
                    sel1 = jnp.logical_and(w1, i1 < cap1)
                    plsc.store_scatter(b2x, [i2], dx, mask=sel2)
                    plsc.store_scatter(b2y, [i2], dy, mask=sel2)
                    plsc.store_scatter(b2z, [i2], dz, mask=sel2)
                    plsc.store_scatter(b1x, [i1], dx, mask=sel1)
                    plsc.store_scatter(b1y, [i1], dy, mask=sel1)
                    plsc.store_scatter(b1z, [i1], dz, mask=sel1)
                    a2 = jnp.minimum(
                        a2 + plsc.all_reduce_population_count(w2), cap2 - 1)
                    a1 = jnp.minimum(
                        a1 + plsc.all_reduce_population_count(w1), cap1 - 1)
                    out.append((a1, a2))
                return (out[0][0], out[0][1], out[1][0], out[1][1])

            init = (jnp.full((16,), base1a - 1, jnp.int32),
                    jnp.full((16,), base2a - 1, jnp.int32),
                    jnp.full((16,), base1b - 1, jnp.int32),
                    jnp.full((16,), base2b - 1, jnp.int32))
            a1a, a2a, a1b, a2b = lax.fori_loop(0, N // 16, per_chunk, init)

            for (a1, a2, b1o, b2o) in ((a1a, a2a, base1a, base2a),
                                       (a1b, a2b, base1b, base2b)):
                cnt1 = a1 - (b1o - 1)
                cnt2 = a2 - (b2o - 1)
                b1v[pl.ds(b1o, 16)] = (lane < cnt1).astype(jnp.float32)
                b1v[pl.ds(b1o + 16, 16)] = ((lane + 16) < cnt1).astype(
                    jnp.float32)
                b2v[pl.ds(b2o, 16)] = (lane < cnt2).astype(jnp.float32)
                b2v[pl.ds(b2o + 16, 16)] = ((lane + 16) < cnt2).astype(
                    jnp.float32)
                b2v[pl.ds(b2o + 32, 16)] = ((lane + 32) < cnt2).astype(
                    jnp.float32)
            return carry_unused

        lax.fori_loop(0, _QPW // 2, per_pair, jnp.int32(0))
        for ch, b in enumerate((b1x, b1y, b1z, b1v)):
            pltpu.sync_copy(b, out1.at[pl.ds(((st * 4 + ch) * N + q0) * P1,
                                             _QPW * P1)])
        for ch, b in enumerate((b2x, b2y, b2z, b2v)):
            pltpu.sync_copy(b, out2.at[pl.ds(((st * 4 + ch) * N + q0) * P2,
                                             _QPW * P2)])


@functools.lru_cache(maxsize=1)
def _bq_sc_build():
    return pl.kernel(
        _bq_sc_body,
        out_type=(
            jax.ShapeDtypeStruct((NST * 4 * N * P1,), jnp.float32),
            jax.ShapeDtypeStruct((NST * 4 * N * P2,), jnp.float32),
        ),
        mesh=plsc.VectorSubcoreMesh(core_axis_name="c", subcore_axis_name="s"),
        compiler_params=pltpu.CompilerParams(needs_layout_passes=False),
        scratch_types=[
            pltpu.VMEM((3 * 3 * N,), jnp.float32),
            pltpu.VMEM((_QPW * P1,), jnp.float32),
            pltpu.VMEM((_QPW * P1,), jnp.float32),
            pltpu.VMEM((_QPW * P1,), jnp.float32),
            pltpu.VMEM((_QPW * P1,), jnp.float32),
            pltpu.VMEM((_QPW * P2,), jnp.float32),
            pltpu.VMEM((_QPW * P2,), jnp.float32),
            pltpu.VMEM((_QPW * P2,), jnp.float32),
            pltpu.VMEM((_QPW * P2,), jnp.float32),
        ],
    )


_QB = 256
_QSET = [qs for qs, _ in _STACK_PAIRS]


def _mlp_tc_body(rel1, rel2, tg, ts, tv, w1, b1, w2, b2, wo, bo,
                 og, osf, ov):
    st = pl.program_id(1)
    feats = []
    for sc, P in enumerate((P1, P2)):
        rel = (rel1 if sc == 0 else rel2)[0]
        dn = (((0,), (0,)), ((), ()))
        wv = (lax.broadcasted_iota(jnp.int32, (4, BQH), 0) == 3).astype(
            jnp.float32)
        h = lax.dot_general(rel, w1[0, sc, :, :BQH], dn,
                            preferred_element_type=jnp.float32)
        h = jnp.maximum(h + b1[0, sc][None, :], 0.0)
        h = jnp.dot(h, w2[0, sc], preferred_element_type=jnp.float32)
        h = jnp.maximum(h + b2[0, sc][None, :], 0.0)
        v = lax.dot_general(rel, wv, dn,
                            preferred_element_type=jnp.float32)
        h = (h * v).reshape(_QB, P, BQH)
        feats.append(jnp.max(h, axis=1))
    f = jnp.concatenate(feats, axis=-1)
    contrib = jnp.dot(f, wo[0], preferred_element_type=jnp.float32)
    contrib = contrib + bo[0]

    for out_ref, tok_ref, qset in ((og, tg, 0), (osf, ts, 1), (ov, tv, 2)):
        first = [s for s, q in enumerate(_QSET) if q == qset][0]
        rest = [s for s, q in enumerate(_QSET) if q == qset][1:]

        @pl.when(st == first)
        def _():
            out_ref[...] = tok_ref[...] + contrib

        for s in rest:
            @pl.when(st == s)
            def _():
                out_ref[...] = out_ref[...] + contrib


def _mlp_tc(rel4_1, rel4_2, tg, ts, tv, W1e, b1s, W2s, b2s, WOs, BOs):
    grid = (N // _QB, NST)
    tok_spec = pl.BlockSpec((_QB, HID), lambda i, st: (i, 0))
    return pl.pallas_call(
        _mlp_tc_body,
        grid=grid,
        in_specs=[
            pl.BlockSpec((1, 4, _QB * P1), lambda i, st: (st, 0, i)),
            pl.BlockSpec((1, 4, _QB * P2), lambda i, st: (st, 0, i)),
            tok_spec, tok_spec, tok_spec,
            pl.BlockSpec((1, 2, 4, 2 * BQH), lambda i, st: (st, 0, 0, 0)),
            pl.BlockSpec((1, 2, BQH), lambda i, st: (st, 0, 0)),
            pl.BlockSpec((1, 2, BQH, BQH), lambda i, st: (st, 0, 0, 0)),
            pl.BlockSpec((1, 2, BQH), lambda i, st: (st, 0, 0)),
            pl.BlockSpec((1, 2 * BQH, HID), lambda i, st: (st, 0, 0)),
            pl.BlockSpec((1, 1, HID), lambda i, st: (st, 0, 0)),
        ],
        out_specs=[tok_spec, tok_spec, tok_spec],
        out_shape=[jax.ShapeDtypeStruct((N, HID), jnp.float32)] * 3,
    )(rel4_1, rel4_2, tg, ts, tv, W1e, b1s, W2s, b2s,
      WOs, BOs.reshape(NST, 1, HID))


def kernel(geometry_points, surface_points, volume_points, geo_tokens,
           surf_tokens, vol_tokens, params):
    pts = jnp.stack([geometry_points[0].T, surface_points[0].T,
                     volume_points[0].T])
    o1, o2 = _bq_sc_build()(pts.reshape(-1))
    rel4_1 = o1.reshape(NST, 4, N * P1)
    rel4_2 = o2.reshape(NST, 4, N * P2)

    W1s = jnp.stack([jnp.stack([params[n]["scales"][i]["W1"] for i in range(2)])
                     for n in _STACK_NAMES])
    W1e = jnp.concatenate(
        [W1s, jnp.zeros((NST, 2, 1, BQH), jnp.float32)], axis=2)
    sel = jnp.zeros((NST, 2, 4, BQH), jnp.float32).at[:, :, 3, :].set(1.0)
    W1e = jnp.concatenate([W1e, sel], axis=3)
    b1s = jnp.stack([jnp.stack([params[n]["scales"][i]["b1"] for i in range(2)])
                     for n in _STACK_NAMES])
    W2s = jnp.stack([jnp.stack([params[n]["scales"][i]["W2"] for i in range(2)])
                     for n in _STACK_NAMES])
    b2s = jnp.stack([jnp.stack([params[n]["scales"][i]["b2"] for i in range(2)])
                     for n in _STACK_NAMES])
    WOs = jnp.stack([params[n]["Wout"] for n in _STACK_NAMES])
    BOs = jnp.stack([params[n]["bout"] for n in _STACK_NAMES])

    geo, surf, vol = _mlp_tc(rel4_1, rel4_2, geo_tokens[0], surf_tokens[0],
                             vol_tokens[0], W1e, b1s, W2s, b2s, WOs, BOs)
    return geo[None], surf[None], vol[None]

# --- scband reference (transcript-rebuilt; emitter-appended) ---
"""Pipeline reference for scband-bqfeature-injector-30648886624904 (READ-ONLY COPY).

The authoritative reference and input builder live on the scoring server;
editing this copy changes nothing except your own understanding.
"""

import jax, jax.numpy as jnp
import numpy as np

HIDDEN_DIM = 1024
BQ_HIDDEN = 64
RADII = [0.1, 0.2]
NEIGHBORS = [16, 32]
STACKS = ["geo_self", "surf_self", "vol_self", "geo_surf", "geo_vol", "surf_geo", "vol_geo"]


def _make_stack(key):
    S = len(RADII)
    ks = jax.random.split(key, S + 1)
    scales = []
    for i in range(S):
        k1, k2 = jax.random.split(ks[i], 2)
        scales.append({
            "W1": jax.random.normal(k1, (3, BQ_HIDDEN), jnp.float32) * 0.3,
            "b1": jnp.zeros((BQ_HIDDEN,), jnp.float32),
            "W2": jax.random.normal(k2, (BQ_HIDDEN, BQ_HIDDEN), jnp.float32) * 0.05,
            "b2": jnp.zeros((BQ_HIDDEN,), jnp.float32),
        })
    Wout = jax.random.normal(ks[-1], (S * BQ_HIDDEN, HIDDEN_DIM), jnp.float32) * 0.02
    bout = jnp.zeros((HIDDEN_DIM,), jnp.float32)
    return {"scales": scales, "Wout": Wout, "bout": bout}


def setup_inputs(seed: int = 0):
    key = jax.random.key(seed)
    k = jax.random.split(key, 16)
    B, NG, NS, NV = 1, 2048, 2048, 2048
    inp = {
        "geometry_points": jax.random.uniform(k[0], (B, NG, 3), jnp.float32),
        "surface_points": jax.random.uniform(k[1], (B, NS, 3), jnp.float32),
        "volume_points": jax.random.uniform(k[2], (B, NV, 3), jnp.float32),
        "geo_tokens": jax.random.normal(k[3], (B, NG, HIDDEN_DIM), jnp.float32),
        "surf_tokens": jax.random.normal(k[4], (B, NS, HIDDEN_DIM), jnp.float32),
        "vol_tokens": jax.random.normal(k[5], (B, NV, HIDDEN_DIM), jnp.float32),
    }
    inp["params"] = {name: _make_stack(k[6 + i]) for i, name in enumerate(STACKS)}
    return inp


def _bq_stack(query, source, p):
    # query: [B, Nq, 3], source: [B, Ns, 3]
    d2 = jnp.sum((query[:, :, None, :] - source[:, None, :, :]) ** 2, axis=-1)  # [B, Nq, Ns]
    Ns = source.shape[1]
    ar = jnp.arange(Ns, dtype=jnp.int32)
    feats = []
    for r, K, sp in zip(RADII, NEIGHBORS, p["scales"]):
        within = d2 <= (r * r)
        # ball query: take first K in-radius source indices per query
        scores = jnp.where(within, ar[None, None, :], jnp.int32(Ns))
        negv, idx = jax.lax.top_k(-scores, K)  # K smallest scores -> earliest in-radius
        valid = (-negv) < Ns  # [B, Nq, K]
        grouped = jax.vmap(lambda s, i: s[i])(source, idx)  # [B, Nq, K, 3]
        rel = grouped - query[:, :, None, :]
        h = jax.nn.relu(rel @ sp["W1"] + sp["b1"])
        h = jax.nn.relu(h @ sp["W2"] + sp["b2"])
        h = jnp.where(valid[..., None], h, 0.0)
        feats.append(jnp.max(h, axis=2))  # [B, Nq, BQ_HIDDEN]
    f = jnp.concatenate(feats, axis=-1)
    return f @ p["Wout"] + p["bout"]


def reference(geometry_points, surface_points, volume_points, geo_tokens, surf_tokens, vol_tokens, params):
    geo = geo_tokens + _bq_stack(geometry_points, geometry_points, params["geo_self"])
    geo = geo + _bq_stack(geometry_points, surface_points, params["geo_surf"])
    surf = surf_tokens + _bq_stack(surface_points, surface_points, params["surf_self"])
    surf = surf + _bq_stack(surface_points, geometry_points, params["surf_geo"])
    geo = geo + _bq_stack(geometry_points, volume_points, params["geo_vol"])
    vol = vol_tokens + _bq_stack(volume_points, volume_points, params["vol_self"])
    vol = vol + _bq_stack(volume_points, geometry_points, params["vol_geo"])
    return (geo, surf, vol)

if __name__ == "__main__":
    import jax
    _d = setup_inputs()
    print(jax.jit(kernel)(*tuple(_d.values())))

</pallas_src>

<mosaic_0001>
#map = affine_map<(d0, d1) -> (0)>
module attributes {stable_mosaic.version = 14 : i64} {
  func.func @_bq_sc_body(%arg0: i32, %arg1: i32, %arg2: memref<18432xf32, #tpu.memory_space<hbm>>, %arg3: memref<1835008xf32, #tpu.memory_space<hbm>>, %arg4: memref<2752512xf32, #tpu.memory_space<hbm>>, %arg5: memref<18432xf32, #tpu.memory_space<vmem>>, %arg6: memref<2048xf32, #tpu.memory_space<vmem>>, %arg7: memref<2048xf32, #tpu.memory_space<vmem>>, %arg8: memref<2048xf32, #tpu.memory_space<vmem>>, %arg9: memref<2048xf32, #tpu.memory_space<vmem>>, %arg10: memref<3072xf32, #tpu.memory_space<vmem>>, %arg11: memref<3072xf32, #tpu.memory_space<vmem>>, %arg12: memref<3072xf32, #tpu.memory_space<vmem>>, %arg13: memref<3072xf32, #tpu.memory_space<vmem>>) attributes {dimension_semantics = [#tpu.dimension_semantics<core_parallel>, #tpu.dimension_semantics<subcore_parallel>], iteration_bounds = array<i64: 2, 16>, scalar_prefetch = 0 : i64, scratch_operands = 9 : i64, tpu.core_type = #tpu.core_type<sc_vector_subcore>, window_params = [{transform_indices = #map}, {transform_indices = #map}, {transform_indices = #map}]} {
    %mul3A = arith.constant 2 : i32
    %mul3A_0 = arith.muli %arg1, %mul3A : i32
    %add3A = arith.addi %mul3A_0, %arg0 : i32
    %mul3A_1 = arith.constant 64 : i32
    %mul3A_2 = arith.muli %add3A, %mul3A_1 : i32
    "tpu.region"() ({
      %run_scoped3A = tpu.sem_alloc : memref<!tpu.dma_semaphore, #tpu.memory_space<semaphore_mem>>
      tpu.enqueue_dma source(%arg2 : memref<18432xf32, #tpu.memory_space<hbm>>) target(%arg5 : memref<18432xf32, #tpu.memory_space<vmem>>) target_semaphore(%run_scoped3A : memref<!tpu.dma_semaphore, #tpu.memory_space<semaphore_mem>>)
      tpu.wait_dma2 semaphore(%run_scoped3A : memref<!tpu.dma_semaphore, #tpu.memory_space<semaphore_mem>>) src(%arg2 : memref<18432xf32, #tpu.memory_space<hbm>>) dst(%arg5 : memref<18432xf32, #tpu.memory_space<vmem>>)
      tpu.yield
    }) : () -> ()
    %broadcast_in_dim3A = arith.constant 0.000000e+00 : f32
    %broadcast_in_dim3A_3 = vector.broadcast %broadcast_in_dim3A : f32 to vector<16xf32>
    %iota3A = tpu.iota {dimensions = array<i32: 0>} : vector<16xi32>
    %scan3A = arith.constant 0 : i32
    %scan3A_4 = arith.constant 0 : i32
    %scan3A_5 = arith.constant 128 : i32
    %scan3A_6 = arith.addi %scan3A_4, %scan3A_5 : i32
    %scan3A_7 = arith.constant 1 : i32
    %scan3A_8 = scf.for %scan3A_283 = %scan3A_4 to %scan3A_6 step %scan3A_7 iter_args(%scan3A_284 = %scan3A) -> (i32)  : i32 {
      %mul3A_285 = arith.constant 16 : i32
      %mul3A_286 = arith.muli %scan3A_283, %mul3A_285 : i32
      %swap3A = arith.index_cast %mul3A_286 : i32 to index
      %swap3A_287 = tpu.vector_load %arg6[%swap3A] {strides = array<i32>} : memref<2048xf32, #tpu.memory_space<vmem>>, vector<16xf32>,
      tpu.vector_store %arg6[%swap3A], %broadcast_in_dim3A_3 {strides = array<i32>} : memref<2048xf32, #tpu.memory_space<vmem>>, vector<16xf32>,
      %mul3A_288 = arith.constant 16 : i32
      %mul3A_289 = arith.muli %scan3A_283, %mul3A_288 : i32
      %swap3A_290 = arith.index_cast %mul3A_289 : i32 to index
      %swap3A_291 = tpu.vector_load %arg7[%swap3A_290] {strides = array<i32>} : memref<2048xf32, #tpu.memory_space<vmem>>, vector<16xf32>,
      tpu.vector_store %arg7[%swap3A_290], %broadcast_in_dim3A_3 {strides = array<i32>} : memref<2048xf32, #tpu.memory_space<vmem>>, vector<16xf32>,
      %mul3A_292 = arith.constant 16 : i32
      %mul3A_293 = arith.muli %scan3A_283, %mul3A_292 : i32
      %swap3A_294 = arith.index_cast %mul3A_293 : i32 to index
      %swap3A_295 = tpu.vector_load %arg8[%swap3A_294] {strides = array<i32>} : memref<2048xf32, #tpu.memory_space<vmem>>, vector<16xf32>,
      tpu.vector_store %arg8[%swap3A_294], %broadcast_in_dim3A_3 {strides = array<i32>} : memref<2048xf32, #tpu.memory_space<vmem>>, vector<16xf32>,
      %scan3A_296 = arith.constant 0 : i32
      scf.yield %scan3A_296 : i32
    }
    %scan3A_9 = arith.constant 128 : i32
    %scan3A_10 = arith.constant 0 : i32
    %scan3A_11 = arith.constant 0 : i32
    %scan3A_12 = arith.constant 192 : i32
    %scan3A_13 = arith.addi %scan3A_11, %scan3A_12 : i32
    %scan3A_14 = arith.constant 1 : i32
    %scan3A_15 = scf.for %scan3A_283 = %scan3A_11 to %scan3A_13 step %scan3A_14 iter_args(%scan3A_284 = %scan3A_10) -> (i32)  : i32 {
      %mul3A_285 = arith.constant 16 : i32
      %mul3A_286 = arith.muli %scan3A_283, %mul3A_285 : i32
      %swap3A = arith.index_cast %mul3A_286 : i32 to index
      %swap3A_287 = tpu.vector_load %arg10[%swap3A] {strides = array<i32>} : memref<3072xf32, #tpu.memory_space<vmem>>, vector<16xf32>,
      tpu.vector_store %arg10[%swap3A], %broadcast_in_dim3A_3 {strides = array<i32>} : memref<3072xf32, #tpu.memory_space<vmem>>, vector<16xf32>,
      %mul3A_288 = arith.constant 16 : i32
      %mul3A_289 = arith.muli %scan3A_283, %mul3A_288 : i32
      %swap3A_290 = arith.index_cast %mul3A_289 : i32 to index
      %swap3A_291 = tpu.vector_load %arg11[%swap3A_290] {strides = array<i32>} : memref<3072xf32, #tpu.memory_space<vmem>>, vector<16xf32>,
      tpu.vector_store %arg11[%swap3A_290], %broadcast_in_dim3A_3 {strides = array<i32>} : memref<3072xf32, #tpu.memory_space<vmem>>, vector<16xf32>,
      %mul3A_292 = arith.constant 16 : i32
      %mul3A_293 = arith.muli %scan3A_283, %mul3A_292 : i32
      %swap3A_294 = arith.index_cast %mul3A_293 : i32 to index
      %swap3A_295 = tpu.vector_load %arg12[%swap3A_294] {strides = array<i32>} : memref<3072xf32, #tpu.memory_space<vmem>>, vector<16xf32>,
      tpu.vector_store %arg12[%swap3A_294], %broadcast_in_dim3A_3 {strides = array<i32>} : memref<3072xf32, #tpu.memory_space<vmem>>, vector<16xf32>,
      %scan3A_296 = arith.constant 0 : i32
      scf.yield %scan3A_296 : i32
    }
    %scan3A_16 = arith.constant 192 : i32
    %scan3A_17 = arith.constant 0 : i32
    %scan3A_18 = arith.constant 0 : i32
    %scan3A_19 = arith.constant 32 : i32
    %scan3A_20 = arith.addi %scan3A_18, %scan3A_19 : i32
    %scan3A_21 = arith.constant 1 : i32
    scf.for %scan3A_283 = %scan3A_18 to %scan3A_20 step %scan3A_21  : i32 {
      %mul3A_284 = arith.constant 2 : i32
      %mul3A_285 = arith.muli %mul3A_284, %scan3A_283 : i32
      %jit3A = arith.constant 16 : i32
      %div3A = arith.divsi %mul3A_285, %jit3A : i32
      %sign3A = arith.constant 0 : i32
      %sign3A_286 = arith.cmpi sgt, %mul3A_285, %sign3A : i32
      %sign3A_287 = arith.extui %sign3A_286 : i1 to i32
      %sign3A_288 = arith.constant 0 : i32
      %sign3A_289 = arith.cmpi slt, %mul3A_285, %sign3A_288 : i32
      %sign3A_290 = arith.extui %sign3A_289 : i1 to i32
      %sign3A_291 = arith.subi %sign3A_287, %sign3A_290 : i32
      %sign3A_292 = arith.constant 0 : i32
      %sign3A_293 = arith.cmpi sgt, %jit3A, %sign3A_292 : i32
      %sign3A_294 = arith.extui %sign3A_293 : i1 to i32
      %sign3A_295 = arith.constant 0 : i32
      %sign3A_296 = arith.cmpi slt, %jit3A, %sign3A_295 : i32
      %sign3A_297 = arith.extui %sign3A_296 : i1 to i32
      %sign3A_298 = arith.subi %sign3A_294, %sign3A_297 : i32
      %ne3A = arith.cmpi ne, %sign3A_291, %sign3A_298 : i32
      %rem3A = arith.remsi %mul3A_285, %jit3A : i32
      %ne3A_299 = arith.constant 0 : i32
      %ne3A_300 = arith.cmpi ne, %rem3A, %ne3A_299 : i32
      %and3A = arith.andi %ne3A, %ne3A_300 : i1
      %sub3A = arith.constant 1 : i32
      %sub3A_301 = arith.subi %div3A, %sub3A : i32
      %select_n3A = arith.select %and3A, %sub3A_301, %div3A : i32
      %mul3A_302 = arith.constant 16 : i32
      %mul3A_303 = arith.muli %select_n3A, %mul3A_302 : i32
      %add3A_304 = arith.addi %mul3A_2, %mul3A_303 : i32
      %add3A_305 = arith.constant 0 : i32
      %add3A_306 = arith.addi %add3A_305, %add3A_304 : i32
      %get3A = arith.index_cast %add3A_306 : i32 to index
      %get3A_307 = tpu.vector_load %arg5[%get3A] {strides = array<i32>} : memref<18432xf32, #tpu.memory_space<vmem>>, vector<16xf32>,
      %add3A_308 = arith.constant 2048 : i32
      %add3A_309 = arith.addi %add3A_308, %add3A_304 : i32
      %get3A_310 = arith.index_cast %add3A_309 : i32 to index
      %get3A_311 = tpu.vector_load %arg5[%get3A_310] {strides = array<i32>} : memref<18432xf32, #tpu.memory_space<vmem>>, vector<16xf32>,
      %add3A_312 = arith.constant 4096 : i32
      %add3A_313 = arith.addi %add3A_312, %add3A_304 : i32
      %get3A_314 = arith.index_cast %add3A_313 : i32 to index
      %get3A_315 = tpu.vector_load %arg5[%get3A_314] {strides = array<i32>} : memref<18432xf32, #tpu.memory_space<vmem>>, vector<16xf32>,
      %jit3A_316 = arith.constant 16 : i32
      %eq3A = arith.constant 0 : i32
      %eq3A_317 = arith.cmpi eq, %jit3A_316, %eq3A : i32
      %jit3A_318 = arith.constant 1 : i32
      %select_n3A_319 = arith.select %eq3A_317, %jit3A_318, %jit3A_316 : i32
      %rem3A_320 = arith.remsi %mul3A_285, %select_n3A_319 : i32
      %ne3A_321 = arith.constant 0 : i32
      %ne3A_322 = arith.cmpi ne, %rem3A_320, %ne3A_321 : i32
      %lt3A = arith.constant 0 : i32
      %lt3A_323 = arith.cmpi slt, %rem3A_320, %lt3A : i32
      %lt3A_324 = arith.constant 0 : i32
      %lt3A_325 = arith.cmpi slt, %select_n3A_319, %lt3A_324 : i32
      %ne3A_326 = arith.xori %lt3A_323, %lt3A_325 : i1
      %and3A_327 = arith.andi %ne3A_326, %ne3A_322 : i1
      %add3A_328 = arith.addi %rem3A_320, %select_n3A_319 : i32
      %select_n3A_329 = arith.select %and3A_327, %add3A_328, %rem3A_320 : i32
      %broadcast_in_dim3A_330 = vector.broadcast %select_n3A_329 : i32 to vector<16xi32>
      %lt3A_331 = arith.constant 0 : i32
      %lt3A_332 = vector.broadcast %lt3A_331 : i32 to vector<16xi32>
      %lt3A_333 = arith.cmpi slt, %broadcast_in_dim3A_330, %lt3A_332 : vector<16xi32>
      %add3A_334 = arith.constant 16 : i32
      %add3A_335 = vector.broadcast %add3A_334 : i32 to vector<16xi32>
      %add3A_336 = arith.addi %broadcast_in_dim3A_330, %add3A_335 : vector<16xi32>
      %select_n3A_337 = arith.select %lt3A_333, %add3A_336, %broadcast_in_dim3A_330 : vector<16xi1>, vector<16xi32>
      %broadcast_in_dim3A_338 = vector.shape_cast %select_n3A_337 : vector<16xi32> to vector<16x1xi32>
      %gather3A = vector.shape_cast %broadcast_in_dim3A_338 : vector<16x1xi32> to vector<16xi32>
      %gather3A_339 = tpu.dynamic_gather %get3A_307[%gather3A] in [0] : vector<16xf32>, vector<16xi32> -> vector<16xf32>
      %broadcast_in_dim3A_340 = vector.broadcast %select_n3A_329 : i32 to vector<16xi32>
      %lt3A_341 = arith.constant 0 : i32
      %lt3A_342 = vector.broadcast %lt3A_341 : i32 to vector<16xi32>
      %lt3A_343 = arith.cmpi slt, %broadcast_in_dim3A_340, %lt3A_342 : vector<16xi32>
      %add3A_344 = arith.constant 16 : i32
      %add3A_345 = vector.broadcast %add3A_344 : i32 to vector<16xi32>
      %add3A_346 = arith.addi %broadcast_in_dim3A_340, %add3A_345 : vector<16xi32>
      %select_n3A_347 = arith.select %lt3A_343, %add3A_346, %broadcast_in_dim3A_340 : vector<16xi1>, vector<16xi32>
      %broadcast_in_dim3A_348 = vector.shape_cast %select_n3A_347 : vector<16xi32> to vector<16x1xi32>
      %gather3A_349 = vector.shape_cast %broadcast_in_dim3A_348 : vector<16x1xi32> to vector<16xi32>
      %gather3A_350 = tpu.dynamic_gather %get3A_311[%gather3A_349] in [0] : vector<16xf32>, vector<16xi32> -> vector<16xf32>
      %broadcast_in_dim3A_351 = vector.broadcast %select_n3A_329 : i32 to vector<16xi32>
      %lt3A_352 = arith.constant 0 : i32
      %lt3A_353 = vector.broadcast %lt3A_352 : i32 to vector<16xi32>
      %lt3A_354 = arith.cmpi slt, %broadcast_in_dim3A_351, %lt3A_353 : vector<16xi32>
      %add3A_355 = arith.constant 16 : i32
      %add3A_356 = vector.broadcast %add3A_355 : i32 to vector<16xi32>
      %add3A_357 = arith.addi %broadcast_in_dim3A_351, %add3A_356 : vector<16xi32>
      %select_n3A_358 = arith.select %lt3A_354, %add3A_357, %broadcast_in_dim3A_351 : vector<16xi1>, vector<16xi32>
      %broadcast_in_dim3A_359 = vector.shape_cast %select_n3A_358 : vector<16xi32> to vector<16x1xi32>
      %gather3A_360 = vector.shape_cast %broadcast_in_dim3A_359 : vector<16x1xi32> to vector<16xi32>
      %gather3A_361 = tpu.dynamic_gather %get3A_315[%gather3A_360] in [0] : vector<16xf32>, vector<16xi32> -> vector<16xf32>
      %add3A_362 = arith.constant 1 : i32
      %add3A_363 = arith.addi %select_n3A_329, %add3A_362 : i32
      %broadcast_in_dim3A_364 = vector.broadcast %add3A_363 : i32 to vector<16xi32>
      %lt3A_365 = arith.constant 0 : i32
      %lt3A_366 = vector.broadcast %lt3A_365 : i32 to vector<16xi32>
      %lt3A_367 = arith.cmpi slt, %broadcast_in_dim3A_364, %lt3A_366 : vector<16xi32>
      %add3A_368 = arith.constant 16 : i32
      %add3A_369 = vector.broadcast %add3A_368 : i32 to vector<16xi32>
      %add3A_370 = arith.addi %broadcast_in_dim3A_364, %add3A_369 : vector<16xi32>
      %select_n3A_371 = arith.select %lt3A_367, %add3A_370, %broadcast_in_dim3A_364 : vector<16xi1>, vector<16xi32>
      %broadcast_in_dim3A_372 = vector.shape_cast %select_n3A_371 : vector<16xi32> to vector<16x1xi32>
      %gather3A_373 = vector.shape_cast %broadcast_in_dim3A_372 : vector<16x1xi32> to vector<16xi32>
      %gather3A_374 = tpu.dynamic_gather %get3A_307[%gather3A_373] in [0] : vector<16xf32>, vector<16xi32> -> vector<16xf32>
      %add3A_375 = arith.constant 1 : i32
      %add3A_376 = arith.addi %select_n3A_329, %add3A_375 : i32
      %broadcast_in_dim3A_377 = vector.broadcast %add3A_376 : i32 to vector<16xi32>
      %lt3A_378 = arith.constant 0 : i32
      %lt3A_379 = vector.broadcast %lt3A_378 : i32 to vector<16xi32>
      %lt3A_380 = arith.cmpi slt, %broadcast_in_dim3A_377, %lt3A_379 : vector<16xi32>
      %add3A_381 = arith.constant 16 : i32
      %add3A_382 = vector.broadcast %add3A_381 : i32 to vector<16xi32>
      %add3A_383 = arith.addi %broadcast_in_dim3A_377, %add3A_382 : vector<16xi32>
      %select_n3A_384 = arith.select %lt3A_380, %add3A_383, %broadcast_in_dim3A_377 : vector<16xi1>, vector<16xi32>
      %broadcast_in_dim3A_385 = vector.shape_cast %select_n3A_384 : vector<16xi32> to vector<16x1xi32>
      %gather3A_386 = vector.shape_cast %broadcast_in_dim3A_385 : vector<16x1xi32> to vector<16xi32>
      %gather3A_387 = tpu.dynamic_gather %get3A_311[%gather3A_386] in [0] : vector<16xf32>, vector<16xi32> -> vector<16xf32>
      %add3A_388 = arith.constant 1 : i32
      %add3A_389 = arith.addi %select_n3A_329, %add3A_388 : i32
      %broadcast_in_dim3A_390 = vector.broadcast %add3A_389 : i32 to vector<16xi32>
      %lt3A_391 = arith.constant 0 : i32
      %lt3A_392 = vector.broadcast %lt3A_391 : i32 to vector<16xi32>
      %lt3A_393 = arith.cmpi slt, %broadcast_in_dim3A_390, %lt3A_392 : vector<16xi32>
      %add3A_394 = arith.constant 16 : i32
      %add3A_395 = vector.broadcast %add3A_394 : i32 to vector<16xi32>
      %add3A_396 = arith.addi %broadcast_in_dim3A_390, %add3A_395 : vector<16xi32>
      %select_n3A_397 = arith.select %lt3A_393, %add3A_396, %broadcast_in_dim3A_390 : vector<16xi1>, vector<16xi32>
      %broadcast_in_dim3A_398 = vector.shape_cast %select_n3A_397 : vector<16xi32> to vector<16x1xi32>
      %gather3A_399 = vector.shape_cast %broadcast_in_dim3A_398 : vector<16x1xi32> to vector<16xi32>
      %gather3A_400 = tpu.dynamic_gather %get3A_315[%gather3A_399] in [0] : vector<16xf32>, vector<16xi32> -> vector<16xf32>
      %mul3A_401 = arith.constant 32 : i32
      %mul3A_402 = arith.muli %mul3A_285, %mul3A_401 : i32
      %mul3A_403 = arith.constant 48 : i32
      %mul3A_404 = arith.muli %mul3A_285, %mul3A_403 : i32
      %add3A_405 = arith.constant 32 : i32
      %add3A_406 = arith.addi %mul3A_402, %add3A_405 : i32
      %add3A_407 = arith.constant 48 : i32
      %add3A_408 = arith.addi %mul3A_404, %add3A_407 : i32
      %add3A_409 = arith.constant 16 : i32
      %add3A_410 = arith.addi %mul3A_402, %add3A_409 : i32
      %broadcast_in_dim3A_411 = vector.broadcast %add3A_410 : i32 to vector<16xi32>
      %add3A_412 = arith.constant 32 : i32
      %add3A_413 = arith.addi %mul3A_404, %add3A_412 : i32
      %broadcast_in_dim3A_414 = vector.broadcast %add3A_413 : i32 to vector<16xi32>
      %add3A_415 = arith.constant 16 : i32
      %add3A_416 = arith.addi %add3A_406, %add3A_415 : i32
      %broadcast_in_dim3A_417 = vector.broadcast %add3A_416 : i32 to vector<16xi32>
      %add3A_418 = arith.constant 32 : i32
      %add3A_419 = arith.addi %add3A_408, %add3A_418 : i32
      %broadcast_in_dim3A_420 = vector.broadcast %add3A_419 : i32 to vector<16xi32>
      %sub3A_421 = arith.constant 1 : i32
      %sub3A_422 = arith.subi %mul3A_402, %sub3A_421 : i32
      %broadcast_in_dim3A_423 = vector.broadcast %sub3A_422 : i32 to vector<16xi32>
      %sub3A_424 = arith.constant 1 : i32
      %sub3A_425 = arith.subi %mul3A_404, %sub3A_424 : i32
      %broadcast_in_dim3A_426 = vector.broadcast %sub3A_425 : i32 to vector<16xi32>
      %sub3A_427 = arith.constant 1 : i32
      %sub3A_428 = arith.subi %add3A_406, %sub3A_427 : i32
      %broadcast_in_dim3A_429 = vector.broadcast %sub3A_428 : i32 to vector<16xi32>
      %sub3A_430 = arith.constant 1 : i32
      %sub3A_431 = arith.subi %add3A_408, %sub3A_430 : i32
      %broadcast_in_dim3A_432 = vector.broadcast %sub3A_431 : i32 to vector<16xi32>
      %scan3A_433 = arith.constant 0 : i32
      %scan3A_434 = arith.constant 128 : i32
      %scan3A_435 = arith.addi %scan3A_433, %scan3A_434 : i32
      %scan3A_436 = arith.constant 1 : i32
      %scan3A_437:4 = scf.for %scan3A_533 = %scan3A_433 to %scan3A_435 step %scan3A_436 iter_args(%scan3A_534 = %broadcast_in_dim3A_423, %scan3A_535 = %broadcast_in_dim3A_426, %scan3A_536 = %broadcast_in_dim3A_429, %scan3A_537 = %broadcast_in_dim3A_432) -> (vector<16xi32>, vector<16xi32>, vector<16xi32>, vector<16xi32>)  : i32 {
        %mul3A_538 = arith.constant 16 : i32
        %mul3A_539 = arith.muli %scan3A_533, %mul3A_538 : i32
        %add3A_540 = arith.constant 0 : i32
        %add3A_541 = arith.addi %add3A_540, %mul3A_539 : i32
        %get3A_542 = arith.index_cast %add3A_541 : i32 to index
        %get3A_543 = tpu.vector_load %arg5[%get3A_542] {strides = array<i32>} : memref<18432xf32, #tpu.memory_space<vmem>>, vector<16xf32>,
        %add3A_544 = arith.constant 2048 : i32
        %add3A_545 = arith.addi %add3A_544, %mul3A_539 : i32
        %get3A_546 = arith.index_cast %add3A_545 : i32 to index
        %get3A_547 = tpu.vector_load %arg5[%get3A_546] {strides = array<i32>} : memref<18432xf32, #tpu.memory_space<vmem>>, vector<16xf32>,
        %add3A_548 = arith.constant 4096 : i32
        %add3A_549 = arith.addi %add3A_548, %mul3A_539 : i32
        %get3A_550 = arith.index_cast %add3A_549 : i32 to index
        %get3A_551 = tpu.vector_load %arg5[%get3A_550] {strides = array<i32>} : memref<18432xf32, #tpu.memory_space<vmem>>, vector<16xf32>,
        %sub3A_552 = arith.subf %get3A_543, %gather3A_339 : vector<16xf32>
        %sub3A_553 = arith.subf %get3A_547, %gather3A_350 : vector<16xf32>
        %sub3A_554 = arith.subf %get3A_551, %gather3A_361 : vector<16xf32>
        %mul3A_555 = arith.mulf %sub3A_552, %sub3A_552 : vector<16xf32>
        %mul3A_556 = arith.mulf %sub3A_553, %sub3A_553 : vector<16xf32>
        %add3A_557 = arith.addf %mul3A_555, %mul3A_556 : vector<16xf32>
        %mul3A_558 = arith.mulf %sub3A_554, %sub3A_554 : vector<16xf32>
        %add3A_559 = arith.addf %add3A_557, %mul3A_558 : vector<16xf32>
        %le3A = arith.constant 4.000000e-02 : f32
        %le3A_560 = vector.broadcast %le3A : f32 to vector<16xf32>
        %le3A_561 = arith.cmpf ole, %add3A_559, %le3A_560 : vector<16xf32>
        %le3A_562 = arith.constant 0.00999999977 : f32
        %le3A_563 = vector.broadcast %le3A_562 : f32 to vector<16xf32>
        %le3A_564 = arith.cmpf ole, %add3A_559, %le3A_563 : vector<16xf32>
        %convert_element_type3A_565 = arith.extui %le3A_561 : vector<16xi1> to vector<16xi32>
        %broadcast_in_dim3A_566 = arith.constant true
        %broadcast_in_dim3A_567 = vector.broadcast %broadcast_in_dim3A_566 : i1 to vector<16xi1>
        %masked_cumsum3A = tpu.scan <sum>, %convert_element_type3A_565 masked %broadcast_in_dim3A_567 : vector<16xi32>, vector<16xi1> -> vector<16xi32>
        %add3A_568 = arith.addi %scan3A_535, %masked_cumsum3A : vector<16xi32>
        %convert_element_type3A_569 = arith.extui %le3A_564 : vector<16xi1> to vector<16xi32>
        %broadcast_in_dim3A_570 = arith.constant true
        %broadcast_in_dim3A_571 = vector.broadcast %broadcast_in_dim3A_570 : i1 to vector<16xi1>
        %masked_cumsum3A_572 = tpu.scan <sum>, %convert_element_type3A_569 masked %broadcast_in_dim3A_571 : vector<16xi32>, vector<16xi1> -> vector<16xi32>
        %add3A_573 = arith.addi %scan3A_534, %masked_cumsum3A_572 : vector<16xi32>
        %lt3A_574 = arith.cmpi slt, %add3A_568, %broadcast_in_dim3A_414 : vector<16xi32>
        %and3A_575 = arith.andi %le3A_561, %lt3A_574 : vector<16xi1>
        %lt3A_576 = arith.cmpi slt, %add3A_573, %broadcast_in_dim3A_411 : vector<16xi32>
        %and3A_577 = arith.andi %le3A_564, %lt3A_576 : vector<16xi1>
        tpu.vector_store_idx %arg10[%add3A_568], %sub3A_552 masked %and3A_575 : memref<3072xf32, #tpu.memory_space<vmem>>[vector<16xi32>], vector<16xf32>, vector<16xi1>
        tpu.vector_store_idx %arg11[%add3A_568], %sub3A_553 masked %and3A_575 : memref<3072xf32, #tpu.memory_space<vmem>>[vector<16xi32>], vector<16xf32>, vector<16xi1>
        tpu.vector_store_idx %arg12[%add3A_568], %sub3A_554 masked %and3A_575 : memref<3072xf32, #tpu.memory_space<vmem>>[vector<16xi32>], vector<16xf32>, vector<16xi1>
        tpu.vector_store_idx %arg6[%add3A_573], %sub3A_552 masked %and3A_577 : memref<2048xf32, #tpu.memory_space<vmem>>[vector<16xi32>], vector<16xf32>, vector<16xi1>
        tpu.vector_store_idx %arg7[%add3A_573], %sub3A_553 masked %and3A_577 : memref<2048xf32, #tpu.memory_space<vmem>>[vector<16xi32>], vector<16xf32>, vector<16xi1>
        tpu.vector_store_idx %arg8[%add3A_573], %sub3A_554 masked %and3A_577 : memref<2048xf32, #tpu.memory_space<vmem>>[vector<16xi32>], vector<16xf32>, vector<16xi1>
        %all_reduce_population_count3A = tpu.all_reduce %le3A_561 {dim = 0 : i64, kind = #tpu.reduction_kind<sum>} : vector<16xi1> -> vector<16xi32>
        %add3A_578 = arith.addi %scan3A_535, %all_reduce_population_count3A : vector<16xi32>
        %sub3A_579 = arith.constant 1 : i32
        %sub3A_580 = vector.broadcast %sub3A_579 : i32 to vector<16xi32>
        %sub3A_581 = arith.subi %broadcast_in_dim3A_414, %sub3A_580 : vector<16xi32>
        %min3A = arith.minsi %add3A_578, %sub3A_581 : vector<16xi32>
        %all_reduce_population_count3A_582 = tpu.all_reduce %le3A_564 {dim = 0 : i64, kind = #tpu.reduction_kind<sum>} : vector<16xi1> -> vector<16xi32>
        %add3A_583 = arith.addi %scan3A_534, %all_reduce_population_count3A_582 : vector<16xi32>
        %sub3A_584 = arith.constant 1 : i32
        %sub3A_585 = vector.broadcast %sub3A_584 : i32 to vector<16xi32>
        %sub3A_586 = arith.subi %broadcast_in_dim3A_411, %sub3A_585 : vector<16xi32>
        %min3A_587 = arith.minsi %add3A_583, %sub3A_586 : vector<16xi32>
        %sub3A_588 = arith.subf %get3A_543, %gather3A_374 : vector<16xf32>
        %sub3A_589 = arith.subf %get3A_547, %gather3A_387 : vector<16xf32>
        %sub3A_590 = arith.subf %get3A_551, %gather3A_400 : vector<16xf32>
        %mul3A_591 = arith.mulf %sub3A_588, %sub3A_588 : vector<16xf32>
        %mul3A_592 = arith.mulf %sub3A_589, %sub3A_589 : vector<16xf32>
        %add3A_593 = arith.addf %mul3A_591, %mul3A_592 : vector<16xf32>
        %mul3A_594 = arith.mulf %sub3A_590, %sub3A_590 : vector<16xf32>
        %add3A_595 = arith.addf %add3A_593, %mul3A_594 : vector<16xf32>
        %le3A_596 = arith.constant 4.000000e-02 : f32
        %le3A_597 = vector.broadcast %le3A_596 : f32 to vector<16xf32>
        %le3A_598 = arith.cmpf ole, %add3A_595, %le3A_597 : vector<16xf32>
        %le3A_599 = arith.constant 0.00999999977 : f32
        %le3A_600 = vector.broadcast %le3A_599 : f32 to vector<16xf32>
        %le3A_601 = arith.cmpf ole, %add3A_595, %le3A_600 : vector<16xf32>
        %convert_element_type3A_602 = arith.extui %le3A_598 : vector<16xi1> to vector<16xi32>
        %broadcast_in_dim3A_603 = arith.constant true
        %broadcast_in_dim3A_604 = vector.broadcast %broadcast_in_dim3A_603 : i1 to vector<16xi1>
        %masked_cumsum3A_605 = tpu.scan <sum>, %convert_element_type3A_602 masked %broadcast_in_dim3A_604 : vector<16xi32>, vector<16xi1> -> vector<16xi32>
        %add3A_606 = arith.addi %scan3A_537, %masked_cumsum3A_605 : vector<16xi32>
        %convert_element_type3A_607 = arith.extui %le3A_601 : vector<16xi1> to vector<16xi32>
        %broadcast_in_dim3A_608 = arith.constant true
        %broadcast_in_dim3A_609 = vector.broadcast %broadcast_in_dim3A_608 : i1 to vector<16xi1>
        %masked_cumsum3A_610 = tpu.scan <sum>, %convert_element_type3A_607 masked %broadcast_in_dim3A_609 : vector<16xi32>, vector<16xi1> -> vector<16xi32>
        %add3A_611 = arith.addi %scan3A_536, %masked_cumsum3A_610 : vector<16xi32>
        %lt3A_612 = arith.cmpi slt, %add3A_606, %broadcast_in_dim3A_420 : vector<16xi32>
        %and3A_613 = arith.andi %le3A_598, %lt3A_612 : vector<16xi1>
        %lt3A_614 = arith.cmpi slt, %add3A_611, %broadcast_in_dim3A_417 : vector<16xi32>
        %and3A_615 = arith.andi %le3A_601, %lt3A_614 : vector<16xi1>
        tpu.vector_store_idx %arg10[%add3A_606], %sub3A_588 masked %and3A_613 : memref<3072xf32, #tpu.memory_space<vmem>>[vector<16xi32>], vector<16xf32>, vector<16xi1>
        tpu.vector_store_idx %arg11[%add3A_606], %sub3A_589 masked %and3A_613 : memref<3072xf32, #tpu.memory_space<vmem>>[vector<16xi32>], vector<16xf32>, vector<16xi1>
        tpu.vector_store_idx %arg12[%add3A_606], %sub3A_590 masked %and3A_613 : memref<3072xf32, #tpu.memory_space<vmem>>[vector<16xi32>], vector<16xf32>, vector<16xi1>
        tpu.vector_store_idx %arg6[%add3A_611], %sub3A_588 masked %and3A_615 : memref<2048xf32, #tpu.memory_space<vmem>>[vector<16xi32>], vector<16xf32>, vector<16xi1>
        tpu.vector_store_idx %arg7[%add3A_611], %sub3A_589 masked %and3A_615 : memref<2048xf32, #tpu.memory_space<vmem>>[vector<16xi32>], vector<16xf32>, vector<16xi1>
        tpu.vector_store_idx %arg8[%add3A_611], %sub3A_590 masked %and3A_615 : memref<2048xf32, #tpu.memory_space<vmem>>[vector<16xi32>], vector<16xf32>, vector<16xi1>
        %all_reduce_population_count3A_616 = tpu.all_reduce %le3A_598 {dim = 0 : i64, kind = #tpu.reduction_kind<sum>} : vector<16xi1> -> vector<16xi32>
        %add3A_617 = arith.addi %scan3A_537, %all_reduce_population_count3A_616 : vector<16xi32>
        %sub3A_618 = arith.constant 1 : i32
        %sub3A_619 = vector.broadcast %sub3A_618 : i32 to vector<16xi32>
        %sub3A_620 = arith.subi %broadcast_in_dim3A_420, %sub3A_619 : vector<16xi32>
        %min3A_621 = arith.minsi %add3A_617, %sub3A_620 : vector<16xi32>
        %all_reduce_population_count3A_622 = tpu.all_reduce %le3A_601 {dim = 0 : i64, kind = #tpu.reduction_kind<sum>} : vector<16xi1> -> vector<16xi32>
        %add3A_623 = arith.addi %scan3A_536, %all_reduce_population_count3A_622 : vector<16xi32>
        %sub3A_624 = arith.constant 1 : i32
        %sub3A_625 = vector.broadcast %sub3A_624 : i32 to vector<16xi32>
        %sub3A_626 = arith.subi %broadcast_in_dim3A_417, %sub3A_625 : vector<16xi32>
        %min3A_627 = arith.minsi %add3A_623, %sub3A_626 : vector<16xi32>
        scf.yield %min3A_587, %min3A, %min3A_627, %min3A_621 : vector<16xi32>, vector<16xi32>, vector<16xi32>, vector<16xi32>
      }
      %scan3A_438 = arith.constant 128 : i32
      %sub3A_439 = arith.constant 1 : i32
      %sub3A_440 = arith.subi %mul3A_402, %sub3A_439 : i32
      %sub3A_441 = vector.broadcast %sub3A_440 : i32 to vector<16xi32>
      %sub3A_442 = arith.subi %scan3A_437#0, %sub3A_441 : vector<16xi32>
      %sub3A_443 = arith.constant 1 : i32
      %sub3A_444 = arith.subi %mul3A_404, %sub3A_443 : i32
      %sub3A_445 = vector.broadcast %sub3A_444 : i32 to vector<16xi32>
      %sub3A_446 = arith.subi %scan3A_437#1, %sub3A_445 : vector<16xi32>
      %lt3A_447 = arith.cmpi slt, %iota3A, %sub3A_442 : vector<16xi32>
      %convert_element_type3A = arith.extui %lt3A_447 : vector<16xi1> to vector<16xi32>
      %convert_element_type3A_448 = arith.sitofp %convert_element_type3A : vector<16xi32> to vector<16xf32>
      %swap3A = arith.index_cast %mul3A_402 : i32 to index
      %swap3A_449 = tpu.vector_load %arg9[%swap3A] {strides = array<i32>} : memref<2048xf32, #tpu.memory_space<vmem>>, vector<16xf32>,
      tpu.vector_store %arg9[%swap3A], %convert_element_type3A_448 {strides = array<i32>} : memref<2048xf32, #tpu.memory_space<vmem>>, vector<16xf32>,
      %add3A_450 = arith.constant 16 : i32
      %add3A_451 = vector.broadcast %add3A_450 : i32 to vector<16xi32>
      %add3A_452 = arith.addi %iota3A, %add3A_451 : vector<16xi32>
      %lt3A_453 = arith.cmpi slt, %add3A_452, %sub3A_442 : vector<16xi32>
      %convert_element_type3A_454 = arith.extui %lt3A_453 : vector<16xi1> to vector<16xi32>
      %convert_element_type3A_455 = arith.sitofp %convert_element_type3A_454 : vector<16xi32> to vector<16xf32>
      %add3A_456 = arith.constant 16 : i32
      %add3A_457 = arith.addi %mul3A_402, %add3A_456 : i32
      %swap3A_458 = arith.index_cast %add3A_457 : i32 to index
      %swap3A_459 = tpu.vector_load %arg9[%swap3A_458] {strides = array<i32>} : memref<2048xf32, #tpu.memory_space<vmem>>, vector<16xf32>,
      tpu.vector_store %arg9[%swap3A_458], %convert_element_type3A_455 {strides = array<i32>} : memref<2048xf32, #tpu.memory_space<vmem>>, vector<16xf32>,
      %lt3A_460 = arith.cmpi slt, %iota3A, %sub3A_446 : vector<16xi32>
      %convert_element_type3A_461 = arith.extui %lt3A_460 : vector<16xi1> to vector<16xi32>
      %convert_element_type3A_462 = arith.sitofp %convert_element_type3A_461 : vector<16xi32> to vector<16xf32>
      %swap3A_463 = arith.index_cast %mul3A_404 : i32 to index
      %swap3A_464 = tpu.vector_load %arg13[%swap3A_463] {strides = array<i32>} : memref<3072xf32, #tpu.memory_space<vmem>>, vector<16xf32>,
      tpu.vector_store %arg13[%swap3A_463], %convert_element_type3A_462 {strides = array<i32>} : memref<3072xf32, #tpu.memory_space<vmem>>, vector<16xf32>,
      %add3A_465 = arith.constant 16 : i32
      %add3A_466 = vector.broadcast %add3A_465 : i32 to vector<16xi32>
      %add3A_467 = arith.addi %iota3A, %add3A_466 : vector<16xi32>
      %lt3A_468 = arith.cmpi slt, %add3A_467, %sub3A_446 : vector<16xi32>
      %convert_element_type3A_469 = arith.extui %lt3A_468 : vector<16xi1> to vector<16xi32>
      %convert_element_type3A_470 = arith.sitofp %convert_element_type3A_469 : vector<16xi32> to vector<16xf32>
      %add3A_471 = arith.constant 16 : i32
      %add3A_472 = arith.addi %mul3A_404, %add3A_471 : i32
      %swap3A_473 = arith.index_cast %add3A_472 : i32 to index
      %swap3A_474 = tpu.vector_load %arg13[%swap3A_473] {strides = array<i32>} : memref<3072xf32, #tpu.memory_space<vmem>>, vector<16xf32>,
      tpu.vector_store %arg13[%swap3A_473], %convert_element_type3A_470 {strides = array<i32>} : memref<3072xf32, #tpu.memory_space<vmem>>, vector<16xf32>,
      %add3A_475 = arith.constant 32 : i32
      %add3A_476 = vector.broadcast %add3A_475 : i32 to vector<16xi32>
      %add3A_477 = arith.addi %iota3A, %add3A_476 : vector<16xi32>
      %lt3A_478 = arith.cmpi slt, %add3A_477, %sub3A_446 : vector<16xi32>
      %convert_element_type3A_479 = arith.extui %lt3A_478 : vector<16xi1> to vector<16xi32>
      %convert_element_type3A_480 = arith.sitofp %convert_element_type3A_479 : vector<16xi32> to vector<16xf32>
      %add3A_481 = arith.constant 32 : i32
      %add3A_482 = arith.addi %mul3A_404, %add3A_481 : i32
      %swap3A_483 = arith.index_cast %add3A_482 : i32 to index
      %swap3A_484 = tpu.vector_load %arg13[%swap3A_483] {strides = array<i32>} : memref<3072xf32, #tpu.memory_space<vmem>>, vector<16xf32>,
      tpu.vector_store %arg13[%swap3A_483], %convert_element_type3A_480 {strides = array<i32>} : memref<3072xf32, #tpu.memory_space<vmem>>, vector<16xf32>,
      %sub3A_485 = arith.constant 1 : i32
      %sub3A_486 = arith.subi %add3A_406, %sub3A_485 : i32
      %sub3A_487 = vector.broadcast %sub3A_486 : i32 to vector<16xi32>
      %sub3A_488 = arith.subi %scan3A_437#2, %sub3A_487 : vector<16xi32>
      %sub3A_489 = arith.constant 1 : i32
      %sub3A_490 = arith.subi %add3A_408, %sub3A_489 : i32
      %sub3A_491 = vector.broadcast %sub3A_490 : i32 to vector<16xi32>
      %sub3A_492 = arith.subi %scan3A_437#3, %sub3A_491 : vector<16xi32>
      %lt3A_493 = arith.cmpi slt, %iota3A, %sub3A_488 : vector<16xi32>
      %convert_element_type3A_494 = arith.extui %lt3A_493 : vector<16xi1> to vector<16xi32>
      %convert_element_type3A_495 = arith.sitofp %convert_element_type3A_494 : vector<16xi32> to vector<16xf32>
      %swap3A_496 = arith.index_cast %add3A_406 : i32 to index
      %swap3A_497 = tpu.vector_load %arg9[%swap3A_496] {strides = array<i32>} : memref<2048xf32, #tpu.memory_space<vmem>>, vector<16xf32>,
      tpu.vector_store %arg9[%swap3A_496], %convert_element_type3A_495 {strides = array<i32>} : memref<2048xf32, #tpu.memory_space<vmem>>, vector<16xf32>,
      %add3A_498 = arith.constant 16 : i32
      %add3A_499 = vector.broadcast %add3A_498 : i32 to vector<16xi32>
      %add3A_500 = arith.addi %iota3A, %add3A_499 : vector<16xi32>
      %lt3A_501 = arith.cmpi slt, %add3A_500, %sub3A_488 : vector<16xi32>
      %convert_element_type3A_502 = arith.extui %lt3A_501 : vector<16xi1> to vector<16xi32>
      %convert_element_type3A_503 = arith.sitofp %convert_element_type3A_502 : vector<16xi32> to vector<16xf32>
      %add3A_504 = arith.constant 16 : i32
      %add3A_505 = arith.addi %add3A_406, %add3A_504 : i32
      %swap3A_506 = arith.index_cast %add3A_505 : i32 to index
      %swap3A_507 = tpu.vector_load %arg9[%swap3A_506] {strides = array<i32>} : memref<2048xf32, #tpu.memory_space<vmem>>, vector<16xf32>,
      tpu.vector_store %arg9[%swap3A_506], %convert_element_type3A_503 {strides = array<i32>} : memref<2048xf32, #tpu.memory_space<vmem>>, vector<16xf32>,
      %lt3A_508 = arith.cmpi slt, %iota3A, %sub3A_492 : vector<16xi32>
      %convert_element_type3A_509 = arith.extui %lt3A_508 : vector<16xi1> to vector<16xi32>
      %convert_element_type3A_510 = arith.sitofp %convert_element_type3A_509 : vector<16xi32> to vector<16xf32>
      %swap3A_511 = arith.index_cast %add3A_408 : i32 to index
      %swap3A_512 = tpu.vector_load %arg13[%swap3A_511] {strides = array<i32>} : memref<3072xf32, #tpu.memory_space<vmem>>, vector<16xf32>,
      tpu.vector_store %arg13[%swap3A_511], %convert_element_type3A_510 {strides = array<i32>} : memref<3072xf32, #tpu.memory_space<vmem>>, vector<16xf32>,
      %add3A_513 = arith.constant 16 : i32
      %add3A_514 = vector.broadcast %add3A_513 : i32 to vector<16xi32>
      %add3A_515 = arith.addi %iota3A, %add3A_514 : vector<16xi32>
      %lt3A_516 = arith.cmpi slt, %add3A_515, %sub3A_492 : vector<16xi32>
      %convert_element_type3A_517 = arith.extui %lt3A_516 : vector<16xi1> to vector<16xi32>
      %convert_element_type3A_518 = arith.sitofp %convert_element_type3A_517 : vector<16xi32> to vector<16xf32>
      %add3A_519 = arith.constant 16 : i32
      %add3A_520 = arith.addi %add3A_408, %add3A_519 : i32
      %swap3A_521 = arith.index_cast %add3A_520 : i32 to index
      %swap3A_522 = tpu.vector_load %arg13[%swap3A_521] {strides = array<i32>} : memref<3072xf32, #tpu.memory_space<vmem>>, vector<16xf32>,
      tpu.vector_store %arg13[%swap3A_521], %convert_element_type3A_518 {strides = array<i32>} : memref<3072xf32, #tpu.memory_space<vmem>>, vector<16xf32>,
      %add3A_523 = arith.constant 32 : i32
      %add3A_524 = vector.broadcast %add3A_523 : i32 to vector<16xi32>
      %add3A_525 = arith.addi %iota3A, %add3A_524 : vector<16xi32>
      %lt3A_526 = arith.cmpi slt, %add3A_525, %sub3A_492 : vector<16xi32>
      %convert_element_type3A_527 = arith.extui %lt3A_526 : vector<16xi1> to vector<16xi32>
      %convert_element_type3A_528 = arith.sitofp %convert_element_type3A_527 : vector<16xi32> to vector<16xf32>
      %add3A_529 = arith.constant 32 : i32
      %add3A_530 = arith.addi %add3A_408, %add3A_529 : i32
      %swap3A_531 = arith.index_cast %add3A_530 : i32 to index
      %swap3A_532 = tpu.vector_load %arg13[%swap3A_531] {strides = array<i32>} : memref<3072xf32, #tpu.memory_space<vmem>>, vector<16xf32>,
      tpu.vector_store %arg13[%swap3A_531], %convert_element_type3A_528 {strides = array<i32>} : memref<3072xf32, #tpu.memory_space<vmem>>, vector<16xf32>,
    }
    %scan3A_22 = arith.constant 32 : i32
    %add3A_23 = arith.constant 0 : i32
    %add3A_24 = arith.addi %add3A_23, %mul3A_2 : i32
    %mul3A_25 = arith.constant 32 : i32
    %mul3A_26 = arith.muli %add3A_24, %mul3A_25 : i32
    "tpu.region"() ({
      %run_scoped3A = tpu.sem_alloc : memref<!tpu.dma_semaphore, #tpu.memory_space<semaphore_mem>>
      %dma_start3A = tpu.memref_slice %arg3[%mul3A_26] : memref<1835008xf32, #tpu.memory_space<hbm>> -> memref<2048xf32, #tpu.memory_space<hbm>>
      %dma_start3A_283 = tpu.memref_slice %arg3[%mul3A_26] : memref<1835008xf32, #tpu.memory_space<hbm>> -> memref<2048xf32, #tpu.memory_space<hbm>>
      tpu.enqueue_dma source(%arg6 : memref<2048xf32, #tpu.memory_space<vmem>>) target(%dma_start3A_283 : memref<2048xf32, #tpu.memory_space<hbm>>) target_semaphore(%run_scoped3A : memref<!tpu.dma_semaphore, #tpu.memory_space<semaphore_mem>>)
      %dma_wait3A = tpu.memref_slice %arg3[%mul3A_26] : memref<1835008xf32, #tpu.memory_space<hbm>> -> memref<2048xf32, #tpu.memory_space<hbm>>
      %dma_wait3A_284 = tpu.memref_slice %arg3[%mul3A_26] : memref<1835008xf32, #tpu.memory_space<hbm>> -> memref<2048xf32, #tpu.memory_space<hbm>>
      tpu.wait_dma2 semaphore(%run_scoped3A : memref<!tpu.dma_semaphore, #tpu.memory_space<semaphore_mem>>) src(%arg6 : memref<2048xf32, #tpu.memory_space<vmem>>) dst(%dma_wait3A_284 : memref<2048xf32, #tpu.memory_space<hbm>>)
      tpu.yield
    }) : () -> ()
    %add3A_27 = arith.constant 2048 : i32
    %add3A_28 = arith.addi %add3A_27, %mul3A_2 : i32
    %mul3A_29 = arith.constant 32 : i32
    %mul3A_30 = arith.muli %add3A_28, %mul3A_29 : i32
    "tpu.region"() ({
      %run_scoped3A = tpu.sem_alloc : memref<!tpu.dma_semaphore, #tpu.memory_space<semaphore_mem>>
      %dma_start3A = tpu.memref_slice %arg3[%mul3A_30] : memref<1835008xf32, #tpu.memory_space<hbm>> -> memref<2048xf32, #tpu.memory_space<hbm>>
      %dma_start3A_283 = tpu.memref_slice %arg3[%mul3A_30] : memref<1835008xf32, #tpu.memory_space<hbm>> -> memref<2048xf32, #tpu.memory_space<hbm>>
      tpu.enqueue_dma source(%arg7 : memref<2048xf32, #tpu.memory_space<vmem>>) target(%dma_start3A_283 : memref<2048xf32, #tpu.memory_space<hbm>>) target_semaphore(%run_scoped3A : memref<!tpu.dma_semaphore, #tpu.memory_space<semaphore_mem>>)
      %dma_wait3A = tpu.memref_slice %arg3[%mul3A_30] : memref<1835008xf32, #tpu.memory_space<hbm>> -> memref<2048xf32, #tpu.memory_space<hbm>>
      %dma_wait3A_284 = tpu.memref_slice %arg3[%mul3A_30] : memref<1835008xf32, #tpu.memory_space<hbm>> -> memref<2048xf32, #tpu.memory_space<hbm>>
      tpu.wait_dma2 semaphore(%run_scoped3A : memref<!tpu.dma_semaphore, #tpu.memory_space<semaphore_mem>>) src(%arg7 : memref<2048xf32, #tpu.memory_space<vmem>>) dst(%dma_wait3A_284 : memref<2048xf32, #tpu.memory_space<hbm>>)
      tpu.yield
    }) : () -> ()
    %add3A_31 = arith.constant 4096 : i32
    %add3A_32 = arith.addi %add3A_31, %mul3A_2 : i32
    %mul3A_33 = arith.constant 32 : i32
    %mul3A_34 = arith.muli %add3A_32, %mul3A_33 : i32
    "tpu.region"() ({
      %run_scoped3A = tpu.sem_alloc : memref<!tpu.dma_semaphore, #tpu.memory_space<semaphore_mem>>
      %dma_start3A = tpu.memref_slice %arg3[%mul3A_34] : memref<1835008xf32, #tpu.memory_space<hbm>> -> memref<2048xf32, #tpu.memory_space<hbm>>
      %dma_start3A_283 = tpu.memref_slice %arg3[%mul3A_34] : memref<1835008xf32, #tpu.memory_space<hbm>> -> memref<2048xf32, #tpu.memory_space<hbm>>
      tpu.enqueue_dma source(%arg8 : memref<2048xf32, #tpu.memory_space<vmem>>) target(%dma_start3A_283 : memref<2048xf32, #tpu.memory_space<hbm>>) target_semaphore(%run_scoped3A : memref<!tpu.dma_semaphore, #tpu.memory_space<semaphore_mem>>)
      %dma_wait3A = tpu.memref_slice %arg3[%mul3A_34] : memref<1835008xf32, #tpu.memory_space<hbm>> -> memref<2048xf32, #tpu.memory_space<hbm>>
      %dma_wait3A_284 = tpu.memref_slice %arg3[%mul3A_34] : memref<1835008xf32, #tpu.memory_space<hbm>> -> memref<2048xf32, #tpu.memory_space<hbm>>
      tpu.wait_dma2 semaphore(%run_scoped3A : memref<!tpu.dma_semaphore, #tpu.memory_space<semaphore_mem>>) src(%arg8 : memref<2048xf32, #tpu.memory_space<vmem>>) dst(%dma_wait3A_284 : memref<2048xf32, #tpu.memory_space<hbm>>)
      tpu.yield
    }) : () -> ()
    %add3A_35 = arith.constant 6144 : i32
    %add3A_36 = arith.addi %add3A_35, %mul3A_2 : i32
    %mul3A_37 = arith.constant 32 : i32
    %mul3A_38 = arith.muli %add3A_36, %mul3A_37 : i32
    "tpu.region"() ({
      %run_scoped3A = tpu.sem_alloc : memref<!tpu.dma_semaphore, #tpu.memory_space<semaphore_mem>>
      %dma_start3A = tpu.memref_slice %arg3[%mul3A_38] : memref<1835008xf32, #tpu.memory_space<hbm>> -> memref<2048xf32, #tpu.memory_space<hbm>>
      %dma_start3A_283 = tpu.memref_slice %arg3[%mul3A_38] : memref<1835008xf32, #tpu.memory_space<hbm>> -> memref<2048xf32, #tpu.memory_space<hbm>>
      tpu.enqueue_dma source(%arg9 : memref<2048xf32, #tpu.memory_space<vmem>>) target(%dma_start3A_283 : memref<2048xf32, #tpu.memory_space<hbm>>) target_semaphore(%run_scoped3A : memref<!tpu.dma_semaphore, #tpu.memory_space<semaphore_mem>>)
      %dma_wait3A = tpu.memref_slice %arg3[%mul3A_38] : memref<1835008xf32, #tpu.memory_space<hbm>> -> memref<2048xf32, #tpu.memory_space<hbm>>
      %dma_wait3A_284 = tpu.memref_slice %arg3[%mul3A_38] : memref<1835008xf32, #tpu.memory_space<hbm>> -> memref<2048xf32, #tpu.memory_space<hbm>>
      tpu.wait_dma2 semaphore(%run_scoped3A : memref<!tpu.dma_semaphore, #tpu.memory_space<semaphore_mem>>) src(%arg9 : memref<2048xf32, #tpu.memory_space<vmem>>) dst(%dma_wait3A_284 : memref<2048xf32, #tpu.memory_space<hbm>>)
      tpu.yield
    }) : () -> ()
    %add3A_39 = arith.constant 0 : i32
    %add3A_40 = arith.addi %add3A_39, %mul3A_2 : i32
    %mul3A_41 = arith.constant 48 : i32
    %mul3A_42 = arith.muli %add3A_40, %mul3A_41 : i32
    "tpu.region"() ({
      %run_scoped3A = tpu.sem_alloc : memref<!tpu.dma_semaphore, #tpu.memory_space<semaphore_mem>>
      %dma_start3A = tpu.memref_slice %arg4[%mul3A_42] : memref<2752512xf32, #tpu.memory_space<hbm>> -> memref<3072xf32, #tpu.memory_space<hbm>>
      %dma_start3A_283 = tpu.memref_slice %arg4[%mul3A_42] : memref<2752512xf32, #tpu.memory_space<hbm>> -> memref<3072xf32, #tpu.memory_space<hbm>>
      tpu.enqueue_dma source(%arg10 : memref<3072xf32, #tpu.memory_space<vmem>>) target(%dma_start3A_283 : memref<3072xf32, #tpu.memory_space<hbm>>) target_semaphore(%run_scoped3A : memref<!tpu.dma_semaphore, #tpu.memory_space<semaphore_mem>>)
      %dma_wait3A = tpu.memref_slice %arg4[%mul3A_42] : memref<2752512xf32, #tpu.memory_space<hbm>> -> memref<3072xf32, #tpu.memory_space<hbm>>
      %dma_wait3A_284 = tpu.memref_slice %arg4[%mul3A_42] : memref<2752512xf32, #tpu.memory_space<hbm>> -> memref<3072xf32, #tpu.memory_space<hbm>>
      tpu.wait_dma2 semaphore(%run_scoped3A : memref<!tpu.dma_semaphore, #tpu.memory_space<semaphore_mem>>) src(%arg10 : memref<3072xf32, #tpu.memory_space<vmem>>) dst(%dma_wait3A_284 : memref<3072xf32, #tpu.memory_space<hbm>>)
      tpu.yield
    }) : () -> ()
    %add3A_43 = arith.constant 2048 : i32
    %add3A_44 = arith.addi %add3A_43, %mul3A_2 : i32
    %mul3A_45 = arith.constant 48 : i32
    %mul3A_46 = arith.muli %add3A_44, %mul3A_45 : i32
    "tpu.region"() ({
      %run_scoped3A = tpu.sem_alloc : memref<!tpu.dma_semaphore, #tpu.memory_space<semaphore_mem>>
      %dma_start3A = tpu.memref_slice %arg4[%mul3A_46] : memref<2752512xf32, #tpu.memory_space<hbm>> -> memref<3072xf32, #tpu.memory_space<hbm>>
      %dma_start3A_283 = tpu.memref_slice %arg4[%mul3A_46] : memref<2752512xf32, #tpu.memory_space<hbm>> -> memref<3072xf32, #tpu.memory_space<hbm>>
      tpu.enqueue_dma source(%arg11 : memref<3072xf32, #tpu.memory_space<vmem>>) target(%dma_start3A_283 : memref<3072xf32, #tpu.memory_space<hbm>>) target_semaphore(%run_scoped3A : memref<!tpu.dma_semaphore, #tpu.memory_space<semaphore_mem>>)
      %dma_wait3A = tpu.memref_slice %arg4[%mul3A_46] : memref<2752512xf32, #tpu.memory_space<hbm>> -> memref<3072xf32, #tpu.memory_space<hbm>>
      %dma_wait3A_284 = tpu.memref_slice %arg4[%mul3A_46] : memref<2752512xf32, #tpu.memory_space<hbm>> -> memref<3072xf32, #tpu.memory_space<hbm>>
      tpu.wait_dma2 semaphore(%run_scoped3A : memref<!tpu.dma_semaphore, #tpu.memory_space<semaphore_mem>>) src(%arg11 : memref<3072xf32, #tpu.memory_space<vmem>>) dst(%dma_wait3A_284 : memref<3072xf32, #tpu.memory_space<hbm>>)
      tpu.yield
    }) : () -> ()
    %add3A_47 = arith.constant 4096 : i32
    %add3A_48 = arith.addi %add3A_47, %mul3A_2 : i32
    %mul3A_49 = arith.constant 48 : i32
    %mul3A_50 = arith.muli %add3A_48, %mul3A_49 : i32
    "tpu.region"() ({
      %run_scoped3A = tpu.sem_alloc : memref<!tpu.dma_semaphore, #tpu.memory_space<semaphore_mem>>
      %dma_start3A = tpu.memref_slice %arg4[%mul3A_50] : memref<2752512xf32, #tpu.memory_space<hbm>> -> memref<3072xf32, #tpu.memory_space<hbm>>
      %dma_start3A_283 = tpu.memref_slice %arg4[%mul3A_50] : memref<2752512xf32, #tpu.memory_space<hbm>> -> memref<3072xf32, #tpu.memory_space<hbm>>
      tpu.enqueue_dma source(%arg12 : memref<3072xf32, #tpu.memory_space<vmem>>) target(%dma_start3A_283 : memref<3072xf32, #tpu.memory_space<hbm>>) target_semaphore(%run_scoped3A : memref<!tpu.dma_semaphore, #tpu.memory_space<semaphore_mem>>)
      %dma_wait3A = tpu.memref_slice %arg4[%mul3A_50] : memref<2752512xf32, #tpu.memory_space<hbm>> -> memref<3072xf32, #tpu.memory_space<hbm>>
      %dma_wait3A_284 = tpu.memref_slice %arg4[%mul3A_50] : memref<2752512xf32, #tpu.memory_space<hbm>> -> memref<3072xf32, #tpu.memory_space<hbm>>
      tpu.wait_dma2 semaphore(%run_scoped3A : memref<!tpu.dma_semaphore, #tpu.memory_space<semaphore_mem>>) src(%arg12 : memref<3072xf32, #tpu.memory_space<vmem>>) dst(%dma_wait3A_284 : memref<3072xf32, #tpu.memory_space<hbm>>)
      tpu.yield
    }) : () -> ()
    %add3A_51 = arith.constant 6144 : i32
    %add3A_52 = arith.addi %add3A_51, %mul3A_2 : i32
    %mul3A_53 = arith.constant 48 : i32
    %mul3A_54 = arith.muli %add3A_52, %mul3A_53 : i32
    "tpu.region"() ({
      %run_scoped3A = tpu.sem_alloc : memref<!tpu.dma_semaphore, #tpu.memory_space<semaphore_mem>>
      %dma_start3A = tpu.memref_slice %arg4[%mul3A_54] : memref<2752512xf32, #tpu.memory_space<hbm>> -> memref<3072xf32, #tpu.memory_space<hbm>>
      %dma_start3A_283 = tpu.memref_slice %arg4[%mul3A_54] : memref<2752512xf32, #tpu.memory_space<hbm>> -> memref<3072xf32, #tpu.memory_space<hbm>>
      tpu.enqueue_dma source(%arg13 : memref<3072xf32, #tpu.memory_space<vmem>>) target(%dma_start3A_283 : memref<3072xf32, #tpu.memory_space<hbm>>) target_semaphore(%run_scoped3A : memref<!tpu.dma_semaphore, #tpu.memory_space<semaphore_mem>>)
      %dma_wait3A = tpu.memref_slice %arg4[%mul3A_54] : memref<2752512xf32, #tpu.memory_space<hbm>> -> memref<3072xf32, #tpu.memory_space<hbm>>
      %dma_wait3A_284 = tpu.memref_slice %arg4[%mul3A_54] : memref<2752512xf32, #tpu.memory_space<hbm>> -> memref<3072xf32, #tpu.memory_space<hbm>>
      tpu.wait_dma2 semaphore(%run_scoped3A : memref<!tpu.dma_semaphore, #tpu.memory_space<semaphore_mem>>) src(%arg13 : memref<3072xf32, #tpu.memory_space<vmem>>) dst(%dma_wait3A_284 : memref<3072xf32, #tpu.memory_space<hbm>>)
      tpu.yield
    }) : () -> ()
    %scan3A_55 = arith.constant 0 : i32
    %scan3A_56 = arith.constant 0 : i32
    %scan3A_57 = arith.constant 32 : i32
    %scan3A_58 = arith.addi %scan3A_56, %scan3A_57 : i32
    %scan3A_59 = arith.constant 1 : i32
    scf.for %scan3A_283 = %scan3A_56 to %scan3A_58 step %scan3A_59  : i32 {
      %mul3A_284 = arith.constant 2 : i32
      %mul3A_285 = arith.muli %mul3A_284, %scan3A_283 : i32
      %jit3A = arith.constant 16 : i32
      %div3A = arith.divsi %mul3A_285, %jit3A : i32
      %sign3A = arith.constant 0 : i32
      %sign3A_286 = arith.cmpi sgt, %mul3A_285, %sign3A : i32
      %sign3A_287 = arith.extui %sign3A_286 : i1 to i32
      %sign3A_288 = arith.constant 0 : i32
      %sign3A_289 = arith.cmpi slt, %mul3A_285, %sign3A_288 : i32
      %sign3A_290 = arith.extui %sign3A_289 : i1 to i32
      %sign3A_291 = arith.subi %sign3A_287, %sign3A_290 : i32
      %sign3A_292 = arith.constant 0 : i32
      %sign3A_293 = arith.cmpi sgt, %jit3A, %sign3A_292 : i32
      %sign3A_294 = arith.extui %sign3A_293 : i1 to i32
      %sign3A_295 = arith.constant 0 : i32
      %sign3A_296 = arith.cmpi slt, %jit3A, %sign3A_295 : i32
      %sign3A_297 = arith.extui %sign3A_296 : i1 to i32
      %sign3A_298 = arith.subi %sign3A_294, %sign3A_297 : i32
      %ne3A = arith.cmpi ne, %sign3A_291, %sign3A_298 : i32
      %rem3A = arith.remsi %mul3A_285, %jit3A : i32
      %ne3A_299 = arith.constant 0 : i32
      %ne3A_300 = arith.cmpi ne, %rem3A, %ne3A_299 : i32
      %and3A = arith.andi %ne3A, %ne3A_300 : i1
      %sub3A = arith.constant 1 : i32
      %sub3A_301 = arith.subi %div3A, %sub3A : i32
      %select_n3A = arith.select %and3A, %sub3A_301, %div3A : i32
      %mul3A_302 = arith.constant 16 : i32
      %mul3A_303 = arith.muli %select_n3A, %mul3A_302 : i32
      %add3A_304 = arith.addi %mul3A_2, %mul3A_303 : i32
      %add3A_305 = arith.constant 6144 : i32
      %add3A_306 = arith.addi %add3A_305, %add3A_304 : i32
      %get3A = arith.index_cast %add3A_306 : i32 to index
      %get3A_307 = tpu.vector_load %arg5[%get3A] {strides = array<i32>} : memref<18432xf32, #tpu.memory_space<vmem>>, vector<16xf32>,
      %add3A_308 = arith.constant 8192 : i32
      %add3A_309 = arith.addi %add3A_308, %add3A_304 : i32
      %get3A_310 = arith.index_cast %add3A_309 : i32 to index
      %get3A_311 = tpu.vector_load %arg5[%get3A_310] {strides = array<i32>} : memref<18432xf32, #tpu.memory_space<vmem>>, vector<16xf32>,
      %add3A_312 = arith.constant 10240 : i32
      %add3A_313 = arith.addi %add3A_312, %add3A_304 : i32
      %get3A_314 = arith.index_cast %add3A_313 : i32 to index
      %get3A_315 = tpu.vector_load %arg5[%get3A_314] {strides = array<i32>} : memref<18432xf32, #tpu.memory_space<vmem>>, vector<16xf32>,
      %jit3A_316 = arith.constant 16 : i32
      %eq3A = arith.constant 0 : i32
      %eq3A_317 = arith.cmpi eq, %jit3A_316, %eq3A : i32
      %jit3A_318 = arith.constant 1 : i32
      %select_n3A_319 = arith.select %eq3A_317, %jit3A_318, %jit3A_316 : i32
      %rem3A_320 = arith.remsi %mul3A_285, %select_n3A_319 : i32
      %ne3A_321 = arith.constant 0 : i32
      %ne3A_322 = arith.cmpi ne, %rem3A_320, %ne3A_321 : i32
      %lt3A = arith.constant 0 : i32
      %lt3A_323 = arith.cmpi slt, %rem3A_320, %lt3A : i32
      %lt3A_324 = arith.constant 0 : i32
      %lt3A_325 = arith.cmpi slt, %select_n3A_319, %lt3A_324 : i32
      %ne3A_326 = arith.xori %lt3A_323, %lt3A_325 : i1
      %and3A_327 = arith.andi %ne3A_326, %ne3A_322 : i1
      %add3A_328 = arith.addi %rem3A_320, %select_n3A_319 : i32
      %select_n3A_329 = arith.select %and3A_327, %add3A_328, %rem3A_320 : i32
      %broadcast_in_dim3A_330 = vector.broadcast %select_n3A_329 : i32 to vector<16xi32>
      %lt3A_331 = arith.constant 0 : i32
      %lt3A_332 = vector.broadcast %lt3A_331 : i32 to vector<16xi32>
      %lt3A_333 = arith.cmpi slt, %broadcast_in_dim3A_330, %lt3A_332 : vector<16xi32>
      %add3A_334 = arith.constant 16 : i32
      %add3A_335 = vector.broadcast %add3A_334 : i32 to vector<16xi32>
      %add3A_336 = arith.addi %broadcast_in_dim3A_330, %add3A_335 : vector<16xi32>
      %select_n3A_337 = arith.select %lt3A_333, %add3A_336, %broadcast_in_dim3A_330 : vector<16xi1>, vector<16xi32>
      %broadcast_in_dim3A_338 = vector.shape_cast %select_n3A_337 : vector<16xi32> to vector<16x1xi32>
      %gather3A = vector.shape_cast %broadcast_in_dim3A_338 : vector<16x1xi32> to vector<16xi32>
      %gather3A_339 = tpu.dynamic_gather %get3A_307[%gather3A] in [0] : vector<16xf32>, vector<16xi32> -> vector<16xf32>
      %broadcast_in_dim3A_340 = vector.broadcast %select_n3A_329 : i32 to vector<16xi32>
      %lt3A_341 = arith.constant 0 : i32
      %lt3A_342 = vector.broadcast %lt3A_341 : i32 to vector<16xi32>
      %lt3A_343 = arith.cmpi slt, %broadcast_in_dim3A_340, %lt3A_342 : vector<16xi32>
      %add3A_344 = arith.constant 16 : i32
      %add3A_345 = vector.broadcast %add3A_344 : i32 to vector<16xi32>
      %add3A_346 = arith.addi %broadcast_in_dim3A_340, %add3A_345 : vector<16xi32>
      %select_n3A_347 = arith.select %lt3A_343, %add3A_346, %broadcast_in_dim3A_340 : vector<16xi1>, vector<16xi32>
      %broadcast_in_dim3A_348 = vector.shape_cast %select_n3A_347 : vector<16xi32> to vector<16x1xi32>
      %gather3A_349 = vector.shape_cast %broadcast_in_dim3A_348 : vector<16x1xi32> to vector<16xi32>
      %gather3A_350 = tpu.dynamic_gather %get3A_311[%gather3A_349] in [0] : vector<16xf32>, vector<16xi32> -> vector<16xf32>
      %broadcast_in_dim3A_351 = vector.broadcast %select_n3A_329 : i32 to vector<16xi32>
      %lt3A_352 = arith.constant 0 : i32
      %lt3A_353 = vector.broadcast %lt3A_352 : i32 to vector<16xi32>
      %lt3A_354 = arith.cmpi slt, %broadcast_in_dim3A_351, %lt3A_353 : vector<16xi32>
      %add3A_355 = arith.constant 16 : i32
      %add3A_356 = vector.broadcast %add3A_355 : i32 to vector<16xi32>
      %add3A_357 = arith.addi %broadcast_in_dim3A_351, %add3A_356 : vector<16xi32>
      %select_n3A_358 = arith.select %lt3A_354, %add3A_357, %broadcast_in_dim3A_351 : vector<16xi1>, vector<16xi32>
      %broadcast_in_dim3A_359 = vector.shape_cast %select_n3A_358 : vector<16xi32> to vector<16x1xi32>
      %gather3A_360 = vector.shape_cast %broadcast_in_dim3A_359 : vector<16x1xi32> to vector<16xi32>
      %gather3A_361 = tpu.dynamic_gather %get3A_315[%gather3A_360] in [0] : vector<16xf32>, vector<16xi32> -> vector<16xf32>
      %add3A_362 = arith.constant 1 : i32
      %add3A_363 = arith.addi %select_n3A_329, %add3A_362 : i32
      %broadcast_in_dim3A_364 = vector.broadcast %add3A_363 : i32 to vector<16xi32>
      %lt3A_365 = arith.constant 0 : i32
      %lt3A_366 = vector.broadcast %lt3A_365 : i32 to vector<16xi32>
      %lt3A_367 = arith.cmpi slt, %broadcast_in_dim3A_364, %lt3A_366 : vector<16xi32>
      %add3A_368 = arith.constant 16 : i32
      %add3A_369 = vector.broadcast %add3A_368 : i32 to vector<16xi32>
      %add3A_370 = arith.addi %broadcast_in_dim3A_364, %add3A_369 : vector<16xi32>
      %select_n3A_371 = arith.select %lt3A_367, %add3A_370, %broadcast_in_dim3A_364 : vector<16xi1>, vector<16xi32>
      %broadcast_in_dim3A_372 = vector.shape_cast %select_n3A_371 : vector<16xi32> to vector<16x1xi32>
      %gather3A_373 = vector.shape_cast %broadcast_in_dim3A_372 : vector<16x1xi32> to vector<16xi32>
      %gather3A_374 = tpu.dynamic_gather %get3A_307[%gather3A_373] in [0] : vector<16xf32>, vector<16xi32> -> vector<16xf32>
      %add3A_375 = arith.constant 1 : i32
      %add3A_376 = arith.addi %select_n3A_329, %add3A_375 : i32
      %broadcast_in_dim3A_377 = vector.broadcast %add3A_376 : i32 to vector<16xi32>
      %lt3A_378 = arith.constant 0 : i32
      %lt3A_379 = vector.broadcast %lt3A_378 : i32 to vector<16xi32>
      %lt3A_380 = arith.cmpi slt, %broadcast_in_dim3A_377, %lt3A_379 : vector<16xi32>
      %add3A_381 = arith.constant 16 : i32
      %add3A_382 = vector.broadcast %add3A_381 : i32 to vector<16xi32>
      %add3A_383 = arith.addi %broadcast_in_dim3A_377, %add3A_382 : vector<16xi32>
      %select_n3A_384 = arith.select %lt3A_380, %add3A_383, %broadcast_in_dim3A_377 : vector<16xi1>, vector<16xi32>
      %broadcast_in_dim3A_385 = vector.shape_cast %select_n3A_384 : vector<16xi32> to vector<16x1xi32>
      %gather3A_386 = vector.shape_cast %broadcast_in_dim3A_385 : vector<16x1xi32> to vector<16xi32>
      %gather3A_387 = tpu.dynamic_gather %get3A_311[%gather3A_386] in [0] : vector<16xf32>, vector<16xi32> -> vector<16xf32>
      %add3A_388 = arith.constant 1 : i32
      %add3A_389 = arith.addi %select_n3A_329, %add3A_388 : i32
      %broadcast_in_dim3A_390 = vector.broadcast %add3A_389 : i32 to vector<16xi32>
      %lt3A_391 = arith.constant 0 : i32
      %lt3A_392 = vector.broadcast %lt3A_391 : i32 to vector<16xi32>
      %lt3A_393 = arith.cmpi slt, %broadcast_in_dim3A_390, %lt3A_392 : vector<16xi32>
      %add3A_394 = arith.constant 16 : i32
      %add3A_395 = vector.broadcast %add3A_394 : i32 to vector<16xi32>
      %add3A_396 = arith.addi %broadcast_in_dim3A_390, %add3A_395 : vector<16xi32>
      %select_n3A_397 = arith.select %lt3A_393, %add3A_396, %broadcast_in_dim3A_390 : vector<16xi1>, vector<16xi32>
      %broadcast_in_dim3A_398 = vector.shape_cast %select_n3A_397 : vector<16xi32> to vector<16x1xi32>
      %gather3A_399 = vector.shape_cast %broadcast_in_dim3A_398 : vector<16x1xi32> to vector<16xi32>
      %gather3A_400 = tpu.dynamic_gather %get3A_315[%gather3A_399] in [0] : vector<16xf32>, vector<16xi32> -> vector<16xf32>
      %mul3A_401 = arith.constant 32 : i32
      %mul3A_402 = arith.muli %mul3A_285, %mul3A_401 : i32
      %mul3A_403 = arith.constant 48 : i32
      %mul3A_404 = arith.muli %mul3A_285, %mul3A_403 : i32
      %add3A_405 = arith.constant 32 : i32
      %add3A_406 = arith.addi %mul3A_402, %add3A_405 : i32
      %add3A_407 = arith.constant 48 : i32
      %add3A_408 = arith.addi %mul3A_404, %add3A_407 : i32
      %add3A_409 = arith.constant 16 : i32
      %add3A_410 = arith.addi %mul3A_402, %add3A_409 : i32
      %broadcast_in_dim3A_411 = vector.broadcast %add3A_410 : i32 to vector<16xi32>
      %add3A_412 = arith.constant 32 : i32
      %add3A_413 = arith.addi %mul3A_404, %add3A_412 : i32
      %broadcast_in_dim3A_414 = vector.broadcast %add3A_413 : i32 to vector<16xi32>
      %add3A_415 = arith.constant 16 : i32
      %add3A_416 = arith.addi %add3A_406, %add3A_415 : i32
      %broadcast_in_dim3A_417 = vector.broadcast %add3A_416 : i32 to vector<16xi32>
      %add3A_418 = arith.constant 32 : i32
      %add3A_419 = arith.addi %add3A_408, %add3A_418 : i32
      %broadcast_in_dim3A_420 = vector.broadcast %add3A_419 : i32 to vector<16xi32>
      %sub3A_421 = arith.constant 1 : i32
      %sub3A_422 = arith.subi %mul3A_402, %sub3A_421 : i32
      %broadcast_in_dim3A_423 = vector.broadcast %sub3A_422 : i32 to vector<16xi32>
      %sub3A_424 = arith.constant 1 : i32
      %sub3A_425 = arith.subi %mul3A_404, %sub3A_424 : i32
      %broadcast_in_dim3A_426 = vector.broadcast %sub3A_425 : i32 to vector<16xi32>
      %sub3A_427 = arith.constant 1 : i32
      %sub3A_428 = arith.subi %add3A_406, %sub3A_427 : i32
      %broadcast_in_dim3A_429 = vector.broadcast %sub3A_428 : i32 to vector<16xi32>
      %sub3A_430 = arith.constant 1 : i32
      %sub3A_431 = arith.subi %add3A_408, %sub3A_430 : i32
      %broadcast_in_dim3A_432 = vector.broadcast %sub3A_431 : i32 to vector<16xi32>
      %scan3A_433 = arith.constant 0 : i32
      %scan3A_434 = arith.constant 128 : i32
      %scan3A_435 = arith.addi %scan3A_433, %scan3A_434 : i32
      %scan3A_436 = arith.constant 1 : i32
      %scan3A_437:4 = scf.for %scan3A_533 = %scan3A_433 to %scan3A_435 step %scan3A_436 iter_args(%scan3A_534 = %broadcast_in_dim3A_423, %scan3A_535 = %broadcast_in_dim3A_426, %scan3A_536 = %broadcast_in_dim3A_429, %scan3A_537 = %broadcast_in_dim3A_432) -> (vector<16xi32>, vector<16xi32>, vector<16xi32>, vector<16xi32>)  : i32 {
        %mul3A_538 = arith.constant 16 : i32
        %mul3A_539 = arith.muli %scan3A_533, %mul3A_538 : i32
        %add3A_540 = arith.constant 6144 : i32
        %add3A_541 = arith.addi %add3A_540, %mul3A_539 : i32
        %get3A_542 = arith.index_cast %add3A_541 : i32 to index
        %get3A_543 = tpu.vector_load %arg5[%get3A_542] {strides = array<i32>} : memref<18432xf32, #tpu.memory_space<vmem>>, vector<16xf32>,
        %add3A_544 = arith.constant 8192 : i32
        %add3A_545 = arith.addi %add3A_544, %mul3A_539 : i32
        %get3A_546 = arith.index_cast %add3A_545 : i32 to index
        %get3A_547 = tpu.vector_load %arg5[%get3A_546] {strides = array<i32>} : memref<18432xf32, #tpu.memory_space<vmem>>, vector<16xf32>,
        %add3A_548 = arith.constant 10240 : i32
        %add3A_549 = arith.addi %add3A_548, %mul3A_539 : i32
        %get3A_550 = arith.index_cast %add3A_549 : i32 to index
        %get3A_551 = tpu.vector_load %arg5[%get3A_550] {strides = array<i32>} : memref<18432xf32, #tpu.memory_space<vmem>>, vector<16xf32>,
        %sub3A_552 = arith.subf %get3A_543, %gather3A_339 : vector<16xf32>
        %sub3A_553 = arith.subf %get3A_547, %gather3A_350 : vector<16xf32>
        %sub3A_554 = arith.subf %get3A_551, %gather3A_361 : vector<16xf32>
        %mul3A_555 = arith.mulf %sub3A_552, %sub3A_552 : vector<16xf32>
        %mul3A_556 = arith.mulf %sub3A_553, %sub3A_553 : vector<16xf32>
        %add3A_557 = arith.addf %mul3A_555, %mul3A_556 : vector<16xf32>
        %mul3A_558 = arith.mulf %sub3A_554, %sub3A_554 : vector<16xf32>
        %add3A_559 = arith.addf %add3A_557, %mul3A_558 : vector<16xf32>
        %le3A = arith.constant 4.000000e-02 : f32
        %le3A_560 = vector.broadcast %le3A : f32 to vector<16xf32>
        %le3A_561 = arith.cmpf ole, %add3A_559, %le3A_560 : vector<16xf32>
        %le3A_562 = arith.constant 0.00999999977 : f32
        %le3A_563 = vector.broadcast %le3A_562 : f32 to vector<16xf32>
        %le3A_564 = arith.cmpf ole, %add3A_559, %le3A_563 : vector<16xf32>
        %convert_element_type3A_565 = arith.extui %le3A_561 : vector<16xi1> to vector<16xi32>
        %broadcast_in_dim3A_566 = arith.constant true
        %broadcast_in_dim3A_567 = vector.broadcast %broadcast_in_dim3A_566 : i1 to vector<16xi1>
        %masked_cumsum3A = tpu.scan <sum>, %convert_element_type3A_565 masked %broadcast_in_dim3A_567 : vector<16xi32>, vector<16xi1> -> vector<16xi32>
        %add3A_568 = arith.addi %scan3A_535, %masked_cumsum3A : vector<16xi32>
        %convert_element_type3A_569 = arith.extui %le3A_564 : vector<16xi1> to vector<16xi32>
        %broadcast_in_dim3A_570 = arith.constant true
        %broadcast_in_dim3A_571 = vector.broadcast %broadcast_in_dim3A_570 : i1 to vector<16xi1>
        %masked_cumsum3A_572 = tpu.scan <sum>, %convert_element_type3A_569 masked %broadcast_in_dim3A_571 : vector<16xi32>, vector<16xi1> -> vector<16xi32>
        %add3A_573 = arith.addi %scan3A_534, %masked_cumsum3A_572 : vector<16xi32>
        %lt3A_574 = arith.cmpi slt, %add3A_568, %broadcast_in_dim3A_414 : vector<16xi32>
        %and3A_575 = arith.andi %le3A_561, %lt3A_574 : vector<16xi1>
        %lt3A_576 = arith.cmpi slt, %add3A_573, %broadcast_in_dim3A_411 : vector<16xi32>
        %and3A_577 = arith.andi %le3A_564, %lt3A_576 : vector<16xi1>
        tpu.vector_store_idx %arg10[%add3A_568], %sub3A_552 masked %and3A_575 : memref<3072xf32, #tpu.memory_space<vmem>>[vector<16xi32>], vector<16xf32>, vector<16xi1>
        tpu.vector_store_idx %arg11[%add3A_568], %sub3A_553 masked %and3A_575 : memref<3072xf32, #tpu.memory_space<vmem>>[vector<16xi32>], vector<16xf32>, vector<16xi1>
        tpu.vector_store_idx %arg12[%add3A_568], %sub3A_554 masked %and3A_575 : memref<3072xf32, #tpu.memory_space<vmem>>[vector<16xi32>], vector<16xf32>, vector<16xi1>
        tpu.vector_store_idx %arg6[%add3A_573], %sub3A_552 masked %and3A_577 : memref<2048xf32, #tpu.memory_space<vmem>>[vector<16xi32>], vector<16xf32>, vector<16xi1>
        tpu.vector_store_idx %arg7[%add3A_573], %sub3A_553 masked %and3A_577 : memref<2048xf32, #tpu.memory_space<vmem>>[vector<16xi32>], vector<16xf32>, vector<16xi1>
        tpu.vector_store_idx %arg8[%add3A_573], %sub3A_554 masked %and3A_577 : memref<2048xf32, #tpu.memory_space<vmem>>[vector<16xi32>], vector<16xf32>, vector<16xi1>
        %all_reduce_population_count3A = tpu.all_reduce %le3A_561 {dim = 0 : i64, kind = #tpu.reduction_kind<sum>} : vector<16xi1> -> vector<16xi32>
        %add3A_578 = arith.addi %scan3A_535, %all_reduce_population_count3A : vector<16xi32>
        %sub3A_579 = arith.constant 1 : i32
        %sub3A_580 = vector.broadcast %sub3A_579 : i32 to vector<16xi32>
        %sub3A_581 = arith.subi %broadcast_in_dim3A_414, %sub3A_580 : vector<16xi32>
        %min3A = arith.minsi %add3A_578, %sub3A_581 : vector<16xi32>
        %all_reduce_population_count3A_582 = tpu.all_reduce %le3A_564 {dim = 0 : i64, kind = #tpu.reduction_kind<sum>} : vector<16xi1> -> vector<16xi32>
        %add3A_583 = arith.addi %scan3A_534, %all_reduce_population_count3A_582 : vector<16xi32>
        %sub3A_584 = arith.constant 1 : i32
        %sub3A_585 = vector.broadcast %sub3A_584 : i32 to vector<16xi32>
        %sub3A_586 = arith.subi %broadcast_in_dim3A_411, %sub3A_585 : vector<16xi32>
        %min3A_587 = arith.minsi %add3A_583, %sub3A_586 : vector<16xi32>
        %sub3A_588 = arith.subf %get3A_543, %gather3A_374 : vector<16xf32>
        %sub3A_589 = arith.subf %get3A_547, %gather3A_387 : vector<16xf32>
        %sub3A_590 = arith.subf %get3A_551, %gather3A_400 : vector<16xf32>
        %mul3A_591 = arith.mulf %sub3A_588, %sub3A_588 : vector<16xf32>
        %mul3A_592 = arith.mulf %sub3A_589, %sub3A_589 : vector<16xf32>
        %add3A_593 = arith.addf %mul3A_591, %mul3A_592 : vector<16xf32>
        %mul3A_594 = arith.mulf %sub3A_590, %sub3A_590 : vector<16xf32>
        %add3A_595 = arith.addf %add3A_593, %mul3A_594 : vector<16xf32>
        %le3A_596 = arith.constant 4.000000e-02 : f32
        %le3A_597 = vector.broadcast %le3A_596 : f32 to vector<16xf32>
        %le3A_598 = arith.cmpf ole, %add3A_595, %le3A_597 : vector<16xf32>
        %le3A_599 = arith.constant 0.00999999977 : f32
        %le3A_600 = vector.broadcast %le3A_599 : f32 to vector<16xf32>
        %le3A_601 = arith.cmpf ole, %add3A_595, %le3A_600 : vector<16xf32>
        %convert_element_type3A_602 = arith.extui %le3A_598 : vector<16xi1> to vector<16xi32>
        %broadcast_in_dim3A_603 = arith.constant true
        %broadcast_in_dim3A_604 = vector.broadcast %broadcast_in_dim3A_603 : i1 to vector<16xi1>
        %masked_cumsum3A_605 = tpu.scan <sum>, %convert_element_type3A_602 masked %broadcast_in_dim3A_604 : vector<16xi32>, vector<16xi1> -> vector<16xi32>
        %add3A_606 = arith.addi %scan3A_537, %masked_cumsum3A_605 : vector<16xi32>
        %convert_element_type3A_607 = arith.extui %le3A_601 : vector<16xi1> to vector<16xi32>
        %broadcast_in_dim3A_608 = arith.constant true
        %broadcast_in_dim3A_609 = vector.broadcast %broadcast_in_dim3A_608 : i1 to vector<16xi1>
        %masked_cumsum3A_610 = tpu.scan <sum>, %convert_element_type3A_607 masked %broadcast_in_dim3A_609 : vector<16xi32>, vector<16xi1> -> vector<16xi32>
        %add3A_611 = arith.addi %scan3A_536, %masked_cumsum3A_610 : vector<16xi32>
        %lt3A_612 = arith.cmpi slt, %add3A_606, %broadcast_in_dim3A_420 : vector<16xi32>
        %and3A_613 = arith.andi %le3A_598, %lt3A_612 : vector<16xi1>
        %lt3A_614 = arith.cmpi slt, %add3A_611, %broadcast_in_dim3A_417 : vector<16xi32>
        %and3A_615 = arith.andi %le3A_601, %lt3A_614 : vector<16xi1>
        tpu.vector_store_idx %arg10[%add3A_606], %sub3A_588 masked %and3A_613 : memref<3072xf32, #tpu.memory_space<vmem>>[vector<16xi32>], vector<16xf32>, vector<16xi1>
        tpu.vector_store_idx %arg11[%add3A_606], %sub3A_589 masked %and3A_613 : memref<3072xf32, #tpu.memory_space<vmem>>[vector<16xi32>], vector<16xf32>, vector<16xi1>
        tpu.vector_store_idx %arg12[%add3A_606], %sub3A_590 masked %and3A_613 : memref<3072xf32, #tpu.memory_space<vmem>>[vector<16xi32>], vector<16xf32>, vector<16xi1>
        tpu.vector_store_idx %arg6[%add3A_611], %sub3A_588 masked %and3A_615 : memref<2048xf32, #tpu.memory_space<vmem>>[vector<16xi32>], vector<16xf32>, vector<16xi1>
        tpu.vector_store_idx %arg7[%add3A_611], %sub3A_589 masked %and3A_615 : memref<2048xf32, #tpu.memory_space<vmem>>[vector<16xi32>], vector<16xf32>, vector<16xi1>
        tpu.vector_store_idx %arg8[%add3A_611], %sub3A_590 masked %and3A_615 : memref<2048xf32, #tpu.memory_space<vmem>>[vector<16xi32>], vector<16xf32>, vector<16xi1>
        %all_reduce_population_count3A_616 = tpu.all_reduce %le3A_598 {dim = 0 : i64, kind = #tpu.reduction_kind<sum>} : vector<16xi1> -> vector<16xi32>
        %add3A_617 = arith.addi %scan3A_537, %all_reduce_population_count3A_616 : vector<16xi32>
        %sub3A_618 = arith.constant 1 : i32
        %sub3A_619 = vector.broadcast %sub3A_618 : i32 to vector<16xi32>
        %sub3A_620 = arith.subi %broadcast_in_dim3A_420, %sub3A_619 : vector<16xi32>
        %min3A_621 = arith.minsi %add3A_617, %sub3A_620 : vector<16xi32>
        %all_reduce_population_count3A_622 = tpu.all_reduce %le3A_601 {dim = 0 : i64, kind = #tpu.reduction_kind<sum>} : vector<16xi1> -> vector<16xi32>
        %add3A_623 = arith.addi %scan3A_536, %all_reduce_population_count3A_622 : vector<16xi32>
        %sub3A_624 = arith.constant 1 : i32
        %sub3A_625 = vector.broadcast %sub3A_624 : i32 to vector<16xi32>
        %sub3A_626 = arith.subi %broadcast_in_dim3A_417, %sub3A_625 : vector<16xi32>
        %min3A_627 = arith.minsi %add3A_623, %sub3A_626 : vector<16xi32>
        scf.yield %min3A_587, %min3A, %min3A_627, %min3A_621 : vector<16xi32>, vector<16xi32>, vector<16xi32>, vector<16xi32>
      }
      %scan3A_438 = arith.constant 128 : i32
      %sub3A_439 = arith.constant 1 : i32
      %sub3A_440 = arith.subi %mul3A_402, %sub3A_439 : i32
      %sub3A_441 = vector.broadcast %sub3A_440 : i32 to vector<16xi32>
      %sub3A_442 = arith.subi %scan3A_437#0, %sub3A_441 : vector<16xi32>
      %sub3A_443 = arith.constant 1 : i32
      %sub3A_444 = arith.subi %mul3A_404, %sub3A_443 : i32
      %sub3A_445 = vector.broadcast %sub3A_444 : i32 to vector<16xi32>
      %sub3A_446 = arith.subi %scan3A_437#1, %sub3A_445 : vector<16xi32>
      %lt3A_447 = arith.cmpi slt, %iota3A, %sub3A_442 : vector<16xi32>
      %convert_element_type3A = arith.extui %lt3A_447 : vector<16xi1> to vector<16xi32>
      %convert_element_type3A_448 = arith.sitofp %convert_element_type3A : vector<16xi32> to vector<16xf32>
      %swap3A = arith.index_cast %mul3A_402 : i32 to index
      %swap3A_449 = tpu.vector_load %arg9[%swap3A] {strides = array<i32>} : memref<2048xf32, #tpu.memory_space<vmem>>, vector<16xf32>,
      tpu.vector_store %arg9[%swap3A], %convert_element_type3A_448 {strides = array<i32>} : memref<2048xf32, #tpu.memory_space<vmem>>, vector<16xf32>,
      %add3A_450 = arith.constant 16 : i32
      %add3A_451 = vector.broadcast %add3A_450 : i32 to vector<16xi32>
      %add3A_452 = arith.addi %iota3A, %add3A_451 : vector<16xi32>
      %lt3A_453 = arith.cmpi slt, %add3A_452, %sub3A_442 : vector<16xi32>
      %convert_element_type3A_454 = arith.extui %lt3A_453 : vector<16xi1> to vector<16xi32>
      %convert_element_type3A_455 = arith.sitofp %convert_element_type3A_454 : vector<16xi32> to vector<16xf32>
      %add3A_456 = arith.constant 16 : i32
      %add3A_457 = arith.addi %mul3A_402, %add3A_456 : i32
      %swap3A_458 = arith.index_cast %add3A_457 : i32 to index
      %swap3A_459 = tpu.vector_load %arg9[%swap3A_458] {strides = array<i32>} : memref<2048xf32, #tpu.memory_space<vmem>>, vector<16xf32>,
      tpu.vector_store %arg9[%swap3A_458], %convert_element_type3A_455 {strides = array<i32>} : memref<2048xf32, #tpu.memory_space<vmem>>, vector<16xf32>,
      %lt3A_460 = arith.cmpi slt, %iota3A, %sub3A_446 : vector<16xi32>
      %convert_element_type3A_461 = arith.extui %lt3A_460 : vector<16xi1> to vector<16xi32>
      %convert_element_type3A_462 = arith.sitofp %convert_element_type3A_461 : vector<16xi32> to vector<16xf32>
      %swap3A_463 = arith.index_cast %mul3A_404 : i32 to index
      %swap3A_464 = tpu.vector_load %arg13[%swap3A_463] {strides = array<i32>} : memref<3072xf32, #tpu.memory_space<vmem>>, vector<16xf32>,
      tpu.vector_store %arg13[%swap3A_463], %convert_element_type3A_462 {strides = array<i32>} : memref<3072xf32, #tpu.memory_space<vmem>>, vector<16xf32>,
      %add3A_465 = arith.constant 16 : i32
      %add3A_466 = vector.broadcast %add3A_465 : i32 to vector<16xi32>
      %add3A_467 = arith.addi %iota3A, %add3A_466 : vector<16xi32>
      %lt3A_468 = arith.cmpi slt, %add3A_467, %sub3A_446 : vector<16xi32>
      %convert_element_type3A_469 = arith.extui %lt3A_468 : vector<16xi1> to vector<16xi32>
      %convert_element_type3A_470 = arith.sitofp %convert_element_type3A_469 : vector<16xi32> to vector<16xf32>
      %add3A_471 = arith.constant 16 : i32
      %add3A_472 = arith.addi %mul3A_404, %add3A_471 : i32
      %swap3A_473 = arith.index_cast %add3A_472 : i32 to index
      %swap3A_474 = tpu.vector_load %arg13[%swap3A_473] {strides = array<i32>} : memref<3072xf32, #tpu.memory_space<vmem>>, vector<16xf32>,
      tpu.vector_store %arg13[%swap3A_473], %convert_element_type3A_470 {strides = array<i32>} : memref<3072xf32, #tpu.memory_space<vmem>>, vector<16xf32>,
      %add3A_475 = arith.constant 32 : i32
      %add3A_476 = vector.broadcast %add3A_475 : i32 to vector<16xi32>
      %add3A_477 = arith.addi %iota3A, %add3A_476 : vector<16xi32>
      %lt3A_478 = arith.cmpi slt, %add3A_477, %sub3A_446 : vector<16xi32>
      %convert_element_type3A_479 = arith.extui %lt3A_478 : vector<16xi1> to vector<16xi32>
      %convert_element_type3A_480 = arith.sitofp %convert_element_type3A_479 : vector<16xi32> to vector<16xf32>
      %add3A_481 = arith.constant 32 : i32
      %add3A_482 = arith.addi %mul3A_404, %add3A_481 : i32
      %swap3A_483 = arith.index_cast %add3A_482 : i32 to index
      %swap3A_484 = tpu.vector_load %arg13[%swap3A_483] {strides = array<i32>} : memref<3072xf32, #tpu.memory_space<vmem>>, vector<16xf32>,
      tpu.vector_store %arg13[%swap3A_483], %convert_element_type3A_480 {strides = array<i32>} : memref<3072xf32, #tpu.memory_space<vmem>>, vector<16xf32>,
      %sub3A_485 = arith.constant 1 : i32
      %sub3A_486 = arith.subi %add3A_406, %sub3A_485 : i32
      %sub3A_487 = vector.broadcast %sub3A_486 : i32 to vector<16xi32>
      %sub3A_488 = arith.subi %scan3A_437#2, %sub3A_487 : vector<16xi32>
      %sub3A_489 = arith.constant 1 : i32
      %sub3A_490 = arith.subi %add3A_408, %sub3A_489 : i32
      %sub3A_491 = vector.broadcast %sub3A_490 : i32 to vector<16xi32>
      %sub3A_492 = arith.subi %scan3A_437#3, %sub3A_491 : vector<16xi32>
      %lt3A_493 = arith.cmpi slt, %iota3A, %sub3A_488 : vector<16xi32>
      %convert_element_type3A_494 = arith.extui %lt3A_493 : vector<16xi1> to vector<16xi32>
      %convert_element_type3A_495 = arith.sitofp %convert_element_type3A_494 : vector<16xi32> to vector<16xf32>
      %swap3A_496 = arith.index_cast %add3A_406 : i32 to index
      %swap3A_497 = tpu.vector_load %arg9[%swap3A_496] {strides = array<i32>} : memref<2048xf32, #tpu.memory_space<vmem>>, vector<16xf32>,
      tpu.vector_store %arg9[%swap3A_496], %convert_element_type3A_495 {strides = array<i32>} : memref<2048xf32, #tpu.memory_space<vmem>>, vector<16xf32>,
      %add3A_498 = arith.constant 16 : i32
      %add3A_499 = vector.broadcast %add3A_498 : i32 to vector<16xi32>
      %add3A_500 = arith.addi %iota3A, %add3A_499 : vector<16xi32>
      %lt3A_501 = arith.cmpi slt, %add3A_500, %sub3A_488 : vector<16xi32>
      %convert_element_type3A_502 = arith.extui %lt3A_501 : vector<16xi1> to vector<16xi32>
      %convert_element_type3A_503 = arith.sitofp %convert_element_type3A_502 : vector<16xi32> to vector<16xf32>
      %add3A_504 = arith.constant 16 : i32
      %add3A_505 = arith.addi %add3A_406, %add3A_504 : i32
      %swap3A_506 = arith.index_cast %add3A_505 : i32 to index
      %swap3A_507 = tpu.vector_load %arg9[%swap3A_506] {strides = array<i32>} : memref<2048xf32, #tpu.memory_space<vmem>>, vector<16xf32>,
      tpu.vector_store %arg9[%swap3A_506], %convert_element_type3A_503 {strides = array<i32>} : memref<2048xf32, #tpu.memory_space<vmem>>, vector<16xf32>,
      %lt3A_508 = arith.cmpi slt, %iota3A, %sub3A_492 : vector<16xi32>
      %convert_element_type3A_509 = arith.extui %lt3A_508 : vector<16xi1> to vector<16xi32>
      %convert_element_type3A_510 = arith.sitofp %convert_element_type3A_509 : vector<16xi32> to vector<16xf32>
      %swap3A_511 = arith.index_cast %add3A_408 : i32 to index
      %swap3A_512 = tpu.vector_load %arg13[%swap3A_511] {strides = array<i32>} : memref<3072xf32, #tpu.memory_space<vmem>>, vector<16xf32>,
      tpu.vector_store %arg13[%swap3A_511], %convert_element_type3A_510 {strides = array<i32>} : memref<3072xf32, #tpu.memory_space<vmem>>, vector<16xf32>,
      %add3A_513 = arith.constant 16 : i32
      %add3A_514 = vector.broadcast %add3A_513 : i32 to vector<16xi32>
      %add3A_515 = arith.addi %iota3A, %add3A_514 : vector<16xi32>
      %lt3A_516 = arith.cmpi slt, %add3A_515, %sub3A_492 : vector<16xi32>
      %convert_element_type3A_517 = arith.extui %lt3A_516 : vector<16xi1> to vector<16xi32>
      %convert_element_type3A_518 = arith.sitofp %convert_element_type3A_517 : vector<16xi32> to vector<16xf32>
      %add3A_519 = arith.constant 16 : i32
      %add3A_520 = arith.addi %add3A_408, %add3A_519 : i32
      %swap3A_521 = arith.index_cast %add3A_520 : i32 to index
      %swap3A_522 = tpu.vector_load %arg13[%swap3A_521] {strides = array<i32>} : memref<3072xf32, #tpu.memory_space<vmem>>, vector<16xf32>,
      tpu.vector_store %arg13[%swap3A_521], %convert_element_type3A_518 {strides = array<i32>} : memref<3072xf32, #tpu.memory_space<vmem>>, vector<16xf32>,
      %add3A_523 = arith.constant 32 : i32
      %add3A_524 = vector.broadcast %add3A_523 : i32 to vector<16xi32>
      %add3A_525 = arith.addi %iota3A, %add3A_524 : vector<16xi32>
      %lt3A_526 = arith.cmpi slt, %add3A_525, %sub3A_492 : vector<16xi32>
      %convert_element_type3A_527 = arith.extui %lt3A_526 : vector<16xi1> to vector<16xi32>
      %convert_element_type3A_528 = arith.sitofp %convert_element_type3A_527 : vector<16xi32> to vector<16xf32>
      %add3A_529 = arith.constant 32 : i32
      %add3A_530 = arith.addi %add3A_408, %add3A_529 : i32
      %swap3A_531 = arith.index_cast %add3A_530 : i32 to index
      %swap3A_532 = tpu.vector_load %arg13[%swap3A_531] {strides = array<i32>} : memref<3072xf32, #tpu.memory_space<vmem>>, vector<16xf32>,
      tpu.vector_store %arg13[%swap3A_531], %convert_element_type3A_528 {strides = array<i32>} : memref<3072xf32, #tpu.memory_space<vmem>>, vector<16xf32>,
    }
    %scan3A_60 = arith.constant 32 : i32
    %add3A_61 = arith.constant 8192 : i32
    %add3A_62 = arith.addi %add3A_61, %mul3A_2 : i32
    %mul3A_63 = arith.constant 32 : i32
    %mul3A_64 = arith.muli %add3A_62, %mul3A_63 : i32
    "tpu.region"() ({
      %run_scoped3A = tpu.sem_alloc : memref<!tpu.dma_semaphore, #tpu.memory_space<semaphore_mem>>
      %dma_start3A = tpu.memref_slice %arg3[%mul3A_64] : memref<1835008xf32, #tpu.memory_space<hbm>> -> memref<2048xf32, #tpu.memory_space<hbm>>
      %dma_start3A_283 = tpu.memref_slice %arg3[%mul3A_64] : memref<1835008xf32, #tpu.memory_space<hbm>> -> memref<2048xf32, #tpu.memory_space<hbm>>
      tpu.enqueue_dma source(%arg6 : memref<2048xf32, #tpu.memory_space<vmem>>) target(%dma_start3A_283 : memref<2048xf32, #tpu.memory_space<hbm>>) target_semaphore(%run_scoped3A : memref<!tpu.dma_semaphore, #tpu.memory_space<semaphore_mem>>)
      %dma_wait3A = tpu.memref_slice %arg3[%mul3A_64] : memref<1835008xf32, #tpu.memory_space<hbm>> -> memref<2048xf32, #tpu.memory_space<hbm>>
      %dma_wait3A_284 = tpu.memref_slice %arg3[%mul3A_64] : memref<1835008xf32, #tpu.memory_space<hbm>> -> memref<2048xf32, #tpu.memory_space<hbm>>
      tpu.wait_dma2 semaphore(%run_scoped3A : memref<!tpu.dma_semaphore, #tpu.memory_space<semaphore_mem>>) src(%arg6 : memref<2048xf32, #tpu.memory_space<vmem>>) dst(%dma_wait3A_284 : memref<2048xf32, #tpu.memory_space<hbm>>)
      tpu.yield
    }) : () -> ()
    %add3A_65 = arith.constant 10240 : i32
    %add3A_66 = arith.addi %add3A_65, %mul3A_2 : i32
    %mul3A_67 = arith.constant 32 : i32
    %mul3A_68 = arith.muli %add3A_66, %mul3A_67 : i32
    "tpu.region"() ({
      %run_scoped3A = tpu.sem_alloc : memref<!tpu.dma_semaphore, #tpu.memory_space<semaphore_mem>>
      %dma_start3A = tpu.memref_slice %arg3[%mul3A_68] : memref<1835008xf32, #tpu.memory_space<hbm>> -> memref<2048xf32, #tpu.memory_space<hbm>>
      %dma_start3A_283 = tpu.memref_slice %arg3[%mul3A_68] : memref<1835008xf32, #tpu.memory_space<hbm>> -> memref<2048xf32, #tpu.memory_space<hbm>>
      tpu.enqueue_dma source(%arg7 : memref<2048xf32, #tpu.memory_space<vmem>>) target(%dma_start3A_283 : memref<2048xf32, #tpu.memory_space<hbm>>) target_semaphore(%run_scoped3A : memref<!tpu.dma_semaphore, #tpu.memory_space<semaphore_mem>>)
      %dma_wait3A = tpu.memref_slice %arg3[%mul3A_68] : memref<1835008xf32, #tpu.memory_space<hbm>> -> memref<2048xf32, #tpu.memory_space<hbm>>
      %dma_wait3A_284 = tpu.memref_slice %arg3[%mul3A_68] : memref<1835008xf32, #tpu.memory_space<hbm>> -> memref<2048xf32, #tpu.memory_space<hbm>>
      tpu.wait_dma2 semaphore(%run_scoped3A : memref<!tpu.dma_semaphore, #tpu.memory_space<semaphore_mem>>) src(%arg7 : memref<2048xf32, #tpu.memory_space<vmem>>) dst(%dma_wait3A_284 : memref<2048xf32, #tpu.memory_space<hbm>>)
      tpu.yield
    }) : () -> ()
    %add3A_69 = arith.constant 12288 : i32
    %add3A_70 = arith.addi %add3A_69, %mul3A_2 : i32
    %mul3A_71 = arith.constant 32 : i32
    %mul3A_72 = arith.muli %add3A_70, %mul3A_71 : i32
    "tpu.region"() ({
      %run_scoped3A = tpu.sem_alloc : memref<!tpu.dma_semaphore, #tpu.memory_space<semaphore_mem>>
      %dma_start3A = tpu.memref_slice %arg3[%mul3A_72] : memref<1835008xf32, #tpu.memory_space<hbm>> -> memref<2048xf32, #tpu.memory_space<hbm>>
      %dma_start3A_283 = tpu.memref_slice %arg3[%mul3A_72] : memref<1835008xf32, #tpu.memory_space<hbm>> -> memref<2048xf32, #tpu.memory_space<hbm>>
      tpu.enqueue_dma source(%arg8 : memref<2048xf32, #tpu.memory_space<vmem>>) target(%dma_start3A_283 : memref<2048xf32, #tpu.memory_space<hbm>>) target_semaphore(%run_scoped3A : memref<!tpu.dma_semaphore, #tpu.memory_space<semaphore_mem>>)
      %dma_wait3A = tpu.memref_slice %arg3[%mul3A_72] : memref<1835008xf32, #tpu.memory_space<hbm>> -> memref<2048xf32, #tpu.memory_space<hbm>>
      %dma_wait3A_284 = tpu.memref_slice %arg3[%mul3A_72] : memref<1835008xf32, #tpu.memory_space<hbm>> -> memref<2048xf32, #tpu.memory_space<hbm>>
      tpu.wait_dma2 semaphore(%run_scoped3A : memref<!tpu.dma_semaphore, #tpu.memory_space<semaphore_mem>>) src(%arg8 : memref<2048xf32, #tpu.memory_space<vmem>>) dst(%dma_wait3A_284 : memref<2048xf32, #tpu.memory_space<hbm>>)
      tpu.yield
    }) : () -> ()
    %add3A_73 = arith.constant 14336 : i32
    %add3A_74 = arith.addi %add3A_73, %mul3A_2 : i32
    %mul3A_75 = arith.constant 32 : i32
    %mul3A_76 = arith.muli %add3A_74, %mul3A_75 : i32
    "tpu.region"() ({
      %run_scoped3A = tpu.sem_alloc : memref<!tpu.dma_semaphore, #tpu.memory_space<semaphore_mem>>
      %dma_start3A = tpu.memref_slice %arg3[%mul3A_76] : memref<1835008xf32, #tpu.memory_space<hbm>> -> memref<2048xf32, #tpu.memory_space<hbm>>
      %dma_start3A_283 = tpu.memref_slice %arg3[%mul3A_76] : memref<1835008xf32, #tpu.memory_space<hbm>> -> memref<2048xf32, #tpu.memory_space<hbm>>
      tpu.enqueue_dma source(%arg9 : memref<2048xf32, #tpu.memory_space<vmem>>) target(%dma_start3A_283 : memref<2048xf32, #tpu.memory_space<hbm>>) target_semaphore(%run_scoped3A : memref<!tpu.dma_semaphore, #tpu.memory_space<semaphore_mem>>)
      %dma_wait3A = tpu.memref_slice %arg3[%mul3A_76] : memref<1835008xf32, #tpu.memory_space<hbm>> -> memref<2048xf32, #tpu.memory_space<hbm>>
      %dma_wait3A_284 = tpu.memref_slice %arg3[%mul3A_76] : memref<1835008xf32, #tpu.memory_space<hbm>> -> memref<2048xf32, #tpu.memory_space<hbm>>
      tpu.wait_dma2 semaphore(%run_scoped3A : memref<!tpu.dma_semaphore, #tpu.memory_space<semaphore_mem>>) src(%arg9 : memref<2048xf32, #tpu.memory_space<vmem>>) dst(%dma_wait3A_284 : memref<2048xf32, #tpu.memory_space<hbm>>)
      tpu.yield
    }) : () -> ()
    %add3A_77 = arith.constant 8192 : i32
    %add3A_78 = arith.addi %add3A_77, %mul3A_2 : i32
    %mul3A_79 = arith.constant 48 : i32
    %mul3A_80 = arith.muli %add3A_78, %mul3A_79 : i32
    "tpu.region"() ({
      %run_scoped3A = tpu.sem_alloc : memref<!tpu.dma_semaphore, #tpu.memory_space<semaphore_mem>>
      %dma_start3A = tpu.memref_slice %arg4[%mul3A_80] : memref<2752512xf32, #tpu.memory_space<hbm>> -> memref<3072xf32, #tpu.memory_space<hbm>>
      %dma_start3A_283 = tpu.memref_slice %arg4[%mul3A_80] : memref<2752512xf32, #tpu.memory_space<hbm>> -> memref<3072xf32, #tpu.memory_space<hbm>>
      tpu.enqueue_dma source(%arg10 : memref<3072xf32, #tpu.memory_space<vmem>>) target(%dma_start3A_283 : memref<3072xf32, #tpu.memory_space<hbm>>) target_semaphore(%run_scoped3A : memref<!tpu.dma_semaphore, #tpu.memory_space<semaphore_mem>>)
      %dma_wait3A = tpu.memref_slice %arg4[%mul3A_80] : memref<2752512xf32, #tpu.memory_space<hbm>> -> memref<3072xf32, #tpu.memory_space<hbm>>
      %dma_wait3A_284 = tpu.memref_slice %arg4[%mul3A_80] : memref<2752512xf32, #tpu.memory_space<hbm>> -> memref<3072xf32, #tpu.memory_space<hbm>>
      tpu.wait_dma2 semaphore(%run_scoped3A : memref<!tpu.dma_semaphore, #tpu.memory_space<semaphore_mem>>) src(%arg10 : memref<3072xf32, #tpu.memory_space<vmem>>) dst(%dma_wait3A_284 : memref<3072xf32, #tpu.memory_space<hbm>>)
      tpu.yield
    }) : () -> ()
    %add3A_81 = arith.constant 10240 : i32
    %add3A_82 = arith.addi %add3A_81, %mul3A_2 : i32
    %mul3A_83 = arith.constant 48 : i32
    %mul3A_84 = arith.muli %add3A_82, %mul3A_83 : i32
    "tpu.region"() ({
      %run_scoped3A = tpu.sem_alloc : memref<!tpu.dma_semaphore, #tpu.memory_space<semaphore_mem>>
      %dma_start3A = tpu.memref_slice %arg4[%mul3A_84] : memref<2752512xf32, #tpu.memory_space<hbm>> -> memref<3072xf32, #tpu.memory_space<hbm>>
      %dma_start3A_283 = tpu.memref_slice %arg4[%mul3A_84] : memref<2752512xf32, #tpu.memory_space<hbm>> -> memref<3072xf32, #tpu.memory_space<hbm>>
      tpu.enqueue_dma source(%arg11 : memref<3072xf32, #tpu.memory_space<vmem>>) target(%dma_start3A_283 : memref<3072xf32, #tpu.memory_space<hbm>>) target_semaphore(%run_scoped3A : memref<!tpu.dma_semaphore, #tpu.memory_space<semaphore_mem>>)
      %dma_wait3A = tpu.memref_slice %arg4[%mul3A_84] : memref<2752512xf32, #tpu.memory_space<hbm>> -> memref<3072xf32, #tpu.memory_space<hbm>>
      %dma_wait3A_284 = tpu.memref_slice %arg4[%mul3A_84] : memref<2752512xf32, #tpu.memory_space<hbm>> -> memref<3072xf32, #tpu.memory_space<hbm>>
      tpu.wait_dma2 semaphore(%run_scoped3A : memref<!tpu.dma_semaphore, #tpu.memory_space<semaphore_mem>>) src(%arg11 : memref<3072xf32, #tpu.memory_space<vmem>>) dst(%dma_wait3A_284 : memref<3072xf32, #tpu.memory_space<hbm>>)
      tpu.yield
    }) : () -> ()
    %add3A_85 = arith.constant 12288 : i32
    %add3A_86 = arith.addi %add3A_85, %mul3A_2 : i32
    %mul3A_87 = arith.constant 48 : i32
    %mul3A_88 = arith.muli %add3A_86, %mul3A_87 : i32
    "tpu.region"() ({
      %run_scoped3A = tpu.sem_alloc : memref<!tpu.dma_semaphore, #tpu.memory_space<semaphore_mem>>
      %dma_start3A = tpu.memref_slice %arg4[%mul3A_88] : memref<2752512xf32, #tpu.memory_space<hbm>> -> memref<3072xf32, #tpu.memory_space<hbm>>
      %dma_start3A_283 = tpu.memref_slice %arg4[%mul3A_88] : memref<2752512xf32, #tpu.memory_space<hbm>> -> memref<3072xf32, #tpu.memory_space<hbm>>
      tpu.enqueue_dma source(%arg12 : memref<3072xf32, #tpu.memory_space<vmem>>) target(%dma_start3A_283 : memref<3072xf32, #tpu.memory_space<hbm>>) target_semaphore(%run_scoped3A : memref<!tpu.dma_semaphore, #tpu.memory_space<semaphore_mem>>)
      %dma_wait3A = tpu.memref_slice %arg4[%mul3A_88] : memref<2752512xf32, #tpu.memory_space<hbm>> -> memref<3072xf32, #tpu.memory_space<hbm>>
      %dma_wait3A_284 = tpu.memref_slice %arg4[%mul3A_88] : memref<2752512xf32, #tpu.memory_space<hbm>> -> memref<3072xf32, #tpu.memory_space<hbm>>
      tpu.wait_dma2 semaphore(%run_scoped3A : memref<!tpu.dma_semaphore, #tpu.memory_space<semaphore_mem>>) src(%arg12 : memref<3072xf32, #tpu.memory_space<vmem>>) dst(%dma_wait3A_284 : memref<3072xf32, #tpu.memory_space<hbm>>)
      tpu.yield
    }) : () -> ()
    %add3A_89 = arith.constant 14336 : i32
    %add3A_90 = arith.addi %add3A_89, %mul3A_2 : i32
    %mul3A_91 = arith.constant 48 : i32
    %mul3A_92 = arith.muli %add3A_90, %mul3A_91 : i32
    "tpu.region"() ({
      %run_scoped3A = tpu.sem_alloc : memref<!tpu.dma_semaphore, #tpu.memory_space<semaphore_mem>>
      %dma_start3A = tpu.memref_slice %arg4[%mul3A_92] : memref<2752512xf32, #tpu.memory_space<hbm>> -> memref<3072xf32, #tpu.memory_space<hbm>>
      %dma_start3A_283 = tpu.memref_slice %arg4[%mul3A_92] : memref<2752512xf32, #tpu.memory_space<hbm>> -> memref<3072xf32, #tpu.memory_space<hbm>>
      tpu.enqueue_dma source(%arg13 : memref<3072xf32, #tpu.memory_space<vmem>>) target(%dma_start3A_283 : memref<3072xf32, #tpu.memory_space<hbm>>) target_semaphore(%run_scoped3A : memref<!tpu.dma_semaphore, #tpu.memory_space<semaphore_mem>>)
      %dma_wait3A = tpu.memref_slice %arg4[%mul3A_92] : memref<2752512xf32, #tpu.memory_space<hbm>> -> memref<3072xf32, #tpu.memory_space<hbm>>
      %dma_wait3A_284 = tpu.memref_slice %arg4[%mul3A_92] : memref<2752512xf32, #tpu.memory_space<hbm>> -> memref<3072xf32, #tpu.memory_space<hbm>>
      tpu.wait_dma2 semaphore(%run_scoped3A : memref<!tpu.dma_semaphore, #tpu.memory_space<semaphore_mem>>) src(%arg13 : memref<3072xf32, #tpu.memory_space<vmem>>) dst(%dma_wait3A_284 : memref<3072xf32, #tpu.memory_space<hbm>>)
      tpu.yield
    }) : () -> ()
    %scan3A_93 = arith.constant 0 : i32
    %scan3A_94 = arith.constant 0 : i32
    %scan3A_95 = arith.constant 32 : i32
    %scan3A_96 = arith.addi %scan3A_94, %scan3A_95 : i32
    %scan3A_97 = arith.constant 1 : i32
    scf.for %scan3A_283 = %scan3A_94 to %scan3A_96 step %scan3A_97  : i32 {
      %mul3A_284 = arith.constant 2 : i32
      %mul3A_285 = arith.muli %mul3A_284, %scan3A_283 : i32
      %jit3A = arith.constant 16 : i32
      %div3A = arith.divsi %mul3A_285, %jit3A : i32
      %sign3A = arith.constant 0 : i32
      %sign3A_286 = arith.cmpi sgt, %mul3A_285, %sign3A : i32
      %sign3A_287 = arith.extui %sign3A_286 : i1 to i32
      %sign3A_288 = arith.constant 0 : i32
      %sign3A_289 = arith.cmpi slt, %mul3A_285, %sign3A_288 : i32
      %sign3A_290 = arith.extui %sign3A_289 : i1 to i32
      %sign3A_291 = arith.subi %sign3A_287, %sign3A_290 : i32
      %sign3A_292 = arith.constant 0 : i32
      %sign3A_293 = arith.cmpi sgt, %jit3A, %sign3A_292 : i32
      %sign3A_294 = arith.extui %sign3A_293 : i1 to i32
      %sign3A_295 = arith.constant 0 : i32
      %sign3A_296 = arith.cmpi slt, %jit3A, %sign3A_295 : i32
      %sign3A_297 = arith.extui %sign3A_296 : i1 to i32
      %sign3A_298 = arith.subi %sign3A_294, %sign3A_297 : i32
      %ne3A = arith.cmpi ne, %sign3A_291, %sign3A_298 : i32
      %rem3A = arith.remsi %mul3A_285, %jit3A : i32
      %ne3A_299 = arith.constant 0 : i32
      %ne3A_300 = arith.cmpi ne, %rem3A, %ne3A_299 : i32
      %and3A = arith.andi %ne3A, %ne3A_300 : i1
      %sub3A = arith.constant 1 : i32
      %sub3A_301 = arith.subi %div3A, %sub3A : i32
      %select_n3A = arith.select %and3A, %sub3A_301, %div3A : i32
      %mul3A_302 = arith.constant 16 : i32
      %mul3A_303 = arith.muli %select_n3A, %mul3A_302 : i32
      %add3A_304 = arith.addi %mul3A_2, %mul3A_303 : i32
      %add3A_305 = arith.constant 12288 : i32
      %add3A_306 = arith.addi %add3A_305, %add3A_304 : i32
      %get3A = arith.index_cast %add3A_306 : i32 to index
      %get3A_307 = tpu.vector_load %arg5[%get3A] {strides = array<i32>} : memref<18432xf32, #tpu.memory_space<vmem>>, vector<16xf32>,
      %add3A_308 = arith.constant 14336 : i32
      %add3A_309 = arith.addi %add3A_308, %add3A_304 : i32
      %get3A_310 = arith.index_cast %add3A_309 : i32 to index
      %get3A_311 = tpu.vector_load %arg5[%get3A_310] {strides = array<i32>} : memref<18432xf32, #tpu.memory_space<vmem>>, vector<16xf32>,
      %add3A_312 = arith.constant 16384 : i32
      %add3A_313 = arith.addi %add3A_312, %add3A_304 : i32
      %get3A_314 = arith.index_cast %add3A_313 : i32 to index
      %get3A_315 = tpu.vector_load %arg5[%get3A_314] {strides = array<i32>} : memref<18432xf32, #tpu.memory_space<vmem>>, vector<16xf32>,
      %jit3A_316 = arith.constant 16 : i32
      %eq3A = arith.constant 0 : i32
      %eq3A_317 = arith.cmpi eq, %jit3A_316, %eq3A : i32
      %jit3A_318 = arith.constant 1 : i32
      %select_n3A_319 = arith.select %eq3A_317, %jit3A_318, %jit3A_316 : i32
      %rem3A_320 = arith.remsi %mul3A_285, %select_n3A_319 : i32
      %ne3A_321 = arith.constant 0 : i32
      %ne3A_322 = arith.cmpi ne, %rem3A_320, %ne3A_321 : i32
      %lt3A = arith.constant 0 : i32
      %lt3A_323 = arith.cmpi slt, %rem3A_320, %lt3A : i32
      %lt3A_324 = arith.constant 0 : i32
      %lt3A_325 = arith.cmpi slt, %select_n3A_319, %lt3A_324 : i32
      %ne3A_326 = arith.xori %lt3A_323, %lt3A_325 : i1
      %and3A_327 = arith.andi %ne3A_326, %ne3A_322 : i1
      %add3A_328 = arith.addi %rem3A_320, %select_n3A_319 : i32
      %select_n3A_329 = arith.select %and3A_327, %add3A_328, %rem3A_320 : i32
      %broadcast_in_dim3A_330 = vector.broadcast %select_n3A_329 : i32 to vector<16xi32>
      %lt3A_331 = arith.constant 0 : i32
      %lt3A_332 = vector.broadcast %lt3A_331 : i32 to vector<16xi32>
      %lt3A_333 = arith.cmpi slt, %broadcast_in_dim3A_330, %lt3A_332 : vector<16xi32>
      %add3A_334 = arith.constant 16 : i32
      %add3A_335 = vector.broadcast %add3A_334 : i32 to vector<16xi32>
      %add3A_336 = arith.addi %broadcast_in_dim3A_330, %add3A_335 : vector<16xi32>
      %select_n3A_337 = arith.select %lt3A_333, %add3A_336, %broadcast_in_dim3A_330 : vector<16xi1>, vector<16xi32>
      %broadcast_in_dim3A_338 = vector.shape_cast %select_n3A_337 : vector<16xi32> to vector<16x1xi32>
      %gather3A = vector.shape_cast %broadcast_in_dim3A_338 : vector<16x1xi32> to vector<16xi32>
      %gather3A_339 = tpu.dynamic_gather %get3A_307[%gather3A] in [0] : vector<16xf32>, vector<16xi32> -> vector<16xf32>
      %broadcast_in_dim3A_340 = vector.broadcast %select_n3A_329 : i32 to vector<16xi32>
      %lt3A_341 = arith.constant 0 : i32
      %lt3A_342 = vector.broadcast %lt3A_341 : i32 to vector<16xi32>
      %lt3A_343 = arith.cmpi slt, %broadcast_in_dim3A_340, %lt3A_342 : vector<16xi32>
      %add3A_344 = arith.constant 16 : i32
      %add3A_345 = vector.broadcast %add3A_344 : i32 to vector<16xi32>
      %add3A_346 = arith.addi %broadcast_in_dim3A_340, %add3A_345 : vector<16xi32>
      %select_n3A_347 = arith.select %lt3A_343, %add3A_346, %broadcast_in_dim3A_340 : vector<16xi1>, vector<16xi32>
      %broadcast_in_dim3A_348 = vector.shape_cast %select_n3A_347 : vector<16xi32> to vector<16x1xi32>
      %gather3A_349 = vector.shape_cast %broadcast_in_dim3A_348 : vector<16x1xi32> to vector<16xi32>
      %gather3A_350 = tpu.dynamic_gather %get3A_311[%gather3A_349] in [0] : vector<16xf32>, vector<16xi32> -> vector<16xf32>
      %broadcast_in_dim3A_351 = vector.broadcast %select_n3A_329 : i32 to vector<16xi32>
      %lt3A_352 = arith.constant 0 : i32
      %lt3A_353 = vector.broadcast %lt3A_352 : i32 to vector<16xi32>
      %lt3A_354 = arith.cmpi slt, %broadcast_in_dim3A_351, %lt3A_353 : vector<16xi32>
      %add3A_355 = arith.constant 16 : i32
      %add3A_356 = vector.broadcast %add3A_355 : i32 to vector<16xi32>
      %add3A_357 = arith.addi %broadcast_in_dim3A_351, %add3A_356 : vector<16xi32>
      %select_n3A_358 = arith.select %lt3A_354, %add3A_357, %broadcast_in_dim3A_351 : vector<16xi1>, vector<16xi32>
      %broadcast_in_dim3A_359 = vector.shape_cast %select_n3A_358 : vector<16xi32> to vector<16x1xi32>
      %gather3A_360 = vector.shape_cast %broadcast_in_dim3A_359 : vector<16x1xi32> to vector<16xi32>
      %gather3A_361 = tpu.dynamic_gather %get3A_315[%gather3A_360] in [0] : vector<16xf32>, vector<16xi32> -> vector<16xf32>
      %add3A_362 = arith.constant 1 : i32
      %add3A_363 = arith.addi %select_n3A_329, %add3A_362 : i32
      %broadcast_in_dim3A_364 = vector.broadcast %add3A_363 : i32 to vector<16xi32>
      %lt3A_365 = arith.constant 0 : i32
      %lt3A_366 = vector.broadcast %lt3A_365 : i32 to vector<16xi32>
      %lt3A_367 = arith.cmpi slt, %broadcast_in_dim3A_364, %lt3A_366 : vector<16xi32>
      %add3A_368 = arith.constant 16 : i32
      %add3A_369 = vector.broadcast %add3A_368 : i32 to vector<16xi32>
      %add3A_370 = arith.addi %broadcast_in_dim3A_364, %add3A_369 : vector<16xi32>
      %select_n3A_371 = arith.select %lt3A_367, %add3A_370, %broadcast_in_dim3A_364 : vector<16xi1>, vector<16xi32>
      %broadcast_in_dim3A_372 = vector.shape_cast %select_n3A_371 : vector<16xi32> to vector<16x1xi32>
      %gather3A_373 = vector.shape_cast %broadcast_in_dim3A_372 : vector<16x1xi32> to vector<16xi32>
      %gather3A_374 = tpu.dynamic_gather %get3A_307[%gather3A_373] in [0] : vector<16xf32>, vector<16xi32> -> vector<16xf32>
      %add3A_375 = arith.constant 1 : i32
      %add3A_376 = arith.addi %select_n3A_329, %add3A_375 : i32
      %broadcast_in_dim3A_377 = vector.broadcast %add3A_376 : i32 to vector<16xi32>
      %lt3A_378 = arith.constant 0 : i32
      %lt3A_379 = vector.broadcast %lt3A_378 : i32 to vector<16xi32>
      %lt3A_380 = arith.cmpi slt, %broadcast_in_dim3A_377, %lt3A_379 : vector<16xi32>
      %add3A_381 = arith.constant 16 : i32
      %add3A_382 = vector.broadcast %add3A_381 : i32 to vector<16xi32>
      %add3A_383 = arith.addi %broadcast_in_dim3A_377, %add3A_382 : vector<16xi32>
      %select_n3A_384 = arith.select %lt3A_380, %add3A_383, %broadcast_in_dim3A_377 : vector<16xi1>, vector<16xi32>
      %broadcast_in_dim3A_385 = vector.shape_cast %select_n3A_384 : vector<16xi32> to vector<16x1xi32>
      %gather3A_386 = vector.shape_cast %broadcast_in_dim3A_385 : vector<16x1xi32> to vector<16xi32>
      %gather3A_387 = tpu.dynamic_gather %get3A_311[%gather3A_386] in [0] : vector<16xf32>, vector<16xi32> -> vector<16xf32>
      %add3A_388 = arith.constant 1 : i32
      %add3A_389 = arith.addi %select_n3A_329, %add3A_388 : i32
      %broadcast_in_dim3A_390 = vector.broadcast %add3A_389 : i32 to vector<16xi32>
      %lt3A_391 = arith.constant 0 : i32
      %lt3A_392 = vector.broadcast %lt3A_391 : i32 to vector<16xi32>
      %lt3A_393 = arith.cmpi slt, %broadcast_in_dim3A_390, %lt3A_392 : vector<16xi32>
      %add3A_394 = arith.constant 16 : i32
      %add3A_395 = vector.broadcast %add3A_394 : i32 to vector<16xi32>
      %add3A_396 = arith.addi %broadcast_in_dim3A_390, %add3A_395 : vector<16xi32>
      %select_n3A_397 = arith.select %lt3A_393, %add3A_396, %broadcast_in_dim3A_390 : vector<16xi1>, vector<16xi32>
      %broadcast_in_dim3A_398 = vector.shape_cast %select_n3A_397 : vector<16xi32> to vector<16x1xi32>
      %gather3A_399 = vector.shape_cast %broadcast_in_dim3A_398 : vector<16x1xi32> to vector<16xi32>
      %gather3A_400 = tpu.dynamic_gather %get3A_315[%gather3A_399] in [0] : vector<16xf32>, vector<16xi32> -> vector<16xf32>
      %mul3A_401 = arith.constant 32 : i32
      %mul3A_402 = arith.muli %mul3A_285, %mul3A_401 : i32
      %mul3A_403 = arith.constant 48 : i32
      %mul3A_404 = arith.muli %mul3A_285, %mul3A_403 : i32
      %add3A_405 = arith.constant 32 : i32
      %add3A_406 = arith.addi %mul3A_402, %add3A_405 : i32
      %add3A_407 = arith.constant 48 : i32
      %add3A_408 = arith.addi %mul3A_404, %add3A_407 : i32
      %add3A_409 = arith.constant 16 : i32
      %add3A_410 = arith.addi %mul3A_402, %add3A_409 : i32
      %broadcast_in_dim3A_411 = vector.broadcast %add3A_410 : i32 to vector<16xi32>
      %add3A_412 = arith.constant 32 : i32
      %add3A_413 = arith.addi %mul3A_404, %add3A_412 : i32
      %broadcast_in_dim3A_414 = vector.broadcast %add3A_413 : i32 to vector<16xi32>
      %add3A_415 = arith.constant 16 : i32
      %add3A_416 = arith.addi %add3A_406, %add3A_415 : i32
      %broadcast_in_dim3A_417 = vector.broadcast %add3A_416 : i32 to vector<16xi32>
      %add3A_418 = arith.constant 32 : i32
      %add3A_419 = arith.addi %add3A_408, %add3A_418 : i32
      %broadcast_in_dim3A_420 = vector.broadcast %add3A_419 : i32 to vector<16xi32>
      %sub3A_421 = arith.constant 1 : i32
      %sub3A_422 = arith.subi %mul3A_402, %sub3A_421 : i32
      %broadcast_in_dim3A_423 = vector.broadcast %sub3A_422 : i32 to vector<16xi32>
      %sub3A_424 = arith.constant 1 : i32
      %sub3A_425 = arith.subi %mul3A_404, %sub3A_424 : i32
      %broadcast_in_dim3A_426 = vector.broadcast %sub3A_425 : i32 to vector<16xi32>
      %sub3A_427 = arith.constant 1 : i32
      %sub3A_428 = arith.subi %add3A_406, %sub3A_427 : i32
      %broadcast_in_dim3A_429 = vector.broadcast %sub3A_428 : i32 to vector<16xi32>
      %sub3A_430 = arith.constant 1 : i32
      %sub3A_431 = arith.subi %add3A_408, %sub3A_430 : i32
      %broadcast_in_dim3A_432 = vector.broadcast %sub3A_431 : i32 to vector<16xi32>
      %scan3A_433 = arith.constant 0 : i32
      %scan3A_434 = arith.constant 128 : i32
      %scan3A_435 = arith.addi %scan3A_433, %scan3A_434 : i32
      %scan3A_436 = arith.constant 1 : i32
      %scan3A_437:4 = scf.for %scan3A_533 = %scan3A_433 to %scan3A_435 step %scan3A_436 iter_args(%scan3A_534 = %broadcast_in_dim3A_423, %scan3A_535 = %broadcast_in_dim3A_426, %scan3A_536 = %broadcast_in_dim3A_429, %scan3A_537 = %broadcast_in_dim3A_432) -> (vector<16xi32>, vector<16xi32>, vector<16xi32>, vector<16xi32>)  : i32 {
        %mul3A_538 = arith.constant 16 : i32
        %mul3A_539 = arith.muli %scan3A_533, %mul3A_538 : i32
        %add3A_540 = arith.constant 12288 : i32
        %add3A_541 = arith.addi %add3A_540, %mul3A_539 : i32
        %get3A_542 = arith.index_cast %add3A_541 : i32 to index
        %get3A_543 = tpu.vector_load %arg5[%get3A_542] {strides = array<i32>} : memref<18432xf32, #tpu.memory_space<vmem>>, vector<16xf32>,
        %add3A_544 = arith.constant 14336 : i32
        %add3A_545 = arith.addi %add3A_544, %mul3A_539 : i32
        %get3A_546 = arith.index_cast %add3A_545 : i32 to index
        %get3A_547 = tpu.vector_load %arg5[%get3A_546] {strides = array<i32>} : memref<18432xf32, #tpu.memory_space<vmem>>, vector<16xf32>,
        %add3A_548 = arith.constant 16384 : i32
        %add3A_549 = arith.addi %add3A_548, %mul3A_539 : i32
        %get3A_550 = arith.index_cast %add3A_549 : i32 to index
        %get3A_551 = tpu.vector_load %arg5[%get3A_550] {strides = array<i32>} : memref<18432xf32, #tpu.memory_space<vmem>>, vector<16xf32>,
        %sub3A_552 = arith.subf %get3A_543, %gather3A_339 : vector<16xf32>
        %sub3A_553 = arith.subf %get3A_547, %gather3A_350 : vector<16xf32>
        %sub3A_554 = arith.subf %get3A_551, %gather3A_361 : vector<16xf32>
        %mul3A_555 = arith.mulf %sub3A_552, %sub3A_552 : vector<16xf32>
        %mul3A_556 = arith.mulf %sub3A_553, %sub3A_553 : vector<16xf32>
        %add3A_557 = arith.addf %mul3A_555, %mul3A_556 : vector<16xf32>
        %mul3A_558 = arith.mulf %sub3A_554, %sub3A_554 : vector<16xf32>
        %add3A_559 = arith.addf %add3A_557, %mul3A_558 : vector<16xf32>
        %le3A = arith.constant 4.000000e-02 : f32
        %le3A_560 = vector.broadcast %le3A : f32 to vector<16xf32>
        %le3A_561 = arith.cmpf ole, %add3A_559, %le3A_560 : vector<16xf32>
        %le3A_562 = arith.constant 0.00999999977 : f32
        %le3A_563 = vector.broadcast %le3A_562 : f32 to vector<16xf32>
        %le3A_564 = arith.cmpf ole, %add3A_559, %le3A_563 : vector<16xf32>
        %convert_element_type3A_565 = arith.extui %le3A_561 : vector<16xi1> to vector<16xi32>
        %broadcast_in_dim3A_566 = arith.constant true
        %broadcast_in_dim3A_567 = vector.broadcast %broadcast_in_dim3A_566 : i1 to vector<16xi1>
        %masked_cumsum3A = tpu.scan <sum>, %convert_element_type3A_565 masked %broadcast_in_dim3A_567 : vector<16xi32>, vector<16xi1> -> vector<16xi32>
        %add3A_568 = arith.addi %scan3A_535, %masked_cumsum3A : vector<16xi32>
        %convert_element_type3A_569 = arith.extui %le3A_564 : vector<16xi1> to vector<16xi32>
        %broadcast_in_dim3A_570 = arith.constant true
        %broadcast_in_dim3A_571 = vector.broadcast %broadcast_in_dim3A_570 : i1 to vector<16xi1>
        %masked_cumsum3A_572 = tpu.scan <sum>, %convert_element_type3A_569 masked %broadcast_in_dim3A_571 : vector<16xi32>, vector<16xi1> -> vector<16xi32>
        %add3A_573 = arith.addi %scan3A_534, %masked_cumsum3A_572 : vector<16xi32>
        %lt3A_574 = arith.cmpi slt, %add3A_568, %broadcast_in_dim3A_414 : vector<16xi32>
        %and3A_575 = arith.andi %le3A_561, %lt3A_574 : vector<16xi1>
        %lt3A_576 = arith.cmpi slt, %add3A_573, %broadcast_in_dim3A_411 : vector<16xi32>
        %and3A_577 = arith.andi %le3A_564, %lt3A_576 : vector<16xi1>
        tpu.vector_store_idx %arg10[%add3A_568], %sub3A_552 masked %and3A_575 : memref<3072xf32, #tpu.memory_space<vmem>>[vector<16xi32>], vector<16xf32>, vector<16xi1>
        tpu.vector_store_idx %arg11[%add3A_568], %sub3A_553 masked %and3A_575 : memref<3072xf32, #tpu.memory_space<vmem>>[vector<16xi32>], vector<16xf32>, vector<16xi1>
        tpu.vector_store_idx %arg12[%add3A_568], %sub3A_554 masked %and3A_575 : memref<3072xf32, #tpu.memory_space<vmem>>[vector<16xi32>], vector<16xf32>, vector<16xi1>
        tpu.vector_store_idx %arg6[%add3A_573], %sub3A_552 masked %and3A_577 : memref<2048xf32, #tpu.memory_space<vmem>>[vector<16xi32>], vector<16xf32>, vector<16xi1>
        tpu.vector_store_idx %arg7[%add3A_573], %sub3A_553 masked %and3A_577 : memref<2048xf32, #tpu.memory_space<vmem>>[vector<16xi32>], vector<16xf32>, vector<16xi1>
        tpu.vector_store_idx %arg8[%add3A_573], %sub3A_554 masked %and3A_577 : memref<2048xf32, #tpu.memory_space<vmem>>[vector<16xi32>], vector<16xf32>, vector<16xi1>
        %all_reduce_population_count3A = tpu.all_reduce %le3A_561 {dim = 0 : i64, kind = #tpu.reduction_kind<sum>} : vector<16xi1> -> vector<16xi32>
        %add3A_578 = arith.addi %scan3A_535, %all_reduce_population_count3A : vector<16xi32>
        %sub3A_579 = arith.constant 1 : i32
        %sub3A_580 = vector.broadcast %sub3A_579 : i32 to vector<16xi32>
        %sub3A_581 = arith.subi %broadcast_in_dim3A_414, %sub3A_580 : vector<16xi32>
        %min3A = arith.minsi %add3A_578, %sub3A_581 : vector<16xi32>
        %all_reduce_population_count3A_582 = tpu.all_reduce %le3A_564 {dim = 0 : i64, kind = #tpu.reduction_kind<sum>} : vector<16xi1> -> vector<16xi32>
        %add3A_583 = arith.addi %scan3A_534, %all_reduce_population_count3A_582 : vector<16xi32>
        %sub3A_584 = arith.constant 1 : i32
        %sub3A_585 = vector.broadcast %sub3A_584 : i32 to vector<16xi32>
        %sub3A_586 = arith.subi %broadcast_in_dim3A_411, %sub3A_585 : vector<16xi32>
        %min3A_587 = arith.minsi %add3A_583, %sub3A_586 : vector<16xi32>
        %sub3A_588 = arith.subf %get3A_543, %gather3A_374 : vector<16xf32>
        %sub3A_589 = arith.subf %get3A_547, %gather3A_387 : vector<16xf32>
        %sub3A_590 = arith.subf %get3A_551, %gather3A_400 : vector<16xf32>
        %mul3A_591 = arith.mulf %sub3A_588, %sub3A_588 : vector<16xf32>
        %mul3A_592 = arith.mulf %sub3A_589, %sub3A_589 : vector<16xf32>
        %add3A_593 = arith.addf %mul3A_591, %mul3A_592 : vector<16xf32>
        %mul3A_594 = arith.mulf %sub3A_590, %sub3A_590 : vector<16xf32>
        %add3A_595 = arith.addf %add3A_593, %mul3A_594 : vector<16xf32>
        %le3A_596 = arith.constant 4.000000e-02 : f32
        %le3A_597 = vector.broadcast %le3A_596 : f32 to vector<16xf32>
        %le3A_598 = arith.cmpf ole, %add3A_595, %le3A_597 : vector<16xf32>
        %le3A_599 = arith.constant 0.00999999977 : f32
        %le3A_600 = vector.broadcast %le3A_599 : f32 to vector<16xf32>
        %le3A_601 = arith.cmpf ole, %add3A_595, %le3A_600 : vector<16xf32>
        %convert_element_type3A_602 = arith.extui %le3A_598 : vector<16xi1> to vector<16xi32>
        %broadcast_in_dim3A_603 = arith.constant true
        %broadcast_in_dim3A_604 = vector.broadcast %broadcast_in_dim3A_603 : i1 to vector<16xi1>
        %masked_cumsum3A_605 = tpu.scan <sum>, %convert_element_type3A_602 masked %broadcast_in_dim3A_604 : vector<16xi32>, vector<16xi1> -> vector<16xi32>
        %add3A_606 = arith.addi %scan3A_537, %masked_cumsum3A_605 : vector<16xi32>
        %convert_element_type3A_607 = arith.extui %le3A_601 : vector<16xi1> to vector<16xi32>
        %broadcast_in_dim3A_608 = arith.constant true
        %broadcast_in_dim3A_609 = vector.broadcast %broadcast_in_dim3A_608 : i1 to vector<16xi1>
        %masked_cumsum3A_610 = tpu.scan <sum>, %convert_element_type3A_607 masked %broadcast_in_dim3A_609 : vector<16xi32>, vector<16xi1> -> vector<16xi32>
        %add3A_611 = arith.addi %scan3A_536, %masked_cumsum3A_610 : vector<16xi32>
        %lt3A_612 = arith.cmpi slt, %add3A_606, %broadcast_in_dim3A_420 : vector<16xi32>
        %and3A_613 = arith.andi %le3A_598, %lt3A_612 : vector<16xi1>
        %lt3A_614 = arith.cmpi slt, %add3A_611, %broadcast_in_dim3A_417 : vector<16xi32>
        %and3A_615 = arith.andi %le3A_601, %lt3A_614 : vector<16xi1>
        tpu.vector_store_idx %arg10[%add3A_606], %sub3A_588 masked %and3A_613 : memref<3072xf32, #tpu.memory_space<vmem>>[vector<16xi32>], vector<16xf32>, vector<16xi1>
        tpu.vector_store_idx %arg11[%add3A_606], %sub3A_589 masked %and3A_613 : memref<3072xf32, #tpu.memory_space<vmem>>[vector<16xi32>], vector<16xf32>, vector<16xi1>
        tpu.vector_store_idx %arg12[%add3A_606], %sub3A_590 masked %and3A_613 : memref<3072xf32, #tpu.memory_space<vmem>>[vector<16xi32>], vector<16xf32>, vector<16xi1>
        tpu.vector_store_idx %arg6[%add3A_611], %sub3A_588 masked %and3A_615 : memref<2048xf32, #tpu.memory_space<vmem>>[vector<16xi32>], vector<16xf32>, vector<16xi1>
        tpu.vector_store_idx %arg7[%add3A_611], %sub3A_589 masked %and3A_615 : memref<2048xf32, #tpu.memory_space<vmem>>[vector<16xi32>], vector<16xf32>, vector<16xi1>
        tpu.vector_store_idx %arg8[%add3A_611], %sub3A_590 masked %and3A_615 : memref<2048xf32, #tpu.memory_space<vmem>>[vector<16xi32>], vector<16xf32>, vector<16xi1>
        %all_reduce_population_count3A_616 = tpu.all_reduce %le3A_598 {dim = 0 : i64, kind = #tpu.reduction_kind<sum>} : vector<16xi1> -> vector<16xi32>
        %add3A_617 = arith.addi %scan3A_537, %all_reduce_population_count3A_616 : vector<16xi32>
        %sub3A_618 = arith.constant 1 : i32
        %sub3A_619 = vector.broadcast %sub3A_618 : i32 to vector<16xi32>
        %sub3A_620 = arith.subi %broadcast_in_dim3A_420, %sub3A_619 : vector<16xi32>
        %min3A_621 = arith.minsi %add3A_617, %sub3A_620 : vector<16xi32>
        %all_reduce_population_count3A_622 = tpu.all_reduce %le3A_601 {dim = 0 : i64, kind = #tpu.reduction_kind<sum>} : vector<16xi1> -> vector<16xi32>
        %add3A_623 = arith.addi %scan3A_536, %all_reduce_population_count3A_622 : vector<16xi32>
        %sub3A_624 = arith.constant 1 : i32
        %sub3A_625 = vector.broadcast %sub3A_624 : i32 to vector<16xi32>
        %sub3A_626 = arith.subi %broadcast_in_dim3A_417, %sub3A_625 : vector<16xi32>
        %min3A_627 = arith.minsi %add3A_623, %sub3A_626 : vector<16xi32>
        scf.yield %min3A_587, %min3A, %min3A_627, %min3A_621 : vector<16xi32>, vector<16xi32>, vector<16xi32>, vector<16xi32>
      }
      %scan3A_438 = arith.constant 128 : i32
      %sub3A_439 = arith.constant 1 : i32
      %sub3A_440 = arith.subi %mul3A_402, %sub3A_439 : i32
      %sub3A_441 = vector.broadcast %sub3A_440 : i32 to vector<16xi32>
      %sub3A_442 = arith.subi %scan3A_437#0, %sub3A_441 : vector<16xi32>
      %sub3A_443 = arith.constant 1 : i32
      %sub3A_444 = arith.subi %mul3A_404, %sub3A_443 : i32
      %sub3A_445 = vector.broadcast %sub3A_444 : i32 to vector<16xi32>
      %sub3A_446 = arith.subi %scan3A_437#1, %sub3A_445 : vector<16xi32>
      %lt3A_447 = arith.cmpi slt, %iota3A, %sub3A_442 : vector<16xi32>
      %convert_element_type3A = arith.extui %lt3A_447 : vector<16xi1> to vector<16xi32>
      %convert_element_type3A_448 = arith.sitofp %convert_element_type3A : vector<16xi32> to vector<16xf32>
      %swap3A = arith.index_cast %mul3A_402 : i32 to index
      %swap3A_449 = tpu.vector_load %arg9[%swap3A] {strides = array<i32>} : memref<2048xf32, #tpu.memory_space<vmem>>, vector<16xf32>,
      tpu.vector_store %arg9[%swap3A], %convert_element_type3A_448 {strides = array<i32>} : memref<2048xf32, #tpu.memory_space<vmem>>, vector<16xf32>,
      %add3A_450 = arith.constant 16 : i32
      %add3A_451 = vector.broadcast %add3A_450 : i32 to vector<16xi32>
      %add3A_452 = arith.addi %iota3A, %add3A_451 : vector<16xi32>
      %lt3A_453 = arith.cmpi slt, %add3A_452, %sub3A_442 : vector<16xi32>
      %convert_element_type3A_454 = arith.extui %lt3A_453 : vector<16xi1> to vector<16xi32>
      %convert_element_type3A_455 = arith.sitofp %convert_element_type3A_454 : vector<16xi32> to vector<16xf32>
      %add3A_456 = arith.constant 16 : i32
      %add3A_457 = arith.addi %mul3A_402, %add3A_456 : i32
      %swap3A_458 = arith.index_cast %add3A_457 : i32 to index
      %swap3A_459 = tpu.vector_load %arg9[%swap3A_458] {strides = array<i32>} : memref<2048xf32, #tpu.memory_space<vmem>>, vector<16xf32>,
      tpu.vector_store %arg9[%swap3A_458], %convert_element_type3A_455 {strides = array<i32>} : memref<2048xf32, #tpu.memory_space<vmem>>, vector<16xf32>,
      %lt3A_460 = arith.cmpi slt, %iota3A, %sub3A_446 : vector<16xi32>
      %convert_element_type3A_461 = arith.extui %lt3A_460 : vector<16xi1> to vector<16xi32>
      %convert_element_type3A_462 = arith.sitofp %convert_element_type3A_461 : vector<16xi32> to vector<16xf32>
      %swap3A_463 = arith.index_cast %mul3A_404 : i32 to index
      %swap3A_464 = tpu.vector_load %arg13[%swap3A_463] {strides = array<i32>} : memref<3072xf32, #tpu.memory_space<vmem>>, vector<16xf32>,
      tpu.vector_store %arg13[%swap3A_463], %convert_element_type3A_462 {strides = array<i32>} : memref<3072xf32, #tpu.memory_space<vmem>>, vector<16xf32>,
      %add3A_465 = arith.constant 16 : i32
      %add3A_466 = vector.broadcast %add3A_465 : i32 to vector<16xi32>
      %add3A_467 = arith.addi %iota3A, %add3A_466 : vector<16xi32>
      %lt3A_468 = arith.cmpi slt, %add3A_467, %sub3A_446 : vector<16xi32>
      %convert_element_type3A_469 = arith.extui %lt3A_468 : vector<16xi1> to vector<16xi32>
      %convert_element_type3A_470 = arith.sitofp %convert_element_type3A_469 : vector<16xi32> to vector<16xf32>
      %add3A_471 = arith.constant 16 : i32
      %add3A_472 = arith.addi %mul3A_404, %add3A_471 : i32
      %swap3A_473 = arith.index_cast %add3A_472 : i32 to index
      %swap3A_474 = tpu.vector_load %arg13[%swap3A_473] {strides = array<i32>} : memref<3072xf32, #tpu.memory_space<vmem>>, vector<16xf32>,
      tpu.vector_store %arg13[%swap3A_473], %convert_element_type3A_470 {strides = array<i32>} : memref<3072xf32, #tpu.memory_space<vmem>>, vector<16xf32>,
      %add3A_475 = arith.constant 32 : i32
      %add3A_476 = vector.broadcast %add3A_475 : i32 to vector<16xi32>
      %add3A_477 = arith.addi %iota3A, %add3A_476 : vector<16xi32>
      %lt3A_478 = arith.cmpi slt, %add3A_477, %sub3A_446 : vector<16xi32>
      %convert_element_type3A_479 = arith.extui %lt3A_478 : vector<16xi1> to vector<16xi32>
      %convert_element_type3A_480 = arith.sitofp %convert_element_type3A_479 : vector<16xi32> to vector<16xf32>
      %add3A_481 = arith.constant 32 : i32
      %add3A_482 = arith.addi %mul3A_404, %add3A_481 : i32
      %swap3A_483 = arith.index_cast %add3A_482 : i32 to index
      %swap3A_484 = tpu.vector_load %arg13[%swap3A_483] {strides = array<i32>} : memref<3072xf32, #tpu.memory_space<vmem>>, vector<16xf32>,
      tpu.vector_store %arg13[%swap3A_483], %convert_element_type3A_480 {strides = array<i32>} : memref<3072xf32, #tpu.memory_space<vmem>>, vector<16xf32>,
      %sub3A_485 = arith.constant 1 : i32
      %sub3A_486 = arith.subi %add3A_406, %sub3A_485 : i32
      %sub3A_487 = vector.broadcast %sub3A_486 : i32 to vector<16xi32>
      %sub3A_488 = arith.subi %scan3A_437#2, %sub3A_487 : vector<16xi32>
      %sub3A_489 = arith.constant 1 : i32
      %sub3A_490 = arith.subi %add3A_408, %sub3A_489 : i32
      %sub3A_491 = vector.broadcast %sub3A_490 : i32 to vector<16xi32>
      %sub3A_492 = arith.subi %scan3A_437#3, %sub3A_491 : vector<16xi32>
      %lt3A_493 = arith.cmpi slt, %iota3A, %sub3A_488 : vector<16xi32>
      %convert_element_type3A_494 = arith.extui %lt3A_493 : vector<16xi1> to vector<16xi32>
      %convert_element_type3A_495 = arith.sitofp %convert_element_type3A_494 : vector<16xi32> to vector<16xf32>
      %swap3A_496 = arith.index_cast %add3A_406 : i32 to index
      %swap3A_497 = tpu.vector_load %arg9[%swap3A_496] {strides = array<i32>} : memref<2048xf32, #tpu.memory_space<vmem>>, vector<16xf32>,
      tpu.vector_store %arg9[%swap3A_496], %convert_element_type3A_495 {strides = array<i32>} : memref<2048xf32, #tpu.memory_space<vmem>>, vector<16xf32>,
      %add3A_498 = arith.constant 16 : i32
      %add3A_499 = vector.broadcast %add3A_498 : i32 to vector<16xi32>
      %add3A_500 = arith.addi %iota3A, %add3A_499 : vector<16xi32>
      %lt3A_501 = arith.cmpi slt, %add3A_500, %sub3A_488 : vector<16xi32>
      %convert_element_type3A_502 = arith.extui %lt3A_501 : vector<16xi1> to vector<16xi32>
      %convert_element_type3A_503 = arith.sitofp %convert_element_type3A_502 : vector<16xi32> to vector<16xf32>
      %add3A_504 = arith.constant 16 : i32
      %add3A_505 = arith.addi %add3A_406, %add3A_504 : i32
      %swap3A_506 = arith.index_cast %add3A_505 : i32 to index
      %swap3A_507 = tpu.vector_load %arg9[%swap3A_506] {strides = array<i32>} : memref<2048xf32, #tpu.memory_space<vmem>>, vector<16xf32>,
      tpu.vector_store %arg9[%swap3A_506], %convert_element_type3A_503 {strides = array<i32>} : memref<2048xf32, #tpu.memory_space<vmem>>, vector<16xf32>,
      %lt3A_508 = arith.cmpi slt, %iota3A, %sub3A_492 : vector<16xi32>
      %convert_element_type3A_509 = arith.extui %lt3A_508 : vector<16xi1> to vector<16xi32>
      %convert_element_type3A_510 = arith.sitofp %convert_element_type3A_509 : vector<16xi32> to vector<16xf32>
      %swap3A_511 = arith.index_cast %add3A_408 : i32 to index
      %swap3A_512 = tpu.vector_load %arg13[%swap3A_511] {strides = array<i32>} : memref<3072xf32, #tpu.memory_space<vmem>>, vector<16xf32>,
      tpu.vector_store %arg13[%swap3A_511], %convert_element_type3A_510 {strides = array<i32>} : memref<3072xf32, #tpu.memory_space<vmem>>, vector<16xf32>,
      %add3A_513 = arith.constant 16 : i32
      %add3A_514 = vector.broadcast %add3A_513 : i32 to vector<16xi32>
      %add3A_515 = arith.addi %iota3A, %add3A_514 : vector<16xi32>
      %lt3A_516 = arith.cmpi slt, %add3A_515, %sub3A_492 : vector<16xi32>
      %convert_element_type3A_517 = arith.extui %lt3A_516 : vector<16xi1> to vector<16xi32>
      %convert_element_type3A_518 = arith.sitofp %convert_element_type3A_517 : vector<16xi32> to vector<16xf32>
      %add3A_519 = arith.constant 16 : i32
      %add3A_520 = arith.addi %add3A_408, %add3A_519 : i32
      %swap3A_521 = arith.index_cast %add3A_520 : i32 to index
      %swap3A_522 = tpu.vector_load %arg13[%swap3A_521] {strides = array<i32>} : memref<3072xf32, #tpu.memory_space<vmem>>, vector<16xf32>,
      tpu.vector_store %arg13[%swap3A_521], %convert_element_type3A_518 {strides = array<i32>} : memref<3072xf32, #tpu.memory_space<vmem>>, vector<16xf32>,
      %add3A_523 = arith.constant 32 : i32
      %add3A_524 = vector.broadcast %add3A_523 : i32 to vector<16xi32>
      %add3A_525 = arith.addi %iota3A, %add3A_524 : vector<16xi32>
      %lt3A_526 = arith.cmpi slt, %add3A_525, %sub3A_492 : vector<16xi32>
      %convert_element_type3A_527 = arith.extui %lt3A_526 : vector<16xi1> to vector<16xi32>
      %convert_element_type3A_528 = arith.sitofp %convert_element_type3A_527 : vector<16xi32> to vector<16xf32>
      %add3A_529 = arith.constant 32 : i32
      %add3A_530 = arith.addi %add3A_408, %add3A_529 : i32
      %swap3A_531 = arith.index_cast %add3A_530 : i32 to index
      %swap3A_532 = tpu.vector_load %arg13[%swap3A_531] {strides = array<i32>} : memref<3072xf32, #tpu.memory_space<vmem>>, vector<16xf32>,
      tpu.vector_store %arg13[%swap3A_531], %convert_element_type3A_528 {strides = array<i32>} : memref<3072xf32, #tpu.memory_space<vmem>>, vector<16xf32>,
    }
    %scan3A_98 = arith.constant 32 : i32
    %add3A_99 = arith.constant 16384 : i32
    %add3A_100 = arith.addi %add3A_99, %mul3A_2 : i32
    %mul3A_101 = arith.constant 32 : i32
    %mul3A_102 = arith.muli %add3A_100, %mul3A_101 : i32
    "tpu.region"() ({
      %run_scoped3A = tpu.sem_alloc : memref<!tpu.dma_semaphore, #tpu.memory_space<semaphore_mem>>
      %dma_start3A = tpu.memref_slice %arg3[%mul3A_102] : memref<1835008xf32, #tpu.memory_space<hbm>> -> memref<2048xf32, #tpu.memory_space<hbm>>
      %dma_start3A_283 = tpu.memref_slice %arg3[%mul3A_102] : memref<1835008xf32, #tpu.memory_space<hbm>> -> memref<2048xf32, #tpu.memory_space<hbm>>
      tpu.enqueue_dma source(%arg6 : memref<2048xf32, #tpu.memory_space<vmem>>) target(%dma_start3A_283 : memref<2048xf32, #tpu.memory_space<hbm>>) target_semaphore(%run_scoped3A : memref<!tpu.dma_semaphore, #tpu.memory_space<semaphore_mem>>)
      %dma_wait3A = tpu.memref_slice %arg3[%mul3A_102] : memref<1835008xf32, #tpu.memory_space<hbm>> -> memref<2048xf32, #tpu.memory_space<hbm>>
      %dma_wait3A_284 = tpu.memref_slice %arg3[%mul3A_102] : memref<1835008xf32, #tpu.memory_space<hbm>> -> memref<2048xf32, #tpu.memory_space<hbm>>
      tpu.wait_dma2 semaphore(%run_scoped3A : memref<!tpu.dma_semaphore, #tpu.memory_space<semaphore_mem>>) src(%arg6 : memref<2048xf32, #tpu.memory_space<vmem>>) dst(%dma_wait3A_284 : memref<2048xf32, #tpu.memory_space<hbm>>)
      tpu.yield
    }) : () -> ()
    %add3A_103 = arith.constant 18432 : i32
    %add3A_104 = arith.addi %add3A_103, %mul3A_2 : i32
    %mul3A_105 = arith.constant 32 : i32
    %mul3A_106 = arith.muli %add3A_104, %mul3A_105 : i32
    "tpu.region"() ({
      %run_scoped3A = tpu.sem_alloc : memref<!tpu.dma_semaphore, #tpu.memory_space<semaphore_mem>>
      %dma_start3A = tpu.memref_slice %arg3[%mul3A_106] : memref<1835008xf32, #tpu.memory_space<hbm>> -> memref<2048xf32, #tpu.memory_space<hbm>>
      %dma_start3A_283 = tpu.memref_slice %arg3[%mul3A_106] : memref<1835008xf32, #tpu.memory_space<hbm>> -> memref<2048xf32, #tpu.memory_space<hbm>>
      tpu.enqueue_dma source(%arg7 : memref<2048xf32, #tpu.memory_space<vmem>>) target(%dma_start3A_283 : memref<2048xf32, #tpu.memory_space<hbm>>) target_semaphore(%run_scoped3A : memref<!tpu.dma_semaphore, #tpu.memory_space<semaphore_mem>>)
      %dma_wait3A = tpu.memref_slice %arg3[%mul3A_106] : memref<1835008xf32, #tpu.memory_space<hbm>> -> memref<2048xf32, #tpu.memory_space<hbm>>
      %dma_wait3A_284 = tpu.memref_slice %arg3[%mul3A_106] : memref<1835008xf32, #tpu.memory_space<hbm>> -> memref<2048xf32, #tpu.memory_space<hbm>>
      tpu.wait_dma2 semaphore(%run_scoped3A : memref<!tpu.dma_semaphore, #tpu.memory_space<semaphore_mem>>) src(%arg7 : memref<2048xf32, #tpu.memory_space<vmem>>) dst(%dma_wait3A_284 : memref<2048xf32, #tpu.memory_space<hbm>>)
      tpu.yield
    }) : () -> ()
    %add3A_107 = arith.constant 20480 : i32
    %add3A_108 = arith.addi %add3A_107, %mul3A_2 : i32
    %mul3A_109 = arith.constant 32 : i32
    %mul3A_110 = arith.muli %add3A_108, %mul3A_109 : i32
    "tpu.region"() ({
      %run_scoped3A = tpu.sem_alloc : memref<!tpu.dma_semaphore, #tpu.memory_space<semaphore_mem>>
      %dma_start3A = tpu.memref_slice %arg3[%mul3A_110] : memref<1835008xf32, #tpu.memory_space<hbm>> -> memref<2048xf32, #tpu.memory_space<hbm>>
      %dma_start3A_283 = tpu.memref_slice %arg3[%mul3A_110] : memref<1835008xf32, #tpu.memory_space<hbm>> -> memref<2048xf32, #tpu.memory_space<hbm>>
      tpu.enqueue_dma source(%arg8 : memref<2048xf32, #tpu.memory_space<vmem>>) target(%dma_start3A_283 : memref<2048xf32, #tpu.memory_space<hbm>>) target_semaphore(%run_scoped3A : memref<!tpu.dma_semaphore, #tpu.memory_space<semaphore_mem>>)
      %dma_wait3A = tpu.memref_slice %arg3[%mul3A_110] : memref<1835008xf32, #tpu.memory_space<hbm>> -> memref<2048xf32, #tpu.memory_space<hbm>>
      %dma_wait3A_284 = tpu.memref_slice %arg3[%mul3A_110] : memref<1835008xf32, #tpu.memory_space<hbm>> -> memref<2048xf32, #tpu.memory_space<hbm>>
      tpu.wait_dma2 semaphore(%run_scoped3A : memref<!tpu.dma_semaphore, #tpu.memory_space<semaphore_mem>>) src(%arg8 : memref<2048xf32, #tpu.memory_space<vmem>>) dst(%dma_wait3A_284 : memref<2048xf32, #tpu.memory_space<hbm>>)
      tpu.yield
    }) : () -> ()
    %add3A_111 = arith.constant 22528 : i32
    %add3A_112 = arith.addi %add3A_111, %mul3A_2 : i32
    %mul3A_113 = arith.constant 32 : i32
    %mul3A_114 = arith.muli %add3A_112, %mul3A_113 : i32
    "tpu.region"() ({
      %run_scoped3A = tpu.sem_alloc : memref<!tpu.dma_semaphore, #tpu.memory_space<semaphore_mem>>
      %dma_start3A = tpu.memref_slice %arg3[%mul3A_114] : memref<1835008xf32, #tpu.memory_space<hbm>> -> memref<2048xf32, #tpu.memory_space<hbm>>
      %dma_start3A_283 = tpu.memref_slice %arg3[%mul3A_114] : memref<1835008xf32, #tpu.memory_space<hbm>> -> memref<2048xf32, #tpu.memory_space<hbm>>
      tpu.enqueue_dma source(%arg9 : memref<2048xf32, #tpu.memory_space<vmem>>) target(%dma_start3A_283 : memref<2048xf32, #tpu.memory_space<hbm>>) target_semaphore(%run_scoped3A : memref<!tpu.dma_semaphore, #tpu.memory_space<semaphore_mem>>)
      %dma_wait3A = tpu.memref_slice %arg3[%mul3A_114] : memref<1835008xf32, #tpu.memory_space<hbm>> -> memref<2048xf32, #tpu.memory_space<hbm>>
      %dma_wait3A_284 = tpu.memref_slice %arg3[%mul3A_114] : memref<1835008xf32, #tpu.memory_space<hbm>> -> memref<2048xf32, #tpu.memory_space<hbm>>
      tpu.wait_dma2 semaphore(%run_scoped3A : memref<!tpu.dma_semaphore, #tpu.memory_space<semaphore_mem>>) src(%arg9 : memref<2048xf32, #tpu.memory_space<vmem>>) dst(%dma_wait3A_284 : memref<2048xf32, #tpu.memory_space<hbm>>)
      tpu.yield
    }) : () -> ()
    %add3A_115 = arith.constant 16384 : i32
    %add3A_116 = arith.addi %add3A_115, %mul3A_2 : i32
    %mul3A_117 = arith.constant 48 : i32
    %mul3A_118 = arith.muli %add3A_116, %mul3A_117 : i32
    "tpu.region"() ({
      %run_scoped3A = tpu.sem_alloc : memref<!tpu.dma_semaphore, #tpu.memory_space<semaphore_mem>>
      %dma_start3A = tpu.memref_slice %arg4[%mul3A_118] : memref<2752512xf32, #tpu.memory_space<hbm>> -> memref<3072xf32, #tpu.memory_space<hbm>>
      %dma_start3A_283 = tpu.memref_slice %arg4[%mul3A_118] : memref<2752512xf32, #tpu.memory_space<hbm>> -> memref<3072xf32, #tpu.memory_space<hbm>>
      tpu.enqueue_dma source(%arg10 : memref<3072xf32, #tpu.memory_space<vmem>>) target(%dma_start3A_283 : memref<3072xf32, #tpu.memory_space<hbm>>) target_semaphore(%run_scoped3A : memref<!tpu.dma_semaphore, #tpu.memory_space<semaphore_mem>>)
      %dma_wait3A = tpu.memref_slice %arg4[%mul3A_118] : memref<2752512xf32, #tpu.memory_space<hbm>> -> memref<3072xf32, #tpu.memory_space<hbm>>
      %dma_wait3A_284 = tpu.memref_slice %arg4[%mul3A_118] : memref<2752512xf32, #tpu.memory_space<hbm>> -> memref<3072xf32, #tpu.memory_space<hbm>>
      tpu.wait_dma2 semaphore(%run_scoped3A : memref<!tpu.dma_semaphore, #tpu.memory_space<semaphore_mem>>) src(%arg10 : memref<3072xf32, #tpu.memory_space<vmem>>) dst(%dma_wait3A_284 : memref<3072xf32, #tpu.memory_space<hbm>>)
      tpu.yield
    }) : () -> ()
    %add3A_119 = arith.constant 18432 : i32
    %add3A_120 = arith.addi %add3A_119, %mul3A_2 : i32
    %mul3A_121 = arith.constant 48 : i32
    %mul3A_122 = arith.muli %add3A_120, %mul3A_121 : i32
    "tpu.region"() ({
      %run_scoped3A = tpu.sem_alloc : memref<!tpu.dma_semaphore, #tpu.memory_space<semaphore_mem>>
      %dma_start3A = tpu.memref_slice %arg4[%mul3A_122] : memref<2752512xf32, #tpu.memory_space<hbm>> -> memref<3072xf32, #tpu.memory_space<hbm>>
      %dma_start3A_283 = tpu.memref_slice %arg4[%mul3A_122] : memref<2752512xf32, #tpu.memory_space<hbm>> -> memref<3072xf32, #tpu.memory_space<hbm>>
      tpu.enqueue_dma source(%arg11 : memref<3072xf32, #tpu.memory_space<vmem>>) target(%dma_start3A_283 : memref<3072xf32, #tpu.memory_space<hbm>>) target_semaphore(%run_scoped3A : memref<!tpu.dma_semaphore, #tpu.memory_space<semaphore_mem>>)
      %dma_wait3A = tpu.memref_slice %arg4[%mul3A_122] : memref<2752512xf32, #tpu.memory_space<hbm>> -> memref<3072xf32, #tpu.memory_space<hbm>>
      %dma_wait3A_284 = tpu.memref_slice %arg4[%mul3A_122] : memref<2752512xf32, #tpu.memory_space<hbm>> -> memref<3072xf32, #tpu.memory_space<hbm>>
      tpu.wait_dma2 semaphore(%run_scoped3A : memref<!tpu.dma_semaphore, #tpu.memory_space<semaphore_mem>>) src(%arg11 : memref<3072xf32, #tpu.memory_space<vmem>>) dst(%dma_wait3A_284 : memref<3072xf32, #tpu.memory_space<hbm>>)
      tpu.yield
    }) : () -> ()
    %add3A_123 = arith.constant 20480 : i32
    %add3A_124 = arith.addi %add3A_123, %mul3A_2 : i32
    %mul3A_125 = arith.constant 48 : i32
    %mul3A_126 = arith.muli %add3A_124, %mul3A_125 : i32
    "tpu.region"() ({
      %run_scoped3A = tpu.sem_alloc : memref<!tpu.dma_semaphore, #tpu.memory_space<semaphore_mem>>
      %dma_start3A = tpu.memref_slice %arg4[%mul3A_126] : memref<2752512xf32, #tpu.memory_space<hbm>> -> memref<3072xf32, #tpu.memory_space<hbm>>
      %dma_start3A_283 = tpu.memref_slice %arg4[%mul3A_126] : memref<2752512xf32, #tpu.memory_space<hbm>> -> memref<3072xf32, #tpu.memory_space<hbm>>
      tpu.enqueue_dma source(%arg12 : memref<3072xf32, #tpu.memory_space<vmem>>) target(%dma_start3A_283 : memref<3072xf32, #tpu.memory_space<hbm>>) target_semaphore(%run_scoped3A : memref<!tpu.dma_semaphore, #tpu.memory_space<semaphore_mem>>)
      %dma_wait3A = tpu.memref_slice %arg4[%mul3A_126] : memref<2752512xf32, #tpu.memory_space<hbm>> -> memref<3072xf32, #tpu.memory_space<hbm>>
      %dma_wait3A_284 = tpu.memref_slice %arg4[%mul3A_126] : memref<2752512xf32, #tpu.memory_space<hbm>> -> memref<3072xf32, #tpu.memory_space<hbm>>
      tpu.wait_dma2 semaphore(%run_scoped3A : memref<!tpu.dma_semaphore, #tpu.memory_space<semaphore_mem>>) src(%arg12 : memref<3072xf32, #tpu.memory_space<vmem>>) dst(%dma_wait3A_284 : memref<3072xf32, #tpu.memory_space<hbm>>)
      tpu.yield
    }) : () -> ()
    %add3A_127 = arith.constant 22528 : i32
    %add3A_128 = arith.addi %add3A_127, %mul3A_2 : i32
    %mul3A_129 = arith.constant 48 : i32
    %mul3A_130 = arith.muli %add3A_128, %mul3A_129 : i32
    "tpu.region"() ({
      %run_scoped3A = tpu.sem_alloc : memref<!tpu.dma_semaphore, #tpu.memory_space<semaphore_mem>>
      %dma_start3A = tpu.memref_slice %arg4[%mul3A_130] : memref<2752512xf32, #tpu.memory_space<hbm>> -> memref<3072xf32, #tpu.memory_space<hbm>>
      %dma_start3A_283 = tpu.memref_slice %arg4[%mul3A_130] : memref<2752512xf32, #tpu.memory_space<hbm>> -> memref<3072xf32, #tpu.memory_space<hbm>>
      tpu.enqueue_dma source(%arg13 : memref<3072xf32, #tpu.memory_space<vmem>>) target(%dma_start3A_283 : memref<3072xf32, #tpu.memory_space<hbm>>) target_semaphore(%run_scoped3A : memref<!tpu.dma_semaphore, #tpu.memory_space<semaphore_mem>>)
      %dma_wait3A = tpu.memref_slice %arg4[%mul3A_130] : memref<2752512xf32, #tpu.memory_space<hbm>> -> memref<3072xf32, #tpu.memory_space<hbm>>
      %dma_wait3A_284 = tpu.memref_slice %arg4[%mul3A_130] : memref<2752512xf32, #tpu.memory_space<hbm>> -> memref<3072xf32, #tpu.memory_space<hbm>>
      tpu.wait_dma2 semaphore(%run_scoped3A : memref<!tpu.dma_semaphore, #tpu.memory_space<semaphore_mem>>) src(%arg13 : memref<3072xf32, #tpu.memory_space<vmem>>) dst(%dma_wait3A_284 : memref<3072xf32, #tpu.memory_space<hbm>>)
      tpu.yield
    }) : () -> ()
    %scan3A_131 = arith.constant 0 : i32
    %scan3A_132 = arith.constant 0 : i32
    %scan3A_133 = arith.constant 32 : i32
    %scan3A_134 = arith.addi %scan3A_132, %scan3A_133 : i32
    %scan3A_135 = arith.constant 1 : i32
    scf.for %scan3A_283 = %scan3A_132 to %scan3A_134 step %scan3A_135  : i32 {
      %mul3A_284 = arith.constant 2 : i32
      %mul3A_285 = arith.muli %mul3A_284, %scan3A_283 : i32
      %jit3A = arith.constant 16 : i32
      %div3A = arith.divsi %mul3A_285, %jit3A : i32
      %sign3A = arith.constant 0 : i32
      %sign3A_286 = arith.cmpi sgt, %mul3A_285, %sign3A : i32
      %sign3A_287 = arith.extui %sign3A_286 : i1 to i32
      %sign3A_288 = arith.constant 0 : i32
      %sign3A_289 = arith.cmpi slt, %mul3A_285, %sign3A_288 : i32
      %sign3A_290 = arith.extui %sign3A_289 : i1 to i32
      %sign3A_291 = arith.subi %sign3A_287, %sign3A_290 : i32
      %sign3A_292 = arith.constant 0 : i32
      %sign3A_293 = arith.cmpi sgt, %jit3A, %sign3A_292 : i32
      %sign3A_294 = arith.extui %sign3A_293 : i1 to i32
      %sign3A_295 = arith.constant 0 : i32
      %sign3A_296 = arith.cmpi slt, %jit3A, %sign3A_295 : i32
      %sign3A_297 = arith.extui %sign3A_296 : i1 to i32
      %sign3A_298 = arith.subi %sign3A_294, %sign3A_297 : i32
      %ne3A = arith.cmpi ne, %sign3A_291, %sign3A_298 : i32
      %rem3A = arith.remsi %mul3A_285, %jit3A : i32
      %ne3A_299 = arith.constant 0 : i32
      %ne3A_300 = arith.cmpi ne, %rem3A, %ne3A_299 : i32
      %and3A = arith.andi %ne3A, %ne3A_300 : i1
      %sub3A = arith.constant 1 : i32
      %sub3A_301 = arith.subi %div3A, %sub3A : i32
      %select_n3A = arith.select %and3A, %sub3A_301, %div3A : i32
      %mul3A_302 = arith.constant 16 : i32
      %mul3A_303 = arith.muli %select_n3A, %mul3A_302 : i32
      %add3A_304 = arith.addi %mul3A_2, %mul3A_303 : i32
      %add3A_305 = arith.constant 0 : i32
      %add3A_306 = arith.addi %add3A_305, %add3A_304 : i32
      %get3A = arith.index_cast %add3A_306 : i32 to index
      %get3A_307 = tpu.vector_load %arg5[%get3A] {strides = array<i32>} : memref<18432xf32, #tpu.memory_space<vmem>>, vector<16xf32>,
      %add3A_308 = arith.constant 2048 : i32
      %add3A_309 = arith.addi %add3A_308, %add3A_304 : i32
      %get3A_310 = arith.index_cast %add3A_309 : i32 to index
      %get3A_311 = tpu.vector_load %arg5[%get3A_310] {strides = array<i32>} : memref<18432xf32, #tpu.memory_space<vmem>>, vector<16xf32>,
      %add3A_312 = arith.constant 4096 : i32
      %add3A_313 = arith.addi %add3A_312, %add3A_304 : i32
      %get3A_314 = arith.index_cast %add3A_313 : i32 to index
      %get3A_315 = tpu.vector_load %arg5[%get3A_314] {strides = array<i32>} : memref<18432xf32, #tpu.memory_space<vmem>>, vector<16xf32>,
      %jit3A_316 = arith.constant 16 : i32
      %eq3A = arith.constant 0 : i32
      %eq3A_317 = arith.cmpi eq, %jit3A_316, %eq3A : i32
      %jit3A_318 = arith.constant 1 : i32
      %select_n3A_319 = arith.select %eq3A_317, %jit3A_318, %jit3A_316 : i32
      %rem3A_320 = arith.remsi %mul3A_285, %select_n3A_319 : i32
      %ne3A_321 = arith.constant 0 : i32
      %ne3A_322 = arith.cmpi ne, %rem3A_320, %ne3A_321 : i32
      %lt3A = arith.constant 0 : i32
      %lt3A_323 = arith.cmpi slt, %rem3A_320, %lt3A : i32
      %lt3A_324 = arith.constant 0 : i32
      %lt3A_325 = arith.cmpi slt, %select_n3A_319, %lt3A_324 : i32
      %ne3A_326 = arith.xori %lt3A_323, %lt3A_325 : i1
      %and3A_327 = arith.andi %ne3A_326, %ne3A_322 : i1
      %add3A_328 = arith.addi %rem3A_320, %select_n3A_319 : i32
      %select_n3A_329 = arith.select %and3A_327, %add3A_328, %rem3A_320 : i32
      %broadcast_in_dim3A_330 = vector.broadcast %select_n3A_329 : i32 to vector<16xi32>
      %lt3A_331 = arith.constant 0 : i32
      %lt3A_332 = vector.broadcast %lt3A_331 : i32 to vector<16xi32>
      %lt3A_333 = arith.cmpi slt, %broadcast_in_dim3A_330, %lt3A_332 : vector<16xi32>
      %add3A_334 = arith.constant 16 : i32
      %add3A_335 = vector.broadcast %add3A_334 : i32 to vector<16xi32>
      %add3A_336 = arith.addi %broadcast_in_dim3A_330, %add3A_335 : vector<16xi32>
      %select_n3A_337 = arith.select %lt3A_333, %add3A_336, %broadcast_in_dim3A_330 : vector<16xi1>, vector<16xi32>
      %broadcast_in_dim3A_338 = vector.shape_cast %select_n3A_337 : vector<16xi32> to vector<16x1xi32>
      %gather3A = vector.shape_cast %broadcast_in_dim3A_338 : vector<16x1xi32> to vector<16xi32>
      %gather3A_339 = tpu.dynamic_gather %get3A_307[%gather3A] in [0] : vector<16xf32>, vector<16xi32> -> vector<16xf32>
      %broadcast_in_dim3A_340 = vector.broadcast %select_n3A_329 : i32 to vector<16xi32>
      %lt3A_341 = arith.constant 0 : i32
      %lt3A_342 = vector.broadcast %lt3A_341 : i32 to vector<16xi32>
      %lt3A_343 = arith.cmpi slt, %broadcast_in_dim3A_340, %lt3A_342 : vector<16xi32>
      %add3A_344 = arith.constant 16 : i32
      %add3A_345 = vector.broadcast %add3A_344 : i32 to vector<16xi32>
      %add3A_346 = arith.addi %broadcast_in_dim3A_340, %add3A_345 : vector<16xi32>
      %select_n3A_347 = arith.select %lt3A_343, %add3A_346, %broadcast_in_dim3A_340 : vector<16xi1>, vector<16xi32>
      %broadcast_in_dim3A_348 = vector.shape_cast %select_n3A_347 : vector<16xi32> to vector<16x1xi32>
      %gather3A_349 = vector.shape_cast %broadcast_in_dim3A_348 : vector<16x1xi32> to vector<16xi32>
      %gather3A_350 = tpu.dynamic_gather %get3A_311[%gather3A_349] in [0] : vector<16xf32>, vector<16xi32> -> vector<16xf32>
      %broadcast_in_dim3A_351 = vector.broadcast %select_n3A_329 : i32 to vector<16xi32>
      %lt3A_352 = arith.constant 0 : i32
      %lt3A_353 = vector.broadcast %lt3A_352 : i32 to vector<16xi32>
      %lt3A_354 = arith.cmpi slt, %broadcast_in_dim3A_351, %lt3A_353 : vector<16xi32>
      %add3A_355 = arith.constant 16 : i32
      %add3A_356 = vector.broadcast %add3A_355 : i32 to vector<16xi32>
      %add3A_357 = arith.addi %broadcast_in_dim3A_351, %add3A_356 : vector<16xi32>
      %select_n3A_358 = arith.select %lt3A_354, %add3A_357, %broadcast_in_dim3A_351 : vector<16xi1>, vector<16xi32>
      %broadcast_in_dim3A_359 = vector.shape_cast %select_n3A_358 : vector<16xi32> to vector<16x1xi32>
      %gather3A_360 = vector.shape_cast %broadcast_in_dim3A_359 : vector<16x1xi32> to vector<16xi32>
      %gather3A_361 = tpu.dynamic_gather %get3A_315[%gather3A_360] in [0] : vector<16xf32>, vector<16xi32> -> vector<16xf32>
      %add3A_362 = arith.constant 1 : i32
      %add3A_363 = arith.addi %select_n3A_329, %add3A_362 : i32
      %broadcast_in_dim3A_364 = vector.broadcast %add3A_363 : i32 to vector<16xi32>
      %lt3A_365 = arith.constant 0 : i32
      %lt3A_366 = vector.broadcast %lt3A_365 : i32 to vector<16xi32>
      %lt3A_367 = arith.cmpi slt, %broadcast_in_dim3A_364, %lt3A_366 : vector<16xi32>
      %add3A_368 = arith.constant 16 : i32
      %add3A_369 = vector.broadcast %add3A_368 : i32 to vector<16xi32>
      %add3A_370 = arith.addi %broadcast_in_dim3A_364, %add3A_369 : vector<16xi32>
      %select_n3A_371 = arith.select %lt3A_367, %add3A_370, %broadcast_in_dim3A_364 : vector<16xi1>, vector<16xi32>
      %broadcast_in_dim3A_372 = vector.shape_cast %select_n3A_371 : vector<16xi32> to vector<16x1xi32>
      %gather3A_373 = vector.shape_cast %broadcast_in_dim3A_372 : vector<16x1xi32> to vector<16xi32>
      %gather3A_374 = tpu.dynamic_gather %get3A_307[%gather3A_373] in [0] : vector<16xf32>, vector<16xi32> -> vector<16xf32>
      %add3A_375 = arith.constant 1 : i32
      %add3A_376 = arith.addi %select_n3A_329, %add3A_375 : i32
      %broadcast_in_dim3A_377 = vector.broadcast %add3A_376 : i32 to vector<16xi32>
      %lt3A_378 = arith.constant 0 : i32
      %lt3A_379 = vector.broadcast %lt3A_378 : i32 to vector<16xi32>
      %lt3A_380 = arith.cmpi slt, %broadcast_in_dim3A_377, %lt3A_379 : vector<16xi32>
      %add3A_381 = arith.constant 16 : i32
      %add3A_382 = vector.broadcast %add3A_381 : i32 to vector<16xi32>
      %add3A_383 = arith.addi %broadcast_in_dim3A_377, %add3A_382 : vector<16xi32>
      %select_n3A_384 = arith.select %lt3A_380, %add3A_383, %broadcast_in_dim3A_377 : vector<16xi1>, vector<16xi32>
      %broadcast_in_dim3A_385 = vector.shape_cast %select_n3A_384 : vector<16xi32> to vector<16x1xi32>
      %gather3A_386 = vector.shape_cast %broadcast_in_dim3A_385 : vector<16x1xi32> to vector<16xi32>
      %gather3A_387 = tpu.dynamic_gather %get3A_311[%gather3A_386] in [0] : vector<16xf32>, vector<16xi32> -> vector<16xf32>
      %add3A_388 = arith.constant 1 : i32
      %add3A_389 = arith.addi %select_n3A_329, %add3A_388 : i32
      %broadcast_in_dim3A_390 = vector.broadcast %add3A_389 : i32 to vector<16xi32>
      %lt3A_391 = arith.constant 0 : i32
      %lt3A_392 = vector.broadcast %lt3A_391 : i32 to vector<16xi32>
      %lt3A_393 = arith.cmpi slt, %broadcast_in_dim3A_390, %lt3A_392 : vector<16xi32>
      %add3A_394 = arith.constant 16 : i32
      %add3A_395 = vector.broadcast %add3A_394 : i32 to vector<16xi32>
      %add3A_396 = arith.addi %broadcast_in_dim3A_390, %add3A_395 : vector<16xi32>
      %select_n3A_397 = arith.select %lt3A_393, %add3A_396, %broadcast_in_dim3A_390 : vector<16xi1>, vector<16xi32>
      %broadcast_in_dim3A_398 = vector.shape_cast %select_n3A_397 : vector<16xi32> to vector<16x1xi32>
      %gather3A_399 = vector.shape_cast %broadcast_in_dim3A_398 : vector<16x1xi32> to vector<16xi32>
      %gather3A_400 = tpu.dynamic_gather %get3A_315[%gather3A_399] in [0] : vector<16xf32>, vector<16xi32> -> vector<16xf32>
      %mul3A_401 = arith.constant 32 : i32
      %mul3A_402 = arith.muli %mul3A_285, %mul3A_401 : i32
      %mul3A_403 = arith.constant 48 : i32
      %mul3A_404 = arith.muli %mul3A_285, %mul3A_403 : i32
      %add3A_405 = arith.constant 32 : i32
      %add3A_406 = arith.addi %mul3A_402, %add3A_405 : i32
      %add3A_407 = arith.constant 48 : i32
      %add3A_408 = arith.addi %mul3A_404, %add3A_407 : i32
      %add3A_409 = arith.constant 16 : i32
      %add3A_410 = arith.addi %mul3A_402, %add3A_409 : i32
      %broadcast_in_dim3A_411 = vector.broadcast %add3A_410 : i32 to vector<16xi32>
      %add3A_412 = arith.constant 32 : i32
      %add3A_413 = arith.addi %mul3A_404, %add3A_412 : i32
      %broadcast_in_dim3A_414 = vector.broadcast %add3A_413 : i32 to vector<16xi32>
      %add3A_415 = arith.constant 16 : i32
      %add3A_416 = arith.addi %add3A_406, %add3A_415 : i32
      %broadcast_in_dim3A_417 = vector.broadcast %add3A_416 : i32 to vector<16xi32>
      %add3A_418 = arith.constant 32 : i32
      %add3A_419 = arith.addi %add3A_408, %add3A_418 : i32
      %broadcast_in_dim3A_420 = vector.broadcast %add3A_419 : i32 to vector<16xi32>
      %sub3A_421 = arith.constant 1 : i32
      %sub3A_422 = arith.subi %mul3A_402, %sub3A_421 : i32
      %broadcast_in_dim3A_423 = vector.broadcast %sub3A_422 : i32 to vector<16xi32>
      %sub3A_424 = arith.constant 1 : i32
      %sub3A_425 = arith.subi %mul3A_404, %sub3A_424 : i32
      %broadcast_in_dim3A_426 = vector.broadcast %sub3A_425 : i32 to vector<16xi32>
      %sub3A_427 = arith.constant 1 : i32
      %sub3A_428 = arith.subi %add3A_406, %sub3A_427 : i32
      %broadcast_in_dim3A_429 = vector.broadcast %sub3A_428 : i32 to vector<16xi32>
      %sub3A_430 = arith.constant 1 : i32
      %sub3A_431 = arith.subi %add3A_408, %sub3A_430 : i32
      %broadcast_in_dim3A_432 = vector.broadcast %sub3A_431 : i32 to vector<16xi32>
      %scan3A_433 = arith.constant 0 : i32
      %scan3A_434 = arith.constant 128 : i32
      %scan3A_435 = arith.addi %scan3A_433, %scan3A_434 : i32
      %scan3A_436 = arith.constant 1 : i32
      %scan3A_437:4 = scf.for %scan3A_533 = %scan3A_433 to %scan3A_435 step %scan3A_436 iter_args(%scan3A_534 = %broadcast_in_dim3A_423, %scan3A_535 = %broadcast_in_dim3A_426, %scan3A_536 = %broadcast_in_dim3A_429, %scan3A_537 = %broadcast_in_dim3A_432) -> (vector<16xi32>, vector<16xi32>, vector<16xi32>, vector<16xi32>)  : i32 {
        %mul3A_538 = arith.constant 16 : i32
        %mul3A_539 = arith.muli %scan3A_533, %mul3A_538 : i32
        %add3A_540 = arith.constant 6144 : i32
        %add3A_541 = arith.addi %add3A_540, %mul3A_539 : i32
        %get3A_542 = arith.index_cast %add3A_541 : i32 to index
        %get3A_543 = tpu.vector_load %arg5[%get3A_542] {strides = array<i32>} : memref<18432xf32, #tpu.memory_space<vmem>>, vector<16xf32>,
        %add3A_544 = arith.constant 8192 : i32
        %add3A_545 = arith.addi %add3A_544, %mul3A_539 : i32
        %get3A_546 = arith.index_cast %add3A_545 : i32 to index
        %get3A_547 = tpu.vector_load %arg5[%get3A_546] {strides = array<i32>} : memref<18432xf32, #tpu.memory_space<vmem>>, vector<16xf32>,
        %add3A_548 = arith.constant 10240 : i32
        %add3A_549 = arith.addi %add3A_548, %mul3A_539 : i32
        %get3A_550 = arith.index_cast %add3A_549 : i32 to index
        %get3A_551 = tpu.vector_load %arg5[%get3A_550] {strides = array<i32>} : memref<18432xf32, #tpu.memory_space<vmem>>, vector<16xf32>,
        %sub3A_552 = arith.subf %get3A_543, %gather3A_339 : vector<16xf32>
        %sub3A_553 = arith.subf %get3A_547, %gather3A_350 : vector<16xf32>
        %sub3A_554 = arith.subf %get3A_551, %gather3A_361 : vector<16xf32>
        %mul3A_555 = arith.mulf %sub3A_552, %sub3A_552 : vector<16xf32>
        %mul3A_556 = arith.mulf %sub3A_553, %sub3A_553 : vector<16xf32>
        %add3A_557 = arith.addf %mul3A_555, %mul3A_556 : vector<16xf32>
        %mul3A_558 = arith.mulf %sub3A_554, %sub3A_554 : vector<16xf32>
        %add3A_559 = arith.addf %add3A_557, %mul3A_558 : vector<16xf32>
        %le3A = arith.constant 4.000000e-02 : f32
        %le3A_560 = vector.broadcast %le3A : f32 to vector<16xf32>
        %le3A_561 = arith.cmpf ole, %add3A_559, %le3A_560 : vector<16xf32>
        %le3A_562 = arith.constant 0.00999999977 : f32
        %le3A_563 = vector.broadcast %le3A_562 : f32 to vector<16xf32>
        %le3A_564 = arith.cmpf ole, %add3A_559, %le3A_563 : vector<16xf32>
        %convert_element_type3A_565 = arith.extui %le3A_561 : vector<16xi1> to vector<16xi32>
        %broadcast_in_dim3A_566 = arith.constant true
        %broadcast_in_dim3A_567 = vector.broadcast %broadcast_in_dim3A_566 : i1 to vector<16xi1>
        %masked_cumsum3A = tpu.scan <sum>, %convert_element_type3A_565 masked %broadcast_in_dim3A_567 : vector<16xi32>, vector<16xi1> -> vector<16xi32>
        %add3A_568 = arith.addi %scan3A_535, %masked_cumsum3A : vector<16xi32>
        %convert_element_type3A_569 = arith.extui %le3A_564 : vector<16xi1> to vector<16xi32>
        %broadcast_in_dim3A_570 = arith.constant true
        %broadcast_in_dim3A_571 = vector.broadcast %broadcast_in_dim3A_570 : i1 to vector<16xi1>
        %masked_cumsum3A_572 = tpu.scan <sum>, %convert_element_type3A_569 masked %broadcast_in_dim3A_571 : vector<16xi32>, vector<16xi1> -> vector<16xi32>
        %add3A_573 = arith.addi %scan3A_534, %masked_cumsum3A_572 : vector<16xi32>
        %lt3A_574 = arith.cmpi slt, %add3A_568, %broadcast_in_dim3A_414 : vector<16xi32>
        %and3A_575 = arith.andi %le3A_561, %lt3A_574 : vector<16xi1>
        %lt3A_576 = arith.cmpi slt, %add3A_573, %broadcast_in_dim3A_411 : vector<16xi32>
        %and3A_577 = arith.andi %le3A_564, %lt3A_576 : vector<16xi1>
        tpu.vector_store_idx %arg10[%add3A_568], %sub3A_552 masked %and3A_575 : memref<3072xf32, #tpu.memory_space<vmem>>[vector<16xi32>], vector<16xf32>, vector<16xi1>
        tpu.vector_store_idx %arg11[%add3A_568], %sub3A_553 masked %and3A_575 : memref<3072xf32, #tpu.memory_space<vmem>>[vector<16xi32>], vector<16xf32>, vector<16xi1>
        tpu.vector_store_idx %arg12[%add3A_568], %sub3A_554 masked %and3A_575 : memref<3072xf32, #tpu.memory_space<vmem>>[vector<16xi32>], vector<16xf32>, vector<16xi1>
        tpu.vector_store_idx %arg6[%add3A_573], %sub3A_552 masked %and3A_577 : memref<2048xf32, #tpu.memory_space<vmem>>[vector<16xi32>], vector<16xf32>, vector<16xi1>
        tpu.vector_store_idx %arg7[%add3A_573], %sub3A_553 masked %and3A_577 : memref<2048xf32, #tpu.memory_space<vmem>>[vector<16xi32>], vector<16xf32>, vector<16xi1>
        tpu.vector_store_idx %arg8[%add3A_573], %sub3A_554 masked %and3A_577 : memref<2048xf32, #tpu.memory_space<vmem>>[vector<16xi32>], vector<16xf32>, vector<16xi1>
        %all_reduce_population_count3A = tpu.all_reduce %le3A_561 {dim = 0 : i64, kind = #tpu.reduction_kind<sum>} : vector<16xi1> -> vector<16xi32>
        %add3A_578 = arith.addi %scan3A_535, %all_reduce_population_count3A : vector<16xi32>
        %sub3A_579 = arith.constant 1 : i32
        %sub3A_580 = vector.broadcast %sub3A_579 : i32 to vector<16xi32>
        %sub3A_581 = arith.subi %broadcast_in_dim3A_414, %sub3A_580 : vector<16xi32>
        %min3A = arith.minsi %add3A_578, %sub3A_581 : vector<16xi32>
        %all_reduce_population_count3A_582 = tpu.all_reduce %le3A_564 {dim = 0 : i64, kind = #tpu.reduction_kind<sum>} : vector<16xi1> -> vector<16xi32>
        %add3A_583 = arith.addi %scan3A_534, %all_reduce_population_count3A_582 : vector<16xi32>
        %sub3A_584 = arith.constant 1 : i32
        %sub3A_585 = vector.broadcast %sub3A_584 : i32 to vector<16xi32>
        %sub3A_586 = arith.subi %broadcast_in_dim3A_411, %sub3A_585 : vector<16xi32>
        %min3A_587 = arith.minsi %add3A_583, %sub3A_586 : vector<16xi32>
        %sub3A_588 = arith.subf %get3A_543, %gather3A_374 : vector<16xf32>
        %sub3A_589 = arith.subf %get3A_547, %gather3A_387 : vector<16xf32>
        %sub3A_590 = arith.subf %get3A_551, %gather3A_400 : vector<16xf32>
        %mul3A_591 = arith.mulf %sub3A_588, %sub3A_588 : vector<16xf32>
        %mul3A_592 = arith.mulf %sub3A_589, %sub3A_589 : vector<16xf32>
        %add3A_593 = arith.addf %mul3A_591, %mul3A_592 : vector<16xf32>
        %mul3A_594 = arith.mulf %sub3A_590, %sub3A_590 : vector<16xf32>
        %add3A_595 = arith.addf %add3A_593, %mul3A_594 : vector<16xf32>
        %le3A_596 = arith.constant 4.000000e-02 : f32
        %le3A_597 = vector.broadcast %le3A_596 : f32 to vector<16xf32>
        %le3A_598 = arith.cmpf ole, %add3A_595, %le3A_597 : vector<16xf32>
        %le3A_599 = arith.constant 0.00999999977 : f32
        %le3A_600 = vector.broadcast %le3A_599 : f32 to vector<16xf32>
        %le3A_601 = arith.cmpf ole, %add3A_595, %le3A_600 : vector<16xf32>
        %convert_element_type3A_602 = arith.extui %le3A_598 : vector<16xi1> to vector<16xi32>
        %broadcast_in_dim3A_603 = arith.constant true
        %broadcast_in_dim3A_604 = vector.broadcast %broadcast_in_dim3A_603 : i1 to vector<16xi1>
        %masked_cumsum3A_605 = tpu.scan <sum>, %convert_element_type3A_602 masked %broadcast_in_dim3A_604 : vector<16xi32>, vector<16xi1> -> vector<16xi32>
        %add3A_606 = arith.addi %scan3A_537, %masked_cumsum3A_605 : vector<16xi32>
        %convert_element_type3A_607 = arith.extui %le3A_601 : vector<16xi1> to vector<16xi32>
        %broadcast_in_dim3A_608 = arith.constant true
        %broadcast_in_dim3A_609 = vector.broadcast %broadcast_in_dim3A_608 : i1 to vector<16xi1>
        %masked_cumsum3A_610 = tpu.scan <sum>, %convert_element_type3A_607 masked %broadcast_in_dim3A_609 : vector<16xi32>, vector<16xi1> -> vector<16xi32>
        %add3A_611 = arith.addi %scan3A_536, %masked_cumsum3A_610 : vector<16xi32>
        %lt3A_612 = arith.cmpi slt, %add3A_606, %broadcast_in_dim3A_420 : vector<16xi32>
        %and3A_613 = arith.andi %le3A_598, %lt3A_612 : vector<16xi1>
        %lt3A_614 = arith.cmpi slt, %add3A_611, %broadcast_in_dim3A_417 : vector<16xi32>
        %and3A_615 = arith.andi %le3A_601, %lt3A_614 : vector<16xi1>
        tpu.vector_store_idx %arg10[%add3A_606], %sub3A_588 masked %and3A_613 : memref<3072xf32, #tpu.memory_space<vmem>>[vector<16xi32>], vector<16xf32>, vector<16xi1>
        tpu.vector_store_idx %arg11[%add3A_606], %sub3A_589 masked %and3A_613 : memref<3072xf32, #tpu.memory_space<vmem>>[vector<16xi32>], vector<16xf32>, vector<16xi1>
        tpu.vector_store_idx %arg12[%add3A_606], %sub3A_590 masked %and3A_613 : memref<3072xf32, #tpu.memory_space<vmem>>[vector<16xi32>], vector<16xf32>, vector<16xi1>
        tpu.vector_store_idx %arg6[%add3A_611], %sub3A_588 masked %and3A_615 : memref<2048xf32, #tpu.memory_space<vmem>>[vector<16xi32>], vector<16xf32>, vector<16xi1>
        tpu.vector_store_idx %arg7[%add3A_611], %sub3A_589 masked %and3A_615 : memref<2048xf32, #tpu.memory_space<vmem>>[vector<16xi32>], vector<16xf32>, vector<16xi1>
        tpu.vector_store_idx %arg8[%add3A_611], %sub3A_590 masked %and3A_615 : memref<2048xf32, #tpu.memory_space<vmem>>[vector<16xi32>], vector<16xf32>, vector<16xi1>
        %all_reduce_population_count3A_616 = tpu.all_reduce %le3A_598 {dim = 0 : i64, kind = #tpu.reduction_kind<sum>} : vector<16xi1> -> vector<16xi32>
        %add3A_617 = arith.addi %scan3A_537, %all_reduce_population_count3A_616 : vector<16xi32>
        %sub3A_618 = arith.constant 1 : i32
        %sub3A_619 = vector.broadcast %sub3A_618 : i32 to vector<16xi32>
        %sub3A_620 = arith.subi %broadcast_in_dim3A_420, %sub3A_619 : vector<16xi32>
        %min3A_621 = arith.minsi %add3A_617, %sub3A_620 : vector<16xi32>
        %all_reduce_population_count3A_622 = tpu.all_reduce %le3A_601 {dim = 0 : i64, kind = #tpu.reduction_kind<sum>} : vector<16xi1> -> vector<16xi32>
        %add3A_623 = arith.addi %scan3A_536, %all_reduce_population_count3A_622 : vector<16xi32>
        %sub3A_624 = arith.constant 1 : i32
        %sub3A_625 = vector.broadcast %sub3A_624 : i32 to vector<16xi32>
        %sub3A_626 = arith.subi %broadcast_in_dim3A_417, %sub3A_625 : vector<16xi32>
        %min3A_627 = arith.minsi %add3A_623, %sub3A_626 : vector<16xi32>
        scf.yield %min3A_587, %min3A, %min3A_627, %min3A_621 : vector<16xi32>, vector<16xi32>, vector<16xi32>, vector<16xi32>
      }
      %scan3A_438 = arith.constant 128 : i32
      %sub3A_439 = arith.constant 1 : i32
      %sub3A_440 = arith.subi %mul3A_402, %sub3A_439 : i32
      %sub3A_441 = vector.broadcast %sub3A_440 : i32 to vector<16xi32>
      %sub3A_442 = arith.subi %scan3A_437#0, %sub3A_441 : vector<16xi32>
      %sub3A_443 = arith.constant 1 : i32
      %sub3A_444 = arith.subi %mul3A_404, %sub3A_443 : i32
      %sub3A_445 = vector.broadcast %sub3A_444 : i32 to vector<16xi32>
      %sub3A_446 = arith.subi %scan3A_437#1, %sub3A_445 : vector<16xi32>
      %lt3A_447 = arith.cmpi slt, %iota3A, %sub3A_442 : vector<16xi32>
      %convert_element_type3A = arith.extui %lt3A_447 : vector<16xi1> to vector<16xi32>
      %convert_element_type3A_448 = arith.sitofp %convert_element_type3A : vector<16xi32> to vector<16xf32>
      %swap3A = arith.index_cast %mul3A_402 : i32 to index
      %swap3A_449 = tpu.vector_load %arg9[%swap3A] {strides = array<i32>} : memref<2048xf32, #tpu.memory_space<vmem>>, vector<16xf32>,
      tpu.vector_store %arg9[%swap3A], %convert_element_type3A_448 {strides = array<i32>} : memref<2048xf32, #tpu.memory_space<vmem>>, vector<16xf32>,
      %add3A_450 = arith.constant 16 : i32
      %add3A_451 = vector.broadcast %add3A_450 : i32 to vector<16xi32>
      %add3A_452 = arith.addi %iota3A, %add3A_451 : vector<16xi32>
      %lt3A_453 = arith.cmpi slt, %add3A_452, %sub3A_442 : vector<16xi32>
      %convert_element_type3A_454 = arith.extui %lt3A_453 : vector<16xi1> to vector<16xi32>
      %convert_element_type3A_455 = arith.sitofp %convert_element_type3A_454 : vector<16xi32> to vector<16xf32>
      %add3A_456 = arith.constant 16 : i32
      %add3A_457 = arith.addi %mul3A_402, %add3A_456 : i32
      %swap3A_458 = arith.index_cast %add3A_457 : i32 to index
      %swap3A_459 = tpu.vector_load %arg9[%swap3A_458] {strides = array<i32>} : memref<2048xf32, #tpu.memory_space<vmem>>, vector<16xf32>,
      tpu.vector_store %arg9[%swap3A_458], %convert_element_type3A_455 {strides = array<i32>} : memref<2048xf32, #tpu.memory_space<vmem>>, vector<16xf32>,
      %lt3A_460 = arith.cmpi slt, %iota3A, %sub3A_446 : vector<16xi32>
      %convert_element_type3A_461 = arith.extui %lt3A_460 : vector<16xi1> to vector<16xi32>
      %convert_element_type3A_462 = arith.sitofp %convert_element_type3A_461 : vector<16xi32> to vector<16xf32>
      %swap3A_463 = arith.index_cast %mul3A_404 : i32 to index
      %swap3A_464 = tpu.vector_load %arg13[%swap3A_463] {strides = array<i32>} : memref<3072xf32, #tpu.memory_space<vmem>>, vector<16xf32>,
      tpu.vector_store %arg13[%swap3A_463], %convert_element_type3A_462 {strides = array<i32>} : memref<3072xf32, #tpu.memory_space<vmem>>, vector<16xf32>,
      %add3A_465 = arith.constant 16 : i32
      %add3A_466 = vector.broadcast %add3A_465 : i32 to vector<16xi32>
      %add3A_467 = arith.addi %iota3A, %add3A_466 : vector<16xi32>
      %lt3A_468 = arith.cmpi slt, %add3A_467, %sub3A_446 : vector<16xi32>
      %convert_element_type3A_469 = arith.extui %lt3A_468 : vector<16xi1> to vector<16xi32>
      %convert_element_type3A_470 = arith.sitofp %convert_element_type3A_469 : vector<16xi32> to vector<16xf32>
      %add3A_471 = arith.constant 16 : i32
      %add3A_472 = arith.addi %mul3A_404, %add3A_471 : i32
      %swap3A_473 = arith.index_cast %add3A_472 : i32 to index
      %swap3A_474 = tpu.vector_load %arg13[%swap3A_473] {strides = array<i32>} : memref<3072xf32, #tpu.memory_space<vmem>>, vector<16xf32>,
      tpu.vector_store %arg13[%swap3A_473], %convert_element_type3A_470 {strides = array<i32>} : memref<3072xf32, #tpu.memory_space<vmem>>, vector<16xf32>,
      %add3A_475 = arith.constant 32 : i32
      %add3A_476 = vector.broadcast %add3A_475 : i32 to vector<16xi32>
      %add3A_477 = arith.addi %iota3A, %add3A_476 : vector<16xi32>
      %lt3A_478 = arith.cmpi slt, %add3A_477, %sub3A_446 : vector<16xi32>
      %convert_element_type3A_479 = arith.extui %lt3A_478 : vector<16xi1> to vector<16xi32>
      %convert_element_type3A_480 = arith.sitofp %convert_element_type3A_479 : vector<16xi32> to vector<16xf32>
      %add3A_481 = arith.constant 32 : i32
      %add3A_482 = arith.addi %mul3A_404, %add3A_481 : i32
      %swap3A_483 = arith.index_cast %add3A_482 : i32 to index
      %swap3A_484 = tpu.vector_load %arg13[%swap3A_483] {strides = array<i32>} : memref<3072xf32, #tpu.memory_space<vmem>>, vector<16xf32>,
      tpu.vector_store %arg13[%swap3A_483], %convert_element_type3A_480 {strides = array<i32>} : memref<3072xf32, #tpu.memory_space<vmem>>, vector<16xf32>,
      %sub3A_485 = arith.constant 1 : i32
      %sub3A_486 = arith.subi %add3A_406, %sub3A_485 : i32
      %sub3A_487 = vector.broadcast %sub3A_486 : i32 to vector<16xi32>
      %sub3A_488 = arith.subi %scan3A_437#2, %sub3A_487 : vector<16xi32>
      %sub3A_489 = arith.constant 1 : i32
      %sub3A_490 = arith.subi %add3A_408, %sub3A_489 : i32
      %sub3A_491 = vector.broadcast %sub3A_490 : i32 to vector<16xi32>
      %sub3A_492 = arith.subi %scan3A_437#3, %sub3A_491 : vector<16xi32>
      %lt3A_493 = arith.cmpi slt, %iota3A, %sub3A_488 : vector<16xi32>
      %convert_element_type3A_494 = arith.extui %lt3A_493 : vector<16xi1> to vector<16xi32>
      %convert_element_type3A_495 = arith.sitofp %convert_element_type3A_494 : vector<16xi32> to vector<16xf32>
      %swap3A_496 = arith.index_cast %add3A_406 : i32 to index
      %swap3A_497 = tpu.vector_load %arg9[%swap3A_496] {strides = array<i32>} : memref<2048xf32, #tpu.memory_space<vmem>>, vector<16xf32>,
      tpu.vector_store %arg9[%swap3A_496], %convert_element_type3A_495 {strides = array<i32>} : memref<2048xf32, #tpu.memory_space<vmem>>, vector<16xf32>,
      %add3A_498 = arith.constant 16 : i32
      %add3A_499 = vector.broadcast %add3A_498 : i32 to vector<16xi32>
      %add3A_500 = arith.addi %iota3A, %add3A_499 : vector<16xi32>
      %lt3A_501 = arith.cmpi slt, %add3A_500, %sub3A_488 : vector<16xi32>
      %convert_element_type3A_502 = arith.extui %lt3A_501 : vector<16xi1> to vector<16xi32>
      %convert_element_type3A_503 = arith.sitofp %convert_element_type3A_502 : vector<16xi32> to vector<16xf32>
      %add3A_504 = arith.constant 16 : i32
      %add3A_505 = arith.addi %add3A_406, %add3A_504 : i32
      %swap3A_506 = arith.index_cast %add3A_505 : i32 to index
      %swap3A_507 = tpu.vector_load %arg9[%swap3A_506] {strides = array<i32>} : memref<2048xf32, #tpu.memory_space<vmem>>, vector<16xf32>,
      tpu.vector_store %arg9[%swap3A_506], %convert_element_type3A_503 {strides = array<i32>} : memref<2048xf32, #tpu.memory_space<vmem>>, vector<16xf32>,
      %lt3A_508 = arith.cmpi slt, %iota3A, %sub3A_492 : vector<16xi32>
      %convert_element_type3A_509 = arith.extui %lt3A_508 : vector<16xi1> to vector<16xi32>
      %convert_element_type3A_510 = arith.sitofp %convert_element_type3A_509 : vector<16xi32> to vector<16xf32>
      %swap3A_511 = arith.index_cast %add3A_408 : i32 to index
      %swap3A_512 = tpu.vector_load %arg13[%swap3A_511] {strides = array<i32>} : memref<3072xf32, #tpu.memory_space<vmem>>, vector<16xf32>,
      tpu.vector_store %arg13[%swap3A_511], %convert_element_type3A_510 {strides = array<i32>} : memref<3072xf32, #tpu.memory_space<vmem>>, vector<16xf32>,
      %add3A_513 = arith.constant 16 : i32
      %add3A_514 = vector.broadcast %add3A_513 : i32 to vector<16xi32>
      %add3A_515 = arith.addi %iota3A, %add3A_514 : vector<16xi32>
      %lt3A_516 = arith.cmpi slt, %add3A_515, %sub3A_492 : vector<16xi32>
      %convert_element_type3A_517 = arith.extui %lt3A_516 : vector<16xi1> to vector<16xi32>
      %convert_element_type3A_518 = arith.sitofp %convert_element_type3A_517 : vector<16xi32> to vector<16xf32>
      %add3A_519 = arith.constant 16 : i32
      %add3A_520 = arith.addi %add3A_408, %add3A_519 : i32
      %swap3A_521 = arith.index_cast %add3A_520 : i32 to index
      %swap3A_522 = tpu.vector_load %arg13[%swap3A_521] {strides = array<i32>} : memref<3072xf32, #tpu.memory_space<vmem>>, vector<16xf32>,
      tpu.vector_store %arg13[%swap3A_521], %convert_element_type3A_518 {strides = array<i32>} : memref<3072xf32, #tpu.memory_space<vmem>>, vector<16xf32>,
      %add3A_523 = arith.constant 32 : i32
      %add3A_524 = vector.broadcast %add3A_523 : i32 to vector<16xi32>
      %add3A_525 = arith.addi %iota3A, %add3A_524 : vector<16xi32>
      %lt3A_526 = arith.cmpi slt, %add3A_525, %sub3A_492 : vector<16xi32>
      %convert_element_type3A_527 = arith.extui %lt3A_526 : vector<16xi1> to vector<16xi32>
      %convert_element_type3A_528 = arith.sitofp %convert_element_type3A_527 : vector<16xi32> to vector<16xf32>
      %add3A_529 = arith.constant 32 : i32
      %add3A_530 = arith.addi %add3A_408, %add3A_529 : i32
      %swap3A_531 = arith.index_cast %add3A_530 : i32 to index
      %swap3A_532 = tpu.vector_load %arg13[%swap3A_531] {strides = array<i32>} : memref<3072xf32, #tpu.memory_space<vmem>>, vector<16xf32>,
      tpu.vector_store %arg13[%swap3A_531], %convert_element_type3A_528 {strides = array<i32>} : memref<3072xf32, #tpu.memory_space<vmem>>, vector<16xf32>,
    }
    %scan3A_136 = arith.constant 32 : i32
    %add3A_137 = arith.constant 24576 : i32
    %add3A_138 = arith.addi %add3A_137, %mul3A_2 : i32
    %mul3A_139 = arith.constant 32 : i32
    %mul3A_140 = arith.muli %add3A_138, %mul3A_139 : i32
    "tpu.region"() ({
      %run_scoped3A = tpu.sem_alloc : memref<!tpu.dma_semaphore, #tpu.memory_space<semaphore_mem>>
      %dma_start3A = tpu.memref_slice %arg3[%mul3A_140] : memref<1835008xf32, #tpu.memory_space<hbm>> -> memref<2048xf32, #tpu.memory_space<hbm>>
      %dma_start3A_283 = tpu.memref_slice %arg3[%mul3A_140] : memref<1835008xf32, #tpu.memory_space<hbm>> -> memref<2048xf32, #tpu.memory_space<hbm>>
      tpu.enqueue_dma source(%arg6 : memref<2048xf32, #tpu.memory_space<vmem>>) target(%dma_start3A_283 : memref<2048xf32, #tpu.memory_space<hbm>>) target_semaphore(%run_scoped3A : memref<!tpu.dma_semaphore, #tpu.memory_space<semaphore_mem>>)
      %dma_wait3A = tpu.memref_slice %arg3[%mul3A_140] : memref<1835008xf32, #tpu.memory_space<hbm>> -> memref<2048xf32, #tpu.memory_space<hbm>>
      %dma_wait3A_284 = tpu.memref_slice %arg3[%mul3A_140] : memref<1835008xf32, #tpu.memory_space<hbm>> -> memref<2048xf32, #tpu.memory_space<hbm>>
      tpu.wait_dma2 semaphore(%run_scoped3A : memref<!tpu.dma_semaphore, #tpu.memory_space<semaphore_mem>>) src(%arg6 : memref<2048xf32, #tpu.memory_space<vmem>>) dst(%dma_wait3A_284 : memref<2048xf32, #tpu.memory_space<hbm>>)
      tpu.yield
    }) : () -> ()
    %add3A_141 = arith.constant 26624 : i32
    %add3A_142 = arith.addi %add3A_141, %mul3A_2 : i32
    %mul3A_143 = arith.constant 32 : i32
    %mul3A_144 = arith.muli %add3A_142, %mul3A_143 : i32
    "tpu.region"() ({
      %run_scoped3A = tpu.sem_alloc : memref<!tpu.dma_semaphore, #tpu.memory_space<semaphore_mem>>
      %dma_start3A = tpu.memref_slice %arg3[%mul3A_144] : memref<1835008xf32, #tpu.memory_space<hbm>> -> memref<2048xf32, #tpu.memory_space<hbm>>
      %dma_start3A_283 = tpu.memref_slice %arg3[%mul3A_144] : memref<1835008xf32, #tpu.memory_space<hbm>> -> memref<2048xf32, #tpu.memory_space<hbm>>
      tpu.enqueue_dma source(%arg7 : memref<2048xf32, #tpu.memory_space<vmem>>) target(%dma_start3A_283 : memref<2048xf32, #tpu.memory_space<hbm>>) target_semaphore(%run_scoped3A : memref<!tpu.dma_semaphore, #tpu.memory_space<semaphore_mem>>)
      %dma_wait3A = tpu.memref_slice %arg3[%mul3A_144] : memref<1835008xf32, #tpu.memory_space<hbm>> -> memref<2048xf32, #tpu.memory_space<hbm>>
      %dma_wait3A_284 = tpu.memref_slice %arg3[%mul3A_144] : memref<1835008xf32, #tpu.memory_space<hbm>> -> memref<2048xf32, #tpu.memory_space<hbm>>
      tpu.wait_dma2 semaphore(%run_scoped3A : memref<!tpu.dma_semaphore, #tpu.memory_space<semaphore_mem>>) src(%arg7 : memref<2048xf32, #tpu.memory_space<vmem>>) dst(%dma_wait3A_284 : memref<2048xf32, #tpu.memory_space<hbm>>)
      tpu.yield
    }) : () -> ()
    %add3A_145 = arith.constant 28672 : i32
    %add3A_146 = arith.addi %add3A_145, %mul3A_2 : i32
    %mul3A_147 = arith.constant 32 : i32
    %mul3A_148 = arith.muli %add3A_146, %mul3A_147 : i32
    "tpu.region"() ({
      %run_scoped3A = tpu.sem_alloc : memref<!tpu.dma_semaphore, #tpu.memory_space<semaphore_mem>>
      %dma_start3A = tpu.memref_slice %arg3[%mul3A_148] : memref<1835008xf32, #tpu.memory_space<hbm>> -> memref<2048xf32, #tpu.memory_space<hbm>>
      %dma_start3A_283 = tpu.memref_slice %arg3[%mul3A_148] : memref<1835008xf32, #tpu.memory_space<hbm>> -> memref<2048xf32, #tpu.memory_space<hbm>>
      tpu.enqueue_dma source(%arg8 : memref<2048xf32, #tpu.memory_space<vmem>>) target(%dma_start3A_283 : memref<2048xf32, #tpu.memory_space<hbm>>) target_semaphore(%run_scoped3A : memref<!tpu.dma_semaphore, #tpu.memory_space<semaphore_mem>>)
      %dma_wait3A = tpu.memref_slice %arg3[%mul3A_148] : memref<1835008xf32, #tpu.memory_space<hbm>> -> memref<2048xf32, #tpu.memory_space<hbm>>
      %dma_wait3A_284 = tpu.memref_slice %arg3[%mul3A_148] : memref<1835008xf32, #tpu.memory_space<hbm>> -> memref<2048xf32, #tpu.memory_space<hbm>>
      tpu.wait_dma2 semaphore(%run_scoped3A : memref<!tpu.dma_semaphore, #tpu.memory_space<semaphore_mem>>) src(%arg8 : memref<2048xf32, #tpu.memory_space<vmem>>) dst(%dma_wait3A_284 : memref<2048xf32, #tpu.memory_space<hbm>>)
      tpu.yield
    }) : () -> ()
    %add3A_149 = arith.constant 30720 : i32
    %add3A_150 = arith.addi %add3A_149, %mul3A_2 : i32
    %mul3A_151 = arith.constant 32 : i32
    %mul3A_152 = arith.muli %add3A_150, %mul3A_151 : i32
    "tpu.region"() ({
      %run_scoped3A = tpu.sem_alloc : memref<!tpu.dma_semaphore, #tpu.memory_space<semaphore_mem>>
      %dma_start3A = tpu.memref_slice %arg3[%mul3A_152] : memref<1835008xf32, #tpu.memory_space<hbm>> -> memref<2048xf32, #tpu.memory_space<hbm>>
      %dma_start3A_283 = tpu.memref_slice %arg3[%mul3A_152] : memref<1835008xf32, #tpu.memory_space<hbm>> -> memref<2048xf32, #tpu.memory_space<hbm>>
      tpu.enqueue_dma source(%arg9 : memref<2048xf32, #tpu.memory_space<vmem>>) target(%dma_start3A_283 : memref<2048xf32, #tpu.memory_space<hbm>>) target_semaphore(%run_scoped3A : memref<!tpu.dma_semaphore, #tpu.memory_space<semaphore_mem>>)
      %dma_wait3A = tpu.memref_slice %arg3[%mul3A_152] : memref<1835008xf32, #tpu.memory_space<hbm>> -> memref<2048xf32, #tpu.memory_space<hbm>>
      %dma_wait3A_284 = tpu.memref_slice %arg3[%mul3A_152] : memref<1835008xf32, #tpu.memory_space<hbm>> -> memref<2048xf32, #tpu.memory_space<hbm>>
      tpu.wait_dma2 semaphore(%run_scoped3A : memref<!tpu.dma_semaphore, #tpu.memory_space<semaphore_mem>>) src(%arg9 : memref<2048xf32, #tpu.memory_space<vmem>>) dst(%dma_wait3A_284 : memref<2048xf32, #tpu.memory_space<hbm>>)
      tpu.yield
    }) : () -> ()
    %add3A_153 = arith.constant 24576 : i32
    %add3A_154 = arith.addi %add3A_153, %mul3A_2 : i32
    %mul3A_155 = arith.constant 48 : i32
    %mul3A_156 = arith.muli %add3A_154, %mul3A_155 : i32
    "tpu.region"() ({
      %run_scoped3A = tpu.sem_alloc : memref<!tpu.dma_semaphore, #tpu.memory_space<semaphore_mem>>
      %dma_start3A = tpu.memref_slice %arg4[%mul3A_156] : memref<2752512xf32, #tpu.memory_space<hbm>> -> memref<3072xf32, #tpu.memory_space<hbm>>
      %dma_start3A_283 = tpu.memref_slice %arg4[%mul3A_156] : memref<2752512xf32, #tpu.memory_space<hbm>> -> memref<3072xf32, #tpu.memory_space<hbm>>
      tpu.enqueue_dma source(%arg10 : memref<3072xf32, #tpu.memory_space<vmem>>) target(%dma_start3A_283 : memref<3072xf32, #tpu.memory_space<hbm>>) target_semaphore(%run_scoped3A : memref<!tpu.dma_semaphore, #tpu.memory_space<semaphore_mem>>)
      %dma_wait3A = tpu.memref_slice %arg4[%mul3A_156] : memref<2752512xf32, #tpu.memory_space<hbm>> -> memref<3072xf32, #tpu.memory_space<hbm>>
      %dma_wait3A_284 = tpu.memref_slice %arg4[%mul3A_156] : memref<2752512xf32, #tpu.memory_space<hbm>> -> memref<3072xf32, #tpu.memory_space<hbm>>
      tpu.wait_dma2 semaphore(%run_scoped3A : memref<!tpu.dma_semaphore, #tpu.memory_space<semaphore_mem>>) src(%arg10 : memref<3072xf32, #tpu.memory_space<vmem>>) dst(%dma_wait3A_284 : memref<3072xf32, #tpu.memory_space<hbm>>)
      tpu.yield
    }) : () -> ()
    %add3A_157 = arith.constant 26624 : i32
    %add3A_158 = arith.addi %add3A_157, %mul3A_2 : i32
    %mul3A_159 = arith.constant 48 : i32
    %mul3A_160 = arith.muli %add3A_158, %mul3A_159 : i32
    "tpu.region"() ({
      %run_scoped3A = tpu.sem_alloc : memref<!tpu.dma_semaphore, #tpu.memory_space<semaphore_mem>>
      %dma_start3A = tpu.memref_slice %arg4[%mul3A_160] : memref<2752512xf32, #tpu.memory_space<hbm>> -> memref<3072xf32, #tpu.memory_space<hbm>>
      %dma_start3A_283 = tpu.memref_slice %arg4[%mul3A_160] : memref<2752512xf32, #tpu.memory_space<hbm>> -> memref<3072xf32, #tpu.memory_space<hbm>>
      tpu.enqueue_dma source(%arg11 : memref<3072xf32, #tpu.memory_space<vmem>>) target(%dma_start3A_283 : memref<3072xf32, #tpu.memory_space<hbm>>) target_semaphore(%run_scoped3A : memref<!tpu.dma_semaphore, #tpu.memory_space<semaphore_mem>>)
      %dma_wait3A = tpu.memref_slice %arg4[%mul3A_160] : memref<2752512xf32, #tpu.memory_space<hbm>> -> memref<3072xf32, #tpu.memory_space<hbm>>
      %dma_wait3A_284 = tpu.memref_slice %arg4[%mul3A_160] : memref<2752512xf32, #tpu.memory_space<hbm>> -> memref<3072xf32, #tpu.memory_space<hbm>>
      tpu.wait_dma2 semaphore(%run_scoped3A : memref<!tpu.dma_semaphore, #tpu.memory_space<semaphore_mem>>) src(%arg11 : memref<3072xf32, #tpu.memory_space<vmem>>) dst(%dma_wait3A_284 : memref<3072xf32, #tpu.memory_space<hbm>>)
      tpu.yield
    }) : () -> ()
    %add3A_161 = arith.constant 28672 : i32
    %add3A_162 = arith.addi %add3A_161, %mul3A_2 : i32
    %mul3A_163 = arith.constant 48 : i32
    %mul3A_164 = arith.muli %add3A_162, %mul3A_163 : i32
    "tpu.region"() ({
      %run_scoped3A = tpu.sem_alloc : memref<!tpu.dma_semaphore, #tpu.memory_space<semaphore_mem>>
      %dma_start3A = tpu.memref_slice %arg4[%mul3A_164] : memref<2752512xf32, #tpu.memory_space<hbm>> -> memref<3072xf32, #tpu.memory_space<hbm>>
      %dma_start3A_283 = tpu.memref_slice %arg4[%mul3A_164] : memref<2752512xf32, #tpu.memory_space<hbm>> -> memref<3072xf32, #tpu.memory_space<hbm>>
      tpu.enqueue_dma source(%arg12 : memref<3072xf32, #tpu.memory_space<vmem>>) target(%dma_start3A_283 : memref<3072xf32, #tpu.memory_space<hbm>>) target_semaphore(%run_scoped3A : memref<!tpu.dma_semaphore, #tpu.memory_space<semaphore_mem>>)
      %dma_wait3A = tpu.memref_slice %arg4[%mul3A_164] : memref<2752512xf32, #tpu.memory_space<hbm>> -> memref<3072xf32, #tpu.memory_space<hbm>>
      %dma_wait3A_284 = tpu.memref_slice %arg4[%mul3A_164] : memref<2752512xf32, #tpu.memory_space<hbm>> -> memref<3072xf32, #tpu.memory_space<hbm>>
      tpu.wait_dma2 semaphore(%run_scoped3A : memref<!tpu.dma_semaphore, #tpu.memory_space<semaphore_mem>>) src(%arg12 : memref<3072xf32, #tpu.memory_space<vmem>>) dst(%dma_wait3A_284 : memref<3072xf32, #tpu.memory_space<hbm>>)
      tpu.yield
    }) : () -> ()
    %add3A_165 = arith.constant 30720 : i32
    %add3A_166 = arith.addi %add3A_165, %mul3A_2 : i32
    %mul3A_167 = arith.constant 48 : i32
    %mul3A_168 = arith.muli %add3A_166, %mul3A_167 : i32
    "tpu.region"() ({
      %run_scoped3A = tpu.sem_alloc : memref<!tpu.dma_semaphore, #tpu.memory_space<semaphore_mem>>
      %dma_start3A = tpu.memref_slice %arg4[%mul3A_168] : memref<2752512xf32, #tpu.memory_space<hbm>> -> memref<3072xf32, #tpu.memory_space<hbm>>
      %dma_start3A_283 = tpu.memref_slice %arg4[%mul3A_168] : memref<2752512xf32, #tpu.memory_space<hbm>> -> memref<3072xf32, #tpu.memory_space<hbm>>
      tpu.enqueue_dma source(%arg13 : memref<3072xf32, #tpu.memory_space<vmem>>) target(%dma_start3A_283 : memref<3072xf32, #tpu.memory_space<hbm>>) target_semaphore(%run_scoped3A : memref<!tpu.dma_semaphore, #tpu.memory_space<semaphore_mem>>)
      %dma_wait3A = tpu.memref_slice %arg4[%mul3A_168] : memref<2752512xf32, #tpu.memory_space<hbm>> -> memref<3072xf32, #tpu.memory_space<hbm>>
      %dma_wait3A_284 = tpu.memref_slice %arg4[%mul3A_168] : memref<2752512xf32, #tpu.memory_space<hbm>> -> memref<3072xf32, #tpu.memory_space<hbm>>
      tpu.wait_dma2 semaphore(%run_scoped3A : memref<!tpu.dma_semaphore, #tpu.memory_space<semaphore_mem>>) src(%arg13 : memref<3072xf32, #tpu.memory_space<vmem>>) dst(%dma_wait3A_284 : memref<3072xf32, #tpu.memory_space<hbm>>)
      tpu.yield
    }) : () -> ()
    %scan3A_169 = arith.constant 0 : i32
    %scan3A_170 = arith.constant 0 : i32
    %scan3A_171 = arith.constant 32 : i32
    %scan3A_172 = arith.addi %scan3A_170, %scan3A_171 : i32
    %scan3A_173 = arith.constant 1 : i32
    scf.for %scan3A_283 = %scan3A_170 to %scan3A_172 step %scan3A_173  : i32 {
      %mul3A_284 = arith.constant 2 : i32
      %mul3A_285 = arith.muli %mul3A_284, %scan3A_283 : i32
      %jit3A = arith.constant 16 : i32
      %div3A = arith.divsi %mul3A_285, %jit3A : i32
      %sign3A = arith.constant 0 : i32
      %sign3A_286 = arith.cmpi sgt, %mul3A_285, %sign3A : i32
      %sign3A_287 = arith.extui %sign3A_286 : i1 to i32
      %sign3A_288 = arith.constant 0 : i32
      %sign3A_289 = arith.cmpi slt, %mul3A_285, %sign3A_288 : i32
      %sign3A_290 = arith.extui %sign3A_289 : i1 to i32
      %sign3A_291 = arith.subi %sign3A_287, %sign3A_290 : i32
      %sign3A_292 = arith.constant 0 : i32
      %sign3A_293 = arith.cmpi sgt, %jit3A, %sign3A_292 : i32
      %sign3A_294 = arith.extui %sign3A_293 : i1 to i32
      %sign3A_295 = arith.constant 0 : i32
      %sign3A_296 = arith.cmpi slt, %jit3A, %sign3A_295 : i32
      %sign3A_297 = arith.extui %sign3A_296 : i1 to i32
      %sign3A_298 = arith.subi %sign3A_294, %sign3A_297 : i32
      %ne3A = arith.cmpi ne, %sign3A_291, %sign3A_298 : i32
      %rem3A = arith.remsi %mul3A_285, %jit3A : i32
      %ne3A_299 = arith.constant 0 : i32
      %ne3A_300 = arith.cmpi ne, %rem3A, %ne3A_299 : i32
      %and3A = arith.andi %ne3A, %ne3A_300 : i1
      %sub3A = arith.constant 1 : i32
      %sub3A_301 = arith.subi %div3A, %sub3A : i32
      %select_n3A = arith.select %and3A, %sub3A_301, %div3A : i32
      %mul3A_302 = arith.constant 16 : i32
      %mul3A_303 = arith.muli %select_n3A, %mul3A_302 : i32
      %add3A_304 = arith.addi %mul3A_2, %mul3A_303 : i32
      %add3A_305 = arith.constant 0 : i32
      %add3A_306 = arith.addi %add3A_305, %add3A_304 : i32
      %get3A = arith.index_cast %add3A_306 : i32 to index
      %get3A_307 = tpu.vector_load %arg5[%get3A] {strides = array<i32>} : memref<18432xf32, #tpu.memory_space<vmem>>, vector<16xf32>,
      %add3A_308 = arith.constant 2048 : i32
      %add3A_309 = arith.addi %add3A_308, %add3A_304 : i32
      %get3A_310 = arith.index_cast %add3A_309 : i32 to index
      %get3A_311 = tpu.vector_load %arg5[%get3A_310] {strides = array<i32>} : memref<18432xf32, #tpu.memory_space<vmem>>, vector<16xf32>,
      %add3A_312 = arith.constant 4096 : i32
      %add3A_313 = arith.addi %add3A_312, %add3A_304 : i32
      %get3A_314 = arith.index_cast %add3A_313 : i32 to index
      %get3A_315 = tpu.vector_load %arg5[%get3A_314] {strides = array<i32>} : memref<18432xf32, #tpu.memory_space<vmem>>, vector<16xf32>,
      %jit3A_316 = arith.constant 16 : i32
      %eq3A = arith.constant 0 : i32
      %eq3A_317 = arith.cmpi eq, %jit3A_316, %eq3A : i32
      %jit3A_318 = arith.constant 1 : i32
      %select_n3A_319 = arith.select %eq3A_317, %jit3A_318, %jit3A_316 : i32
      %rem3A_320 = arith.remsi %mul3A_285, %select_n3A_319 : i32
      %ne3A_321 = arith.constant 0 : i32
      %ne3A_322 = arith.cmpi ne, %rem3A_320, %ne3A_321 : i32
      %lt3A = arith.constant 0 : i32
      %lt3A_323 = arith.cmpi slt, %rem3A_320, %lt3A : i32
      %lt3A_324 = arith.constant 0 : i32
      %lt3A_325 = arith.cmpi slt, %select_n3A_319, %lt3A_324 : i32
      %ne3A_326 = arith.xori %lt3A_323, %lt3A_325 : i1
      %and3A_327 = arith.andi %ne3A_326, %ne3A_322 : i1
      %add3A_328 = arith.addi %rem3A_320, %select_n3A_319 : i32
      %select_n3A_329 = arith.select %and3A_327, %add3A_328, %rem3A_320 : i32
      %broadcast_in_dim3A_330 = vector.broadcast %select_n3A_329 : i32 to vector<16xi32>
      %lt3A_331 = arith.constant 0 : i32
      %lt3A_332 = vector.broadcast %lt3A_331 : i32 to vector<16xi32>
      %lt3A_333 = arith.cmpi slt, %broadcast_in_dim3A_330, %lt3A_332 : vector<16xi32>
      %add3A_334 = arith.constant 16 : i32
      %add3A_335 = vector.broadcast %add3A_334 : i32 to vector<16xi32>
      %add3A_336 = arith.addi %broadcast_in_dim3A_330, %add3A_335 : vector<16xi32>
      %select_n3A_337 = arith.select %lt3A_333, %add3A_336, %broadcast_in_dim3A_330 : vector<16xi1>, vector<16xi32>
      %broadcast_in_dim3A_338 = vector.shape_cast %select_n3A_337 : vector<16xi32> to vector<16x1xi32>
      %gather3A = vector.shape_cast %broadcast_in_dim3A_338 : vector<16x1xi32> to vector<16xi32>
      %gather3A_339 = tpu.dynamic_gather %get3A_307[%gather3A] in [0] : vector<16xf32>, vector<16xi32> -> vector<16xf32>
      %broadcast_in_dim3A_340 = vector.broadcast %select_n3A_329 : i32 to vector<16xi32>
      %lt3A_341 = arith.constant 0 : i32
      %lt3A_342 = vector.broadcast %lt3A_341 : i32 to vector<16xi32>
      %lt3A_343 = arith.cmpi slt, %broadcast_in_dim3A_340, %lt3A_342 : vector<16xi32>
      %add3A_344 = arith.constant 16 : i32
      %add3A_345 = vector.broadcast %add3A_344 : i32 to vector<16xi32>
      %add3A_346 = arith.addi %broadcast_in_dim3A_340, %add3A_345 : vector<16xi32>
      %select_n3A_347 = arith.select %lt3A_343, %add3A_346, %broadcast_in_dim3A_340 : vector<16xi1>, vector<16xi32>
      %broadcast_in_dim3A_348 = vector.shape_cast %select_n3A_347 : vector<16xi32> to vector<16x1xi32>
      %gather3A_349 = vector.shape_cast %broadcast_in_dim3A_348 : vector<16x1xi32> to vector<16xi32>
      %gather3A_350 = tpu.dynamic_gather %get3A_311[%gather3A_349] in [0] : vector<16xf32>, vector<16xi32> -> vector<16xf32>
      %broadcast_in_dim3A_351 = vector.broadcast %select_n3A_329 : i32 to vector<16xi32>
      %lt3A_352 = arith.constant 0 : i32
      %lt3A_353 = vector.broadcast %lt3A_352 : i32 to vector<16xi32>
      %lt3A_354 = arith.cmpi slt, %broadcast_in_dim3A_351, %lt3A_353 : vector<16xi32>
      %add3A_355 = arith.constant 16 : i32
      %add3A_356 = vector.broadcast %add3A_355 : i32 to vector<16xi32>
      %add3A_357 = arith.addi %broadcast_in_dim3A_351, %add3A_356 : vector<16xi32>
      %select_n3A_358 = arith.select %lt3A_354, %add3A_357, %broadcast_in_dim3A_351 : vector<16xi1>, vector<16xi32>
      %broadcast_in_dim3A_359 = vector.shape_cast %select_n3A_358 : vector<16xi32> to vector<16x1xi32>
      %gather3A_360 = vector.shape_cast %broadcast_in_dim3A_359 : vector<16x1xi32> to vector<16xi32>
      %gather3A_361 = tpu.dynamic_gather %get3A_315[%gather3A_360] in [0] : vector<16xf32>, vector<16xi32> -> vector<16xf32>
      %add3A_362 = arith.constant 1 : i32
      %add3A_363 = arith.addi %select_n3A_329, %add3A_362 : i32
      %broadcast_in_dim3A_364 = vector.broadcast %add3A_363 : i32 to vector<16xi32>
      %lt3A_365 = arith.constant 0 : i32
      %lt3A_366 = vector.broadcast %lt3A_365 : i32 to vector<16xi32>
      %lt3A_367 = arith.cmpi slt, %broadcast_in_dim3A_364, %lt3A_366 : vector<16xi32>
      %add3A_368 = arith.constant 16 : i32
      %add3A_369 = vector.broadcast %add3A_368 : i32 to vector<16xi32>
      %add3A_370 = arith.addi %broadcast_in_dim3A_364, %add3A_369 : vector<16xi32>
      %select_n3A_371 = arith.select %lt3A_367, %add3A_370, %broadcast_in_dim3A_364 : vector<16xi1>, vector<16xi32>
      %broadcast_in_dim3A_372 = vector.shape_cast %select_n3A_371 : vector<16xi32> to vector<16x1xi32>
      %gather3A_373 = vector.shape_cast %broadcast_in_dim3A_372 : vector<16x1xi32> to vector<16xi32>
      %gather3A_374 = tpu.dynamic_gather %get3A_307[%gather3A_373] in [0] : vector<16xf32>, vector<16xi32> -> vector<16xf32>
      %add3A_375 = arith.constant 1 : i32
      %add3A_376 = arith.addi %select_n3A_329, %add3A_375 : i32
      %broadcast_in_dim3A_377 = vector.broadcast %add3A_376 : i32 to vector<16xi32>
      %lt3A_378 = arith.constant 0 : i32
      %lt3A_379 = vector.broadcast %lt3A_378 : i32 to vector<16xi32>
      %lt3A_380 = arith.cmpi slt, %broadcast_in_dim3A_377, %lt3A_379 : vector<16xi32>
      %add3A_381 = arith.constant 16 : i32
      %add3A_382 = vector.broadcast %add3A_381 : i32 to vector<16xi32>
      %add3A_383 = arith.addi %broadcast_in_dim3A_377, %add3A_382 : vector<16xi32>
      %select_n3A_384 = arith.select %lt3A_380, %add3A_383, %broadcast_in_dim3A_377 : vector<16xi1>, vector<16xi32>
      %broadcast_in_dim3A_385 = vector.shape_cast %select_n3A_384 : vector<16xi32> to vector<16x1xi32>
      %gather3A_386 = vector.shape_cast %broadcast_in_dim3A_385 : vector<16x1xi32> to vector<16xi32>
      %gather3A_387 = tpu.dynamic_gather %get3A_311[%gather3A_386] in [0] : vector<16xf32>, vector<16xi32> -> vector<16xf32>
      %add3A_388 = arith.constant 1 : i32
      %add3A_389 = arith.addi %select_n3A_329, %add3A_388 : i32
      %broadcast_in_dim3A_390 = vector.broadcast %add3A_389 : i32 to vector<16xi32>
      %lt3A_391 = arith.constant 0 : i32
      %lt3A_392 = vector.broadcast %lt3A_391 : i32 to vector<16xi32>
      %lt3A_393 = arith.cmpi slt, %broadcast_in_dim3A_390, %lt3A_392 : vector<16xi32>
      %add3A_394 = arith.constant 16 : i32
      %add3A_395 = vector.broadcast %add3A_394 : i32 to vector<16xi32>
      %add3A_396 = arith.addi %broadcast_in_dim3A_390, %add3A_395 : vector<16xi32>
      %select_n3A_397 = arith.select %lt3A_393, %add3A_396, %broadcast_in_dim3A_390 : vector<16xi1>, vector<16xi32>
      %broadcast_in_dim3A_398 = vector.shape_cast %select_n3A_397 : vector<16xi32> to vector<16x1xi32>
      %gather3A_399 = vector.shape_cast %broadcast_in_dim3A_398 : vector<16x1xi32> to vector<16xi32>
      %gather3A_400 = tpu.dynamic_gather %get3A_315[%gather3A_399] in [0] : vector<16xf32>, vector<16xi32> -> vector<16xf32>
      %mul3A_401 = arith.constant 32 : i32
      %mul3A_402 = arith.muli %mul3A_285, %mul3A_401 : i32
      %mul3A_403 = arith.constant 48 : i32
      %mul3A_404 = arith.muli %mul3A_285, %mul3A_403 : i32
      %add3A_405 = arith.constant 32 : i32
      %add3A_406 = arith.addi %mul3A_402, %add3A_405 : i32
      %add3A_407 = arith.constant 48 : i32
      %add3A_408 = arith.addi %mul3A_404, %add3A_407 : i32
      %add3A_409 = arith.constant 16 : i32
      %add3A_410 = arith.addi %mul3A_402, %add3A_409 : i32
      %broadcast_in_dim3A_411 = vector.broadcast %add3A_410 : i32 to vector<16xi32>
      %add3A_412 = arith.constant 32 : i32
      %add3A_413 = arith.addi %mul3A_404, %add3A_412 : i32
      %broadcast_in_dim3A_414 = vector.broadcast %add3A_413 : i32 to vector<16xi32>
      %add3A_415 = arith.constant 16 : i32
      %add3A_416 = arith.addi %add3A_406, %add3A_415 : i32
      %broadcast_in_dim3A_417 = vector.broadcast %add3A_416 : i32 to vector<16xi32>
      %add3A_418 = arith.constant 32 : i32
      %add3A_419 = arith.addi %add3A_408, %add3A_418 : i32
      %broadcast_in_dim3A_420 = vector.broadcast %add3A_419 : i32 to vector<16xi32>
      %sub3A_421 = arith.constant 1 : i32
      %sub3A_422 = arith.subi %mul3A_402, %sub3A_421 : i32
      %broadcast_in_dim3A_423 = vector.broadcast %sub3A_422 : i32 to vector<16xi32>
      %sub3A_424 = arith.constant 1 : i32
      %sub3A_425 = arith.subi %mul3A_404, %sub3A_424 : i32
      %broadcast_in_dim3A_426 = vector.broadcast %sub3A_425 : i32 to vector<16xi32>
      %sub3A_427 = arith.constant 1 : i32
      %sub3A_428 = arith.subi %add3A_406, %sub3A_427 : i32
      %broadcast_in_dim3A_429 = vector.broadcast %sub3A_428 : i32 to vector<16xi32>
      %sub3A_430 = arith.constant 1 : i32
      %sub3A_431 = arith.subi %add3A_408, %sub3A_430 : i32
      %broadcast_in_dim3A_432 = vector.broadcast %sub3A_431 : i32 to vector<16xi32>
      %scan3A_433 = arith.constant 0 : i32
      %scan3A_434 = arith.constant 128 : i32
      %scan3A_435 = arith.addi %scan3A_433, %scan3A_434 : i32
      %scan3A_436 = arith.constant 1 : i32
      %scan3A_437:4 = scf.for %scan3A_533 = %scan3A_433 to %scan3A_435 step %scan3A_436 iter_args(%scan3A_534 = %broadcast_in_dim3A_423, %scan3A_535 = %broadcast_in_dim3A_426, %scan3A_536 = %broadcast_in_dim3A_429, %scan3A_537 = %broadcast_in_dim3A_432) -> (vector<16xi32>, vector<16xi32>, vector<16xi32>, vector<16xi32>)  : i32 {
        %mul3A_538 = arith.constant 16 : i32
        %mul3A_539 = arith.muli %scan3A_533, %mul3A_538 : i32
        %add3A_540 = arith.constant 12288 : i32
        %add3A_541 = arith.addi %add3A_540, %mul3A_539 : i32
        %get3A_542 = arith.index_cast %add3A_541 : i32 to index
        %get3A_543 = tpu.vector_load %arg5[%get3A_542] {strides = array<i32>} : memref<18432xf32, #tpu.memory_space<vmem>>, vector<16xf32>,
        %add3A_544 = arith.constant 14336 : i32
        %add3A_545 = arith.addi %add3A_544, %mul3A_539 : i32
        %get3A_546 = arith.index_cast %add3A_545 : i32 to index
        %get3A_547 = tpu.vector_load %arg5[%get3A_546] {strides = array<i32>} : memref<18432xf32, #tpu.memory_space<vmem>>, vector<16xf32>,
        %add3A_548 = arith.constant 16384 : i32
        %add3A_549 = arith.addi %add3A_548, %mul3A_539 : i32
        %get3A_550 = arith.index_cast %add3A_549 : i32 to index
        %get3A_551 = tpu.vector_load %arg5[%get3A_550] {strides = array<i32>} : memref<18432xf32, #tpu.memory_space<vmem>>, vector<16xf32>,
        %sub3A_552 = arith.subf %get3A_543, %gather3A_339 : vector<16xf32>
        %sub3A_553 = arith.subf %get3A_547, %gather3A_350 : vector<16xf32>
        %sub3A_554 = arith.subf %get3A_551, %gather3A_361 : vector<16xf32>
        %mul3A_555 = arith.mulf %sub3A_552, %sub3A_552 : vector<16xf32>
        %mul3A_556 = arith.mulf %sub3A_553, %sub3A_553 : vector<16xf32>
        %add3A_557 = arith.addf %mul3A_555, %mul3A_556 : vector<16xf32>
        %mul3A_558 = arith.mulf %sub3A_554, %sub3A_554 : vector<16xf32>
        %add3A_559 = arith.addf %add3A_557, %mul3A_558 : vector<16xf32>
        %le3A = arith.constant 4.000000e-02 : f32
        %le3A_560 = vector.broadcast %le3A : f32 to vector<16xf32>
        %le3A_561 = arith.cmpf ole, %add3A_559, %le3A_560 : vector<16xf32>
        %le3A_562 = arith.constant 0.00999999977 : f32
        %le3A_563 = vector.broadcast %le3A_562 : f32 to vector<16xf32>
        %le3A_564 = arith.cmpf ole, %add3A_559, %le3A_563 : vector<16xf32>
        %convert_element_type3A_565 = arith.extui %le3A_561 : vector<16xi1> to vector<16xi32>
        %broadcast_in_dim3A_566 = arith.constant true
        %broadcast_in_dim3A_567 = vector.broadcast %broadcast_in_dim3A_566 : i1 to vector<16xi1>
        %masked_cumsum3A = tpu.scan <sum>, %convert_element_type3A_565 masked %broadcast_in_dim3A_567 : vector<16xi32>, vector<16xi1> -> vector<16xi32>
        %add3A_568 = arith.addi %scan3A_535, %masked_cumsum3A : vector<16xi32>
        %convert_element_type3A_569 = arith.extui %le3A_564 : vector<16xi1> to vector<16xi32>
        %broadcast_in_dim3A_570 = arith.constant true
        %broadcast_in_dim3A_571 = vector.broadcast %broadcast_in_dim3A_570 : i1 to vector<16xi1>
        %masked_cumsum3A_572 = tpu.scan <sum>, %convert_element_type3A_569 masked %broadcast_in_dim3A_571 : vector<16xi32>, vector<16xi1> -> vector<16xi32>
        %add3A_573 = arith.addi %scan3A_534, %masked_cumsum3A_572 : vector<16xi32>
        %lt3A_574 = arith.cmpi slt, %add3A_568, %broadcast_in_dim3A_414 : vector<16xi32>
        %and3A_575 = arith.andi %le3A_561, %lt3A_574 : vector<16xi1>
        %lt3A_576 = arith.cmpi slt, %add3A_573, %broadcast_in_dim3A_411 : vector<16xi32>
        %and3A_577 = arith.andi %le3A_564, %lt3A_576 : vector<16xi1>
        tpu.vector_store_idx %arg10[%add3A_568], %sub3A_552 masked %and3A_575 : memref<3072xf32, #tpu.memory_space<vmem>>[vector<16xi32>], vector<16xf32>, vector<16xi1>
        tpu.vector_store_idx %arg11[%add3A_568], %sub3A_553 masked %and3A_575 : memref<3072xf32, #tpu.memory_space<vmem>>[vector<16xi32>], vector<16xf32>, vector<16xi1>
        tpu.vector_store_idx %arg12[%add3A_568], %sub3A_554 masked %and3A_575 : memref<3072xf32, #tpu.memory_space<vmem>>[vector<16xi32>], vector<16xf32>, vector<16xi1>
        tpu.vector_store_idx %arg6[%add3A_573], %sub3A_552 masked %and3A_577 : memref<2048xf32, #tpu.memory_space<vmem>>[vector<16xi32>], vector<16xf32>, vector<16xi1>
        tpu.vector_store_idx %arg7[%add3A_573], %sub3A_553 masked %and3A_577 : memref<2048xf32, #tpu.memory_space<vmem>>[vector<16xi32>], vector<16xf32>, vector<16xi1>
        tpu.vector_store_idx %arg8[%add3A_573], %sub3A_554 masked %and3A_577 : memref<2048xf32, #tpu.memory_space<vmem>>[vector<16xi32>], vector<16xf32>, vector<16xi1>
        %all_reduce_population_count3A = tpu.all_reduce %le3A_561 {dim = 0 : i64, kind = #tpu.reduction_kind<sum>} : vector<16xi1> -> vector<16xi32>
        %add3A_578 = arith.addi %scan3A_535, %all_reduce_population_count3A : vector<16xi32>
        %sub3A_579 = arith.constant 1 : i32
        %sub3A_580 = vector.broadcast %sub3A_579 : i32 to vector<16xi32>
        %sub3A_581 = arith.subi %broadcast_in_dim3A_414, %sub3A_580 : vector<16xi32>
        %min3A = arith.minsi %add3A_578, %sub3A_581 : vector<16xi32>
        %all_reduce_population_count3A_582 = tpu.all_reduce %le3A_564 {dim = 0 : i64, kind = #tpu.reduction_kind<sum>} : vector<16xi1> -> vector<16xi32>
        %add3A_583 = arith.addi %scan3A_534, %all_reduce_population_count3A_582 : vector<16xi32>
        %sub3A_584 = arith.constant 1 : i32
        %sub3A_585 = vector.broadcast %sub3A_584 : i32 to vector<16xi32>
        %sub3A_586 = arith.subi %broadcast_in_dim3A_411, %sub3A_585 : vector<16xi32>
        %min3A_587 = arith.minsi %add3A_583, %sub3A_586 : vector<16xi32>
        %sub3A_588 = arith.subf %get3A_543, %gather3A_374 : vector<16xf32>
        %sub3A_589 = arith.subf %get3A_547, %gather3A_387 : vector<16xf32>
        %sub3A_590 = arith.subf %get3A_551, %gather3A_400 : vector<16xf32>
        %mul3A_591 = arith.mulf %sub3A_588, %sub3A_588 : vector<16xf32>
        %mul3A_592 = arith.mulf %sub3A_589, %sub3A_589 : vector<16xf32>
        %add3A_593 = arith.addf %mul3A_591, %mul3A_592 : vector<16xf32>
        %mul3A_594 = arith.mulf %sub3A_590, %sub3A_590 : vector<16xf32>
        %add3A_595 = arith.addf %add3A_593, %mul3A_594 : vector<16xf32>
        %le3A_596 = arith.constant 4.000000e-02 : f32
        %le3A_597 = vector.broadcast %le3A_596 : f32 to vector<16xf32>
        %le3A_598 = arith.cmpf ole, %add3A_595, %le3A_597 : vector<16xf32>
        %le3A_599 = arith.constant 0.00999999977 : f32
        %le3A_600 = vector.broadcast %le3A_599 : f32 to vector<16xf32>
        %le3A_601 = arith.cmpf ole, %add3A_595, %le3A_600 : vector<16xf32>
        %convert_element_type3A_602 = arith.extui %le3A_598 : vector<16xi1> to vector<16xi32>
        %broadcast_in_dim3A_603 = arith.constant true
        %broadcast_in_dim3A_604 = vector.broadcast %broadcast_in_dim3A_603 : i1 to vector<16xi1>
        %masked_cumsum3A_605 = tpu.scan <sum>, %convert_element_type3A_602 masked %broadcast_in_dim3A_604 : vector<16xi32>, vector<16xi1> -> vector<16xi32>
        %add3A_606 = arith.addi %scan3A_537, %masked_cumsum3A_605 : vector<16xi32>
        %convert_element_type3A_607 = arith.extui %le3A_601 : vector<16xi1> to vector<16xi32>
        %broadcast_in_dim3A_608 = arith.constant true
        %broadcast_in_dim3A_609 = vector.broadcast %broadcast_in_dim3A_608 : i1 to vector<16xi1>
        %masked_cumsum3A_610 = tpu.scan <sum>, %convert_element_type3A_607 masked %broadcast_in_dim3A_609 : vector<16xi32>, vector<16xi1> -> vector<16xi32>
        %add3A_611 = arith.addi %scan3A_536, %masked_cumsum3A_610 : vector<16xi32>
        %lt3A_612 = arith.cmpi slt, %add3A_606, %broadcast_in_dim3A_420 : vector<16xi32>
        %and3A_613 = arith.andi %le3A_598, %lt3A_612 : vector<16xi1>
        %lt3A_614 = arith.cmpi slt, %add3A_611, %broadcast_in_dim3A_417 : vector<16xi32>
        %and3A_615 = arith.andi %le3A_601, %lt3A_614 : vector<16xi1>
        tpu.vector_store_idx %arg10[%add3A_606], %sub3A_588 masked %and3A_613 : memref<3072xf32, #tpu.memory_space<vmem>>[vector<16xi32>], vector<16xf32>, vector<16xi1>
        tpu.vector_store_idx %arg11[%add3A_606], %sub3A_589 masked %and3A_613 : memref<3072xf32, #tpu.memory_space<vmem>>[vector<16xi32>], vector<16xf32>, vector<16xi1>
        tpu.vector_store_idx %arg12[%add3A_606], %sub3A_590 masked %and3A_613 : memref<3072xf32, #tpu.memory_space<vmem>>[vector<16xi32>], vector<16xf32>, vector<16xi1>
        tpu.vector_store_idx %arg6[%add3A_611], %sub3A_588 masked %and3A_615 : memref<2048xf32, #tpu.memory_space<vmem>>[vector<16xi32>], vector<16xf32>, vector<16xi1>
        tpu.vector_store_idx %arg7[%add3A_611], %sub3A_589 masked %and3A_615 : memref<2048xf32, #tpu.memory_space<vmem>>[vector<16xi32>], vector<16xf32>, vector<16xi1>
        tpu.vector_store_idx %arg8[%add3A_611], %sub3A_590 masked %and3A_615 : memref<2048xf32, #tpu.memory_space<vmem>>[vector<16xi32>], vector<16xf32>, vector<16xi1>
        %all_reduce_population_count3A_616 = tpu.all_reduce %le3A_598 {dim = 0 : i64, kind = #tpu.reduction_kind<sum>} : vector<16xi1> -> vector<16xi32>
        %add3A_617 = arith.addi %scan3A_537, %all_reduce_population_count3A_616 : vector<16xi32>
        %sub3A_618 = arith.constant 1 : i32
        %sub3A_619 = vector.broadcast %sub3A_618 : i32 to vector<16xi32>
        %sub3A_620 = arith.subi %broadcast_in_dim3A_420, %sub3A_619 : vector<16xi32>
        %min3A_621 = arith.minsi %add3A_617, %sub3A_620 : vector<16xi32>
        %all_reduce_population_count3A_622 = tpu.all_reduce %le3A_601 {dim = 0 : i64, kind = #tpu.reduction_kind<sum>} : vector<16xi1> -> vector<16xi32>
        %add3A_623 = arith.addi %scan3A_536, %all_reduce_population_count3A_622 : vector<16xi32>
        %sub3A_624 = arith.constant 1 : i32
        %sub3A_625 = vector.broadcast %sub3A_624 : i32 to vector<16xi32>
        %sub3A_626 = arith.subi %broadcast_in_dim3A_417, %sub3A_625 : vector<16xi32>
        %min3A_627 = arith.minsi %add3A_623, %sub3A_626 : vector<16xi32>
        scf.yield %min3A_587, %min3A, %min3A_627, %min3A_621 : vector<16xi32>, vector<16xi32>, vector<16xi32>, vector<16xi32>
      }
      %scan3A_438 = arith.constant 128 : i32
      %sub3A_439 = arith.constant 1 : i32
      %sub3A_440 = arith.subi %mul3A_402, %sub3A_439 : i32
      %sub3A_441 = vector.broadcast %sub3A_440 : i32 to vector<16xi32>
      %sub3A_442 = arith.subi %scan3A_437#0, %sub3A_441 : vector<16xi32>
      %sub3A_443 = arith.constant 1 : i32
      %sub3A_444 = arith.subi %mul3A_404, %sub3A_443 : i32
      %sub3A_445 = vector.broadcast %sub3A_444 : i32 to vector<16xi32>
      %sub3A_446 = arith.subi %scan3A_437#1, %sub3A_445 : vector<16xi32>
      %lt3A_447 = arith.cmpi slt, %iota3A, %sub3A_442 : vector<16xi32>
      %convert_element_type3A = arith.extui %lt3A_447 : vector<16xi1> to vector<16xi32>
      %convert_element_type3A_448 = arith.sitofp %convert_element_type3A : vector<16xi32> to vector<16xf32>
      %swap3A = arith.index_cast %mul3A_402 : i32 to index
      %swap3A_449 = tpu.vector_load %arg9[%swap3A] {strides = array<i32>} : memref<2048xf32, #tpu.memory_space<vmem>>, vector<16xf32>,
      tpu.vector_store %arg9[%swap3A], %convert_element_type3A_448 {strides = array<i32>} : memref<2048xf32, #tpu.memory_space<vmem>>, vector<16xf32>,
      %add3A_450 = arith.constant 16 : i32
      %add3A_451 = vector.broadcast %add3A_450 : i32 to vector<16xi32>
      %add3A_452 = arith.addi %iota3A, %add3A_451 : vector<16xi32>
      %lt3A_453 = arith.cmpi slt, %add3A_452, %sub3A_442 : vector<16xi32>
      %convert_element_type3A_454 = arith.extui %lt3A_453 : vector<16xi1> to vector<16xi32>
      %convert_element_type3A_455 = arith.sitofp %convert_element_type3A_454 : vector<16xi32> to vector<16xf32>
      %add3A_456 = arith.constant 16 : i32
      %add3A_457 = arith.addi %mul3A_402, %add3A_456 : i32
      %swap3A_458 = arith.index_cast %add3A_457 : i32 to index
      %swap3A_459 = tpu.vector_load %arg9[%swap3A_458] {strides = array<i32>} : memref<2048xf32, #tpu.memory_space<vmem>>, vector<16xf32>,
      tpu.vector_store %arg9[%swap3A_458], %convert_element_type3A_455 {strides = array<i32>} : memref<2048xf32, #tpu.memory_space<vmem>>, vector<16xf32>,
      %lt3A_460 = arith.cmpi slt, %iota3A, %sub3A_446 : vector<16xi32>
      %convert_element_type3A_461 = arith.extui %lt3A_460 : vector<16xi1> to vector<16xi32>
      %convert_element_type3A_462 = arith.sitofp %convert_element_type3A_461 : vector<16xi32> to vector<16xf32>
      %swap3A_463 = arith.index_cast %mul3A_404 : i32 to index
      %swap3A_464 = tpu.vector_load %arg13[%swap3A_463] {strides = array<i32>} : memref<3072xf32, #tpu.memory_space<vmem>>, vector<16xf32>,
      tpu.vector_store %arg13[%swap3A_463], %convert_element_type3A_462 {strides = array<i32>} : memref<3072xf32, #tpu.memory_space<vmem>>, vector<16xf32>,
      %add3A_465 = arith.constant 16 : i32
      %add3A_466 = vector.broadcast %add3A_465 : i32 to vector<16xi32>
      %add3A_467 = arith.addi %iota3A, %add3A_466 : vector<16xi32>
      %lt3A_468 = arith.cmpi slt, %add3A_467, %sub3A_446 : vector<16xi32>
      %convert_element_type3A_469 = arith.extui %lt3A_468 : vector<16xi1> to vector<16xi32>
      %convert_element_type3A_470 = arith.sitofp %convert_element_type3A_469 : vector<16xi32> to vector<16xf32>
      %add3A_471 = arith.constant 16 : i32
      %add3A_472 = arith.addi %mul3A_404, %add3A_471 : i32
      %swap3A_473 = arith.index_cast %add3A_472 : i32 to index
      %swap3A_474 = tpu.vector_load %arg13[%swap3A_473] {strides = array<i32>} : memref<3072xf32, #tpu.memory_space<vmem>>, vector<16xf32>,
      tpu.vector_store %arg13[%swap3A_473], %convert_element_type3A_470 {strides = array<i32>} : memref<3072xf32, #tpu.memory_space<vmem>>, vector<16xf32>,
      %add3A_475 = arith.constant 32 : i32
      %add3A_476 = vector.broadcast %add3A_475 : i32 to vector<16xi32>
      %add3A_477 = arith.addi %iota3A, %add3A_476 : vector<16xi32>
      %lt3A_478 = arith.cmpi slt, %add3A_477, %sub3A_446 : vector<16xi32>
      %convert_element_type3A_479 = arith.extui %lt3A_478 : vector<16xi1> to vector<16xi32>
      %convert_element_type3A_480 = arith.sitofp %convert_element_type3A_479 : vector<16xi32> to vector<16xf32>
      %add3A_481 = arith.constant 32 : i32
      %add3A_482 = arith.addi %mul3A_404, %add3A_481 : i32
      %swap3A_483 = arith.index_cast %add3A_482 : i32 to index
      %swap3A_484 = tpu.vector_load %arg13[%swap3A_483] {strides = array<i32>} : memref<3072xf32, #tpu.memory_space<vmem>>, vector<16xf32>,
      tpu.vector_store %arg13[%swap3A_483], %convert_element_type3A_480 {strides = array<i32>} : memref<3072xf32, #tpu.memory_space<vmem>>, vector<16xf32>,
      %sub3A_485 = arith.constant 1 : i32
      %sub3A_486 = arith.subi %add3A_406, %sub3A_485 : i32
      %sub3A_487 = vector.broadcast %sub3A_486 : i32 to vector<16xi32>
      %sub3A_488 = arith.subi %scan3A_437#2, %sub3A_487 : vector<16xi32>
      %sub3A_489 = arith.constant 1 : i32
      %sub3A_490 = arith.subi %add3A_408, %sub3A_489 : i32
      %sub3A_491 = vector.broadcast %sub3A_490 : i32 to vector<16xi32>
      %sub3A_492 = arith.subi %scan3A_437#3, %sub3A_491 : vector<16xi32>
      %lt3A_493 = arith.cmpi slt, %iota3A, %sub3A_488 : vector<16xi32>
      %convert_element_type3A_494 = arith.extui %lt3A_493 : vector<16xi1> to vector<16xi32>
      %convert_element_type3A_495 = arith.sitofp %convert_element_type3A_494 : vector<16xi32> to vector<16xf32>
      %swap3A_496 = arith.index_cast %add3A_406 : i32 to index
      %swap3A_497 = tpu.vector_load %arg9[%swap3A_496] {strides = array<i32>} : memref<2048xf32, #tpu.memory_space<vmem>>, vector<16xf32>,
      tpu.vector_store %arg9[%swap3A_496], %convert_element_type3A_495 {strides = array<i32>} : memref<2048xf32, #tpu.memory_space<vmem>>, vector<16xf32>,
      %add3A_498 = arith.constant 16 : i32
      %add3A_499 = vector.broadcast %add3A_498 : i32 to vector<16xi32>
      %add3A_500 = arith.addi %iota3A, %add3A_499 : vector<16xi32>
      %lt3A_501 = arith.cmpi slt, %add3A_500, %sub3A_488 : vector<16xi32>
      %convert_element_type3A_502 = arith.extui %lt3A_501 : vector<16xi1> to vector<16xi32>
      %convert_element_type3A_503 = arith.sitofp %convert_element_type3A_502 : vector<16xi32> to vector<16xf32>
      %add3A_504 = arith.constant 16 : i32
      %add3A_505 = arith.addi %add3A_406, %add3A_504 : i32
      %swap3A_506 = arith.index_cast %add3A_505 : i32 to index
      %swap3A_507 = tpu.vector_load %arg9[%swap3A_506] {strides = array<i32>} : memref<2048xf32, #tpu.memory_space<vmem>>, vector<16xf32>,
      tpu.vector_store %arg9[%swap3A_506], %convert_element_type3A_503 {strides = array<i32>} : memref<2048xf32, #tpu.memory_space<vmem>>, vector<16xf32>,
      %lt3A_508 = arith.cmpi slt, %iota3A, %sub3A_492 : vector<16xi32>
      %convert_element_type3A_509 = arith.extui %lt3A_508 : vector<16xi1> to vector<16xi32>
      %convert_element_type3A_510 = arith.sitofp %convert_element_type3A_509 : vector<16xi32> to vector<16xf32>
      %swap3A_511 = arith.index_cast %add3A_408 : i32 to index
      %swap3A_512 = tpu.vector_load %arg13[%swap3A_511] {strides = array<i32>} : memref<3072xf32, #tpu.memory_space<vmem>>, vector<16xf32>,
      tpu.vector_store %arg13[%swap3A_511], %convert_element_type3A_510 {strides = array<i32>} : memref<3072xf32, #tpu.memory_space<vmem>>, vector<16xf32>,
      %add3A_513 = arith.constant 16 : i32
      %add3A_514 = vector.broadcast %add3A_513 : i32 to vector<16xi32>
      %add3A_515 = arith.addi %iota3A, %add3A_514 : vector<16xi32>
      %lt3A_516 = arith.cmpi slt, %add3A_515, %sub3A_492 : vector<16xi32>
      %convert_element_type3A_517 = arith.extui %lt3A_516 : vector<16xi1> to vector<16xi32>
      %convert_element_type3A_518 = arith.sitofp %convert_element_type3A_517 : vector<16xi32> to vector<16xf32>
      %add3A_519 = arith.constant 16 : i32
      %add3A_520 = arith.addi %add3A_408, %add3A_519 : i32
      %swap3A_521 = arith.index_cast %add3A_520 : i32 to index
      %swap3A_522 = tpu.vector_load %arg13[%swap3A_521] {strides = array<i32>} : memref<3072xf32, #tpu.memory_space<vmem>>, vector<16xf32>,
      tpu.vector_store %arg13[%swap3A_521], %convert_element_type3A_518 {strides = array<i32>} : memref<3072xf32, #tpu.memory_space<vmem>>, vector<16xf32>,
      %add3A_523 = arith.constant 32 : i32
      %add3A_524 = vector.broadcast %add3A_523 : i32 to vector<16xi32>
      %add3A_525 = arith.addi %iota3A, %add3A_524 : vector<16xi32>
      %lt3A_526 = arith.cmpi slt, %add3A_525, %sub3A_492 : vector<16xi32>
      %convert_element_type3A_527 = arith.extui %lt3A_526 : vector<16xi1> to vector<16xi32>
      %convert_element_type3A_528 = arith.sitofp %convert_element_type3A_527 : vector<16xi32> to vector<16xf32>
      %add3A_529 = arith.constant 32 : i32
      %add3A_530 = arith.addi %add3A_408, %add3A_529 : i32
      %swap3A_531 = arith.index_cast %add3A_530 : i32 to index
      %swap3A_532 = tpu.vector_load %arg13[%swap3A_531] {strides = array<i32>} : memref<3072xf32, #tpu.memory_space<vmem>>, vector<16xf32>,
      tpu.vector_store %arg13[%swap3A_531], %convert_element_type3A_528 {strides = array<i32>} : memref<3072xf32, #tpu.memory_space<vmem>>, vector<16xf32>,
    }
    %scan3A_174 = arith.constant 32 : i32
    %add3A_175 = arith.constant 32768 : i32
    %add3A_176 = arith.addi %add3A_175, %mul3A_2 : i32
    %mul3A_177 = arith.constant 32 : i32
    %mul3A_178 = arith.muli %add3A_176, %mul3A_177 : i32
    "tpu.region"() ({
      %run_scoped3A = tpu.sem_alloc : memref<!tpu.dma_semaphore, #tpu.memory_space<semaphore_mem>>
      %dma_start3A = tpu.memref_slice %arg3[%mul3A_178] : memref<1835008xf32, #tpu.memory_space<hbm>> -> memref<2048xf32, #tpu.memory_space<hbm>>
      %dma_start3A_283 = tpu.memref_slice %arg3[%mul3A_178] : memref<1835008xf32, #tpu.memory_space<hbm>> -> memref<2048xf32, #tpu.memory_space<hbm>>
      tpu.enqueue_dma source(%arg6 : memref<2048xf32, #tpu.memory_space<vmem>>) target(%dma_start3A_283 : memref<2048xf32, #tpu.memory_space<hbm>>) target_semaphore(%run_scoped3A : memref<!tpu.dma_semaphore, #tpu.memory_space<semaphore_mem>>)
      %dma_wait3A = tpu.memref_slice %arg3[%mul3A_178] : memref<1835008xf32, #tpu.memory_space<hbm>> -> memref<2048xf32, #tpu.memory_space<hbm>>
      %dma_wait3A_284 = tpu.memref_slice %arg3[%mul3A_178] : memref<1835008xf32, #tpu.memory_space<hbm>> -> memref<2048xf32, #tpu.memory_space<hbm>>
      tpu.wait_dma2 semaphore(%run_scoped3A : memref<!tpu.dma_semaphore, #tpu.memory_space<semaphore_mem>>) src(%arg6 : memref<2048xf32, #tpu.memory_space<vmem>>) dst(%dma_wait3A_284 : memref<2048xf32, #tpu.memory_space<hbm>>)
      tpu.yield
    }) : () -> ()
    %add3A_179 = arith.constant 34816 : i32
    %add3A_180 = arith.addi %add3A_179, %mul3A_2 : i32
    %mul3A_181 = arith.constant 32 : i32
    %mul3A_182 = arith.muli %add3A_180, %mul3A_181 : i32
    "tpu.region"() ({
      %run_scoped3A = tpu.sem_alloc : memref<!tpu.dma_semaphore, #tpu.memory_space<semaphore_mem>>
      %dma_start3A = tpu.memref_slice %arg3[%mul3A_182] : memref<1835008xf32, #tpu.memory_space<hbm>> -> memref<2048xf32, #tpu.memory_space<hbm>>
      %dma_start3A_283 = tpu.memref_slice %arg3[%mul3A_182] : memref<1835008xf32, #tpu.memory_space<hbm>> -> memref<2048xf32, #tpu.memory_space<hbm>>
      tpu.enqueue_dma source(%arg7 : memref<2048xf32, #tpu.memory_space<vmem>>) target(%dma_start3A_283 : memref<2048xf32, #tpu.memory_space<hbm>>) target_semaphore(%run_scoped3A : memref<!tpu.dma_semaphore, #tpu.memory_space<semaphore_mem>>)
      %dma_wait3A = tpu.memref_slice %arg3[%mul3A_182] : memref<1835008xf32, #tpu.memory_space<hbm>> -> memref<2048xf32, #tpu.memory_space<hbm>>
      %dma_wait3A_284 = tpu.memref_slice %arg3[%mul3A_182] : memref<1835008xf32, #tpu.memory_space<hbm>> -> memref<2048xf32, #tpu.memory_space<hbm>>
      tpu.wait_dma2 semaphore(%run_scoped3A : memref<!tpu.dma_semaphore, #tpu.memory_space<semaphore_mem>>) src(%arg7 : memref<2048xf32, #tpu.memory_space<vmem>>) dst(%dma_wait3A_284 : memref<2048xf32, #tpu.memory_space<hbm>>)
      tpu.yield
    }) : () -> ()
    %add3A_183 = arith.constant 36864 : i32
    %add3A_184 = arith.addi %add3A_183, %mul3A_2 : i32
    %mul3A_185 = arith.constant 32 : i32
    %mul3A_186 = arith.muli %add3A_184, %mul3A_185 : i32
    "tpu.region"() ({
      %run_scoped3A = tpu.sem_alloc : memref<!tpu.dma_semaphore, #tpu.memory_space<semaphore_mem>>
      %dma_start3A = tpu.memref_slice %arg3[%mul3A_186] : memref<1835008xf32, #tpu.memory_space<hbm>> -> memref<2048xf32, #tpu.memory_space<hbm>>
      %dma_start3A_283 = tpu.memref_slice %arg3[%mul3A_186] : memref<1835008xf32, #tpu.memory_space<hbm>> -> memref<2048xf32, #tpu.memory_space<hbm>>
      tpu.enqueue_dma source(%arg8 : memref<2048xf32, #tpu.memory_space<vmem>>) target(%dma_start3A_283 : memref<2048xf32, #tpu.memory_space<hbm>>) target_semaphore(%run_scoped3A : memref<!tpu.dma_semaphore, #tpu.memory_space<semaphore_mem>>)
      %dma_wait3A = tpu.memref_slice %arg3[%mul3A_186] : memref<1835008xf32, #tpu.memory_space<hbm>> -> memref<2048xf32, #tpu.memory_space<hbm>>
      %dma_wait3A_284 = tpu.memref_slice %arg3[%mul3A_186] : memref<1835008xf32, #tpu.memory_space<hbm>> -> memref<2048xf32, #tpu.memory_space<hbm>>
      tpu.wait_dma2 semaphore(%run_scoped3A : memref<!tpu.dma_semaphore, #tpu.memory_space<semaphore_mem>>) src(%arg8 : memref<2048xf32, #tpu.memory_space<vmem>>) dst(%dma_wait3A_284 : memref<2048xf32, #tpu.memory_space<hbm>>)
      tpu.yield
    }) : () -> ()
    %add3A_187 = arith.constant 38912 : i32
    %add3A_188 = arith.addi %add3A_187, %mul3A_2 : i32
    %mul3A_189 = arith.constant 32 : i32
    %mul3A_190 = arith.muli %add3A_188, %mul3A_189 : i32
    "tpu.region"() ({
      %run_scoped3A = tpu.sem_alloc : memref<!tpu.dma_semaphore, #tpu.memory_space<semaphore_mem>>
      %dma_start3A = tpu.memref_slice %arg3[%mul3A_190] : memref<1835008xf32, #tpu.memory_space<hbm>> -> memref<2048xf32, #tpu.memory_space<hbm>>
      %dma_start3A_283 = tpu.memref_slice %arg3[%mul3A_190] : memref<1835008xf32, #tpu.memory_space<hbm>> -> memref<2048xf32, #tpu.memory_space<hbm>>
      tpu.enqueue_dma source(%arg9 : memref<2048xf32, #tpu.memory_space<vmem>>) target(%dma_start3A_283 : memref<2048xf32, #tpu.memory_space<hbm>>) target_semaphore(%run_scoped3A : memref<!tpu.dma_semaphore, #tpu.memory_space<semaphore_mem>>)
      %dma_wait3A = tpu.memref_slice %arg3[%mul3A_190] : memref<1835008xf32, #tpu.memory_space<hbm>> -> memref<2048xf32, #tpu.memory_space<hbm>>
      %dma_wait3A_284 = tpu.memref_slice %arg3[%mul3A_190] : memref<1835008xf32, #tpu.memory_space<hbm>> -> memref<2048xf32, #tpu.memory_space<hbm>>
      tpu.wait_dma2 semaphore(%run_scoped3A : memref<!tpu.dma_semaphore, #tpu.memory_space<semaphore_mem>>) src(%arg9 : memref<2048xf32, #tpu.memory_space<vmem>>) dst(%dma_wait3A_284 : memref<2048xf32, #tpu.memory_space<hbm>>)
      tpu.yield
    }) : () -> ()
    %add3A_191 = arith.constant 32768 : i32
    %add3A_192 = arith.addi %add3A_191, %mul3A_2 : i32
    %mul3A_193 = arith.constant 48 : i32
    %mul3A_194 = arith.muli %add3A_192, %mul3A_193 : i32
    "tpu.region"() ({
      %run_scoped3A = tpu.sem_alloc : memref<!tpu.dma_semaphore, #tpu.memory_space<semaphore_mem>>
      %dma_start3A = tpu.memref_slice %arg4[%mul3A_194] : memref<2752512xf32, #tpu.memory_space<hbm>> -> memref<3072xf32, #tpu.memory_space<hbm>>
      %dma_start3A_283 = tpu.memref_slice %arg4[%mul3A_194] : memref<2752512xf32, #tpu.memory_space<hbm>> -> memref<3072xf32, #tpu.memory_space<hbm>>
      tpu.enqueue_dma source(%arg10 : memref<3072xf32, #tpu.memory_space<vmem>>) target(%dma_start3A_283 : memref<3072xf32, #tpu.memory_space<hbm>>) target_semaphore(%run_scoped3A : memref<!tpu.dma_semaphore, #tpu.memory_space<semaphore_mem>>)
      %dma_wait3A = tpu.memref_slice %arg4[%mul3A_194] : memref<2752512xf32, #tpu.memory_space<hbm>> -> memref<3072xf32, #tpu.memory_space<hbm>>
      %dma_wait3A_284 = tpu.memref_slice %arg4[%mul3A_194] : memref<2752512xf32, #tpu.memory_space<hbm>> -> memref<3072xf32, #tpu.memory_space<hbm>>
      tpu.wait_dma2 semaphore(%run_scoped3A : memref<!tpu.dma_semaphore, #tpu.memory_space<semaphore_mem>>) src(%arg10 : memref<3072xf32, #tpu.memory_space<vmem>>) dst(%dma_wait3A_284 : memref<3072xf32, #tpu.memory_space<hbm>>)
      tpu.yield
    }) : () -> ()
    %add3A_195 = arith.constant 34816 : i32
    %add3A_196 = arith.addi %add3A_195, %mul3A_2 : i32
    %mul3A_197 = arith.constant 48 : i32
    %mul3A_198 = arith.muli %add3A_196, %mul3A_197 : i32
    "tpu.region"() ({
      %run_scoped3A = tpu.sem_alloc : memref<!tpu.dma_semaphore, #tpu.memory_space<semaphore_mem>>
      %dma_start3A = tpu.memref_slice %arg4[%mul3A_198] : memref<2752512xf32, #tpu.memory_space<hbm>> -> memref<3072xf32, #tpu.memory_space<hbm>>
      %dma_start3A_283 = tpu.memref_slice %arg4[%mul3A_198] : memref<2752512xf32, #tpu.memory_space<hbm>> -> memref<3072xf32, #tpu.memory_space<hbm>>
      tpu.enqueue_dma source(%arg11 : memref<3072xf32, #tpu.memory_space<vmem>>) target(%dma_start3A_283 : memref<3072xf32, #tpu.memory_space<hbm>>) target_semaphore(%run_scoped3A : memref<!tpu.dma_semaphore, #tpu.memory_space<semaphore_mem>>)
      %dma_wait3A = tpu.memref_slice %arg4[%mul3A_198] : memref<2752512xf32, #tpu.memory_space<hbm>> -> memref<3072xf32, #tpu.memory_space<hbm>>
      %dma_wait3A_284 = tpu.memref_slice %arg4[%mul3A_198] : memref<2752512xf32, #tpu.memory_space<hbm>> -> memref<3072xf32, #tpu.memory_space<hbm>>
      tpu.wait_dma2 semaphore(%run_scoped3A : memref<!tpu.dma_semaphore, #tpu.memory_space<semaphore_mem>>) src(%arg11 : memref<3072xf32, #tpu.memory_space<vmem>>) dst(%dma_wait3A_284 : memref<3072xf32, #tpu.memory_space<hbm>>)
      tpu.yield
    }) : () -> ()
    %add3A_199 = arith.constant 36864 : i32
    %add3A_200 = arith.addi %add3A_199, %mul3A_2 : i32
    %mul3A_201 = arith.constant 48 : i32
    %mul3A_202 = arith.muli %add3A_200, %mul3A_201 : i32
    "tpu.region"() ({
      %run_scoped3A = tpu.sem_alloc : memref<!tpu.dma_semaphore, #tpu.memory_space<semaphore_mem>>
      %dma_start3A = tpu.memref_slice %arg4[%mul3A_202] : memref<2752512xf32, #tpu.memory_space<hbm>> -> memref<3072xf32, #tpu.memory_space<hbm>>
      %dma_start3A_283 = tpu.memref_slice %arg4[%mul3A_202] : memref<2752512xf32, #tpu.memory_space<hbm>> -> memref<3072xf32, #tpu.memory_space<hbm>>
      tpu.enqueue_dma source(%arg12 : memref<3072xf32, #tpu.memory_space<vmem>>) target(%dma_start3A_283 : memref<3072xf32, #tpu.memory_space<hbm>>) target_semaphore(%run_scoped3A : memref<!tpu.dma_semaphore, #tpu.memory_space<semaphore_mem>>)
      %dma_wait3A = tpu.memref_slice %arg4[%mul3A_202] : memref<2752512xf32, #tpu.memory_space<hbm>> -> memref<3072xf32, #tpu.memory_space<hbm>>
      %dma_wait3A_284 = tpu.memref_slice %arg4[%mul3A_202] : memref<2752512xf32, #tpu.memory_space<hbm>> -> memref<3072xf32, #tpu.memory_space<hbm>>
      tpu.wait_dma2 semaphore(%run_scoped3A : memref<!tpu.dma_semaphore, #tpu.memory_space<semaphore_mem>>) src(%arg12 : memref<3072xf32, #tpu.memory_space<vmem>>) dst(%dma_wait3A_284 : memref<3072xf32, #tpu.memory_space<hbm>>)
      tpu.yield
    }) : () -> ()
    %add3A_203 = arith.constant 38912 : i32
    %add3A_204 = arith.addi %add3A_203, %mul3A_2 : i32
    %mul3A_205 = arith.constant 48 : i32
    %mul3A_206 = arith.muli %add3A_204, %mul3A_205 : i32
    "tpu.region"() ({
      %run_scoped3A = tpu.sem_alloc : memref<!tpu.dma_semaphore, #tpu.memory_space<semaphore_mem>>
      %dma_start3A = tpu.memref_slice %arg4[%mul3A_206] : memref<2752512xf32, #tpu.memory_space<hbm>> -> memref<3072xf32, #tpu.memory_space<hbm>>
      %dma_start3A_283 = tpu.memref_slice %arg4[%mul3A_206] : memref<2752512xf32, #tpu.memory_space<hbm>> -> memref<3072xf32, #tpu.memory_space<hbm>>
      tpu.enqueue_dma source(%arg13 : memref<3072xf32, #tpu.memory_space<vmem>>) target(%dma_start3A_283 : memref<3072xf32, #tpu.memory_space<hbm>>) target_semaphore(%run_scoped3A : memref<!tpu.dma_semaphore, #tpu.memory_space<semaphore_mem>>)
      %dma_wait3A = tpu.memref_slice %arg4[%mul3A_206] : memref<2752512xf32, #tpu.memory_space<hbm>> -> memref<3072xf32, #tpu.memory_space<hbm>>
      %dma_wait3A_284 = tpu.memref_slice %arg4[%mul3A_206] : memref<2752512xf32, #tpu.memory_space<hbm>> -> memref<3072xf32, #tpu.memory_space<hbm>>
      tpu.wait_dma2 semaphore(%run_scoped3A : memref<!tpu.dma_semaphore, #tpu.memory_space<semaphore_mem>>) src(%arg13 : memref<3072xf32, #tpu.memory_space<vmem>>) dst(%dma_wait3A_284 : memref<3072xf32, #tpu.memory_space<hbm>>)
      tpu.yield
    }) : () -> ()
    %scan3A_207 = arith.constant 0 : i32
    %scan3A_208 = arith.constant 0 : i32
    %scan3A_209 = arith.constant 32 : i32
    %scan3A_210 = arith.addi %scan3A_208, %scan3A_209 : i32
    %scan3A_211 = arith.constant 1 : i32
    scf.for %scan3A_283 = %scan3A_208 to %scan3A_210 step %scan3A_211  : i32 {
      %mul3A_284 = arith.constant 2 : i32
      %mul3A_285 = arith.muli %mul3A_284, %scan3A_283 : i32
      %jit3A = arith.constant 16 : i32
      %div3A = arith.divsi %mul3A_285, %jit3A : i32
      %sign3A = arith.constant 0 : i32
      %sign3A_286 = arith.cmpi sgt, %mul3A_285, %sign3A : i32
      %sign3A_287 = arith.extui %sign3A_286 : i1 to i32
      %sign3A_288 = arith.constant 0 : i32
      %sign3A_289 = arith.cmpi slt, %mul3A_285, %sign3A_288 : i32
      %sign3A_290 = arith.extui %sign3A_289 : i1 to i32
      %sign3A_291 = arith.subi %sign3A_287, %sign3A_290 : i32
      %sign3A_292 = arith.constant 0 : i32
      %sign3A_293 = arith.cmpi sgt, %jit3A, %sign3A_292 : i32
      %sign3A_294 = arith.extui %sign3A_293 : i1 to i32
      %sign3A_295 = arith.constant 0 : i32
      %sign3A_296 = arith.cmpi slt, %jit3A, %sign3A_295 : i32
      %sign3A_297 = arith.extui %sign3A_296 : i1 to i32
      %sign3A_298 = arith.subi %sign3A_294, %sign3A_297 : i32
      %ne3A = arith.cmpi ne, %sign3A_291, %sign3A_298 : i32
      %rem3A = arith.remsi %mul3A_285, %jit3A : i32
      %ne3A_299 = arith.constant 0 : i32
      %ne3A_300 = arith.cmpi ne, %rem3A, %ne3A_299 : i32
      %and3A = arith.andi %ne3A, %ne3A_300 : i1
      %sub3A = arith.constant 1 : i32
      %sub3A_301 = arith.subi %div3A, %sub3A : i32
      %select_n3A = arith.select %and3A, %sub3A_301, %div3A : i32
      %mul3A_302 = arith.constant 16 : i32
      %mul3A_303 = arith.muli %select_n3A, %mul3A_302 : i32
      %add3A_304 = arith.addi %mul3A_2, %mul3A_303 : i32
      %add3A_305 = arith.constant 6144 : i32
      %add3A_306 = arith.addi %add3A_305, %add3A_304 : i32
      %get3A = arith.index_cast %add3A_306 : i32 to index
      %get3A_307 = tpu.vector_load %arg5[%get3A] {strides = array<i32>} : memref<18432xf32, #tpu.memory_space<vmem>>, vector<16xf32>,
      %add3A_308 = arith.constant 8192 : i32
      %add3A_309 = arith.addi %add3A_308, %add3A_304 : i32
      %get3A_310 = arith.index_cast %add3A_309 : i32 to index
      %get3A_311 = tpu.vector_load %arg5[%get3A_310] {strides = array<i32>} : memref<18432xf32, #tpu.memory_space<vmem>>, vector<16xf32>,
      %add3A_312 = arith.constant 10240 : i32
      %add3A_313 = arith.addi %add3A_312, %add3A_304 : i32
      %get3A_314 = arith.index_cast %add3A_313 : i32 to index
      %get3A_315 = tpu.vector_load %arg5[%get3A_314] {strides = array<i32>} : memref<18432xf32, #tpu.memory_space<vmem>>, vector<16xf32>,
      %jit3A_316 = arith.constant 16 : i32
      %eq3A = arith.constant 0 : i32
      %eq3A_317 = arith.cmpi eq, %jit3A_316, %eq3A : i32
      %jit3A_318 = arith.constant 1 : i32
      %select_n3A_319 = arith.select %eq3A_317, %jit3A_318, %jit3A_316 : i32
      %rem3A_320 = arith.remsi %mul3A_285, %select_n3A_319 : i32
      %ne3A_321 = arith.constant 0 : i32
      %ne3A_322 = arith.cmpi ne, %rem3A_320, %ne3A_321 : i32
      %lt3A = arith.constant 0 : i32
      %lt3A_323 = arith.cmpi slt, %rem3A_320, %lt3A : i32
      %lt3A_324 = arith.constant 0 : i32
      %lt3A_325 = arith.cmpi slt, %select_n3A_319, %lt3A_324 : i32
      %ne3A_326 = arith.xori %lt3A_323, %lt3A_325 : i1
      %and3A_327 = arith.andi %ne3A_326, %ne3A_322 : i1
      %add3A_328 = arith.addi %rem3A_320, %select_n3A_319 : i32
      %select_n3A_329 = arith.select %and3A_327, %add3A_328, %rem3A_320 : i32
      %broadcast_in_dim3A_330 = vector.broadcast %select_n3A_329 : i32 to vector<16xi32>
      %lt3A_331 = arith.constant 0 : i32
      %lt3A_332 = vector.broadcast %lt3A_331 : i32 to vector<16xi32>
      %lt3A_333 = arith.cmpi slt, %broadcast_in_dim3A_330, %lt3A_332 : vector<16xi32>
      %add3A_334 = arith.constant 16 : i32
      %add3A_335 = vector.broadcast %add3A_334 : i32 to vector<16xi32>
      %add3A_336 = arith.addi %broadcast_in_dim3A_330, %add3A_335 : vector<16xi32>
      %select_n3A_337 = arith.select %lt3A_333, %add3A_336, %broadcast_in_dim3A_330 : vector<16xi1>, vector<16xi32>
      %broadcast_in_dim3A_338 = vector.shape_cast %select_n3A_337 : vector<16xi32> to vector<16x1xi32>
      %gather3A = vector.shape_cast %broadcast_in_dim3A_338 : vector<16x1xi32> to vector<16xi32>
      %gather3A_339 = tpu.dynamic_gather %get3A_307[%gather3A] in [0] : vector<16xf32>, vector<16xi32> -> vector<16xf32>
      %broadcast_in_dim3A_340 = vector.broadcast %select_n3A_329 : i32 to vector<16xi32>
      %lt3A_341 = arith.constant 0 : i32
      %lt3A_342 = vector.broadcast %lt3A_341 : i32 to vector<16xi32>
      %lt3A_343 = arith.cmpi slt, %broadcast_in_dim3A_340, %lt3A_342 : vector<16xi32>
      %add3A_344 = arith.constant 16 : i32
      %add3A_345 = vector.broadcast %add3A_344 : i32 to vector<16xi32>
      %add3A_346 = arith.addi %broadcast_in_dim3A_340, %add3A_345 : vector<16xi32>
      %select_n3A_347 = arith.select %lt3A_343, %add3A_346, %broadcast_in_dim3A_340 : vector<16xi1>, vector<16xi32>
      %broadcast_in_dim3A_348 = vector.shape_cast %select_n3A_347 : vector<16xi32> to vector<16x1xi32>
      %gather3A_349 = vector.shape_cast %broadcast_in_dim3A_348 : vector<16x1xi32> to vector<16xi32>
      %gather3A_350 = tpu.dynamic_gather %get3A_311[%gather3A_349] in [0] : vector<16xf32>, vector<16xi32> -> vector<16xf32>
      %broadcast_in_dim3A_351 = vector.broadcast %select_n3A_329 : i32 to vector<16xi32>
      %lt3A_352 = arith.constant 0 : i32
      %lt3A_353 = vector.broadcast %lt3A_352 : i32 to vector<16xi32>
      %lt3A_354 = arith.cmpi slt, %broadcast_in_dim3A_351, %lt3A_353 : vector<16xi32>
      %add3A_355 = arith.constant 16 : i32
      %add3A_356 = vector.broadcast %add3A_355 : i32 to vector<16xi32>
      %add3A_357 = arith.addi %broadcast_in_dim3A_351, %add3A_356 : vector<16xi32>
      %select_n3A_358 = arith.select %lt3A_354, %add3A_357, %broadcast_in_dim3A_351 : vector<16xi1>, vector<16xi32>
      %broadcast_in_dim3A_359 = vector.shape_cast %select_n3A_358 : vector<16xi32> to vector<16x1xi32>
      %gather3A_360 = vector.shape_cast %broadcast_in_dim3A_359 : vector<16x1xi32> to vector<16xi32>
      %gather3A_361 = tpu.dynamic_gather %get3A_315[%gather3A_360] in [0] : vector<16xf32>, vector<16xi32> -> vector<16xf32>
      %add3A_362 = arith.constant 1 : i32
      %add3A_363 = arith.addi %select_n3A_329, %add3A_362 : i32
      %broadcast_in_dim3A_364 = vector.broadcast %add3A_363 : i32 to vector<16xi32>
      %lt3A_365 = arith.constant 0 : i32
      %lt3A_366 = vector.broadcast %lt3A_365 : i32 to vector<16xi32>
      %lt3A_367 = arith.cmpi slt, %broadcast_in_dim3A_364, %lt3A_366 : vector<16xi32>
      %add3A_368 = arith.constant 16 : i32
      %add3A_369 = vector.broadcast %add3A_368 : i32 to vector<16xi32>
      %add3A_370 = arith.addi %broadcast_in_dim3A_364, %add3A_369 : vector<16xi32>
      %select_n3A_371 = arith.select %lt3A_367, %add3A_370, %broadcast_in_dim3A_364 : vector<16xi1>, vector<16xi32>
      %broadcast_in_dim3A_372 = vector.shape_cast %select_n3A_371 : vector<16xi32> to vector<16x1xi32>
      %gather3A_373 = vector.shape_cast %broadcast_in_dim3A_372 : vector<16x1xi32> to vector<16xi32>
      %gather3A_374 = tpu.dynamic_gather %get3A_307[%gather3A_373] in [0] : vector<16xf32>, vector<16xi32> -> vector<16xf32>
      %add3A_375 = arith.constant 1 : i32
      %add3A_376 = arith.addi %select_n3A_329, %add3A_375 : i32
      %broadcast_in_dim3A_377 = vector.broadcast %add3A_376 : i32 to vector<16xi32>
      %lt3A_378 = arith.constant 0 : i32
      %lt3A_379 = vector.broadcast %lt3A_378 : i32 to vector<16xi32>
      %lt3A_380 = arith.cmpi slt, %broadcast_in_dim3A_377, %lt3A_379 : vector<16xi32>
      %add3A_381 = arith.constant 16 : i32
      %add3A_382 = vector.broadcast %add3A_381 : i32 to vector<16xi32>
      %add3A_383 = arith.addi %broadcast_in_dim3A_377, %add3A_382 : vector<16xi32>
      %select_n3A_384 = arith.select %lt3A_380, %add3A_383, %broadcast_in_dim3A_377 : vector<16xi1>, vector<16xi32>
      %broadcast_in_dim3A_385 = vector.shape_cast %select_n3A_384 : vector<16xi32> to vector<16x1xi32>
      %gather3A_386 = vector.shape_cast %broadcast_in_dim3A_385 : vector<16x1xi32> to vector<16xi32>
      %gather3A_387 = tpu.dynamic_gather %get3A_311[%gather3A_386] in [0] : vector<16xf32>, vector<16xi32> -> vector<16xf32>
      %add3A_388 = arith.constant 1 : i32
      %add3A_389 = arith.addi %select_n3A_329, %add3A_388 : i32
      %broadcast_in_dim3A_390 = vector.broadcast %add3A_389 : i32 to vector<16xi32>
      %lt3A_391 = arith.constant 0 : i32
      %lt3A_392 = vector.broadcast %lt3A_391 : i32 to vector<16xi32>
      %lt3A_393 = arith.cmpi slt, %broadcast_in_dim3A_390, %lt3A_392 : vector<16xi32>
      %add3A_394 = arith.constant 16 : i32
      %add3A_395 = vector.broadcast %add3A_394 : i32 to vector<16xi32>
      %add3A_396 = arith.addi %broadcast_in_dim3A_390, %add3A_395 : vector<16xi32>
      %select_n3A_397 = arith.select %lt3A_393, %add3A_396, %broadcast_in_dim3A_390 : vector<16xi1>, vector<16xi32>
      %broadcast_in_dim3A_398 = vector.shape_cast %select_n3A_397 : vector<16xi32> to vector<16x1xi32>
      %gather3A_399 = vector.shape_cast %broadcast_in_dim3A_398 : vector<16x1xi32> to vector<16xi32>
      %gather3A_400 = tpu.dynamic_gather %get3A_315[%gather3A_399] in [0] : vector<16xf32>, vector<16xi32> -> vector<16xf32>
      %mul3A_401 = arith.constant 32 : i32
      %mul3A_402 = arith.muli %mul3A_285, %mul3A_401 : i32
      %mul3A_403 = arith.constant 48 : i32
      %mul3A_404 = arith.muli %mul3A_285, %mul3A_403 : i32
      %add3A_405 = arith.constant 32 : i32
      %add3A_406 = arith.addi %mul3A_402, %add3A_405 : i32
      %add3A_407 = arith.constant 48 : i32
      %add3A_408 = arith.addi %mul3A_404, %add3A_407 : i32
      %add3A_409 = arith.constant 16 : i32
      %add3A_410 = arith.addi %mul3A_402, %add3A_409 : i32
      %broadcast_in_dim3A_411 = vector.broadcast %add3A_410 : i32 to vector<16xi32>
      %add3A_412 = arith.constant 32 : i32
      %add3A_413 = arith.addi %mul3A_404, %add3A_412 : i32
      %broadcast_in_dim3A_414 = vector.broadcast %add3A_413 : i32 to vector<16xi32>
      %add3A_415 = arith.constant 16 : i32
      %add3A_416 = arith.addi %add3A_406, %add3A_415 : i32
      %broadcast_in_dim3A_417 = vector.broadcast %add3A_416 : i32 to vector<16xi32>
      %add3A_418 = arith.constant 32 : i32
      %add3A_419 = arith.addi %add3A_408, %add3A_418 : i32
      %broadcast_in_dim3A_420 = vector.broadcast %add3A_419 : i32 to vector<16xi32>
      %sub3A_421 = arith.constant 1 : i32
      %sub3A_422 = arith.subi %mul3A_402, %sub3A_421 : i32
      %broadcast_in_dim3A_423 = vector.broadcast %sub3A_422 : i32 to vector<16xi32>
      %sub3A_424 = arith.constant 1 : i32
      %sub3A_425 = arith.subi %mul3A_404, %sub3A_424 : i32
      %broadcast_in_dim3A_426 = vector.broadcast %sub3A_425 : i32 to vector<16xi32>
      %sub3A_427 = arith.constant 1 : i32
      %sub3A_428 = arith.subi %add3A_406, %sub3A_427 : i32
      %broadcast_in_dim3A_429 = vector.broadcast %sub3A_428 : i32 to vector<16xi32>
      %sub3A_430 = arith.constant 1 : i32
      %sub3A_431 = arith.subi %add3A_408, %sub3A_430 : i32
      %broadcast_in_dim3A_432 = vector.broadcast %sub3A_431 : i32 to vector<16xi32>
      %scan3A_433 = arith.constant 0 : i32
      %scan3A_434 = arith.constant 128 : i32
      %scan3A_435 = arith.addi %scan3A_433, %scan3A_434 : i32
      %scan3A_436 = arith.constant 1 : i32
      %scan3A_437:4 = scf.for %scan3A_533 = %scan3A_433 to %scan3A_435 step %scan3A_436 iter_args(%scan3A_534 = %broadcast_in_dim3A_423, %scan3A_535 = %broadcast_in_dim3A_426, %scan3A_536 = %broadcast_in_dim3A_429, %scan3A_537 = %broadcast_in_dim3A_432) -> (vector<16xi32>, vector<16xi32>, vector<16xi32>, vector<16xi32>)  : i32 {
        %mul3A_538 = arith.constant 16 : i32
        %mul3A_539 = arith.muli %scan3A_533, %mul3A_538 : i32
        %add3A_540 = arith.constant 0 : i32
        %add3A_541 = arith.addi %add3A_540, %mul3A_539 : i32
        %get3A_542 = arith.index_cast %add3A_541 : i32 to index
        %get3A_543 = tpu.vector_load %arg5[%get3A_542] {strides = array<i32>} : memref<18432xf32, #tpu.memory_space<vmem>>, vector<16xf32>,
        %add3A_544 = arith.constant 2048 : i32
        %add3A_545 = arith.addi %add3A_544, %mul3A_539 : i32
        %get3A_546 = arith.index_cast %add3A_545 : i32 to index
        %get3A_547 = tpu.vector_load %arg5[%get3A_546] {strides = array<i32>} : memref<18432xf32, #tpu.memory_space<vmem>>, vector<16xf32>,
        %add3A_548 = arith.constant 4096 : i32
        %add3A_549 = arith.addi %add3A_548, %mul3A_539 : i32
        %get3A_550 = arith.index_cast %add3A_549 : i32 to index
        %get3A_551 = tpu.vector_load %arg5[%get3A_550] {strides = array<i32>} : memref<18432xf32, #tpu.memory_space<vmem>>, vector<16xf32>,
        %sub3A_552 = arith.subf %get3A_543, %gather3A_339 : vector<16xf32>
        %sub3A_553 = arith.subf %get3A_547, %gather3A_350 : vector<16xf32>
        %sub3A_554 = arith.subf %get3A_551, %gather3A_361 : vector<16xf32>
        %mul3A_555 = arith.mulf %sub3A_552, %sub3A_552 : vector<16xf32>
        %mul3A_556 = arith.mulf %sub3A_553, %sub3A_553 : vector<16xf32>
        %add3A_557 = arith.addf %mul3A_555, %mul3A_556 : vector<16xf32>
        %mul3A_558 = arith.mulf %sub3A_554, %sub3A_554 : vector<16xf32>
        %add3A_559 = arith.addf %add3A_557, %mul3A_558 : vector<16xf32>
        %le3A = arith.constant 4.000000e-02 : f32
        %le3A_560 = vector.broadcast %le3A : f32 to vector<16xf32>
        %le3A_561 = arith.cmpf ole, %add3A_559, %le3A_560 : vector<16xf32>
        %le3A_562 = arith.constant 0.00999999977 : f32
        %le3A_563 = vector.broadcast %le3A_562 : f32 to vector<16xf32>
        %le3A_564 = arith.cmpf ole, %add3A_559, %le3A_563 : vector<16xf32>
        %convert_element_type3A_565 = arith.extui %le3A_561 : vector<16xi1> to vector<16xi32>
        %broadcast_in_dim3A_566 = arith.constant true
        %broadcast_in_dim3A_567 = vector.broadcast %broadcast_in_dim3A_566 : i1 to vector<16xi1>
        %masked_cumsum3A = tpu.scan <sum>, %convert_element_type3A_565 masked %broadcast_in_dim3A_567 : vector<16xi32>, vector<16xi1> -> vector<16xi32>
        %add3A_568 = arith.addi %scan3A_535, %masked_cumsum3A : vector<16xi32>
        %convert_element_type3A_569 = arith.extui %le3A_564 : vector<16xi1> to vector<16xi32>
        %broadcast_in_dim3A_570 = arith.constant true
        %broadcast_in_dim3A_571 = vector.broadcast %broadcast_in_dim3A_570 : i1 to vector<16xi1>
        %masked_cumsum3A_572 = tpu.scan <sum>, %convert_element_type3A_569 masked %broadcast_in_dim3A_571 : vector<16xi32>, vector<16xi1> -> vector<16xi32>
        %add3A_573 = arith.addi %scan3A_534, %masked_cumsum3A_572 : vector<16xi32>
        %lt3A_574 = arith.cmpi slt, %add3A_568, %broadcast_in_dim3A_414 : vector<16xi32>
        %and3A_575 = arith.andi %le3A_561, %lt3A_574 : vector<16xi1>
        %lt3A_576 = arith.cmpi slt, %add3A_573, %broadcast_in_dim3A_411 : vector<16xi32>
        %and3A_577 = arith.andi %le3A_564, %lt3A_576 : vector<16xi1>
        tpu.vector_store_idx %arg10[%add3A_568], %sub3A_552 masked %and3A_575 : memref<3072xf32, #tpu.memory_space<vmem>>[vector<16xi32>], vector<16xf32>, vector<16xi1>
        tpu.vector_store_idx %arg11[%add3A_568], %sub3A_553 masked %and3A_575 : memref<3072xf32, #tpu.memory_space<vmem>>[vector<16xi32>], vector<16xf32>, vector<16xi1>
        tpu.vector_store_idx %arg12[%add3A_568], %sub3A_554 masked %and3A_575 : memref<3072xf32, #tpu.memory_space<vmem>>[vector<16xi32>], vector<16xf32>, vector<16xi1>
        tpu.vector_store_idx %arg6[%add3A_573], %sub3A_552 masked %and3A_577 : memref<2048xf32, #tpu.memory_space<vmem>>[vector<16xi32>], vector<16xf32>, vector<16xi1>
        tpu.vector_store_idx %arg7[%add3A_573], %sub3A_553 masked %and3A_577 : memref<2048xf32, #tpu.memory_space<vmem>>[vector<16xi32>], vector<16xf32>, vector<16xi1>
        tpu.vector_store_idx %arg8[%add3A_573], %sub3A_554 masked %and3A_577 : memref<2048xf32, #tpu.memory_space<vmem>>[vector<16xi32>], vector<16xf32>, vector<16xi1>
        %all_reduce_population_count3A = tpu.all_reduce %le3A_561 {dim = 0 : i64, kind = #tpu.reduction_kind<sum>} : vector<16xi1> -> vector<16xi32>
        %add3A_578 = arith.addi %scan3A_535, %all_reduce_population_count3A : vector<16xi32>
        %sub3A_579 = arith.constant 1 : i32
        %sub3A_580 = vector.broadcast %sub3A_579 : i32 to vector<16xi32>
        %sub3A_581 = arith.subi %broadcast_in_dim3A_414, %sub3A_580 : vector<16xi32>
        %min3A = arith.minsi %add3A_578, %sub3A_581 : vector<16xi32>
        %all_reduce_population_count3A_582 = tpu.all_reduce %le3A_564 {dim = 0 : i64, kind = #tpu.reduction_kind<sum>} : vector<16xi1> -> vector<16xi32>
        %add3A_583 = arith.addi %scan3A_534, %all_reduce_population_count3A_582 : vector<16xi32>
        %sub3A_584 = arith.constant 1 : i32
        %sub3A_585 = vector.broadcast %sub3A_584 : i32 to vector<16xi32>
        %sub3A_586 = arith.subi %broadcast_in_dim3A_411, %sub3A_585 : vector<16xi32>
        %min3A_587 = arith.minsi %add3A_583, %sub3A_586 : vector<16xi32>
        %sub3A_588 = arith.subf %get3A_543, %gather3A_374 : vector<16xf32>
        %sub3A_589 = arith.subf %get3A_547, %gather3A_387 : vector<16xf32>
        %sub3A_590 = arith.subf %get3A_551, %gather3A_400 : vector<16xf32>
        %mul3A_591 = arith.mulf %sub3A_588, %sub3A_588 : vector<16xf32>
        %mul3A_592 = arith.mulf %sub3A_589, %sub3A_589 : vector<16xf32>
        %add3A_593 = arith.addf %mul3A_591, %mul3A_592 : vector<16xf32>
        %mul3A_594 = arith.mulf %sub3A_590, %sub3A_590 : vector<16xf32>
        %add3A_595 = arith.addf %add3A_593, %mul3A_594 : vector<16xf32>
        %le3A_596 = arith.constant 4.000000e-02 : f32
        %le3A_597 = vector.broadcast %le3A_596 : f32 to vector<16xf32>
        %le3A_598 = arith.cmpf ole, %add3A_595, %le3A_597 : vector<16xf32>
        %le3A_599 = arith.constant 0.00999999977 : f32
        %le3A_600 = vector.broadcast %le3A_599 : f32 to vector<16xf32>
        %le3A_601 = arith.cmpf ole, %add3A_595, %le3A_600 : vector<16xf32>
        %convert_element_type3A_602 = arith.extui %le3A_598 : vector<16xi1> to vector<16xi32>
        %broadcast_in_dim3A_603 = arith.constant true
        %broadcast_in_dim3A_604 = vector.broadcast %broadcast_in_dim3A_603 : i1 to vector<16xi1>
        %masked_cumsum3A_605 = tpu.scan <sum>, %convert_element_type3A_602 masked %broadcast_in_dim3A_604 : vector<16xi32>, vector<16xi1> -> vector<16xi32>
        %add3A_606 = arith.addi %scan3A_537, %masked_cumsum3A_605 : vector<16xi32>
        %convert_element_type3A_607 = arith.extui %le3A_601 : vector<16xi1> to vector<16xi32>
        %broadcast_in_dim3A_608 = arith.constant true
        %broadcast_in_dim3A_609 = vector.broadcast %broadcast_in_dim3A_608 : i1 to vector<16xi1>
        %masked_cumsum3A_610 = tpu.scan <sum>, %convert_element_type3A_607 masked %broadcast_in_dim3A_609 : vector<16xi32>, vector<16xi1> -> vector<16xi32>
        %add3A_611 = arith.addi %scan3A_536, %masked_cumsum3A_610 : vector<16xi32>
        %lt3A_612 = arith.cmpi slt, %add3A_606, %broadcast_in_dim3A_420 : vector<16xi32>
        %and3A_613 = arith.andi %le3A_598, %lt3A_612 : vector<16xi1>
        %lt3A_614 = arith.cmpi slt, %add3A_611, %broadcast_in_dim3A_417 : vector<16xi32>
        %and3A_615 = arith.andi %le3A_601, %lt3A_614 : vector<16xi1>
        tpu.vector_store_idx %arg10[%add3A_606], %sub3A_588 masked %and3A_613 : memref<3072xf32, #tpu.memory_space<vmem>>[vector<16xi32>], vector<16xf32>, vector<16xi1>
        tpu.vector_store_idx %arg11[%add3A_606], %sub3A_589 masked %and3A_613 : memref<3072xf32, #tpu.memory_space<vmem>>[vector<16xi32>], vector<16xf32>, vector<16xi1>
        tpu.vector_store_idx %arg12[%add3A_606], %sub3A_590 masked %and3A_613 : memref<3072xf32, #tpu.memory_space<vmem>>[vector<16xi32>], vector<16xf32>, vector<16xi1>
        tpu.vector_store_idx %arg6[%add3A_611], %sub3A_588 masked %and3A_615 : memref<2048xf32, #tpu.memory_space<vmem>>[vector<16xi32>], vector<16xf32>, vector<16xi1>
        tpu.vector_store_idx %arg7[%add3A_611], %sub3A_589 masked %and3A_615 : memref<2048xf32, #tpu.memory_space<vmem>>[vector<16xi32>], vector<16xf32>, vector<16xi1>
        tpu.vector_store_idx %arg8[%add3A_611], %sub3A_590 masked %and3A_615 : memref<2048xf32, #tpu.memory_space<vmem>>[vector<16xi32>], vector<16xf32>, vector<16xi1>
        %all_reduce_population_count3A_616 = tpu.all_reduce %le3A_598 {dim = 0 : i64, kind = #tpu.reduction_kind<sum>} : vector<16xi1> -> vector<16xi32>
        %add3A_617 = arith.addi %scan3A_537, %all_reduce_population_count3A_616 : vector<16xi32>
        %sub3A_618 = arith.constant 1 : i32
        %sub3A_619 = vector.broadcast %sub3A_618 : i32 to vector<16xi32>
        %sub3A_620 = arith.subi %broadcast_in_dim3A_420, %sub3A_619 : vector<16xi32>
        %min3A_621 = arith.minsi %add3A_617, %sub3A_620 : vector<16xi32>
        %all_reduce_population_count3A_622 = tpu.all_reduce %le3A_601 {dim = 0 : i64, kind = #tpu.reduction_kind<sum>} : vector<16xi1> -> vector<16xi32>
        %add3A_623 = arith.addi %scan3A_536, %all_reduce_population_count3A_622 : vector<16xi32>
        %sub3A_624 = arith.constant 1 : i32
        %sub3A_625 = vector.broadcast %sub3A_624 : i32 to vector<16xi32>
        %sub3A_626 = arith.subi %broadcast_in_dim3A_417, %sub3A_625 : vector<16xi32>
        %min3A_627 = arith.minsi %add3A_623, %sub3A_626 : vector<16xi32>
        scf.yield %min3A_587, %min3A, %min3A_627, %min3A_621 : vector<16xi32>, vector<16xi32>, vector<16xi32>, vector<16xi32>
      }
      %scan3A_438 = arith.constant 128 : i32
      %sub3A_439 = arith.constant 1 : i32
      %sub3A_440 = arith.subi %mul3A_402, %sub3A_439 : i32
      %sub3A_441 = vector.broadcast %sub3A_440 : i32 to vector<16xi32>
      %sub3A_442 = arith.subi %scan3A_437#0, %sub3A_441 : vector<16xi32>
      %sub3A_443 = arith.constant 1 : i32
      %sub3A_444 = arith.subi %mul3A_404, %sub3A_443 : i32
      %sub3A_445 = vector.broadcast %sub3A_444 : i32 to vector<16xi32>
      %sub3A_446 = arith.subi %scan3A_437#1, %sub3A_445 : vector<16xi32>
      %lt3A_447 = arith.cmpi slt, %iota3A, %sub3A_442 : vector<16xi32>
      %convert_element_type3A = arith.extui %lt3A_447 : vector<16xi1> to vector<16xi32>
      %convert_element_type3A_448 = arith.sitofp %convert_element_type3A : vector<16xi32> to vector<16xf32>
      %swap3A = arith.index_cast %mul3A_402 : i32 to index
      %swap3A_449 = tpu.vector_load %arg9[%swap3A] {strides = array<i32>} : memref<2048xf32, #tpu.memory_space<vmem>>, vector<16xf32>,
      tpu.vector_store %arg9[%swap3A], %convert_element_type3A_448 {strides = array<i32>} : memref<2048xf32, #tpu.memory_space<vmem>>, vector<16xf32>,
      %add3A_450 = arith.constant 16 : i32
      %add3A_451 = vector.broadcast %add3A_450 : i32 to vector<16xi32>
      %add3A_452 = arith.addi %iota3A, %add3A_451 : vector<16xi32>
      %lt3A_453 = arith.cmpi slt, %add3A_452, %sub3A_442 : vector<16xi32>
      %convert_element_type3A_454 = arith.extui %lt3A_453 : vector<16xi1> to vector<16xi32>
      %convert_element_type3A_455 = arith.sitofp %convert_element_type3A_454 : vector<16xi32> to vector<16xf32>
      %add3A_456 = arith.constant 16 : i32
      %add3A_457 = arith.addi %mul3A_402, %add3A_456 : i32
      %swap3A_458 = arith.index_cast %add3A_457 : i32 to index
      %swap3A_459 = tpu.vector_load %arg9[%swap3A_458] {strides = array<i32>} : memref<2048xf32, #tpu.memory_space<vmem>>, vector<16xf32>,
      tpu.vector_store %arg9[%swap3A_458], %convert_element_type3A_455 {strides = array<i32>} : memref<2048xf32, #tpu.memory_space<vmem>>, vector<16xf32>,
      %lt3A_460 = arith.cmpi slt, %iota3A, %sub3A_446 : vector<16xi32>
      %convert_element_type3A_461 = arith.extui %lt3A_460 : vector<16xi1> to vector<16xi32>
      %convert_element_type3A_462 = arith.sitofp %convert_element_type3A_461 : vector<16xi32> to vector<16xf32>
      %swap3A_463 = arith.index_cast %mul3A_404 : i32 to index
      %swap3A_464 = tpu.vector_load %arg13[%swap3A_463] {strides = array<i32>} : memref<3072xf32, #tpu.memory_space<vmem>>, vector<16xf32>,
      tpu.vector_store %arg13[%swap3A_463], %convert_element_type3A_462 {strides = array<i32>} : memref<3072xf32, #tpu.memory_space<vmem>>, vector<16xf32>,
      %add3A_465 = arith.constant 16 : i32
      %add3A_466 = vector.broadcast %add3A_465 : i32 to vector<16xi32>
      %add3A_467 = arith.addi %iota3A, %add3A_466 : vector<16xi32>
      %lt3A_468 = arith.cmpi slt, %add3A_467, %sub3A_446 : vector<16xi32>
      %convert_element_type3A_469 = arith.extui %lt3A_468 : vector<16xi1> to vector<16xi32>
      %convert_element_type3A_470 = arith.sitofp %convert_element_type3A_469 : vector<16xi32> to vector<16xf32>
      %add3A_471 = arith.constant 16 : i32
      %add3A_472 = arith.addi %mul3A_404, %add3A_471 : i32
      %swap3A_473 = arith.index_cast %add3A_472 : i32 to index
      %swap3A_474 = tpu.vector_load %arg13[%swap3A_473] {strides = array<i32>} : memref<3072xf32, #tpu.memory_space<vmem>>, vector<16xf32>,
      tpu.vector_store %arg13[%swap3A_473], %convert_element_type3A_470 {strides = array<i32>} : memref<3072xf32, #tpu.memory_space<vmem>>, vector<16xf32>,
      %add3A_475 = arith.constant 32 : i32
      %add3A_476 = vector.broadcast %add3A_475 : i32 to vector<16xi32>
      %add3A_477 = arith.addi %iota3A, %add3A_476 : vector<16xi32>
      %lt3A_478 = arith.cmpi slt, %add3A_477, %sub3A_446 : vector<16xi32>
      %convert_element_type3A_479 = arith.extui %lt3A_478 : vector<16xi1> to vector<16xi32>
      %convert_element_type3A_480 = arith.sitofp %convert_element_type3A_479 : vector<16xi32> to vector<16xf32>
      %add3A_481 = arith.constant 32 : i32
      %add3A_482 = arith.addi %mul3A_404, %add3A_481 : i32
      %swap3A_483 = arith.index_cast %add3A_482 : i32 to index
      %swap3A_484 = tpu.vector_load %arg13[%swap3A_483] {strides = array<i32>} : memref<3072xf32, #tpu.memory_space<vmem>>, vector<16xf32>,
      tpu.vector_store %arg13[%swap3A_483], %convert_element_type3A_480 {strides = array<i32>} : memref<3072xf32, #tpu.memory_space<vmem>>, vector<16xf32>,
      %sub3A_485 = arith.constant 1 : i32
      %sub3A_486 = arith.subi %add3A_406, %sub3A_485 : i32
      %sub3A_487 = vector.broadcast %sub3A_486 : i32 to vector<16xi32>
      %sub3A_488 = arith.subi %scan3A_437#2, %sub3A_487 : vector<16xi32>
      %sub3A_489 = arith.constant 1 : i32
      %sub3A_490 = arith.subi %add3A_408, %sub3A_489 : i32
      %sub3A_491 = vector.broadcast %sub3A_490 : i32 to vector<16xi32>
      %sub3A_492 = arith.subi %scan3A_437#3, %sub3A_491 : vector<16xi32>
      %lt3A_493 = arith.cmpi slt, %iota3A, %sub3A_488 : vector<16xi32>
      %convert_element_type3A_494 = arith.extui %lt3A_493 : vector<16xi1> to vector<16xi32>
      %convert_element_type3A_495 = arith.sitofp %convert_element_type3A_494 : vector<16xi32> to vector<16xf32>
      %swap3A_496 = arith.index_cast %add3A_406 : i32 to index
      %swap3A_497 = tpu.vector_load %arg9[%swap3A_496] {strides = array<i32>} : memref<2048xf32, #tpu.memory_space<vmem>>, vector<16xf32>,
      tpu.vector_store %arg9[%swap3A_496], %convert_element_type3A_495 {strides = array<i32>} : memref<2048xf32, #tpu.memory_space<vmem>>, vector<16xf32>,
      %add3A_498 = arith.constant 16 : i32
      %add3A_499 = vector.broadcast %add3A_498 : i32 to vector<16xi32>
      %add3A_500 = arith.addi %iota3A, %add3A_499 : vector<16xi32>
      %lt3A_501 = arith.cmpi slt, %add3A_500, %sub3A_488 : vector<16xi32>
      %convert_element_type3A_502 = arith.extui %lt3A_501 : vector<16xi1> to vector<16xi32>
      %convert_element_type3A_503 = arith.sitofp %convert_element_type3A_502 : vector<16xi32> to vector<16xf32>
      %add3A_504 = arith.constant 16 : i32
      %add3A_505 = arith.addi %add3A_406, %add3A_504 : i32
      %swap3A_506 = arith.index_cast %add3A_505 : i32 to index
      %swap3A_507 = tpu.vector_load %arg9[%swap3A_506] {strides = array<i32>} : memref<2048xf32, #tpu.memory_space<vmem>>, vector<16xf32>,
      tpu.vector_store %arg9[%swap3A_506], %convert_element_type3A_503 {strides = array<i32>} : memref<2048xf32, #tpu.memory_space<vmem>>, vector<16xf32>,
      %lt3A_508 = arith.cmpi slt, %iota3A, %sub3A_492 : vector<16xi32>
      %convert_element_type3A_509 = arith.extui %lt3A_508 : vector<16xi1> to vector<16xi32>
      %convert_element_type3A_510 = arith.sitofp %convert_element_type3A_509 : vector<16xi32> to vector<16xf32>
      %swap3A_511 = arith.index_cast %add3A_408 : i32 to index
      %swap3A_512 = tpu.vector_load %arg13[%swap3A_511] {strides = array<i32>} : memref<3072xf32, #tpu.memory_space<vmem>>, vector<16xf32>,
      tpu.vector_store %arg13[%swap3A_511], %convert_element_type3A_510 {strides = array<i32>} : memref<3072xf32, #tpu.memory_space<vmem>>, vector<16xf32>,
      %add3A_513 = arith.constant 16 : i32
      %add3A_514 = vector.broadcast %add3A_513 : i32 to vector<16xi32>
      %add3A_515 = arith.addi %iota3A, %add3A_514 : vector<16xi32>
      %lt3A_516 = arith.cmpi slt, %add3A_515, %sub3A_492 : vector<16xi32>
      %convert_element_type3A_517 = arith.extui %lt3A_516 : vector<16xi1> to vector<16xi32>
      %convert_element_type3A_518 = arith.sitofp %convert_element_type3A_517 : vector<16xi32> to vector<16xf32>
      %add3A_519 = arith.constant 16 : i32
      %add3A_520 = arith.addi %add3A_408, %add3A_519 : i32
      %swap3A_521 = arith.index_cast %add3A_520 : i32 to index
      %swap3A_522 = tpu.vector_load %arg13[%swap3A_521] {strides = array<i32>} : memref<3072xf32, #tpu.memory_space<vmem>>, vector<16xf32>,
      tpu.vector_store %arg13[%swap3A_521], %convert_element_type3A_518 {strides = array<i32>} : memref<3072xf32, #tpu.memory_space<vmem>>, vector<16xf32>,
      %add3A_523 = arith.constant 32 : i32
      %add3A_524 = vector.broadcast %add3A_523 : i32 to vector<16xi32>
      %add3A_525 = arith.addi %iota3A, %add3A_524 : vector<16xi32>
      %lt3A_526 = arith.cmpi slt, %add3A_525, %sub3A_492 : vector<16xi32>
      %convert_element_type3A_527 = arith.extui %lt3A_526 : vector<16xi1> to vector<16xi32>
      %convert_element_type3A_528 = arith.sitofp %convert_element_type3A_527 : vector<16xi32> to vector<16xf32>
      %add3A_529 = arith.constant 32 : i32
      %add3A_530 = arith.addi %add3A_408, %add3A_529 : i32
      %swap3A_531 = arith.index_cast %add3A_530 : i32 to index
      %swap3A_532 = tpu.vector_load %arg13[%swap3A_531] {strides = array<i32>} : memref<3072xf32, #tpu.memory_space<vmem>>, vector<16xf32>,
      tpu.vector_store %arg13[%swap3A_531], %convert_element_type3A_528 {strides = array<i32>} : memref<3072xf32, #tpu.memory_space<vmem>>, vector<16xf32>,
    }
    %scan3A_212 = arith.constant 32 : i32
    %add3A_213 = arith.constant 40960 : i32
    %add3A_214 = arith.addi %add3A_213, %mul3A_2 : i32
    %mul3A_215 = arith.constant 32 : i32
    %mul3A_216 = arith.muli %add3A_214, %mul3A_215 : i32
    "tpu.region"() ({
      %run_scoped3A = tpu.sem_alloc : memref<!tpu.dma_semaphore, #tpu.memory_space<semaphore_mem>>
      %dma_start3A = tpu.memref_slice %arg3[%mul3A_216] : memref<1835008xf32, #tpu.memory_space<hbm>> -> memref<2048xf32, #tpu.memory_space<hbm>>
      %dma_start3A_283 = tpu.memref_slice %arg3[%mul3A_216] : memref<1835008xf32, #tpu.memory_space<hbm>> -> memref<2048xf32, #tpu.memory_space<hbm>>
      tpu.enqueue_dma source(%arg6 : memref<2048xf32, #tpu.memory_space<vmem>>) target(%dma_start3A_283 : memref<2048xf32, #tpu.memory_space<hbm>>) target_semaphore(%run_scoped3A : memref<!tpu.dma_semaphore, #tpu.memory_space<semaphore_mem>>)
      %dma_wait3A = tpu.memref_slice %arg3[%mul3A_216] : memref<1835008xf32, #tpu.memory_space<hbm>> -> memref<2048xf32, #tpu.memory_space<hbm>>
      %dma_wait3A_284 = tpu.memref_slice %arg3[%mul3A_216] : memref<1835008xf32, #tpu.memory_space<hbm>> -> memref<2048xf32, #tpu.memory_space<hbm>>
      tpu.wait_dma2 semaphore(%run_scoped3A : memref<!tpu.dma_semaphore, #tpu.memory_space<semaphore_mem>>) src(%arg6 : memref<2048xf32, #tpu.memory_space<vmem>>) dst(%dma_wait3A_284 : memref<2048xf32, #tpu.memory_space<hbm>>)
      tpu.yield
    }) : () -> ()
    %add3A_217 = arith.constant 43008 : i32
    %add3A_218 = arith.addi %add3A_217, %mul3A_2 : i32
    %mul3A_219 = arith.constant 32 : i32
    %mul3A_220 = arith.muli %add3A_218, %mul3A_219 : i32
    "tpu.region"() ({
      %run_scoped3A = tpu.sem_alloc : memref<!tpu.dma_semaphore, #tpu.memory_space<semaphore_mem>>
      %dma_start3A = tpu.memref_slice %arg3[%mul3A_220] : memref<1835008xf32, #tpu.memory_space<hbm>> -> memref<2048xf32, #tpu.memory_space<hbm>>
      %dma_start3A_283 = tpu.memref_slice %arg3[%mul3A_220] : memref<1835008xf32, #tpu.memory_space<hbm>> -> memref<2048xf32, #tpu.memory_space<hbm>>
      tpu.enqueue_dma source(%arg7 : memref<2048xf32, #tpu.memory_space<vmem>>) target(%dma_start3A_283 : memref<2048xf32, #tpu.memory_space<hbm>>) target_semaphore(%run_scoped3A : memref<!tpu.dma_semaphore, #tpu.memory_space<semaphore_mem>>)
      %dma_wait3A = tpu.memref_slice %arg3[%mul3A_220] : memref<1835008xf32, #tpu.memory_space<hbm>> -> memref<2048xf32, #tpu.memory_space<hbm>>
      %dma_wait3A_284 = tpu.memref_slice %arg3[%mul3A_220] : memref<1835008xf32, #tpu.memory_space<hbm>> -> memref<2048xf32, #tpu.memory_space<hbm>>
      tpu.wait_dma2 semaphore(%run_scoped3A : memref<!tpu.dma_semaphore, #tpu.memory_space<semaphore_mem>>) src(%arg7 : memref<2048xf32, #tpu.memory_space<vmem>>) dst(%dma_wait3A_284 : memref<2048xf32, #tpu.memory_space<hbm>>)
      tpu.yield
    }) : () -> ()
    %add3A_221 = arith.constant 45056 : i32
    %add3A_222 = arith.addi %add3A_221, %mul3A_2 : i32
    %mul3A_223 = arith.constant 32 : i32
    %mul3A_224 = arith.muli %add3A_222, %mul3A_223 : i32
    "tpu.region"() ({
      %run_scoped3A = tpu.sem_alloc : memref<!tpu.dma_semaphore, #tpu.memory_space<semaphore_mem>>
      %dma_start3A = tpu.memref_slice %arg3[%mul3A_224] : memref<1835008xf32, #tpu.memory_space<hbm>> -> memref<2048xf32, #tpu.memory_space<hbm>>
      %dma_start3A_283 = tpu.memref_slice %arg3[%mul3A_224] : memref<1835008xf32, #tpu.memory_space<hbm>> -> memref<2048xf32, #tpu.memory_space<hbm>>
      tpu.enqueue_dma source(%arg8 : memref<2048xf32, #tpu.memory_space<vmem>>) target(%dma_start3A_283 : memref<2048xf32, #tpu.memory_space<hbm>>) target_semaphore(%run_scoped3A : memref<!tpu.dma_semaphore, #tpu.memory_space<semaphore_mem>>)
      %dma_wait3A = tpu.memref_slice %arg3[%mul3A_224] : memref<1835008xf32, #tpu.memory_space<hbm>> -> memref<2048xf32, #tpu.memory_space<hbm>>
      %dma_wait3A_284 = tpu.memref_slice %arg3[%mul3A_224] : memref<1835008xf32, #tpu.memory_space<hbm>> -> memref<2048xf32, #tpu.memory_space<hbm>>
      tpu.wait_dma2 semaphore(%run_scoped3A : memref<!tpu.dma_semaphore, #tpu.memory_space<semaphore_mem>>) src(%arg8 : memref<2048xf32, #tpu.memory_space<vmem>>) dst(%dma_wait3A_284 : memref<2048xf32, #tpu.memory_space<hbm>>)
      tpu.yield
    }) : () -> ()
    %add3A_225 = arith.constant 47104 : i32
    %add3A_226 = arith.addi %add3A_225, %mul3A_2 : i32
    %mul3A_227 = arith.constant 32 : i32
    %mul3A_228 = arith.muli %add3A_226, %mul3A_227 : i32
    "tpu.region"() ({
      %run_scoped3A = tpu.sem_alloc : memref<!tpu.dma_semaphore, #tpu.memory_space<semaphore_mem>>
      %dma_start3A = tpu.memref_slice %arg3[%mul3A_228] : memref<1835008xf32, #tpu.memory_space<hbm>> -> memref<2048xf32, #tpu.memory_space<hbm>>
      %dma_start3A_283 = tpu.memref_slice %arg3[%mul3A_228] : memref<1835008xf32, #tpu.memory_space<hbm>> -> memref<2048xf32, #tpu.memory_space<hbm>>
      tpu.enqueue_dma source(%arg9 : memref<2048xf32, #tpu.memory_space<vmem>>) target(%dma_start3A_283 : memref<2048xf32, #tpu.memory_space<hbm>>) target_semaphore(%run_scoped3A : memref<!tpu.dma_semaphore, #tpu.memory_space<semaphore_mem>>)
      %dma_wait3A = tpu.memref_slice %arg3[%mul3A_228] : memref<1835008xf32, #tpu.memory_space<hbm>> -> memref<2048xf32, #tpu.memory_space<hbm>>
      %dma_wait3A_284 = tpu.memref_slice %arg3[%mul3A_228] : memref<1835008xf32, #tpu.memory_space<hbm>> -> memref<2048xf32, #tpu.memory_space<hbm>>
      tpu.wait_dma2 semaphore(%run_scoped3A : memref<!tpu.dma_semaphore, #tpu.memory_space<semaphore_mem>>) src(%arg9 : memref<2048xf32, #tpu.memory_space<vmem>>) dst(%dma_wait3A_284 : memref<2048xf32, #tpu.memory_space<hbm>>)
      tpu.yield
    }) : () -> ()
    %add3A_229 = arith.constant 40960 : i32
    %add3A_230 = arith.addi %add3A_229, %mul3A_2 : i32
    %mul3A_231 = arith.constant 48 : i32
    %mul3A_232 = arith.muli %add3A_230, %mul3A_231 : i32
    "tpu.region"() ({
      %run_scoped3A = tpu.sem_alloc : memref<!tpu.dma_semaphore, #tpu.memory_space<semaphore_mem>>
      %dma_start3A = tpu.memref_slice %arg4[%mul3A_232] : memref<2752512xf32, #tpu.memory_space<hbm>> -> memref<3072xf32, #tpu.memory_space<hbm>>
      %dma_start3A_283 = tpu.memref_slice %arg4[%mul3A_232] : memref<2752512xf32, #tpu.memory_space<hbm>> -> memref<3072xf32, #tpu.memory_space<hbm>>
      tpu.enqueue_dma source(%arg10 : memref<3072xf32, #tpu.memory_space<vmem>>) target(%dma_start3A_283 : memref<3072xf32, #tpu.memory_space<hbm>>) target_semaphore(%run_scoped3A : memref<!tpu.dma_semaphore, #tpu.memory_space<semaphore_mem>>)
      %dma_wait3A = tpu.memref_slice %arg4[%mul3A_232] : memref<2752512xf32, #tpu.memory_space<hbm>> -> memref<3072xf32, #tpu.memory_space<hbm>>
      %dma_wait3A_284 = tpu.memref_slice %arg4[%mul3A_232] : memref<2752512xf32, #tpu.memory_space<hbm>> -> memref<3072xf32, #tpu.memory_space<hbm>>
      tpu.wait_dma2 semaphore(%run_scoped3A : memref<!tpu.dma_semaphore, #tpu.memory_space<semaphore_mem>>) src(%arg10 : memref<3072xf32, #tpu.memory_space<vmem>>) dst(%dma_wait3A_284 : memref<3072xf32, #tpu.memory_space<hbm>>)
      tpu.yield
    }) : () -> ()
    %add3A_233 = arith.constant 43008 : i32
    %add3A_234 = arith.addi %add3A_233, %mul3A_2 : i32
    %mul3A_235 = arith.constant 48 : i32
    %mul3A_236 = arith.muli %add3A_234, %mul3A_235 : i32
    "tpu.region"() ({
      %run_scoped3A = tpu.sem_alloc : memref<!tpu.dma_semaphore, #tpu.memory_space<semaphore_mem>>
      %dma_start3A = tpu.memref_slice %arg4[%mul3A_236] : memref<2752512xf32, #tpu.memory_space<hbm>> -> memref<3072xf32, #tpu.memory_space<hbm>>
      %dma_start3A_283 = tpu.memref_slice %arg4[%mul3A_236] : memref<2752512xf32, #tpu.memory_space<hbm>> -> memref<3072xf32, #tpu.memory_space<hbm>>
      tpu.enqueue_dma source(%arg11 : memref<3072xf32, #tpu.memory_space<vmem>>) target(%dma_start3A_283 : memref<3072xf32, #tpu.memory_space<hbm>>) target_semaphore(%run_scoped3A : memref<!tpu.dma_semaphore, #tpu.memory_space<semaphore_mem>>)
      %dma_wait3A = tpu.memref_slice %arg4[%mul3A_236] : memref<2752512xf32, #tpu.memory_space<hbm>> -> memref<3072xf32, #tpu.memory_space<hbm>>
      %dma_wait3A_284 = tpu.memref_slice %arg4[%mul3A_236] : memref<2752512xf32, #tpu.memory_space<hbm>> -> memref<3072xf32, #tpu.memory_space<hbm>>
      tpu.wait_dma2 semaphore(%run_scoped3A : memref<!tpu.dma_semaphore, #tpu.memory_space<semaphore_mem>>) src(%arg11 : memref<3072xf32, #tpu.memory_space<vmem>>) dst(%dma_wait3A_284 : memref<3072xf32, #tpu.memory_space<hbm>>)
      tpu.yield
    }) : () -> ()
    %add3A_237 = arith.constant 45056 : i32
    %add3A_238 = arith.addi %add3A_237, %mul3A_2 : i32
    %mul3A_239 = arith.constant 48 : i32
    %mul3A_240 = arith.muli %add3A_238, %mul3A_239 : i32
    "tpu.region"() ({
      %run_scoped3A = tpu.sem_alloc : memref<!tpu.dma_semaphore, #tpu.memory_space<semaphore_mem>>
      %dma_start3A = tpu.memref_slice %arg4[%mul3A_240] : memref<2752512xf32, #tpu.memory_space<hbm>> -> memref<3072xf32, #tpu.memory_space<hbm>>
      %dma_start3A_283 = tpu.memref_slice %arg4[%mul3A_240] : memref<2752512xf32, #tpu.memory_space<hbm>> -> memref<3072xf32, #tpu.memory_space<hbm>>
      tpu.enqueue_dma source(%arg12 : memref<3072xf32, #tpu.memory_space<vmem>>) target(%dma_start3A_283 : memref<3072xf32, #tpu.memory_space<hbm>>) target_semaphore(%run_scoped3A : memref<!tpu.dma_semaphore, #tpu.memory_space<semaphore_mem>>)
      %dma_wait3A = tpu.memref_slice %arg4[%mul3A_240] : memref<2752512xf32, #tpu.memory_space<hbm>> -> memref<3072xf32, #tpu.memory_space<hbm>>
      %dma_wait3A_284 = tpu.memref_slice %arg4[%mul3A_240] : memref<2752512xf32, #tpu.memory_space<hbm>> -> memref<3072xf32, #tpu.memory_space<hbm>>
      tpu.wait_dma2 semaphore(%run_scoped3A : memref<!tpu.dma_semaphore, #tpu.memory_space<semaphore_mem>>) src(%arg12 : memref<3072xf32, #tpu.memory_space<vmem>>) dst(%dma_wait3A_284 : memref<3072xf32, #tpu.memory_space<hbm>>)
      tpu.yield
    }) : () -> ()
    %add3A_241 = arith.constant 47104 : i32
    %add3A_242 = arith.addi %add3A_241, %mul3A_2 : i32
    %mul3A_243 = arith.constant 48 : i32
    %mul3A_244 = arith.muli %add3A_242, %mul3A_243 : i32
    "tpu.region"() ({
      %run_scoped3A = tpu.sem_alloc : memref<!tpu.dma_semaphore, #tpu.memory_space<semaphore_mem>>
      %dma_start3A = tpu.memref_slice %arg4[%mul3A_244] : memref<2752512xf32, #tpu.memory_space<hbm>> -> memref<3072xf32, #tpu.memory_space<hbm>>
      %dma_start3A_283 = tpu.memref_slice %arg4[%mul3A_244] : memref<2752512xf32, #tpu.memory_space<hbm>> -> memref<3072xf32, #tpu.memory_space<hbm>>
      tpu.enqueue_dma source(%arg13 : memref<3072xf32, #tpu.memory_space<vmem>>) target(%dma_start3A_283 : memref<3072xf32, #tpu.memory_space<hbm>>) target_semaphore(%run_scoped3A : memref<!tpu.dma_semaphore, #tpu.memory_space<semaphore_mem>>)
      %dma_wait3A = tpu.memref_slice %arg4[%mul3A_244] : memref<2752512xf32, #tpu.memory_space<hbm>> -> memref<3072xf32, #tpu.memory_space<hbm>>
      %dma_wait3A_284 = tpu.memref_slice %arg4[%mul3A_244] : memref<2752512xf32, #tpu.memory_space<hbm>> -> memref<3072xf32, #tpu.memory_space<hbm>>
      tpu.wait_dma2 semaphore(%run_scoped3A : memref<!tpu.dma_semaphore, #tpu.memory_space<semaphore_mem>>) src(%arg13 : memref<3072xf32, #tpu.memory_space<vmem>>) dst(%dma_wait3A_284 : memref<3072xf32, #tpu.memory_space<hbm>>)
      tpu.yield
    }) : () -> ()
    %scan3A_245 = arith.constant 0 : i32
    %scan3A_246 = arith.constant 0 : i32
    %scan3A_247 = arith.constant 32 : i32
    %scan3A_248 = arith.addi %scan3A_246, %scan3A_247 : i32
    %scan3A_249 = arith.constant 1 : i32
    scf.for %scan3A_283 = %scan3A_246 to %scan3A_248 step %scan3A_249  : i32 {
      %mul3A_284 = arith.constant 2 : i32
      %mul3A_285 = arith.muli %mul3A_284, %scan3A_283 : i32
      %jit3A = arith.constant 16 : i32
      %div3A = arith.divsi %mul3A_285, %jit3A : i32
      %sign3A = arith.constant 0 : i32
      %sign3A_286 = arith.cmpi sgt, %mul3A_285, %sign3A : i32
      %sign3A_287 = arith.extui %sign3A_286 : i1 to i32
      %sign3A_288 = arith.constant 0 : i32
      %sign3A_289 = arith.cmpi slt, %mul3A_285, %sign3A_288 : i32
      %sign3A_290 = arith.extui %sign3A_289 : i1 to i32
      %sign3A_291 = arith.subi %sign3A_287, %sign3A_290 : i32
      %sign3A_292 = arith.constant 0 : i32
      %sign3A_293 = arith.cmpi sgt, %jit3A, %sign3A_292 : i32
      %sign3A_294 = arith.extui %sign3A_293 : i1 to i32
      %sign3A_295 = arith.constant 0 : i32
      %sign3A_296 = arith.cmpi slt, %jit3A, %sign3A_295 : i32
      %sign3A_297 = arith.extui %sign3A_296 : i1 to i32
      %sign3A_298 = arith.subi %sign3A_294, %sign3A_297 : i32
      %ne3A = arith.cmpi ne, %sign3A_291, %sign3A_298 : i32
      %rem3A = arith.remsi %mul3A_285, %jit3A : i32
      %ne3A_299 = arith.constant 0 : i32
      %ne3A_300 = arith.cmpi ne, %rem3A, %ne3A_299 : i32
      %and3A = arith.andi %ne3A, %ne3A_300 : i1
      %sub3A = arith.constant 1 : i32
      %sub3A_301 = arith.subi %div3A, %sub3A : i32
      %select_n3A = arith.select %and3A, %sub3A_301, %div3A : i32
      %mul3A_302 = arith.constant 16 : i32
      %mul3A_303 = arith.muli %select_n3A, %mul3A_302 : i32
      %add3A_304 = arith.addi %mul3A_2, %mul3A_303 : i32
      %add3A_305 = arith.constant 12288 : i32
      %add3A_306 = arith.addi %add3A_305, %add3A_304 : i32
      %get3A = arith.index_cast %add3A_306 : i32 to index
      %get3A_307 = tpu.vector_load %arg5[%get3A] {strides = array<i32>} : memref<18432xf32, #tpu.memory_space<vmem>>, vector<16xf32>,
      %add3A_308 = arith.constant 14336 : i32
      %add3A_309 = arith.addi %add3A_308, %add3A_304 : i32
      %get3A_310 = arith.index_cast %add3A_309 : i32 to index
      %get3A_311 = tpu.vector_load %arg5[%get3A_310] {strides = array<i32>} : memref<18432xf32, #tpu.memory_space<vmem>>, vector<16xf32>,
      %add3A_312 = arith.constant 16384 : i32
      %add3A_313 = arith.addi %add3A_312, %add3A_304 : i32
      %get3A_314 = arith.index_cast %add3A_313 : i32 to index
      %get3A_315 = tpu.vector_load %arg5[%get3A_314] {strides = array<i32>} : memref<18432xf32, #tpu.memory_space<vmem>>, vector<16xf32>,
      %jit3A_316 = arith.constant 16 : i32
      %eq3A = arith.constant 0 : i32
      %eq3A_317 = arith.cmpi eq, %jit3A_316, %eq3A : i32
      %jit3A_318 = arith.constant 1 : i32
      %select_n3A_319 = arith.select %eq3A_317, %jit3A_318, %jit3A_316 : i32
      %rem3A_320 = arith.remsi %mul3A_285, %select_n3A_319 : i32
      %ne3A_321 = arith.constant 0 : i32
      %ne3A_322 = arith.cmpi ne, %rem3A_320, %ne3A_321 : i32
      %lt3A = arith.constant 0 : i32
      %lt3A_323 = arith.cmpi slt, %rem3A_320, %lt3A : i32
      %lt3A_324 = arith.constant 0 : i32
      %lt3A_325 = arith.cmpi slt, %select_n3A_319, %lt3A_324 : i32
      %ne3A_326 = arith.xori %lt3A_323, %lt3A_325 : i1
      %and3A_327 = arith.andi %ne3A_326, %ne3A_322 : i1
      %add3A_328 = arith.addi %rem3A_320, %select_n3A_319 : i32
      %select_n3A_329 = arith.select %and3A_327, %add3A_328, %rem3A_320 : i32
      %broadcast_in_dim3A_330 = vector.broadcast %select_n3A_329 : i32 to vector<16xi32>
      %lt3A_331 = arith.constant 0 : i32
      %lt3A_332 = vector.broadcast %lt3A_331 : i32 to vector<16xi32>
      %lt3A_333 = arith.cmpi slt, %broadcast_in_dim3A_330, %lt3A_332 : vector<16xi32>
      %add3A_334 = arith.constant 16 : i32
      %add3A_335 = vector.broadcast %add3A_334 : i32 to vector<16xi32>
      %add3A_336 = arith.addi %broadcast_in_dim3A_330, %add3A_335 : vector<16xi32>
      %select_n3A_337 = arith.select %lt3A_333, %add3A_336, %broadcast_in_dim3A_330 : vector<16xi1>, vector<16xi32>
      %broadcast_in_dim3A_338 = vector.shape_cast %select_n3A_337 : vector<16xi32> to vector<16x1xi32>
      %gather3A = vector.shape_cast %broadcast_in_dim3A_338 : vector<16x1xi32> to vector<16xi32>
      %gather3A_339 = tpu.dynamic_gather %get3A_307[%gather3A] in [0] : vector<16xf32>, vector<16xi32> -> vector<16xf32>
      %broadcast_in_dim3A_340 = vector.broadcast %select_n3A_329 : i32 to vector<16xi32>
      %lt3A_341 = arith.constant 0 : i32
      %lt3A_342 = vector.broadcast %lt3A_341 : i32 to vector<16xi32>
      %lt3A_343 = arith.cmpi slt, %broadcast_in_dim3A_340, %lt3A_342 : vector<16xi32>
      %add3A_344 = arith.constant 16 : i32
      %add3A_345 = vector.broadcast %add3A_344 : i32 to vector<16xi32>
      %add3A_346 = arith.addi %broadcast_in_dim3A_340, %add3A_345 : vector<16xi32>
      %select_n3A_347 = arith.select %lt3A_343, %add3A_346, %broadcast_in_dim3A_340 : vector<16xi1>, vector<16xi32>
      %broadcast_in_dim3A_348 = vector.shape_cast %select_n3A_347 : vector<16xi32> to vector<16x1xi32>
      %gather3A_349 = vector.shape_cast %broadcast_in_dim3A_348 : vector<16x1xi32> to vector<16xi32>
      %gather3A_350 = tpu.dynamic_gather %get3A_311[%gather3A_349] in [0] : vector<16xf32>, vector<16xi32> -> vector<16xf32>
      %broadcast_in_dim3A_351 = vector.broadcast %select_n3A_329 : i32 to vector<16xi32>
      %lt3A_352 = arith.constant 0 : i32
      %lt3A_353 = vector.broadcast %lt3A_352 : i32 to vector<16xi32>
      %lt3A_354 = arith.cmpi slt, %broadcast_in_dim3A_351, %lt3A_353 : vector<16xi32>
      %add3A_355 = arith.constant 16 : i32
      %add3A_356 = vector.broadcast %add3A_355 : i32 to vector<16xi32>
      %add3A_357 = arith.addi %broadcast_in_dim3A_351, %add3A_356 : vector<16xi32>
      %select_n3A_358 = arith.select %lt3A_354, %add3A_357, %broadcast_in_dim3A_351 : vector<16xi1>, vector<16xi32>
      %broadcast_in_dim3A_359 = vector.shape_cast %select_n3A_358 : vector<16xi32> to vector<16x1xi32>
      %gather3A_360 = vector.shape_cast %broadcast_in_dim3A_359 : vector<16x1xi32> to vector<16xi32>
      %gather3A_361 = tpu.dynamic_gather %get3A_315[%gather3A_360] in [0] : vector<16xf32>, vector<16xi32> -> vector<16xf32>
      %add3A_362 = arith.constant 1 : i32
      %add3A_363 = arith.addi %select_n3A_329, %add3A_362 : i32
      %broadcast_in_dim3A_364 = vector.broadcast %add3A_363 : i32 to vector<16xi32>
      %lt3A_365 = arith.constant 0 : i32
      %lt3A_366 = vector.broadcast %lt3A_365 : i32 to vector<16xi32>
      %lt3A_367 = arith.cmpi slt, %broadcast_in_dim3A_364, %lt3A_366 : vector<16xi32>
      %add3A_368 = arith.constant 16 : i32
      %add3A_369 = vector.broadcast %add3A_368 : i32 to vector<16xi32>
      %add3A_370 = arith.addi %broadcast_in_dim3A_364, %add3A_369 : vector<16xi32>
      %select_n3A_371 = arith.select %lt3A_367, %add3A_370, %broadcast_in_dim3A_364 : vector<16xi1>, vector<16xi32>
      %broadcast_in_dim3A_372 = vector.shape_cast %select_n3A_371 : vector<16xi32> to vector<16x1xi32>
      %gather3A_373 = vector.shape_cast %broadcast_in_dim3A_372 : vector<16x1xi32> to vector<16xi32>
      %gather3A_374 = tpu.dynamic_gather %get3A_307[%gather3A_373] in [0] : vector<16xf32>, vector<16xi32> -> vector<16xf32>
      %add3A_375 = arith.constant 1 : i32
      %add3A_376 = arith.addi %select_n3A_329, %add3A_375 : i32
      %broadcast_in_dim3A_377 = vector.broadcast %add3A_376 : i32 to vector<16xi32>
      %lt3A_378 = arith.constant 0 : i32
      %lt3A_379 = vector.broadcast %lt3A_378 : i32 to vector<16xi32>
      %lt3A_380 = arith.cmpi slt, %broadcast_in_dim3A_377, %lt3A_379 : vector<16xi32>
      %add3A_381 = arith.constant 16 : i32
      %add3A_382 = vector.broadcast %add3A_381 : i32 to vector<16xi32>
      %add3A_383 = arith.addi %broadcast_in_dim3A_377, %add3A_382 : vector<16xi32>
      %select_n3A_384 = arith.select %lt3A_380, %add3A_383, %broadcast_in_dim3A_377 : vector<16xi1>, vector<16xi32>
      %broadcast_in_dim3A_385 = vector.shape_cast %select_n3A_384 : vector<16xi32> to vector<16x1xi32>
      %gather3A_386 = vector.shape_cast %broadcast_in_dim3A_385 : vector<16x1xi32> to vector<16xi32>
      %gather3A_387 = tpu.dynamic_gather %get3A_311[%gather3A_386] in [0] : vector<16xf32>, vector<16xi32> -> vector<16xf32>
      %add3A_388 = arith.constant 1 : i32
      %add3A_389 = arith.addi %select_n3A_329, %add3A_388 : i32
      %broadcast_in_dim3A_390 = vector.broadcast %add3A_389 : i32 to vector<16xi32>
      %lt3A_391 = arith.constant 0 : i32
      %lt3A_392 = vector.broadcast %lt3A_391 : i32 to vector<16xi32>
      %lt3A_393 = arith.cmpi slt, %broadcast_in_dim3A_390, %lt3A_392 : vector<16xi32>
      %add3A_394 = arith.constant 16 : i32
      %add3A_395 = vector.broadcast %add3A_394 : i32 to vector<16xi32>
      %add3A_396 = arith.addi %broadcast_in_dim3A_390, %add3A_395 : vector<16xi32>
      %select_n3A_397 = arith.select %lt3A_393, %add3A_396, %broadcast_in_dim3A_390 : vector<16xi1>, vector<16xi32>
      %broadcast_in_dim3A_398 = vector.shape_cast %select_n3A_397 : vector<16xi32> to vector<16x1xi32>
      %gather3A_399 = vector.shape_cast %broadcast_in_dim3A_398 : vector<16x1xi32> to vector<16xi32>
      %gather3A_400 = tpu.dynamic_gather %get3A_315[%gather3A_399] in [0] : vector<16xf32>, vector<16xi32> -> vector<16xf32>
      %mul3A_401 = arith.constant 32 : i32
      %mul3A_402 = arith.muli %mul3A_285, %mul3A_401 : i32
      %mul3A_403 = arith.constant 48 : i32
      %mul3A_404 = arith.muli %mul3A_285, %mul3A_403 : i32
      %add3A_405 = arith.constant 32 : i32
      %add3A_406 = arith.addi %mul3A_402, %add3A_405 : i32
      %add3A_407 = arith.constant 48 : i32
      %add3A_408 = arith.addi %mul3A_404, %add3A_407 : i32
      %add3A_409 = arith.constant 16 : i32
      %add3A_410 = arith.addi %mul3A_402, %add3A_409 : i32
      %broadcast_in_dim3A_411 = vector.broadcast %add3A_410 : i32 to vector<16xi32>
      %add3A_412 = arith.constant 32 : i32
      %add3A_413 = arith.addi %mul3A_404, %add3A_412 : i32
      %broadcast_in_dim3A_414 = vector.broadcast %add3A_413 : i32 to vector<16xi32>
      %add3A_415 = arith.constant 16 : i32
      %add3A_416 = arith.addi %add3A_406, %add3A_415 : i32
      %broadcast_in_dim3A_417 = vector.broadcast %add3A_416 : i32 to vector<16xi32>
      %add3A_418 = arith.constant 32 : i32
      %add3A_419 = arith.addi %add3A_408, %add3A_418 : i32
      %broadcast_in_dim3A_420 = vector.broadcast %add3A_419 : i32 to vector<16xi32>
      %sub3A_421 = arith.constant 1 : i32
      %sub3A_422 = arith.subi %mul3A_402, %sub3A_421 : i32
      %broadcast_in_dim3A_423 = vector.broadcast %sub3A_422 : i32 to vector<16xi32>
      %sub3A_424 = arith.constant 1 : i32
      %sub3A_425 = arith.subi %mul3A_404, %sub3A_424 : i32
      %broadcast_in_dim3A_426 = vector.broadcast %sub3A_425 : i32 to vector<16xi32>
      %sub3A_427 = arith.constant 1 : i32
      %sub3A_428 = arith.subi %add3A_406, %sub3A_427 : i32
      %broadcast_in_dim3A_429 = vector.broadcast %sub3A_428 : i32 to vector<16xi32>
      %sub3A_430 = arith.constant 1 : i32
      %sub3A_431 = arith.subi %add3A_408, %sub3A_430 : i32
      %broadcast_in_dim3A_432 = vector.broadcast %sub3A_431 : i32 to vector<16xi32>
      %scan3A_433 = arith.constant 0 : i32
      %scan3A_434 = arith.constant 128 : i32
      %scan3A_435 = arith.addi %scan3A_433, %scan3A_434 : i32
      %scan3A_436 = arith.constant 1 : i32
      %scan3A_437:4 = scf.for %scan3A_533 = %scan3A_433 to %scan3A_435 step %scan3A_436 iter_args(%scan3A_534 = %broadcast_in_dim3A_423, %scan3A_535 = %broadcast_in_dim3A_426, %scan3A_536 = %broadcast_in_dim3A_429, %scan3A_537 = %broadcast_in_dim3A_432) -> (vector<16xi32>, vector<16xi32>, vector<16xi32>, vector<16xi32>)  : i32 {
        %mul3A_538 = arith.constant 16 : i32
        %mul3A_539 = arith.muli %scan3A_533, %mul3A_538 : i32
        %add3A_540 = arith.constant 0 : i32
        %add3A_541 = arith.addi %add3A_540, %mul3A_539 : i32
        %get3A_542 = arith.index_cast %add3A_541 : i32 to index
        %get3A_543 = tpu.vector_load %arg5[%get3A_542] {strides = array<i32>} : memref<18432xf32, #tpu.memory_space<vmem>>, vector<16xf32>,
        %add3A_544 = arith.constant 2048 : i32
        %add3A_545 = arith.addi %add3A_544, %mul3A_539 : i32
        %get3A_546 = arith.index_cast %add3A_545 : i32 to index
        %get3A_547 = tpu.vector_load %arg5[%get3A_546] {strides = array<i32>} : memref<18432xf32, #tpu.memory_space<vmem>>, vector<16xf32>,
        %add3A_548 = arith.constant 4096 : i32
        %add3A_549 = arith.addi %add3A_548, %mul3A_539 : i32
        %get3A_550 = arith.index_cast %add3A_549 : i32 to index
        %get3A_551 = tpu.vector_load %arg5[%get3A_550] {strides = array<i32>} : memref<18432xf32, #tpu.memory_space<vmem>>, vector<16xf32>,
        %sub3A_552 = arith.subf %get3A_543, %gather3A_339 : vector<16xf32>
        %sub3A_553 = arith.subf %get3A_547, %gather3A_350 : vector<16xf32>
        %sub3A_554 = arith.subf %get3A_551, %gather3A_361 : vector<16xf32>
        %mul3A_555 = arith.mulf %sub3A_552, %sub3A_552 : vector<16xf32>
        %mul3A_556 = arith.mulf %sub3A_553, %sub3A_553 : vector<16xf32>
        %add3A_557 = arith.addf %mul3A_555, %mul3A_556 : vector<16xf32>
        %mul3A_558 = arith.mulf %sub3A_554, %sub3A_554 : vector<16xf32>
        %add3A_559 = arith.addf %add3A_557, %mul3A_558 : vector<16xf32>
        %le3A = arith.constant 4.000000e-02 : f32
        %le3A_560 = vector.broadcast %le3A : f32 to vector<16xf32>
        %le3A_561 = arith.cmpf ole, %add3A_559, %le3A_560 : vector<16xf32>
        %le3A_562 = arith.constant 0.00999999977 : f32
        %le3A_563 = vector.broadcast %le3A_562 : f32 to vector<16xf32>
        %le3A_564 = arith.cmpf ole, %add3A_559, %le3A_563 : vector<16xf32>
        %convert_element_type3A_565 = arith.extui %le3A_561 : vector<16xi1> to vector<16xi32>
        %broadcast_in_dim3A_566 = arith.constant true
        %broadcast_in_dim3A_567 = vector.broadcast %broadcast_in_dim3A_566 : i1 to vector<16xi1>
        %masked_cumsum3A = tpu.scan <sum>, %convert_element_type3A_565 masked %broadcast_in_dim3A_567 : vector<16xi32>, vector<16xi1> -> vector<16xi32>
        %add3A_568 = arith.addi %scan3A_535, %masked_cumsum3A : vector<16xi32>
        %convert_element_type3A_569 = arith.extui %le3A_564 : vector<16xi1> to vector<16xi32>
        %broadcast_in_dim3A_570 = arith.constant true
        %broadcast_in_dim3A_571 = vector.broadcast %broadcast_in_dim3A_570 : i1 to vector<16xi1>
        %masked_cumsum3A_572 = tpu.scan <sum>, %convert_element_type3A_569 masked %broadcast_in_dim3A_571 : vector<16xi32>, vector<16xi1> -> vector<16xi32>
        %add3A_573 = arith.addi %scan3A_534, %masked_cumsum3A_572 : vector<16xi32>
        %lt3A_574 = arith.cmpi slt, %add3A_568, %broadcast_in_dim3A_414 : vector<16xi32>
        %and3A_575 = arith.andi %le3A_561, %lt3A_574 : vector<16xi1>
        %lt3A_576 = arith.cmpi slt, %add3A_573, %broadcast_in_dim3A_411 : vector<16xi32>
        %and3A_577 = arith.andi %le3A_564, %lt3A_576 : vector<16xi1>
        tpu.vector_store_idx %arg10[%add3A_568], %sub3A_552 masked %and3A_575 : memref<3072xf32, #tpu.memory_space<vmem>>[vector<16xi32>], vector<16xf32>, vector<16xi1>
        tpu.vector_store_idx %arg11[%add3A_568], %sub3A_553 masked %and3A_575 : memref<3072xf32, #tpu.memory_space<vmem>>[vector<16xi32>], vector<16xf32>, vector<16xi1>
        tpu.vector_store_idx %arg12[%add3A_568], %sub3A_554 masked %and3A_575 : memref<3072xf32, #tpu.memory_space<vmem>>[vector<16xi32>], vector<16xf32>, vector<16xi1>
        tpu.vector_store_idx %arg6[%add3A_573], %sub3A_552 masked %and3A_577 : memref<2048xf32, #tpu.memory_space<vmem>>[vector<16xi32>], vector<16xf32>, vector<16xi1>
        tpu.vector_store_idx %arg7[%add3A_573], %sub3A_553 masked %and3A_577 : memref<2048xf32, #tpu.memory_space<vmem>>[vector<16xi32>], vector<16xf32>, vector<16xi1>
        tpu.vector_store_idx %arg8[%add3A_573], %sub3A_554 masked %and3A_577 : memref<2048xf32, #tpu.memory_space<vmem>>[vector<16xi32>], vector<16xf32>, vector<16xi1>
        %all_reduce_population_count3A = tpu.all_reduce %le3A_561 {dim = 0 : i64, kind = #tpu.reduction_kind<sum>} : vector<16xi1> -> vector<16xi32>
        %add3A_578 = arith.addi %scan3A_535, %all_reduce_population_count3A : vector<16xi32>
        %sub3A_579 = arith.constant 1 : i32
        %sub3A_580 = vector.broadcast %sub3A_579 : i32 to vector<16xi32>
        %sub3A_581 = arith.subi %broadcast_in_dim3A_414, %sub3A_580 : vector<16xi32>
        %min3A = arith.minsi %add3A_578, %sub3A_581 : vector<16xi32>
        %all_reduce_population_count3A_582 = tpu.all_reduce %le3A_564 {dim = 0 : i64, kind = #tpu.reduction_kind<sum>} : vector<16xi1> -> vector<16xi32>
        %add3A_583 = arith.addi %scan3A_534, %all_reduce_population_count3A_582 : vector<16xi32>
        %sub3A_584 = arith.constant 1 : i32
        %sub3A_585 = vector.broadcast %sub3A_584 : i32 to vector<16xi32>
        %sub3A_586 = arith.subi %broadcast_in_dim3A_411, %sub3A_585 : vector<16xi32>
        %min3A_587 = arith.minsi %add3A_583, %sub3A_586 : vector<16xi32>
        %sub3A_588 = arith.subf %get3A_543, %gather3A_374 : vector<16xf32>
        %sub3A_589 = arith.subf %get3A_547, %gather3A_387 : vector<16xf32>
        %sub3A_590 = arith.subf %get3A_551, %gather3A_400 : vector<16xf32>
        %mul3A_591 = arith.mulf %sub3A_588, %sub3A_588 : vector<16xf32>
        %mul3A_592 = arith.mulf %sub3A_589, %sub3A_589 : vector<16xf32>
        %add3A_593 = arith.addf %mul3A_591, %mul3A_592 : vector<16xf32>
        %mul3A_594 = arith.mulf %sub3A_590, %sub3A_590 : vector<16xf32>
        %add3A_595 = arith.addf %add3A_593, %mul3A_594 : vector<16xf32>
        %le3A_596 = arith.constant 4.000000e-02 : f32
        %le3A_597 = vector.broadcast %le3A_596 : f32 to vector<16xf32>
        %le3A_598 = arith.cmpf ole, %add3A_595, %le3A_597 : vector<16xf32>
        %le3A_599 = arith.constant 0.00999999977 : f32
        %le3A_600 = vector.broadcast %le3A_599 : f32 to vector<16xf32>
        %le3A_601 = arith.cmpf ole, %add3A_595, %le3A_600 : vector<16xf32>
        %convert_element_type3A_602 = arith.extui %le3A_598 : vector<16xi1> to vector<16xi32>
        %broadcast_in_dim3A_603 = arith.constant true
        %broadcast_in_dim3A_604 = vector.broadcast %broadcast_in_dim3A_603 : i1 to vector<16xi1>
        %masked_cumsum3A_605 = tpu.scan <sum>, %convert_element_type3A_602 masked %broadcast_in_dim3A_604 : vector<16xi32>, vector<16xi1> -> vector<16xi32>
        %add3A_606 = arith.addi %scan3A_537, %masked_cumsum3A_605 : vector<16xi32>
        %convert_element_type3A_607 = arith.extui %le3A_601 : vector<16xi1> to vector<16xi32>
        %broadcast_in_dim3A_608 = arith.constant true
        %broadcast_in_dim3A_609 = vector.broadcast %broadcast_in_dim3A_608 : i1 to vector<16xi1>
        %masked_cumsum3A_610 = tpu.scan <sum>, %convert_element_type3A_607 masked %broadcast_in_dim3A_609 : vector<16xi32>, vector<16xi1> -> vector<16xi32>
        %add3A_611 = arith.addi %scan3A_536, %masked_cumsum3A_610 : vector<16xi32>
        %lt3A_612 = arith.cmpi slt, %add3A_606, %broadcast_in_dim3A_420 : vector<16xi32>
        %and3A_613 = arith.andi %le3A_598, %lt3A_612 : vector<16xi1>
        %lt3A_614 = arith.cmpi slt, %add3A_611, %broadcast_in_dim3A_417 : vector<16xi32>
        %and3A_615 = arith.andi %le3A_601, %lt3A_614 : vector<16xi1>
        tpu.vector_store_idx %arg10[%add3A_606], %sub3A_588 masked %and3A_613 : memref<3072xf32, #tpu.memory_space<vmem>>[vector<16xi32>], vector<16xf32>, vector<16xi1>
        tpu.vector_store_idx %arg11[%add3A_606], %sub3A_589 masked %and3A_613 : memref<3072xf32, #tpu.memory_space<vmem>>[vector<16xi32>], vector<16xf32>, vector<16xi1>
        tpu.vector_store_idx %arg12[%add3A_606], %sub3A_590 masked %and3A_613 : memref<3072xf32, #tpu.memory_space<vmem>>[vector<16xi32>], vector<16xf32>, vector<16xi1>
        tpu.vector_store_idx %arg6[%add3A_611], %sub3A_588 masked %and3A_615 : memref<2048xf32, #tpu.memory_space<vmem>>[vector<16xi32>], vector<16xf32>, vector<16xi1>
        tpu.vector_store_idx %arg7[%add3A_611], %sub3A_589 masked %and3A_615 : memref<2048xf32, #tpu.memory_space<vmem>>[vector<16xi32>], vector<16xf32>, vector<16xi1>
        tpu.vector_store_idx %arg8[%add3A_611], %sub3A_590 masked %and3A_615 : memref<2048xf32, #tpu.memory_space<vmem>>[vector<16xi32>], vector<16xf32>, vector<16xi1>
        %all_reduce_population_count3A_616 = tpu.all_reduce %le3A_598 {dim = 0 : i64, kind = #tpu.reduction_kind<sum>} : vector<16xi1> -> vector<16xi32>
        %add3A_617 = arith.addi %scan3A_537, %all_reduce_population_count3A_616 : vector<16xi32>
        %sub3A_618 = arith.constant 1 : i32
        %sub3A_619 = vector.broadcast %sub3A_618 : i32 to vector<16xi32>
        %sub3A_620 = arith.subi %broadcast_in_dim3A_420, %sub3A_619 : vector<16xi32>
        %min3A_621 = arith.minsi %add3A_617, %sub3A_620 : vector<16xi32>
        %all_reduce_population_count3A_622 = tpu.all_reduce %le3A_601 {dim = 0 : i64, kind = #tpu.reduction_kind<sum>} : vector<16xi1> -> vector<16xi32>
        %add3A_623 = arith.addi %scan3A_536, %all_reduce_population_count3A_622 : vector<16xi32>
        %sub3A_624 = arith.constant 1 : i32
        %sub3A_625 = vector.broadcast %sub3A_624 : i32 to vector<16xi32>
        %sub3A_626 = arith.subi %broadcast_in_dim3A_417, %sub3A_625 : vector<16xi32>
        %min3A_627 = arith.minsi %add3A_623, %sub3A_626 : vector<16xi32>
        scf.yield %min3A_587, %min3A, %min3A_627, %min3A_621 : vector<16xi32>, vector<16xi32>, vector<16xi32>, vector<16xi32>
      }
      %scan3A_438 = arith.constant 128 : i32
      %sub3A_439 = arith.constant 1 : i32
      %sub3A_440 = arith.subi %mul3A_402, %sub3A_439 : i32
      %sub3A_441 = vector.broadcast %sub3A_440 : i32 to vector<16xi32>
      %sub3A_442 = arith.subi %scan3A_437#0, %sub3A_441 : vector<16xi32>
      %sub3A_443 = arith.constant 1 : i32
      %sub3A_444 = arith.subi %mul3A_404, %sub3A_443 : i32
      %sub3A_445 = vector.broadcast %sub3A_444 : i32 to vector<16xi32>
      %sub3A_446 = arith.subi %scan3A_437#1, %sub3A_445 : vector<16xi32>
      %lt3A_447 = arith.cmpi slt, %iota3A, %sub3A_442 : vector<16xi32>
      %convert_element_type3A = arith.extui %lt3A_447 : vector<16xi1> to vector<16xi32>
      %convert_element_type3A_448 = arith.sitofp %convert_element_type3A : vector<16xi32> to vector<16xf32>
      %swap3A = arith.index_cast %mul3A_402 : i32 to index
      %swap3A_449 = tpu.vector_load %arg9[%swap3A] {strides = array<i32>} : memref<2048xf32, #tpu.memory_space<vmem>>, vector<16xf32>,
      tpu.vector_store %arg9[%swap3A], %convert_element_type3A_448 {strides = array<i32>} : memref<2048xf32, #tpu.memory_space<vmem>>, vector<16xf32>,
      %add3A_450 = arith.constant 16 : i32
      %add3A_451 = vector.broadcast %add3A_450 : i32 to vector<16xi32>
      %add3A_452 = arith.addi %iota3A, %add3A_451 : vector<16xi32>
      %lt3A_453 = arith.cmpi slt, %add3A_452, %sub3A_442 : vector<16xi32>
      %convert_element_type3A_454 = arith.extui %lt3A_453 : vector<16xi1> to vector<16xi32>
      %convert_element_type3A_455 = arith.sitofp %convert_element_type3A_454 : vector<16xi32> to vector<16xf32>
      %add3A_456 = arith.constant 16 : i32
      %add3A_457 = arith.addi %mul3A_402, %add3A_456 : i32
      %swap3A_458 = arith.index_cast %add3A_457 : i32 to index
      %swap3A_459 = tpu.vector_load %arg9[%swap3A_458] {strides = array<i32>} : memref<2048xf32, #tpu.memory_space<vmem>>, vector<16xf32>,
      tpu.vector_store %arg9[%swap3A_458], %convert_element_type3A_455 {strides = array<i32>} : memref<2048xf32, #tpu.memory_space<vmem>>, vector<16xf32>,
      %lt3A_460 = arith.cmpi slt, %iota3A, %sub3A_446 : vector<16xi32>
      %convert_element_type3A_461 = arith.extui %lt3A_460 : vector<16xi1> to vector<16xi32>
      %convert_element_type3A_462 = arith.sitofp %convert_element_type3A_461 : vector<16xi32> to vector<16xf32>
      %swap3A_463 = arith.index_cast %mul3A_404 : i32 to index
      %swap3A_464 = tpu.vector_load %arg13[%swap3A_463] {strides = array<i32>} : memref<3072xf32, #tpu.memory_space<vmem>>, vector<16xf32>,
      tpu.vector_store %arg13[%swap3A_463], %convert_element_type3A_462 {strides = array<i32>} : memref<3072xf32, #tpu.memory_space<vmem>>, vector<16xf32>,
      %add3A_465 = arith.constant 16 : i32
      %add3A_466 = vector.broadcast %add3A_465 : i32 to vector<16xi32>
      %add3A_467 = arith.addi %iota3A, %add3A_466 : vector<16xi32>
      %lt3A_468 = arith.cmpi slt, %add3A_467, %sub3A_446 : vector<16xi32>
      %convert_element_type3A_469 = arith.extui %lt3A_468 : vector<16xi1> to vector<16xi32>
      %convert_element_type3A_470 = arith.sitofp %convert_element_type3A_469 : vector<16xi32> to vector<16xf32>
      %add3A_471 = arith.constant 16 : i32
      %add3A_472 = arith.addi %mul3A_404, %add3A_471 : i32
      %swap3A_473 = arith.index_cast %add3A_472 : i32 to index
      %swap3A_474 = tpu.vector_load %arg13[%swap3A_473] {strides = array<i32>} : memref<3072xf32, #tpu.memory_space<vmem>>, vector<16xf32>,
      tpu.vector_store %arg13[%swap3A_473], %convert_element_type3A_470 {strides = array<i32>} : memref<3072xf32, #tpu.memory_space<vmem>>, vector<16xf32>,
      %add3A_475 = arith.constant 32 : i32
      %add3A_476 = vector.broadcast %add3A_475 : i32 to vector<16xi32>
      %add3A_477 = arith.addi %iota3A, %add3A_476 : vector<16xi32>
      %lt3A_478 = arith.cmpi slt, %add3A_477, %sub3A_446 : vector<16xi32>
      %convert_element_type3A_479 = arith.extui %lt3A_478 : vector<16xi1> to vector<16xi32>
      %convert_element_type3A_480 = arith.sitofp %convert_element_type3A_479 : vector<16xi32> to vector<16xf32>
      %add3A_481 = arith.constant 32 : i32
      %add3A_482 = arith.addi %mul3A_404, %add3A_481 : i32
      %swap3A_483 = arith.index_cast %add3A_482 : i32 to index
      %swap3A_484 = tpu.vector_load %arg13[%swap3A_483] {strides = array<i32>} : memref<3072xf32, #tpu.memory_space<vmem>>, vector<16xf32>,
      tpu.vector_store %arg13[%swap3A_483], %convert_element_type3A_480 {strides = array<i32>} : memref<3072xf32, #tpu.memory_space<vmem>>, vector<16xf32>,
      %sub3A_485 = arith.constant 1 : i32
      %sub3A_486 = arith.subi %add3A_406, %sub3A_485 : i32
      %sub3A_487 = vector.broadcast %sub3A_486 : i32 to vector<16xi32>
      %sub3A_488 = arith.subi %scan3A_437#2, %sub3A_487 : vector<16xi32>
      %sub3A_489 = arith.constant 1 : i32
      %sub3A_490 = arith.subi %add3A_408, %sub3A_489 : i32
      %sub3A_491 = vector.broadcast %sub3A_490 : i32 to vector<16xi32>
      %sub3A_492 = arith.subi %scan3A_437#3, %sub3A_491 : vector<16xi32>
      %lt3A_493 = arith.cmpi slt, %iota3A, %sub3A_488 : vector<16xi32>
      %convert_element_type3A_494 = arith.extui %lt3A_493 : vector<16xi1> to vector<16xi32>
      %convert_element_type3A_495 = arith.sitofp %convert_element_type3A_494 : vector<16xi32> to vector<16xf32>
      %swap3A_496 = arith.index_cast %add3A_406 : i32 to index
      %swap3A_497 = tpu.vector_load %arg9[%swap3A_496] {strides = array<i32>} : memref<2048xf32, #tpu.memory_space<vmem>>, vector<16xf32>,
      tpu.vector_store %arg9[%swap3A_496], %convert_element_type3A_495 {strides = array<i32>} : memref<2048xf32, #tpu.memory_space<vmem>>, vector<16xf32>,
      %add3A_498 = arith.constant 16 : i32
      %add3A_499 = vector.broadcast %add3A_498 : i32 to vector<16xi32>
      %add3A_500 = arith.addi %iota3A, %add3A_499 : vector<16xi32>
      %lt3A_501 = arith.cmpi slt, %add3A_500, %sub3A_488 : vector<16xi32>
      %convert_element_type3A_502 = arith.extui %lt3A_501 : vector<16xi1> to vector<16xi32>
      %convert_element_type3A_503 = arith.sitofp %convert_element_type3A_502 : vector<16xi32> to vector<16xf32>
      %add3A_504 = arith.constant 16 : i32
      %add3A_505 = arith.addi %add3A_406, %add3A_504 : i32
      %swap3A_506 = arith.index_cast %add3A_505 : i32 to index
      %swap3A_507 = tpu.vector_load %arg9[%swap3A_506] {strides = array<i32>} : memref<2048xf32, #tpu.memory_space<vmem>>, vector<16xf32>,
      tpu.vector_store %arg9[%swap3A_506], %convert_element_type3A_503 {strides = array<i32>} : memref<2048xf32, #tpu.memory_space<vmem>>, vector<16xf32>,
      %lt3A_508 = arith.cmpi slt, %iota3A, %sub3A_492 : vector<16xi32>
      %convert_element_type3A_509 = arith.extui %lt3A_508 : vector<16xi1> to vector<16xi32>
      %convert_element_type3A_510 = arith.sitofp %convert_element_type3A_509 : vector<16xi32> to vector<16xf32>
      %swap3A_511 = arith.index_cast %add3A_408 : i32 to index
      %swap3A_512 = tpu.vector_load %arg13[%swap3A_511] {strides = array<i32>} : memref<3072xf32, #tpu.memory_space<vmem>>, vector<16xf32>,
      tpu.vector_store %arg13[%swap3A_511], %convert_element_type3A_510 {strides = array<i32>} : memref<3072xf32, #tpu.memory_space<vmem>>, vector<16xf32>,
      %add3A_513 = arith.constant 16 : i32
      %add3A_514 = vector.broadcast %add3A_513 : i32 to vector<16xi32>
      %add3A_515 = arith.addi %iota3A, %add3A_514 : vector<16xi32>
      %lt3A_516 = arith.cmpi slt, %add3A_515, %sub3A_492 : vector<16xi32>
      %convert_element_type3A_517 = arith.extui %lt3A_516 : vector<16xi1> to vector<16xi32>
      %convert_element_type3A_518 = arith.sitofp %convert_element_type3A_517 : vector<16xi32> to vector<16xf32>
      %add3A_519 = arith.constant 16 : i32
      %add3A_520 = arith.addi %add3A_408, %add3A_519 : i32
      %swap3A_521 = arith.index_cast %add3A_520 : i32 to index
      %swap3A_522 = tpu.vector_load %arg13[%swap3A_521] {strides = array<i32>} : memref<3072xf32, #tpu.memory_space<vmem>>, vector<16xf32>,
      tpu.vector_store %arg13[%swap3A_521], %convert_element_type3A_518 {strides = array<i32>} : memref<3072xf32, #tpu.memory_space<vmem>>, vector<16xf32>,
      %add3A_523 = arith.constant 32 : i32
      %add3A_524 = vector.broadcast %add3A_523 : i32 to vector<16xi32>
      %add3A_525 = arith.addi %iota3A, %add3A_524 : vector<16xi32>
      %lt3A_526 = arith.cmpi slt, %add3A_525, %sub3A_492 : vector<16xi32>
      %convert_element_type3A_527 = arith.extui %lt3A_526 : vector<16xi1> to vector<16xi32>
      %convert_element_type3A_528 = arith.sitofp %convert_element_type3A_527 : vector<16xi32> to vector<16xf32>
      %add3A_529 = arith.constant 32 : i32
      %add3A_530 = arith.addi %add3A_408, %add3A_529 : i32
      %swap3A_531 = arith.index_cast %add3A_530 : i32 to index
      %swap3A_532 = tpu.vector_load %arg13[%swap3A_531] {strides = array<i32>} : memref<3072xf32, #tpu.memory_space<vmem>>, vector<16xf32>,
      tpu.vector_store %arg13[%swap3A_531], %convert_element_type3A_528 {strides = array<i32>} : memref<3072xf32, #tpu.memory_space<vmem>>, vector<16xf32>,
    }
    %scan3A_250 = arith.constant 32 : i32
    %add3A_251 = arith.constant 49152 : i32
    %add3A_252 = arith.addi %add3A_251, %mul3A_2 : i32
    %mul3A_253 = arith.constant 32 : i32
    %mul3A_254 = arith.muli %add3A_252, %mul3A_253 : i32
    "tpu.region"() ({
      %run_scoped3A = tpu.sem_alloc : memref<!tpu.dma_semaphore, #tpu.memory_space<semaphore_mem>>
      %dma_start3A = tpu.memref_slice %arg3[%mul3A_254] : memref<1835008xf32, #tpu.memory_space<hbm>> -> memref<2048xf32, #tpu.memory_space<hbm>>
      %dma_start3A_283 = tpu.memref_slice %arg3[%mul3A_254] : memref<1835008xf32, #tpu.memory_space<hbm>> -> memref<2048xf32, #tpu.memory_space<hbm>>
      tpu.enqueue_dma source(%arg6 : memref<2048xf32, #tpu.memory_space<vmem>>) target(%dma_start3A_283 : memref<2048xf32, #tpu.memory_space<hbm>>) target_semaphore(%run_scoped3A : memref<!tpu.dma_semaphore, #tpu.memory_space<semaphore_mem>>)
      %dma_wait3A = tpu.memref_slice %arg3[%mul3A_254] : memref<1835008xf32, #tpu.memory_space<hbm>> -> memref<2048xf32, #tpu.memory_space<hbm>>
      %dma_wait3A_284 = tpu.memref_slice %arg3[%mul3A_254] : memref<1835008xf32, #tpu.memory_space<hbm>> -> memref<2048xf32, #tpu.memory_space<hbm>>
      tpu.wait_dma2 semaphore(%run_scoped3A : memref<!tpu.dma_semaphore, #tpu.memory_space<semaphore_mem>>) src(%arg6 : memref<2048xf32, #tpu.memory_space<vmem>>) dst(%dma_wait3A_284 : memref<2048xf32, #tpu.memory_space<hbm>>)
      tpu.yield
    }) : () -> ()
    %add3A_255 = arith.constant 51200 : i32
    %add3A_256 = arith.addi %add3A_255, %mul3A_2 : i32
    %mul3A_257 = arith.constant 32 : i32
    %mul3A_258 = arith.muli %add3A_256, %mul3A_257 : i32
    "tpu.region"() ({
      %run_scoped3A = tpu.sem_alloc : memref<!tpu.dma_semaphore, #tpu.memory_space<semaphore_mem>>
      %dma_start3A = tpu.memref_slice %arg3[%mul3A_258] : memref<1835008xf32, #tpu.memory_space<hbm>> -> memref<2048xf32, #tpu.memory_space<hbm>>
      %dma_start3A_283 = tpu.memref_slice %arg3[%mul3A_258] : memref<1835008xf32, #tpu.memory_space<hbm>> -> memref<2048xf32, #tpu.memory_space<hbm>>
      tpu.enqueue_dma source(%arg7 : memref<2048xf32, #tpu.memory_space<vmem>>) target(%dma_start3A_283 : memref<2048xf32, #tpu.memory_space<hbm>>) target_semaphore(%run_scoped3A : memref<!tpu.dma_semaphore, #tpu.memory_space<semaphore_mem>>)
      %dma_wait3A = tpu.memref_slice %arg3[%mul3A_258] : memref<1835008xf32, #tpu.memory_space<hbm>> -> memref<2048xf32, #tpu.memory_space<hbm>>
      %dma_wait3A_284 = tpu.memref_slice %arg3[%mul3A_258] : memref<1835008xf32, #tpu.memory_space<hbm>> -> memref<2048xf32, #tpu.memory_space<hbm>>
      tpu.wait_dma2 semaphore(%run_scoped3A : memref<!tpu.dma_semaphore, #tpu.memory_space<semaphore_mem>>) src(%arg7 : memref<2048xf32, #tpu.memory_space<vmem>>) dst(%dma_wait3A_284 : memref<2048xf32, #tpu.memory_space<hbm>>)
      tpu.yield
    }) : () -> ()
    %add3A_259 = arith.constant 53248 : i32
    %add3A_260 = arith.addi %add3A_259, %mul3A_2 : i32
    %mul3A_261 = arith.constant 32 : i32
    %mul3A_262 = arith.muli %add3A_260, %mul3A_261 : i32
    "tpu.region"() ({
      %run_scoped3A = tpu.sem_alloc : memref<!tpu.dma_semaphore, #tpu.memory_space<semaphore_mem>>
      %dma_start3A = tpu.memref_slice %arg3[%mul3A_262] : memref<1835008xf32, #tpu.memory_space<hbm>> -> memref<2048xf32, #tpu.memory_space<hbm>>
      %dma_start3A_283 = tpu.memref_slice %arg3[%mul3A_262] : memref<1835008xf32, #tpu.memory_space<hbm>> -> memref<2048xf32, #tpu.memory_space<hbm>>
      tpu.enqueue_dma source(%arg8 : memref<2048xf32, #tpu.memory_space<vmem>>) target(%dma_start3A_283 : memref<2048xf32, #tpu.memory_space<hbm>>) target_semaphore(%run_scoped3A : memref<!tpu.dma_semaphore, #tpu.memory_space<semaphore_mem>>)
      %dma_wait3A = tpu.memref_slice %arg3[%mul3A_262] : memref<1835008xf32, #tpu.memory_space<hbm>> -> memref<2048xf32, #tpu.memory_space<hbm>>
      %dma_wait3A_284 = tpu.memref_slice %arg3[%mul3A_262] : memref<1835008xf32, #tpu.memory_space<hbm>> -> memref<2048xf32, #tpu.memory_space<hbm>>
      tpu.wait_dma2 semaphore(%run_scoped3A : memref<!tpu.dma_semaphore, #tpu.memory_space<semaphore_mem>>) src(%arg8 : memref<2048xf32, #tpu.memory_space<vmem>>) dst(%dma_wait3A_284 : memref<2048xf32, #tpu.memory_space<hbm>>)
      tpu.yield
    }) : () -> ()
    %add3A_263 = arith.constant 55296 : i32
    %add3A_264 = arith.addi %add3A_263, %mul3A_2 : i32
    %mul3A_265 = arith.constant 32 : i32
    %mul3A_266 = arith.muli %add3A_264, %mul3A_265 : i32
    "tpu.region"() ({
      %run_scoped3A = tpu.sem_alloc : memref<!tpu.dma_semaphore, #tpu.memory_space<semaphore_mem>>
      %dma_start3A = tpu.memref_slice %arg3[%mul3A_266] : memref<1835008xf32, #tpu.memory_space<hbm>> -> memref<2048xf32, #tpu.memory_space<hbm>>
      %dma_start3A_283 = tpu.memref_slice %arg3[%mul3A_266] : memref<1835008xf32, #tpu.memory_space<hbm>> -> memref<2048xf32, #tpu.memory_space<hbm>>
      tpu.enqueue_dma source(%arg9 : memref<2048xf32, #tpu.memory_space<vmem>>) target(%dma_start3A_283 : memref<2048xf32, #tpu.memory_space<hbm>>) target_semaphore(%run_scoped3A : memref<!tpu.dma_semaphore, #tpu.memory_space<semaphore_mem>>)
      %dma_wait3A = tpu.memref_slice %arg3[%mul3A_266] : memref<1835008xf32, #tpu.memory_space<hbm>> -> memref<2048xf32, #tpu.memory_space<hbm>>
      %dma_wait3A_284 = tpu.memref_slice %arg3[%mul3A_266] : memref<1835008xf32, #tpu.memory_space<hbm>> -> memref<2048xf32, #tpu.memory_space<hbm>>
      tpu.wait_dma2 semaphore(%run_scoped3A : memref<!tpu.dma_semaphore, #tpu.memory_space<semaphore_mem>>) src(%arg9 : memref<2048xf32, #tpu.memory_space<vmem>>) dst(%dma_wait3A_284 : memref<2048xf32, #tpu.memory_space<hbm>>)
      tpu.yield
    }) : () -> ()
    %add3A_267 = arith.constant 49152 : i32
    %add3A_268 = arith.addi %add3A_267, %mul3A_2 : i32
    %mul3A_269 = arith.constant 48 : i32
    %mul3A_270 = arith.muli %add3A_268, %mul3A_269 : i32
    "tpu.region"() ({
      %run_scoped3A = tpu.sem_alloc : memref<!tpu.dma_semaphore, #tpu.memory_space<semaphore_mem>>
      %dma_start3A = tpu.memref_slice %arg4[%mul3A_270] : memref<2752512xf32, #tpu.memory_space<hbm>> -> memref<3072xf32, #tpu.memory_space<hbm>>
      %dma_start3A_283 = tpu.memref_slice %arg4[%mul3A_270] : memref<2752512xf32, #tpu.memory_space<hbm>> -> memref<3072xf32, #tpu.memory_space<hbm>>
      tpu.enqueue_dma source(%arg10 : memref<3072xf32, #tpu.memory_space<vmem>>) target(%dma_start3A_283 : memref<3072xf32, #tpu.memory_space<hbm>>) target_semaphore(%run_scoped3A : memref<!tpu.dma_semaphore, #tpu.memory_space<semaphore_mem>>)
      %dma_wait3A = tpu.memref_slice %arg4[%mul3A_270] : memref<2752512xf32, #tpu.memory_space<hbm>> -> memref<3072xf32, #tpu.memory_space<hbm>>
      %dma_wait3A_284 = tpu.memref_slice %arg4[%mul3A_270] : memref<2752512xf32, #tpu.memory_space<hbm>> -> memref<3072xf32, #tpu.memory_space<hbm>>
      tpu.wait_dma2 semaphore(%run_scoped3A : memref<!tpu.dma_semaphore, #tpu.memory_space<semaphore_mem>>) src(%arg10 : memref<3072xf32, #tpu.memory_space<vmem>>) dst(%dma_wait3A_284 : memref<3072xf32, #tpu.memory_space<hbm>>)
      tpu.yield
    }) : () -> ()
    %add3A_271 = arith.constant 51200 : i32
    %add3A_272 = arith.addi %add3A_271, %mul3A_2 : i32
    %mul3A_273 = arith.constant 48 : i32
    %mul3A_274 = arith.muli %add3A_272, %mul3A_273 : i32
    "tpu.region"() ({
      %run_scoped3A = tpu.sem_alloc : memref<!tpu.dma_semaphore, #tpu.memory_space<semaphore_mem>>
      %dma_start3A = tpu.memref_slice %arg4[%mul3A_274] : memref<2752512xf32, #tpu.memory_space<hbm>> -> memref<3072xf32, #tpu.memory_space<hbm>>
      %dma_start3A_283 = tpu.memref_slice %arg4[%mul3A_274] : memref<2752512xf32, #tpu.memory_space<hbm>> -> memref<3072xf32, #tpu.memory_space<hbm>>
      tpu.enqueue_dma source(%arg11 : memref<3072xf32, #tpu.memory_space<vmem>>) target(%dma_start3A_283 : memref<3072xf32, #tpu.memory_space<hbm>>) target_semaphore(%run_scoped3A : memref<!tpu.dma_semaphore, #tpu.memory_space<semaphore_mem>>)
      %dma_wait3A = tpu.memref_slice %arg4[%mul3A_274] : memref<2752512xf32, #tpu.memory_space<hbm>> -> memref<3072xf32, #tpu.memory_space<hbm>>
      %dma_wait3A_284 = tpu.memref_slice %arg4[%mul3A_274] : memref<2752512xf32, #tpu.memory_space<hbm>> -> memref<3072xf32, #tpu.memory_space<hbm>>
      tpu.wait_dma2 semaphore(%run_scoped3A : memref<!tpu.dma_semaphore, #tpu.memory_space<semaphore_mem>>) src(%arg11 : memref<3072xf32, #tpu.memory_space<vmem>>) dst(%dma_wait3A_284 : memref<3072xf32, #tpu.memory_space<hbm>>)
      tpu.yield
    }) : () -> ()
    %add3A_275 = arith.constant 53248 : i32
    %add3A_276 = arith.addi %add3A_275, %mul3A_2 : i32
    %mul3A_277 = arith.constant 48 : i32
    %mul3A_278 = arith.muli %add3A_276, %mul3A_277 : i32
    "tpu.region"() ({
      %run_scoped3A = tpu.sem_alloc : memref<!tpu.dma_semaphore, #tpu.memory_space<semaphore_mem>>
      %dma_start3A = tpu.memref_slice %arg4[%mul3A_278] : memref<2752512xf32, #tpu.memory_space<hbm>> -> memref<3072xf32, #tpu.memory_space<hbm>>
      %dma_start3A_283 = tpu.memref_slice %arg4[%mul3A_278] : memref<2752512xf32, #tpu.memory_space<hbm>> -> memref<3072xf32, #tpu.memory_space<hbm>>
      tpu.enqueue_dma source(%arg12 : memref<3072xf32, #tpu.memory_space<vmem>>) target(%dma_start3A_283 : memref<3072xf32, #tpu.memory_space<hbm>>) target_semaphore(%run_scoped3A : memref<!tpu.dma_semaphore, #tpu.memory_space<semaphore_mem>>)
      %dma_wait3A = tpu.memref_slice %arg4[%mul3A_278] : memref<2752512xf32, #tpu.memory_space<hbm>> -> memref<3072xf32, #tpu.memory_space<hbm>>
      %dma_wait3A_284 = tpu.memref_slice %arg4[%mul3A_278] : memref<2752512xf32, #tpu.memory_space<hbm>> -> memref<3072xf32, #tpu.memory_space<hbm>>
      tpu.wait_dma2 semaphore(%run_scoped3A : memref<!tpu.dma_semaphore, #tpu.memory_space<semaphore_mem>>) src(%arg12 : memref<3072xf32, #tpu.memory_space<vmem>>) dst(%dma_wait3A_284 : memref<3072xf32, #tpu.memory_space<hbm>>)
      tpu.yield
    }) : () -> ()
    %add3A_279 = arith.constant 55296 : i32
    %add3A_280 = arith.addi %add3A_279, %mul3A_2 : i32
    %mul3A_281 = arith.constant 48 : i32
    %mul3A_282 = arith.muli %add3A_280, %mul3A_281 : i32
    "tpu.region"() ({
      %run_scoped3A = tpu.sem_alloc : memref<!tpu.dma_semaphore, #tpu.memory_space<semaphore_mem>>
      %dma_start3A = tpu.memref_slice %arg4[%mul3A_282] : memref<2752512xf32, #tpu.memory_space<hbm>> -> memref<3072xf32, #tpu.memory_space<hbm>>
      %dma_start3A_283 = tpu.memref_slice %arg4[%mul3A_282] : memref<2752512xf32, #tpu.memory_space<hbm>> -> memref<3072xf32, #tpu.memory_space<hbm>>
      tpu.enqueue_dma source(%arg13 : memref<3072xf32, #tpu.memory_space<vmem>>) target(%dma_start3A_283 : memref<3072xf32, #tpu.memory_space<hbm>>) target_semaphore(%run_scoped3A : memref<!tpu.dma_semaphore, #tpu.memory_space<semaphore_mem>>)
      %dma_wait3A = tpu.memref_slice %arg4[%mul3A_282] : memref<2752512xf32, #tpu.memory_space<hbm>> -> memref<3072xf32, #tpu.memory_space<hbm>>
      %dma_wait3A_284 = tpu.memref_slice %arg4[%mul3A_282] : memref<2752512xf32, #tpu.memory_space<hbm>> -> memref<3072xf32, #tpu.memory_space<hbm>>
      tpu.wait_dma2 semaphore(%run_scoped3A : memref<!tpu.dma_semaphore, #tpu.memory_space<semaphore_mem>>) src(%arg13 : memref<3072xf32, #tpu.memory_space<vmem>>) dst(%dma_wait3A_284 : memref<3072xf32, #tpu.memory_space<hbm>>)
      tpu.yield
    }) : () -> ()
    return
  }
}

module attributes {stable_mosaic.version = 14 : i64} {
  func.func @_mlp_tc_body(%arg0: i32, %arg1: i32, %arg2: memref<1x4x8192xf32, #tpu.memory_space<vmem>>, %arg3: memref<1x4x12288xf32, #tpu.memory_space<vmem>>, %arg4: memref<256x1024xf32, #tpu.memory_space<vmem>>, %arg5: memref<256x1024xf32, #tpu.memory_space<vmem>>, %arg6: memref<256x1024xf32, #tpu.memory_space<vmem>>, %arg7: memref<1x2x4x128xf32, #tpu.memory_space<vmem>>, %arg8: memref<1x2x64xf32, #tpu.memory_space<vmem>>, %arg9: memref<1x2x64x64xf32, #tpu.memory_space<vmem>>, %arg10: memref<1x2x64xf32, #tpu.memory_space<vmem>>, %arg11: memref<1x128x1024xf32, #tpu.memory_space<vmem>>, %arg12: memref<1x1x1024xf32, #tpu.memory_space<vmem>>, %arg13: memref<256x1024xf32, #tpu.memory_space<vmem>>, %arg14: memref<256x1024xf32, #tpu.memory_space<vmem>>, %arg15: memref<256x1024xf32, #tpu.memory_space<vmem>>) attributes {dimension_semantics = [#tpu.dimension_semantics<arbitrary>, #tpu.dimension_semantics<arbitrary>], iteration_bounds = array<i64: 8, 7>, scalar_prefetch = 0 : i64, scratch_operands = 0 : i64, tpu.core_type = #tpu.core_type<tc>, window_params = [{transform_indices = @transform_0, window_bounds = array<i64: 1, 4, 8192>}, {transform_indices = @transform_1, window_bounds = array<i64: 1, 4, 12288>}, {transform_indices = @transform_2, window_bounds = array<i64: 256, 1024>}, {transform_indices = @transform_3, window_bounds = array<i64: 256, 1024>}, {transform_indices = @transform_4, window_bounds = array<i64: 256, 1024>}, {transform_indices = @transform_5, window_bounds = array<i64: 1, 2, 4, 128>}, {transform_indices = @transform_6, window_bounds = array<i64: 1, 2, 64>}, {transform_indices = @transform_7, window_bounds = array<i64: 1, 2, 64, 64>}, {transform_indices = @transform_8, window_bounds = array<i64: 1, 2, 64>}, {transform_indices = @transform_9, window_bounds = array<i64: 1, 128, 1024>}, {transform_indices = @transform_10, window_bounds = array<i64: 1, 1, 1024>}, {transform_indices = @transform_11, window_bounds = array<i64: 256, 1024>}, {transform_indices = @transform_12, window_bounds = array<i64: 256, 1024>}, {transform_indices = @transform_13, window_bounds = array<i64: 256, 1024>}]} {
    %get3A = arith.constant 0 : index
    %get3A_0 = arith.constant 0 : index
    %get3A_1 = arith.constant 0 : index
    %get3A_2 = vector.load %arg2[%get3A, %get3A_0, %get3A_1] : memref<1x4x8192xf32, #tpu.memory_space<vmem>>, vector<1x4x8192xf32>
    %get3A_3 = vector.shape_cast %get3A_2 : vector<1x4x8192xf32> to vector<4x8192xf32>
    %iota3A = tpu.iota {dimensions = array<i32: 0>} : vector<4x64xi32>
    %eq3A = arith.constant 3 : i32
    %eq3A_4 = vector.broadcast %eq3A : i32 to vector<4x64xi32>
    %eq3A_5 = arith.cmpi eq, %iota3A, %eq3A_4 : vector<4x64xi32>
    %convert_element_type3A = arith.extui %eq3A_5 : vector<4x64xi1> to vector<4x64xi32>
    %convert_element_type3A_6 = arith.sitofp %convert_element_type3A : vector<4x64xi32> to vector<4x64xf32>
    %get3A_7 = arith.constant 0 : index
    %get3A_8 = arith.constant 0 : index
    %get3A_9 = arith.constant 0 : index
    %get3A_10 = arith.constant 0 : index
    %get3A_11 = vector.load %arg7[%get3A_7, %get3A_8, %get3A_9, %get3A_10] : memref<1x2x4x128xf32, #tpu.memory_space<vmem>>, vector<1x1x4x64xf32>
    %get3A_12 = vector.shape_cast %get3A_11 : vector<1x1x4x64xf32> to vector<4x64xf32>
    %dot_general3A = arith.constant dense<0.000000e+00> : vector<8192x64xf32>
    %dot_general3A_13 = tpu.matmul %get3A_3, %get3A_12, %dot_general3A {dimension_numbers = #tpu.dot_dimension_numbers<[0], [0], [1], [1], [0, 1, 1, 1], [], []>, transpose_lhs_hint = false} : vector<4x8192xf32>, vector<4x64xf32>, vector<8192x64xf32> -> vector<8192x64xf32>
    %get3A_14 = arith.constant 0 : index
    %get3A_15 = arith.constant 0 : index
    %get3A_16 = arith.constant 0 : index
    %get3A_17 = vector.load %arg8[%get3A_14, %get3A_15, %get3A_16] : memref<1x2x64xf32, #tpu.memory_space<vmem>>, vector<1x1x64xf32>
    %get3A_18 = vector.shape_cast %get3A_17 : vector<1x1x64xf32> to vector<64xf32>
    %broadcast_in_dim3A = vector.shape_cast %get3A_18 : vector<64xf32> to vector<1x64xf32>
    %add3A = vector.broadcast %broadcast_in_dim3A : vector<1x64xf32> to vector<8192x64xf32>
    %add3A_19 = arith.addf %dot_general3A_13, %add3A : vector<8192x64xf32>
    %max3A = arith.constant 0.000000e+00 : f32
    %max3A_20 = vector.broadcast %max3A : f32 to vector<8192x64xf32>
    %max3A_21 = arith.maximumf %add3A_19, %max3A_20 : vector<8192x64xf32>
    %get3A_22 = arith.constant 0 : index
    %get3A_23 = arith.constant 0 : index
    %get3A_24 = arith.constant 0 : index
    %get3A_25 = arith.constant 0 : index
    %get3A_26 = vector.load %arg9[%get3A_22, %get3A_23, %get3A_24, %get3A_25] : memref<1x2x64x64xf32, #tpu.memory_space<vmem>>, vector<1x1x64x64xf32>
    %get3A_27 = vector.shape_cast %get3A_26 : vector<1x1x64x64xf32> to vector<64x64xf32>
    %dot_general3A_28 = arith.constant dense<0.000000e+00> : vector<8192x64xf32>
    %dot_general3A_29 = tpu.matmul %max3A_21, %get3A_27, %dot_general3A_28 {dimension_numbers = #tpu.dot_dimension_numbers<[1], [0], [0], [1], [0, 0, 1, 1], [], []>, transpose_lhs_hint = false} : vector<8192x64xf32>, vector<64x64xf32>, vector<8192x64xf32> -> vector<8192x64xf32>
    %get3A_30 = arith.constant 0 : index
    %get3A_31 = arith.constant 0 : index
    %get3A_32 = arith.constant 0 : index
    %get3A_33 = vector.load %arg10[%get3A_30, %get3A_31, %get3A_32] : memref<1x2x64xf32, #tpu.memory_space<vmem>>, vector<1x1x64xf32>
    %get3A_34 = vector.shape_cast %get3A_33 : vector<1x1x64xf32> to vector<64xf32>
    %broadcast_in_dim3A_35 = vector.shape_cast %get3A_34 : vector<64xf32> to vector<1x64xf32>
    %add3A_36 = vector.broadcast %broadcast_in_dim3A_35 : vector<1x64xf32> to vector<8192x64xf32>
    %add3A_37 = arith.addf %dot_general3A_29, %add3A_36 : vector<8192x64xf32>
    %max3A_38 = arith.constant 0.000000e+00 : f32
    %max3A_39 = vector.broadcast %max3A_38 : f32 to vector<8192x64xf32>
    %max3A_40 = arith.maximumf %add3A_37, %max3A_39 : vector<8192x64xf32>
    %dot_general3A_41 = arith.constant dense<0.000000e+00> : vector<8192x64xf32>
    %dot_general3A_42 = tpu.matmul %get3A_3, %convert_element_type3A_6, %dot_general3A_41 {dimension_numbers = #tpu.dot_dimension_numbers<[0], [0], [1], [1], [0, 1, 1, 1], [], []>, transpose_lhs_hint = false} : vector<4x8192xf32>, vector<4x64xf32>, vector<8192x64xf32> -> vector<8192x64xf32>
    %mul3A = arith.mulf %max3A_40, %dot_general3A_42 : vector<8192x64xf32>
    %reshape3A = vector.shape_cast %mul3A : vector<8192x64xf32> to vector<256x32x64xf32>
    %reduce_max3A = arith.constant dense<0xFF800000> : vector<256x64xf32>
    %reduce_max3A_43 = vector.multi_reduction <maximumf>, %reshape3A, %reduce_max3A [1] : vector<256x32x64xf32> to vector<256x64xf32>
    %get3A_44 = arith.constant 0 : index
    %get3A_45 = arith.constant 0 : index
    %get3A_46 = arith.constant 0 : index
    %get3A_47 = vector.load %arg3[%get3A_44, %get3A_45, %get3A_46] : memref<1x4x12288xf32, #tpu.memory_space<vmem>>, vector<1x4x12288xf32>
    %get3A_48 = vector.shape_cast %get3A_47 : vector<1x4x12288xf32> to vector<4x12288xf32>
    %iota3A_49 = tpu.iota {dimensions = array<i32: 0>} : vector<4x64xi32>
    %eq3A_50 = arith.constant 3 : i32
    %eq3A_51 = vector.broadcast %eq3A_50 : i32 to vector<4x64xi32>
    %eq3A_52 = arith.cmpi eq, %iota3A_49, %eq3A_51 : vector<4x64xi32>
    %convert_element_type3A_53 = arith.extui %eq3A_52 : vector<4x64xi1> to vector<4x64xi32>
    %convert_element_type3A_54 = arith.sitofp %convert_element_type3A_53 : vector<4x64xi32> to vector<4x64xf32>
    %get3A_55 = arith.constant 0 : index
    %get3A_56 = arith.constant 1 : index
    %get3A_57 = arith.constant 0 : index
    %get3A_58 = arith.constant 0 : index
    %get3A_59 = vector.load %arg7[%get3A_55, %get3A_56, %get3A_57, %get3A_58] : memref<1x2x4x128xf32, #tpu.memory_space<vmem>>, vector<1x1x4x64xf32>
    %get3A_60 = vector.shape_cast %get3A_59 : vector<1x1x4x64xf32> to vector<4x64xf32>
    %dot_general3A_61 = arith.constant dense<0.000000e+00> : vector<12288x64xf32>
    %dot_general3A_62 = tpu.matmul %get3A_48, %get3A_60, %dot_general3A_61 {dimension_numbers = #tpu.dot_dimension_numbers<[0], [0], [1], [1], [0, 1, 1, 1], [], []>, transpose_lhs_hint = false} : vector<4x12288xf32>, vector<4x64xf32>, vector<12288x64xf32> -> vector<12288x64xf32>
    %get3A_63 = arith.constant 0 : index
    %get3A_64 = arith.constant 1 : index
    %get3A_65 = arith.constant 0 : index
    %get3A_66 = vector.load %arg8[%get3A_63, %get3A_64, %get3A_65] : memref<1x2x64xf32, #tpu.memory_space<vmem>>, vector<1x1x64xf32>
    %get3A_67 = vector.shape_cast %get3A_66 : vector<1x1x64xf32> to vector<64xf32>
    %broadcast_in_dim3A_68 = vector.shape_cast %get3A_67 : vector<64xf32> to vector<1x64xf32>
    %add3A_69 = vector.broadcast %broadcast_in_dim3A_68 : vector<1x64xf32> to vector<12288x64xf32>
    %add3A_70 = arith.addf %dot_general3A_62, %add3A_69 : vector<12288x64xf32>
    %max3A_71 = arith.constant 0.000000e+00 : f32
    %max3A_72 = vector.broadcast %max3A_71 : f32 to vector<12288x64xf32>
    %max3A_73 = arith.maximumf %add3A_70, %max3A_72 : vector<12288x64xf32>
    %get3A_74 = arith.constant 0 : index
    %get3A_75 = arith.constant 1 : index
    %get3A_76 = arith.constant 0 : index
    %get3A_77 = arith.constant 0 : index
    %get3A_78 = vector.load %arg9[%get3A_74, %get3A_75, %get3A_76, %get3A_77] : memref<1x2x64x64xf32, #tpu.memory_space<vmem>>, vector<1x1x64x64xf32>
    %get3A_79 = vector.shape_cast %get3A_78 : vector<1x1x64x64xf32> to vector<64x64xf32>
    %dot_general3A_80 = arith.constant dense<0.000000e+00> : vector<12288x64xf32>
    %dot_general3A_81 = tpu.matmul %max3A_73, %get3A_79, %dot_general3A_80 {dimension_numbers = #tpu.dot_dimension_numbers<[1], [0], [0], [1], [0, 0, 1, 1], [], []>, transpose_lhs_hint = false} : vector<12288x64xf32>, vector<64x64xf32>, vector<12288x64xf32> -> vector<12288x64xf32>
    %get3A_82 = arith.constant 0 : index
    %get3A_83 = arith.constant 1 : index
    %get3A_84 = arith.constant 0 : index
    %get3A_85 = vector.load %arg10[%get3A_82, %get3A_83, %get3A_84] : memref<1x2x64xf32, #tpu.memory_space<vmem>>, vector<1x1x64xf32>
    %get3A_86 = vector.shape_cast %get3A_85 : vector<1x1x64xf32> to vector<64xf32>
    %broadcast_in_dim3A_87 = vector.shape_cast %get3A_86 : vector<64xf32> to vector<1x64xf32>
    %add3A_88 = vector.broadcast %broadcast_in_dim3A_87 : vector<1x64xf32> to vector<12288x64xf32>
    %add3A_89 = arith.addf %dot_general3A_81, %add3A_88 : vector<12288x64xf32>
    %max3A_90 = arith.constant 0.000000e+00 : f32
    %max3A_91 = vector.broadcast %max3A_90 : f32 to vector<12288x64xf32>
    %max3A_92 = arith.maximumf %add3A_89, %max3A_91 : vector<12288x64xf32>
    %dot_general3A_93 = arith.constant dense<0.000000e+00> : vector<12288x64xf32>
    %dot_general3A_94 = tpu.matmul %get3A_48, %convert_element_type3A_54, %dot_general3A_93 {dimension_numbers = #tpu.dot_dimension_numbers<[0], [0], [1], [1], [0, 1, 1, 1], [], []>, transpose_lhs_hint = false} : vector<4x12288xf32>, vector<4x64xf32>, vector<12288x64xf32> -> vector<12288x64xf32>
    %mul3A_95 = arith.mulf %max3A_92, %dot_general3A_94 : vector<12288x64xf32>
    %reshape3A_96 = vector.shape_cast %mul3A_95 : vector<12288x64xf32> to vector<256x48x64xf32>
    %reduce_max3A_97 = arith.constant dense<0xFF800000> : vector<256x64xf32>
    %reduce_max3A_98 = vector.multi_reduction <maximumf>, %reshape3A_96, %reduce_max3A_97 [1] : vector<256x48x64xf32> to vector<256x64xf32>
    %concatenate3A = tpu.concatenate %reduce_max3A_43, %reduce_max3A_98 in 1 : vector<256x64xf32>, vector<256x64xf32> -> vector<256x128xf32>
    %get3A_99 = arith.constant 0 : index
    %get3A_100 = arith.constant 0 : index
    %get3A_101 = arith.constant 0 : index
    %get3A_102 = vector.load %arg11[%get3A_99, %get3A_100, %get3A_101] : memref<1x128x1024xf32, #tpu.memory_space<vmem>>, vector<1x128x1024xf32>
    %get3A_103 = vector.shape_cast %get3A_102 : vector<1x128x1024xf32> to vector<128x1024xf32>
    %dot_general3A_104 = arith.constant dense<0.000000e+00> : vector<256x1024xf32>
    %dot_general3A_105 = tpu.matmul %concatenate3A, %get3A_103, %dot_general3A_104 {dimension_numbers = #tpu.dot_dimension_numbers<[1], [0], [0], [1], [0, 0, 1, 1], [], []>, transpose_lhs_hint = false} : vector<256x128xf32>, vector<128x1024xf32>, vector<256x1024xf32> -> vector<256x1024xf32>
    %get3A_106 = arith.constant 0 : index
    %get3A_107 = arith.constant 0 : index
    %get3A_108 = arith.constant 0 : index
    %get3A_109 = vector.load %arg12[%get3A_106, %get3A_107, %get3A_108] : memref<1x1x1024xf32, #tpu.memory_space<vmem>>, vector<1x1x1024xf32>
    %get3A_110 = vector.shape_cast %get3A_109 : vector<1x1x1024xf32> to vector<1x1024xf32>
    %add3A_111 = vector.broadcast %get3A_110 : vector<1x1024xf32> to vector<256x1024xf32>
    %add3A_112 = arith.addf %dot_general3A_105, %add3A_111 : vector<256x1024xf32>
    %eq3A_113 = arith.constant 0 : i32
    %eq3A_114 = arith.cmpi eq, %arg1, %eq3A_113 : i32
    %convert_element_type3A_115 = arith.extui %eq3A_114 : i1 to i32
    %cond3A = arith.constant 0 : i32
    %cond3A_116 = arith.cmpi ne, %convert_element_type3A_115, %cond3A : i32
    scf.if %cond3A_116 {
      %get3A_147 = arith.constant 0 : index
      %get3A_148 = arith.constant 0 : index
      %get3A_149 = vector.load %arg4[%get3A_147, %get3A_148] : memref<256x1024xf32, #tpu.memory_space<vmem>>, vector<256x1024xf32>
      %add3A_150 = arith.addf %get3A_149, %add3A_112 : vector<256x1024xf32>
      %swap3A = arith.constant 0 : index
      %swap3A_151 = arith.constant 0 : index
      %swap3A_152 = vector.load %arg13[%swap3A, %swap3A_151] : memref<256x1024xf32, #tpu.memory_space<vmem>>, vector<256x1024xf32>
      tpu.vector_store %arg13[%swap3A, %swap3A_151], %add3A_150 {strides = array<i32>} : memref<256x1024xf32, #tpu.memory_space<vmem>>, vector<256x1024xf32>,
    } else {
    }
    %eq3A_117 = arith.constant 3 : i32
    %eq3A_118 = arith.cmpi eq, %arg1, %eq3A_117 : i32
    %convert_element_type3A_119 = arith.extui %eq3A_118 : i1 to i32
    %cond3A_120 = arith.constant 0 : i32
    %cond3A_121 = arith.cmpi ne, %convert_element_type3A_119, %cond3A_120 : i32
    scf.if %cond3A_121 {
      %get3A_147 = arith.constant 0 : index
      %get3A_148 = arith.constant 0 : index
      %get3A_149 = vector.load %arg13[%get3A_147, %get3A_148] : memref<256x1024xf32, #tpu.memory_space<vmem>>, vector<256x1024xf32>
      %add3A_150 = arith.addf %get3A_149, %add3A_112 : vector<256x1024xf32>
      %swap3A = arith.constant 0 : index
      %swap3A_151 = arith.constant 0 : index
      %swap3A_152 = vector.load %arg13[%swap3A, %swap3A_151] : memref<256x1024xf32, #tpu.memory_space<vmem>>, vector<256x1024xf32>
      tpu.vector_store %arg13[%swap3A, %swap3A_151], %add3A_150 {strides = array<i32>} : memref<256x1024xf32, #tpu.memory_space<vmem>>, vector<256x1024xf32>,
    } else {
    }
    %eq3A_122 = arith.constant 4 : i32
    %eq3A_123 = arith.cmpi eq, %arg1, %eq3A_122 : i32
    %convert_element_type3A_124 = arith.extui %eq3A_123 : i1 to i32
    %cond3A_125 = arith.constant 0 : i32
    %cond3A_126 = arith.cmpi ne, %convert_element_type3A_124, %cond3A_125 : i32
    scf.if %cond3A_126 {
      %get3A_147 = arith.constant 0 : index
      %get3A_148 = arith.constant 0 : index
      %get3A_149 = vector.load %arg13[%get3A_147, %get3A_148] : memref<256x1024xf32, #tpu.memory_space<vmem>>, vector<256x1024xf32>
      %add3A_150 = arith.addf %get3A_149, %add3A_112 : vector<256x1024xf32>
      %swap3A = arith.constant 0 : index
      %swap3A_151 = arith.constant 0 : index
      %swap3A_152 = vector.load %arg13[%swap3A, %swap3A_151] : memref<256x1024xf32, #tpu.memory_space<vmem>>, vector<256x1024xf32>
      tpu.vector_store %arg13[%swap3A, %swap3A_151], %add3A_150 {strides = array<i32>} : memref<256x1024xf32, #tpu.memory_space<vmem>>, vector<256x1024xf32>,
    } else {
    }
    %eq3A_127 = arith.constant 1 : i32
    %eq3A_128 = arith.cmpi eq, %arg1, %eq3A_127 : i32
    %convert_element_type3A_129 = arith.extui %eq3A_128 : i1 to i32
    %cond3A_130 = arith.constant 0 : i32
    %cond3A_131 = arith.cmpi ne, %convert_element_type3A_129, %cond3A_130 : i32
    scf.if %cond3A_131 {
      %get3A_147 = arith.constant 0 : index
      %get3A_148 = arith.constant 0 : index
      %get3A_149 = vector.load %arg5[%get3A_147, %get3A_148] : memref<256x1024xf32, #tpu.memory_space<vmem>>, vector<256x1024xf32>
      %add3A_150 = arith.addf %get3A_149, %add3A_112 : vector<256x1024xf32>
      %swap3A = arith.constant 0 : index
      %swap3A_151 = arith.constant 0 : index
      %swap3A_152 = vector.load %arg14[%swap3A, %swap3A_151] : memref<256x1024xf32, #tpu.memory_space<vmem>>, vector<256x1024xf32>
      tpu.vector_store %arg14[%swap3A, %swap3A_151], %add3A_150 {strides = array<i32>} : memref<256x1024xf32, #tpu.memory_space<vmem>>, vector<256x1024xf32>,
    } else {
    }
    %eq3A_132 = arith.constant 5 : i32
    %eq3A_133 = arith.cmpi eq, %arg1, %eq3A_132 : i32
    %convert_element_type3A_134 = arith.extui %eq3A_133 : i1 to i32
    %cond3A_135 = arith.constant 0 : i32
    %cond3A_136 = arith.cmpi ne, %convert_element_type3A_134, %cond3A_135 : i32
    scf.if %cond3A_136 {
      %get3A_147 = arith.constant 0 : index
      %get3A_148 = arith.constant 0 : index
      %get3A_149 = vector.load %arg14[%get3A_147, %get3A_148] : memref<256x1024xf32, #tpu.memory_space<vmem>>, vector<256x1024xf32>
      %add3A_150 = arith.addf %get3A_149, %add3A_112 : vector<256x1024xf32>
      %swap3A = arith.constant 0 : index
      %swap3A_151 = arith.constant 0 : index
      %swap3A_152 = vector.load %arg14[%swap3A, %swap3A_151] : memref<256x1024xf32, #tpu.memory_space<vmem>>, vector<256x1024xf32>
      tpu.vector_store %arg14[%swap3A, %swap3A_151], %add3A_150 {strides = array<i32>} : memref<256x1024xf32, #tpu.memory_space<vmem>>, vector<256x1024xf32>,
    } else {
    }
    %eq3A_137 = arith.constant 2 : i32
    %eq3A_138 = arith.cmpi eq, %arg1, %eq3A_137 : i32
    %convert_element_type3A_139 = arith.extui %eq3A_138 : i1 to i32
    %cond3A_140 = arith.constant 0 : i32
    %cond3A_141 = arith.cmpi ne, %convert_element_type3A_139, %cond3A_140 : i32
    scf.if %cond3A_141 {
      %get3A_147 = arith.constant 0 : index
      %get3A_148 = arith.constant 0 : index
      %get3A_149 = vector.load %arg6[%get3A_147, %get3A_148] : memref<256x1024xf32, #tpu.memory_space<vmem>>, vector<256x1024xf32>
      %add3A_150 = arith.addf %get3A_149, %add3A_112 : vector<256x1024xf32>
      %swap3A = arith.constant 0 : index
      %swap3A_151 = arith.constant 0 : index
      %swap3A_152 = vector.load %arg15[%swap3A, %swap3A_151] : memref<256x1024xf32, #tpu.memory_space<vmem>>, vector<256x1024xf32>
      tpu.vector_store %arg15[%swap3A, %swap3A_151], %add3A_150 {strides = array<i32>} : memref<256x1024xf32, #tpu.memory_space<vmem>>, vector<256x1024xf32>,
    } else {
    }
    %eq3A_142 = arith.constant 6 : i32
    %eq3A_143 = arith.cmpi eq, %arg1, %eq3A_142 : i32
    %convert_element_type3A_144 = arith.extui %eq3A_143 : i1 to i32
    %cond3A_145 = arith.constant 0 : i32
    %cond3A_146 = arith.cmpi ne, %convert_element_type3A_144, %cond3A_145 : i32
    scf.if %cond3A_146 {
      %get3A_147 = arith.constant 0 : index
      %get3A_148 = arith.constant 0 : index
      %get3A_149 = vector.load %arg15[%get3A_147, %get3A_148] : memref<256x1024xf32, #tpu.memory_space<vmem>>, vector<256x1024xf32>
      %add3A_150 = arith.addf %get3A_149, %add3A_112 : vector<256x1024xf32>
      %swap3A = arith.constant 0 : index
      %swap3A_151 = arith.constant 0 : index
      %swap3A_152 = vector.load %arg15[%swap3A, %swap3A_151] : memref<256x1024xf32, #tpu.memory_space<vmem>>, vector<256x1024xf32>
      tpu.vector_store %arg15[%swap3A, %swap3A_151], %add3A_150 {strides = array<i32>} : memref<256x1024xf32, #tpu.memory_space<vmem>>, vector<256x1024xf32>,
    } else {
    }
    return
  }
  func.func @transform_0(%arg0: i32, %arg1: i32) -> (i32, i32, i32) {
    %c0_i32 = arith.constant 0 : i32
    %c0_i32_0 = arith.constant 0 : i32
    return %arg1, %c0_i32, %arg0 : i32, i32, i32
  }
  func.func @transform_1(%arg0: i32, %arg1: i32) -> (i32, i32, i32) {
    %c0_i32 = arith.constant 0 : i32
    %c0_i32_0 = arith.constant 0 : i32
    return %arg1, %c0_i32, %arg0 : i32, i32, i32
  }
  func.func @transform_2(%arg0: i32, %arg1: i32) -> (i32, i32) {
    %c0_i32 = arith.constant 0 : i32
    %c0_i32_0 = arith.constant 0 : i32
    return %arg0, %c0_i32 : i32, i32
  }
  func.func @transform_3(%arg0: i32, %arg1: i32) -> (i32, i32) {
    %c0_i32 = arith.constant 0 : i32
    %c0_i32_0 = arith.constant 0 : i32
    return %arg0, %c0_i32 : i32, i32
  }
  func.func @transform_4(%arg0: i32, %arg1: i32) -> (i32, i32) {
    %c0_i32 = arith.constant 0 : i32
    %c0_i32_0 = arith.constant 0 : i32
    return %arg0, %c0_i32 : i32, i32
  }
  func.func @transform_5(%arg0: i32, %arg1: i32) -> (i32, i32, i32, i32) {
    %c0_i32 = arith.constant 0 : i32
    %c0_i32_0 = arith.constant 0 : i32
    %c0_i32_1 = arith.constant 0 : i32
    %c0_i32_2 = arith.constant 0 : i32
    return %arg1, %c0_i32, %c0_i32_0, %c0_i32_1 : i32, i32, i32, i32
  }
  func.func @transform_6(%arg0: i32, %arg1: i32) -> (i32, i32, i32) {
    %c0_i32 = arith.constant 0 : i32
    %c0_i32_0 = arith.constant 0 : i32
    %c0_i32_1 = arith.constant 0 : i32
    return %arg1, %c0_i32, %c0_i32_0 : i32, i32, i32
  }
  func.func @transform_7(%arg0: i32, %arg1: i32) -> (i32, i32, i32, i32) {
    %c0_i32 = arith.constant 0 : i32
    %c0_i32_0 = arith.constant 0 : i32
    %c0_i32_1 = arith.constant 0 : i32
    %c0_i32_2 = arith.constant 0 : i32
    return %arg1, %c0_i32, %c0_i32_0, %c0_i32_1 : i32, i32, i32, i32
  }
  func.func @transform_8(%arg0: i32, %arg1: i32) -> (i32, i32, i32) {
    %c0_i32 = arith.constant 0 : i32
    %c0_i32_0 = arith.constant 0 : i32
    %c0_i32_1 = arith.constant 0 : i32
    return %arg1, %c0_i32, %c0_i32_0 : i32, i32, i32
  }
  func.func @transform_9(%arg0: i32, %arg1: i32) -> (i32, i32, i32) {
    %c0_i32 = arith.constant 0 : i32
    %c0_i32_0 = arith.constant 0 : i32
    %c0_i32_1 = arith.constant 0 : i32
    return %arg1, %c0_i32, %c0_i32_0 : i32, i32, i32
  }
  func.func @transform_10(%arg0: i32, %arg1: i32) -> (i32, i32, i32) {
    %c0_i32 = arith.constant 0 : i32
    %c0_i32_0 = arith.constant 0 : i32
    %c0_i32_1 = arith.constant 0 : i32
    return %arg1, %c0_i32, %c0_i32_0 : i32, i32, i32
  }
  func.func @transform_11(%arg0: i32, %arg1: i32) -> (i32, i32) {
    %c0_i32 = arith.constant 0 : i32
    %c0_i32_0 = arith.constant 0 : i32
    return %arg0, %c0_i32 : i32, i32
  }
  func.func @transform_12(%arg0: i32, %arg1: i32) -> (i32, i32) {
    %c0_i32 = arith.constant 0 : i32
    %c0_i32_0 = arith.constant 0 : i32
    return %arg0, %c0_i32 : i32, i32
  }
  func.func @transform_13(%arg0: i32, %arg1: i32) -> (i32, i32) {
    %c0_i32 = arith.constant 0 : i32
    %c0_i32_0 = arith.constant 0 : i32
    return %arg0, %c0_i32 : i32, i32
  }
}

</mosaic_0001>

<sc_bundles>
// kernel: kernel.4.cloned.1.call-start
scs
__scs_entry_jumppad:
0x0: {  	(pc) =	sbr.rel $0x88, $3  }
0x1: {  	(tag) =	ssettag $0x0;
	lr =	simm.s32 $0x1  }
0x2: {  	[smem:$0x3F55] =	sst lr;
	_ =	strace $0xD0000000  }
0x3: {  	_ = 	snop  }
0x4: {  	_ = 	snop  }
0x5: {  	_ = 	snop  }
0x6: {  	_ = 	snop  }
0x7: {  	_ = 	snop  }
__scs_overlays_trampoline_lowered:
0x8: {  	[smem:$0x3F64] =	sst s0  }
0x9: {  	[smem:$0x3F65] =	sst s1  }
0xa: {  	[smem:$0x3F66] =	sst s2  }
0xb: {  	[smem:$0x3F67] =	sst s3  }
0xc: {  	[smem:$0x3F68] =	sst s4  }
0xd: {  	[smem:$0x3F69] =	sst s5  }
0xe: {  	[smem:$0x3F6A] =	sst s6  }
0xf: {  	[smem:$0x3F6B] =	sst s7  }
0x10: {  	[smem:$0x3F6C] =	sst s8  }
0x11: {  	[smem:$0x3F6D] =	sst s9;
	s0 =	simm.s32 @!p0 $0x0  }
0x12: {  	s1 =	sld [smem:$0x3F53];
	s0 =	simm.s32 @p0 $0x1  }
0x13: {  	[smem:$0x3F6E] =	sst s0;
	s0 =	simm.s32 @!p1 $0x0  }
0x14: {  	s2 =	sld [smem:$0x3F52];
	s0 =	simm.s32 @p1 $0x1  }
0x15: {  	[smem:$0x3F6F] =	sst s0;
	s0 =	simm.s32 @!p2 $0x0  }
0x16: {  	s3 =	sld [smem:$0x3FDB];
	s0 =	simm.s32 @p2 $0x1  }
0x17: {  	s4 =	simm.s32 $0x1BF5;
	[smem:$0x3F71] =	sst s0  }
0x18: {  	s0 =	sld [smem:$0x3F54];
	_ =	swait.ge [sflag:s4], $0x0  }
0x19: {  	s7 =	sld [smem:$0x3F55]  }
0x1a: {  	s8 =	sadd.s32 $0xFFFFE003, lr  }
0x1b: {  	s9 =	sadd.s32 $0xFFFFFEF7, lr;
	s5 =	simm.s32 $0xFFFFFFFF;
	p2 =	slt.u32 s8, $0xFFFFF086  }
0x1c: {  	p1 =	slt.u32 s9, $0xF7A;
	s5 =	simm.s32 @!p2 $0x0  }
0x1d: {  	s5 =	simm.s32 @p1 $0x1;
	p0 =	seq.s32 s7, s2  }
0x1e: {  	s7 =	smul.u32 @!p0 $0xF7A, s2;
	p2 =	seq.s32 @!p0 s5, $0x0  }
0x1f: {  	s9 =	smul.u32 $0xF7A, s1;
	s8 =	simm.s32 @!p0 $0x1BF5;
	p2 =	por !p2, p0  }
0x20: {  	[sflag:s8] =	ssyncset.s32 @!p0 $0xFFFFF086;
	s6 =	sadd.s32 @!p0 s3, s7;
	s7 =	simm.s32 @!p0 $0x108  }
0x21: {  	s3 =	sadd.s32 s3, s9;
	s6 =	sadd.s32 @!p0 $0x88, s6;
	s7 =	simm.s32 @p2 $0x1082  }
0x22: {  	[simem:s7], [sflag:s8] =	dma.local @!p0 [hbm:s6], $0xF7A  }
0x23: {  	s9 =	sor.u32 $0xD0000000, s2;
	s6 =	simm.s32 $0x108;
	_ =	swait.ge @!p0 [sflag:s8], $0x0  }
0x24: {  	s3 =	sadd.s32 $0x88, s3;
	s6 =	simm.s32 @!p1 $0x1082;
	[sflag:s4] =	ssyncset.s32 $0xFFFFF086  }
0x25: {  	[simem:s6], [sflag:s4] =	dma.local [hbm:s3], $0xF7A  }
0x26: {  	[smem:$0x3F55] =	sst s1;
	(tag) =	ssettag s2;
	_ =	strace s9  }
0x27: {  	s1 =	sld [smem:$0x3F65]  }
0x28: {  	s2 =	sld [smem:$0x3F66]  }
0x29: {  	s4 =	sld [smem:$0x3F68]  }
0x2a: {  	p0 =	seq.s32 s5, $0x0;
	s5 =	sld [smem:$0x3F69]  }
0x2b: {  	s6 =	sld [smem:$0x3F6A]  }
0x2c: {  	s7 =	sld [smem:$0x3F6B]  }
0x2d: {  	s3 =	simm.s32 $0x108;
	s8 =	sld [smem:$0x3F6C]  }
0x2e: {  	s3 =	simm.s32 @!p0 $0x1082;
	s9 =	sld [smem:$0x3F6D]  }
0x2f: {  	lr =	sadd.s32 s0, s3;
	s0 =	sld [smem:$0x3F64]  }
0x30: {  	s3 =	sld [smem:$0x3F67]  }
0x31: {  	[smem:$0x3F70] =	sst s10  }
0x32: {  	s10 =	sld [smem:$0x3F6E];
	_ =	sdelay $0x3  }
0x33: {  	p0 =	seq.s32 s10, $0x1;
	s10 =	sld [smem:$0x3F70];
	_ =	sdelay $0x3  }
0x34: {  	[smem:$0x3F70] =	sst s10  }
0x35: {  	s10 =	sld [smem:$0x3F6F];
	_ =	sdelay $0x3  }
0x36: {  	p1 =	seq.s32 s10, $0x1;
	s10 =	sld [smem:$0x3F70];
	_ =	sdelay $0x3  }
0x37: {  	[smem:$0x3F70] =	sst s10  }
0x38: {  	s10 =	sld [smem:$0x3F71]  }
0x39: {  	_ = 	snop;
	(pc) =	sbr.ind lr, $3  }
0x3a: {  	_ = 	snop  }
0x3b: {  	_ = 	snop  }
0x3c: {  	p2 =	seq.s32 s10, $0x1;
	s10 =	sld [smem:$0x3F70]  }
0x3d: {  	_ =	shalt  }
0x3e: {  	_ =	shalt  }
0x3f: {  	_ =	shalt  }
0x40: {  	_ =	shalt  }
0x41: {  	_ =	shalt  }
0x42: {  	_ =	shalt  }
0x43: {  	_ =	shalt  }
0x44: {  	_ =	shalt  }
0x45: {  	_ =	shalt  }
0x46: {  	_ =	shalt  }
0x47: {  	_ =	shalt  }
0x48: {  	_ =	shalt  }
0x49: {  	_ =	shalt  }
0x4a: {  	_ =	shalt  }
0x4b: {  	_ =	shalt  }
0x4c: {  	_ =	shalt  }
0x4d: {  	_ =	shalt  }
0x4e: {  	_ =	shalt  }
0x4f: {  	_ =	shalt  }
0x50: {  	_ =	shalt  }
0x51: {  	_ =	shalt  }
0x52: {  	_ =	shalt  }
0x53: {  	_ =	shalt  }
0x54: {  	_ =	shalt  }
0x55: {  	_ =	shalt  }
0x56: {  	_ =	shalt  }
0x57: {  	_ =	shalt  }
0x58: {  	_ =	shalt  }
0x59: {  	_ =	shalt  }
0x5a: {  	_ =	shalt  }
0x5b: {  	_ =	shalt  }
0x5c: {  	_ =	shalt  }
0x5d: {  	_ =	shalt  }
0x5e: {  	_ =	shalt  }
0x5f: {  	_ =	shalt  }
0x60: {  	_ =	shalt  }
0x61: {  	_ =	shalt  }
0x62: {  	_ =	shalt  }
0x63: {  	_ =	shalt  }
0x64: {  	_ =	shalt  }
0x65: {  	_ =	shalt  }
0x66: {  	_ =	shalt  }
0x67: {  	_ =	shalt  }
0x68: {  	_ =	shalt  }
0x69: {  	_ =	shalt  }
0x6a: {  	_ =	shalt  }
0x6b: {  	_ =	shalt  }
0x6c: {  	_ =	shalt  }
0x6d: {  	_ =	shalt  }
0x6e: {  	_ =	shalt  }
0x6f: {  	_ =	shalt  }
0x70: {  	_ =	shalt  }
0x71: {  	_ =	shalt  }
0x72: {  	_ =	shalt  }
0x73: {  	_ =	shalt  }
0x74: {  	_ =	shalt  }
0x75: {  	_ =	shalt  }
0x76: {  	_ =	shalt  }
0x77: {  	_ =	shalt  }
0x78: {  	_ =	shalt  }
0x79: {  	_ =	shalt  }
0x7a: {  	_ =	shalt  }
0x7b: {  	_ =	shalt  }
0x7c: {  	_ =	shalt  }
0x7d: {  	_ =	shalt  }
0x7e: {  	_ =	shalt  }
0x7f: {  	_ =	shalt  }
0x80: {  	_ =	shalt  }
0x81: {  	_ =	shalt  }
0x82: {  	_ =	shalt  }
0x83: {  	_ =	shalt  }
0x84: {  	_ =	shalt  }
0x85: {  	_ =	shalt  }
0x86: {  	_ =	shalt  }
0x87: {  	_ =	shalt  }
.Lfunc_end0:
.L_simem_size_0:
called_computation_lowered:
.L_overlay_start_0:
0x88: {  	s2 =	sld [smem:$0x3FD9]  }
0x89: {  	s3 =	sld [smem:$0x3FFE];
	_ =	sdelay $0x1  }
0x8a: {  	s1 =	srdreg.scid  }
0x8b: {  	s0 =	sand.u32 $0x1, s1  }
0x8c: {  	s14 =	sshll.u32 s0, $0xA;
	s2 =	sadd.s32 s3, s2  }
0x8d: {  	s2 =	sadd.s32 s2, s14  }
0x8e: {  	[smem:$0x3F7C] =	sst s2  }
0x8f: {  	_ = 	snop  }
0x90: {  	s2 =	sld [smem:$0x3FD0];
	_ =	sdelay $0x2  }
0x91: {  	s15 =	simm.s32 $0xA;
	s4 =	simm.s32 $0x10  }
0x92: {  	[smem:s4], [sflag:s15] =	dma.local [hbm:s2], $0x1  }
0x93: {  	_ =	swait.eq [sflag:s15], $0x1  }
0x94: {  	[sflag:s15] =	ssyncset.done $0x0  }
0x95: {  	s16 =	sld [smem:$0x11];
	[sflag:s15] =	ssyncadd.s32 $0xFFFFFFFF  }
0x96: {  	s17 =	sld [smem:$0x12];
	(tm) =	ssettm $0x1  }
0x97: {  	s18 =	sld [smem:$0x3FFB];
	_ =	sdelay $0x3  }
0x98: {  	_ =	strace s18  }
0x99: {  	s4 =	sld [smem:$0x3FFC];
	_ =	sdelay $0x3  }
0x9a: {  	_ =	strace s4  }
0x9b: {  	s4 =	sld [smem:$0x3FFD];
	_ =	sdelay $0x3  }
0x9c: {  	_ =	strace s4  }
0x9d: {  	_ =	strace $0x8FFFFFFF  }
0x9e: {  	s19 =	sld [smem:$0x3FDB];
	_ =	sdelay $0x1  }
0x9f: {  	s5 =	simm.s32 $_scs_section_size  }
0xa0: {  	s6 =	simm.s32 $_size__tile_overlayer_lowered;
	s7 =	simm.s32 $_tile_overlayer_lowered  }
0xa1: {  	s22 =	simm.s32 $0x1BFF;
	s21 =	sshll.u32 s7, $0x1;
	s4 =	sadd.s32 s5, s19  }
0xa2: {  	s8 =	simm.s32 $0x0;
	s20 =	sshll.u32 s6, $0x1;
	s6 =	sadd.s32 s21, s4  }
0xa3: {  	[timem:s8], [sflag:s22] =	dma.local [hbm:s6], s20  }
0xa4: {  	_ =	swait.ge [sflag:s22], s20  }
0xa5: {  	s5 =	ssub.s32 $0x0, s20;
	[sflag:s22] =	ssyncset.done $0x0  }
0xa6: {  	[sflag:s22] =	ssyncadd.s32 s5;
	_ =	sdelay $0x1  }
0xa7: {  	s23 =	simm.s32 $0x1B8B  }
0xa8: {  	_ =	swait.ge [sflag:s23], $0x1  }
0xa9: {  	[sflag:s23] =	ssyncset.done $0x0  }
0xaa: {  	s25 =	simm.s32 $0x1B8E;
	s24 =	sld [smem:$0x3FFE];
	[sflag:s23] =	ssyncadd.s32 $0xFFFFFFFF  }
0xab: {  	s26 =	simm.s32 $execute0_lowered;
	[smem:$0x3FD2] =	sst s25  }
0xac: {  	s6 =	sshll.u32 s26, $0x1;
	_ =	strace $0x80000046;
	[dreg:$0x1] =	wrdreg $0xFFFFFFFF  }
0xad: {  	s28 =	simm.s32 $_size_execute0_lowered;
	s4 =	sadd.s32 s4, s6;
	[dreg:$0x0] =	wrdreg $0x0  }
0xae: {  	s6 =	sshll.u32 s28, $0x1;
	[dreg:$0x2] =	wrdreg s4  }
0xaf: {  	[dreg:$0x3] =	wrdreg s6  }
0xb0: {  	[dreg:$0x4] =	wrdreg $0xC0  }
0xb1: {  	_ =	task [dreg:s8], $0x5FFFF  }
0xb2: {  	[dreg:$0x1] =	wrdreg $0xFFFFFFFF  }
0xb3: {  	[dreg:$0x0] =	wrdreg $0x60  }
0xb4: {  	[dreg:$0x2] =	wrdreg s16  }
0xb5: {  	[dreg:$0x3] =	wrdreg s17  }
0xb6: {  	[dreg:$0x4] =	wrdreg s24  }
0xb7: {  	[dreg:$0x5] =	wrdreg $0x9  }
0xb8: {  	_ =	task.clear_ibuf [dreg:s8], $0x6FFFF;
	_ =	strace $0x90000046  }
0xb9: {  	s29 =	simm.s32 $0x9;
	_ =	strace $0x80000048  }
0xba: {  	_ =	swait.ge [sflag:s29], $0x1  }
0xbb: {  	[sflag:s29] =	ssyncadd.s32 $0xFFFFFFFF  }
0xbc: {  	_ =	strace $0x90000048  }
0xbd: {  	_ =	sfence  }
0xbe: {  	s30 =	sld [smem:$0x0];
	_ =	sdelay $0x2  }
0xbf: {  	s31 =	sshll.u32 s1, $0xD;
	s1 =	sshrl.u32 s1, $0x2  }
0xc0: {  	s3 =	sand.u32 $0x4000, s31;
	s1 =	sadd.s32 s1, s30  }
0xc1: {  	s0 =	sor.u32 s3, s0;
	s1 =	sshll.u32 s1, $0x11  }
0xc2: {  	s0 =	sor.u32 s1, s0  }
0xc3: {  	s0 =	sadd.s32 $0x8F2B, s0  }
0xc4: {  	[sflag:s0] =	ssyncadd.remote.s32 $0x1  }
0xc5: {  	_ =	sfence.sel $0xFFFF  }
0xc6: {  	[dreg:$0x0] =	wrdreg $0xFFFFFFFF;
	(pc) =	sbr.abs _section_cstart, $3  }
0xc7: {  	[dreg:$0x1] =	wrdreg $0xFFFFFFFF  }
0xc8: {  	_ =	task.clear_ibuf [dreg:s8], $0x2FFFF;
	_ =	strace $0x9FFFFFFF  }
0xc9: {  	(tm) =	ssettm $0x7FFFFFFF  }
tec
execute0_lowered:
.L_overlay_start_1:
0x0: {  	(tag) =	ssettag $0x1  }
0x1: {  	s0 =	srdreg.scid;
	s1 =	stileid.u32  }
0x2: {  	s0 =	sand.u32 $0x1, s0;
	s1 =	sshll.u32 s1, $0x1  }
0x3: {  	s3 =	sor.u32 s0, s1;
	s0 =	ssub.s32 $0x2, s0  }
0x4: {  	s2 =	rddreg [dreg:$0x1];
	s1 =	sshll.u32 s3, $0x6;
	s4 =	sshrl.u32 s0, $0x1  }
0x5: {  	s5 =	sshll.u32 s3, $0x8;
	s13 =	smul.u32 $0x180, s3;
	s6 =	sor.u32 $0x800, s1  }
0x6: {  	s0 =	ssub.s32 s0, s4;
	s8 =	sadd.s32 s2, s5;
	s11 =	sor.u32 $0x1000, s1  }
0x7: {  	s7 =	sor.u32 $0x1800, s1;
	s16 =	sor.u32 $0x2000, s1;
	s20 =	sor.u32 $0x3000, s1  }
0x8: {  	s24 =	sor.u32 $0x4000, s1;
	s30 =	sor.u32 $0xC000, s1;
	[dreg:$0x4] =	wrdreg s8  }
0x9: {  	s9 =	sshll.u32 s6, $0x2;
	s12 =	sshll.u32 s11, $0x2;
	s4 =	smul.u32 $0x6, s6  }
0xa: {  	s8 =	sshll.u32 s7, $0x2;
	[smem:$0x7E7] =	sst s13;
	s5 =	smul.u32 $0x6, s11  }
0xb: {  	s6 =	smul.u32 $0x6, s7;
	s17 =	sshll.u32 s16, $0x2;
	s11 =	sshll.u32 s20, $0x2  }
0xc: {  	s7 =	smul.u32 $0x6, s16;
	s25 =	sshll.u32 s24, $0x2;
	s13 =	sor.u32 $0x4800, s1  }
0xd: {  	s10 =	sadd.s32 s2, s9;
	s14 =	sadd.s32 s2, s12;
	s15 =	sadd.s32 s2, s8  }
0xe: {  	s9 =	sor.u32 $0x2800, s1;
	s18 =	sadd.s32 s2, s17;
	[dreg:$0x5] =	wrdreg s10  }
0xf: {  	s12 =	sor.u32 $0x3800, s1;
	s21 =	sadd.s32 s2, s11;
	[dreg:$0x6] =	wrdreg s14  }
0x10: {  	s26 =	sadd.s32 s2, s25;
	s3 =	sshll.u32 s13, $0x2;
	[dreg:$0x7] =	wrdreg s15  }
0x11: {  	s11 =	smul.u32 $0x6, s24;
	s10 =	sshll.u32 s9, $0x2;
	[dreg:$0x8] =	wrdreg s18  }
0x12: {  	[dreg:$0xa] =	wrdreg s21;
	s22 =	sshll.u32 s12, $0x2;
	s8 =	smul.u32 $0x6, s9  }
0x13: {  	s9 =	smul.u32 $0x6, s20;
	[dreg:$0xc] =	wrdreg s26;
	s19 =	sadd.s32 s2, s10  }
0x14: {  	s14 =	sor.u32 $0x5000, s1;
	s23 =	sadd.s32 s2, s22;
	[dreg:$0x9] =	wrdreg s19  }
0x15: {  	s10 =	smul.u32 $0x6, s12;
	s12 =	sadd.s32 s2, s3;
	[dreg:$0xb] =	wrdreg s23  }
0x16: {  	s15 =	sshll.u32 s14, $0x2;
	[dreg:$0xd] =	wrdreg s12;
	s12 =	smul.u32 $0x6, s13  }
0x17: {  	s16 =	sadd.s32 s2, s15;
	s15 =	sor.u32 $0x5800, s1;
	s13 =	smul.u32 $0x6, s14  }
0x18: {  	[dreg:$0xe] =	wrdreg s16;
	s17 =	sshll.u32 s15, $0x2;
	s16 =	sor.u32 $0x6000, s1  }
0x19: {  	s14 =	smul.u32 $0x6, s15;
	s15 =	sor.u32 $0x6800, s1;
	s18 =	sadd.s32 s2, s17  }
0x1a: {  	s19 =	sshll.u32 s16, $0x2;
	s17 =	sor.u32 $0x7000, s1;
	[dreg:$0xf] =	wrdreg s18  }
0x1b: {  	s20 =	sadd.s32 s2, s19;
	s18 =	sshll.u32 s15, $0x2;
	s19 =	sshll.u32 s17, $0x2  }
0x1c: {  	[dreg:$0x10] =	wrdreg s20;
	s20 =	sor.u32 $0x7800, s1;
	s21 =	sadd.s32 s2, s18  }
0x1d: {  	s22 =	sadd.s32 s2, s19;
	s18 =	sor.u32 $0x8000, s1;
	[dreg:$0x11] =	wrdreg s21  }
0x1e: {  	s19 =	sor.u32 $0x8800, s1;
	[dreg:$0x12] =	wrdreg s22;
	s23 =	sshll.u32 s20, $0x2  }
0x1f: {  	s21 =	sshll.u32 s18, $0x2;
	s22 =	sshll.u32 s19, $0x2;
	s24 =	sadd.s32 s2, s23  }
0x20: {  	s23 =	sor.u32 $0x9000, s1;
	s25 =	sadd.s32 s2, s21;
	[dreg:$0x13] =	wrdreg s24  }
0x21: {  	s26 =	sadd.s32 s2, s22;
	[dreg:$0x14] =	wrdreg s25;
	s3 =	sshll.u32 s23, $0x2  }
0x22: {  	s21 =	sor.u32 $0x9800, s1;
	[dreg:$0x15] =	wrdreg s26;
	s22 =	sadd.s32 s2, s3  }
0x23: {  	s24 =	sshll.u32 s21, $0x2;
	[dreg:$0x16] =	wrdreg s22;
	s22 =	sor.u32 $0xA000, s1  }
0x24: {  	s26 =	sor.u32 $0xA800, s1;
	s24 =	sadd.s32 s2, s24;
	s25 =	sshll.u32 s22, $0x2  }
0x25: {  	s3 =	sshll.u32 s26, $0x2;
	[dreg:$0x17] =	wrdreg s24;
	s25 =	sadd.s32 s2, s25  }
0x26: {  	s24 =	sor.u32 $0xB000, s1;
	[dreg:$0x18] =	wrdreg s25;
	s25 =	sadd.s32 s2, s3  }
0x27: {  	s28 =	sshll.u32 s24, $0x2;
	[dreg:$0x19] =	wrdreg s25;
	s25 =	sor.u32 $0xB800, s1  }
0x28: {  	[smem:$0x7FD] =	sst s0;
	s3 =	sadd.s32 s2, s28;
	s29 =	sshll.u32 s25, $0x2  }
0x29: {  	s28 =	sshll.u32 s30, $0x2;
	[dreg:$0x1a] =	wrdreg s3;
	s3 =	sadd.s32 s2, s29  }
0x2a: {  	s29 =	sor.u32 $0xD000, s1;
	[dreg:$0x1b] =	wrdreg s3;
	s3 =	sadd.s32 s2, s28  }
0x2b: {  	s28 =	sor.u32 $0xC800, s1;
	s0 =	sshll.u32 s29, $0x2;
	[dreg:$0x1c] =	wrdreg s3  }
0x2c: {  	s31 =	sshll.u32 s28, $0x2;
	s3 =	sor.u32 $0xD800, s1;
	s0 =	sadd.s32 s2, s0  }
0x2d: {  	s31 =	sadd.s32 s2, s31;
	[dreg:$0x1e] =	wrdreg s0;
	s0 =	sshll.u32 s3, $0x2  }
0x2e: {  	[dreg:$0x1d] =	wrdreg s31;
	s0 =	sadd.s32 s2, s0  }
0x2f: {  	[dreg:$0x1f] =	wrdreg s0  }
0x30: {  	s31 =	simm.s32 $0x0;
	s0 =	smul.u32 $0x6, s16;
	s16 =	rddreg [dreg:$0x2]  }
0x31: {  	s15 =	smul.u32 $0x6, s15;
	[smem:$0x7FF] =	sst s31;
	s2 =	sadd.s32 $0x2200, s16  }
0x32: {  	s3 =	smul.u32 $0x6, s3;
	s16 =	sld [smem:$0x7E7];
	s4 =	sadd.s32 s2, s4  }
0x33: {  	s5 =	sadd.s32 s2, s5;
	s6 =	sadd.s32 s2, s6;
	[smem:$0x7E9] =	sst s4  }
0x34: {  	s0 =	sadd.s32 s2, s0;
	[smem:$0x7EA] =	sst s5;
	s4 =	smul.u32 $0x6, s20  }
0x35: {  	[smem:$0x7EB] =	sst s6;
	s5 =	smul.u32 $0x6, s18;
	s20 =	sadd.s32 s2, s8  }
0x36: {  	s6 =	smul.u32 $0x6, s19;
	s8 =	sadd.s32 s2, s10;
	[smem:$0x7F4] =	sst s0  }
0x37: {  	s10 =	sadd.s32 s2, s12;
	s12 =	smul.u32 $0x6, s21;
	[smem:$0x7ED] =	sst s20  }
0x38: {  	s19 =	smul.u32 $0x6, s26;
	[smem:$0x7EF] =	sst s8  }
0x39: {  	s21 =	smul.u32 $0x6, s24;
	s16 =	sadd.s32 s2, s16;
	[smem:$0x7F1] =	sst s10  }
0x3a: {  	[smem:$0x7E8] =	sst s16;
	s16 =	smul.u32 $0x6, s17;
	s17 =	sadd.s32 s2, s7  }
0x3b: {  	s26 =	smul.u32 $0x6, s25;
	s7 =	sadd.s32 s2, s9;
	[smem:$0x7EC] =	sst s17  }
0x3c: {  	s8 =	smul.u32 $0x6, s30;
	s9 =	sadd.s32 s2, s11;
	[smem:$0x7EE] =	sst s7  }
0x3d: {  	s10 =	smul.u32 $0x6, s28;
	s11 =	sadd.s32 s2, s13;
	[smem:$0x7F0] =	sst s9  }
0x3e: {  	s13 =	sadd.s32 s2, s14;
	s14 =	smul.u32 $0x6, s22;
	[smem:$0x7F2] =	sst s11  }
0x3f: {  	s4 =	sadd.s32 s2, s4;
	s20 =	sadd.s32 s2, s5;
	[smem:$0x7F3] =	sst s13  }
0x40: {  	s22 =	sadd.s32 s2, s19;
	s5 =	simm.s32 $0x4800;
	[smem:$0x7F7] =	sst s4  }
0x41: {  	s7 =	smul.u32 $0x6, s23;
	s17 =	sadd.s32 s2, s15;
	[smem:$0x7F8] =	sst s20  }
0x42: {  	s23 =	sadd.s32 s2, s6;
	s25 =	sadd.s32 s2, s8;
	s11 =	smul.u32 $0x6, s29  }
0x43: {  	s29 =	sadd.s32 s2, s3;
	s3 =	simm.s32 $0x7400;
	s4 =	simm.s32 $0x8000  }
0x44: {  	s6 =	simm.s32 $0x5000;
	s8 =	simm.s32 $0x6000;
	[smem:$0x7F5] =	sst s17  }
0x45: {  	s9 =	simm.s32 $0x8C00;
	s18 =	sadd.s32 s2, s16;
	[smem:$0x7F9] =	sst s23  }
0x46: {  	s0 =	sadd.s32 s2, s14;
	s23 =	sadd.s32 s2, s21;
	[smem:$0x7F6] =	sst s18  }
0x47: {  	s24 =	sadd.s32 s2, s7;
	s7 =	sadd.s32 s2, s12;
	[smem:$0x7FC] =	sst s0  }
0x48: {  	s28 =	sadd.s32 s2, s11;
	s12 =	sand.u32 $0x780, s1;
	[smem:$0x7FA] =	sst s24  }
0x49: {  	s0 =	simm.s32 $0x1;
	[smem:$0x7FB] =	sst s7;
	s24 =	sadd.s32 s2, s26  }
0x4a: {  	v9 =	vlaneseq.u32;
	s26 =	sadd.s32 s2, s10;
	s13 =	sor.u32 $0x800, s12;
	_ =	strace $0x80000047  }
0x4b: {  	v8 =	vimm.f32 $0.0e+00;
	v10 =	vimm.s32 $0x0;
	v11 =	vor.u32 $0x10, v9;
	s14 =	sor.u32 $0x1000, s12;
	s15 =	sor.u32 $0x1800, s12;
	s21 =	sld [smem:$0x7FD]  }
0x4c: {  	v12 =	vor.u32 $0x20, v9;
	s16 =	sor.u32 $0x2000, s12;
	s17 =	sor.u32 $0x2800, s12;
	s18 =	sor.u32 $0x3000, s12;
	v0 =	vmov s13;
	v1 =	vmov s14  }
0x4d: {  	s19 =	sor.u32 $0x3800, s12;
	s20 =	sor.u32 $0x4000, s12;
	s2 =	simm.s32 $0x6800;
	v2 =	vmov s15;
	v3 =	vmov s16;
	v4 =	vmov s17  }
0x4e: {  	s7 =	simm.s32 $0x5800;
	s10 =	simm.s32 $0x0;
	v5 =	vmov s18;
	v6 =	vmov s19;
	v7 =	vmov s20;
	s30 =	smax.u32 s21, $0x1  }
.LBB2_1:
0x4f: {  	s11 =	rddreg [dreg:$0x0]  }
0x50: {  	[tilespmem:s31], [sflag:$0x1] =	stream.linear.gather [hbm4b:s11+s31], $0x4800, $0x38;
	[tilespmem:$0x9800] =	vst v63  }
0x51: {  	_ =	swait.ge [sflag:s0], $0x4800  }
0x52: {  	[sflag:s0] =	ssyncset.done $0x0  }
0x53: {  	s12 =	simm.s32 $0x0;
	s11 =	simm.s32 $0x40;
	[sflag:s0] =	ssyncadd.s32 $0xFFFFB800  }
.LBB2_2:
0x54: {  	p0 =	sne.s32 s11, $0x1FC0;
	[tilespmem:s12+$0x5800] =	vst v8;
	s13 =	smov.u32 s11;
	s11 =	sadd.s32 $0x40, s11  }
.Ltmp0:
0x55: {  	[tilespmem:s12+$0x4800] =	vst v8;
	(pc) =	sbr.rel @p0 .LBB2_2-.Ltmp0, $2  }
0x56: {  	[tilespmem:s12+$0x5000] =	vst v8;
	_ =	sdelay $0x2  }
0x57: {  	s12 =	sshra.s32 s13, $0x2  }
0x58: {  	[tilespmem:s12+$0x5800] =	vst v8  }
0x59: {  	[tilespmem:s12+$0x4800] =	vst v8  }
0x5a: {  	s11 =	simm.s32 $0x0;
	[tilespmem:s12+$0x5000] =	vst v8;
	s12 =	simm.s32 $0x40;
	s13 =	simm.s32 $0x0  }
.LBB2_4:
0x5b: {  	p0 =	sne.s32 s12, $0x2FC0;
	[tilespmem:s13+$0x8000] =	vst v8;
	s14 =	smov.u32 s12;
	s12 =	sadd.s32 $0x40, s12  }
.Ltmp1:
0x5c: {  	[tilespmem:s13+$0x6800] =	vst v8;
	(pc) =	sbr.rel @p0 .LBB2_4-.Ltmp1, $2  }
0x5d: {  	[tilespmem:s13+$0x7400] =	vst v8;
	_ =	sdelay $0x2  }
0x5e: {  	s13 =	sshra.s32 s14, $0x2  }
0x5f: {  	[tilespmem:s13+$0x8000] =	vst v8  }
0x60: {  	[tilespmem:s13+$0x6800] =	vst v8  }
0x61: {  	[tilespmem:s13+$0x7400] =	vst v8  }
.LBB2_6:
0x62: {  	s13 =	sshll.u32 s11, $0x1  }
0x63: {  	s12 =	sand.u32 $0x30, s13  }
0x64: {  	s12 =	sor.u32 s1, s12  }
0x65: {  	v16 =	vld [tilespmem:s12+$0x0];
	s12 =	sand.u32 $0x70, s12  }
0x66: {  	v17 =	vld.idx.msk [tilespmem:v0+s12+$0x0 ss:$0x1], $0xffff  }
0x67: {  	v18 =	vld.idx.msk [tilespmem:v1+s12+$0x0 ss:$0x1], $0xffff;
	s12 =	simm.s32 $0x0  }
0x68: {  	v19 =	vld [tilespmem:s12+$0x0];
	s14 =	sand.u32 $0x7F0, s12  }
0x69: {  	v20 =	vld [tilespmem:s14+$0x800]  }
0x6a: {  	s13 =	sand.u32 $0xE, s13  }
0x6b: {  	v15 =	vmov s13;
	v21 =	vld [tilespmem:s14+$0x1000]  }
0x6c: {  	v13 =	vperm.xlane v16, v15;
	v14 =	vperm.xlane v17, v15;
	_ =	sdelay $0x1  }
0x6d: {  	s13 =	sor.u32 $0x1, s13;
	v15 =	vperm.xlane v18, v15;
	v28 =	vsub.f32 v19, v13;
	v29 =	vsub.f32 v20, v14  }
0x6e: {  	v22 =	vmov s13  }
0x6f: {  	v30 =	vsub.f32 v21, v15;
	v23 =	vmul.f32 v28, v28;
	v24 =	vmul.f32 v29, v29  }
0x70: {  	v16 =	vperm.xlane v16, v22  }
0x71: {  	v17 =	vperm.xlane v17, v22;
	v23 =	vadd.f32 v24, v23;
	v24 =	vmul.f32 v30, v30  }
0x72: {  	v18 =	vperm.xlane v18, v22;
	v34 =	vsub.f32 v19, v16  }
0x73: {  	v37 =	vsub.f32 v20, v17;
	v19 =	vadd.f32 v24, v23  }
0x74: {  	v25 =	vsub.f32 v21, v18  }
0x75: {  	v20 =	vmul.f32 v34, v34;
	v21 =	vmul.f32 v37, v37;
	vm1 =	vle.f32 v19, $3.999999910e-02  }
0x76: {  	v22 =	vsel vm1, $0x1, v10  }
0x77: {  	v20 =	vadd.f32 v21, v20;
	v21 =	vmul.f32 v25, v25;
	(xrf0) =	vadd.scan.msk.s32 $0xffff, v22  }
0x78: {  	vm2 =	vle.f32 v19, $9.999999770e-03  }
0x79: {  	v20 =	vadd.f32 v21, v20;
	v19 =	vsel vm2, $0x1, v10  }
0x7a: {  	s13 =	smul.u32 $0x60, s11;
	(xrf0) =	vadd.scan.msk.s32 $0xffff, v19  }
0x7b: {  	vm0 =	vle.f32 v20, $3.999999910e-02  }
0x7c: {  	s21 =	sadd.s32 $0xFFFFFFFF, s13;
	v21 =	vsel vm0, $0x1, v10  }
0x7d: {  	s15 =	sadd.s32 $0x20, s13;
	v19 =	vmov s21;
	v22, _, _ =	vpop (xrf0);
	(xrf0) =	vadd.scan.msk.s32 $0xffff, v21  }
0x7e: {  	s14 =	sshll.u32 s11, $0x6;
	vm3 =	vle.f32 v20, $9.999999770e-03;
	v21 =	vmov s15;
	v31 =	vadd.s32 v19, v22  }
0x7f: {  	s16 =	sadd.s32 $0xFFFFFFFF, s14;
	v20 =	vsel vm3, $0x1, v10;
	vm4 =	vlt.s32 v31, v21  }
0x80: {  	s17 =	sor.u32 $0x10, s14;
	v22 =	vmov s16;
	v23, _, _ =	vpop (xrf0);
	(xrf0) =	vadd.scan.msk.s32 $0xffff, v20;
	vm4 =	vmand vm1, vm4  }
0x81: {  	v24 =	vmov s17;
	v32 =	vadd.s32 v22, v23  }
0x82: {  	s18 =	sadd.s32 $0x2F, s13;
	vm5 =	vlt.s32 v32, v24  }
0x83: {  	s16 =	sadd.s32 $0x50, s13;
	v20 =	vmov s18;
	vm5 =	vmand vm2, vm5;
	v23, _, _ =	vpop (xrf0)  }
0x84: {  	v26 =	vmov s16;
	v38 =	vadd.s32 v20, v23  }
0x85: {  	s19 =	sor.u32 $0x1F, s14;
	vm6 =	vlt.s32 v38, v26  }
0x86: {  	s18 =	sor.u32 $0x30, s14;
	v23 =	vmov s19;
	v33, _, _ =	vpop (xrf0);
	[tilespmem:v31+s2+$0x0] =	vst.idx.msk vm4, v28;
	vm6 =	vmand vm0, vm6  }
0x87: {  	v27 =	vmov s18;
	v36 =	vadd.s32 v23, v33;
	[tilespmem:v31+s3+$0x0] =	vst.idx.msk vm4, v29  }
0x88: {  	v63 =	vmpcnt.ones.xlane vm1;
	vm1 =	vlt.s32 v36, v27;
	[tilespmem:v31+s4+$0x0] =	vst.idx.msk vm4, v30  }
0x89: {  	v39 =	vmpcnt.ones.xlane vm3;
	vm1 =	vmand vm3, vm1;
	[tilespmem:v32+s5+$0x0] =	vst.idx.msk vm5, v28  }
0x8a: {  	v33 =	vadd.s32 v19, v63;
	v31 =	vmpcnt.ones.xlane vm2;
	[tilespmem:v32+s6+$0x0] =	vst.idx.msk vm5, v29  }
0x8b: {  	v39 =	vadd.s32 v23, v39;
	v28 =	vadd.s32 $0xFFFFFFFF, v21;
	v29 =	vadd.s32 $0xFFFFFFFF, v24;
	[tilespmem:v32+s7+$0x0] =	vst.idx.msk vm5, v30  }
0x8c: {  	vm2 =	vlt.s32 v33, v28;
	v35 =	vadd.s32 v22, v31;
	v30 =	vmpcnt.ones.xlane vm0;
	[tilespmem:v38+s2+$0x0] =	vst.idx.msk vm6, v34  }
0x8d: {  	v31 =	vadd.s32 $0xFFFFFFFF, v26;
	vm15 =	vlt.s32 v35, v29;
	v32 =	vsel vm2, v33, v28;
	[tilespmem:v38+s3+$0x0] =	vst.idx.msk vm6, v37  }
0x8e: {  	v33 =	vadd.s32 $0xFFFFFFFF, v27;
	v35 =	vsel vm15, v35, v29;
	v30 =	vadd.s32 v20, v30;
	[tilespmem:v38+s4+$0x0] =	vst.idx.msk vm6, v25  }
0x8f: {  	vm2 =	vlt.s32 v39, v33;
	vm0 =	vlt.s32 v30, v31;
	[tilespmem:v36+s5+$0x0] =	vst.idx.msk vm1, v34  }
0x90: {  	s19 =	simm.s32 $0x10;
	v30 =	vsel vm0, v30, v31;
	v34 =	vsel vm2, v39, v33;
	[tilespmem:v36+s6+$0x0] =	vst.idx.msk vm1, v37  }
.LBB2_7:
0x91: {  	p0 =	sne.s32 s19, $0x7F0  }
0x92: {  	[tilespmem:v36+s7+$0x0] =	vst.idx.msk vm1, v25;
	s12 =	sadd.s32 $0x10, s12;
	v36 =	vmovc v32;
	v37 =	vmov v35;
	v38 =	vmov v30;
	v39 =	vmov v34;
	s20 =	smov.u32 s19;
	s19 =	sadd.s32 $0x10, s19  }
0x93: {  	v25 =	vld [tilespmem:s12+$0x0];
	s20 =	sand.u32 $0x7F0, s20  }
0x94: {  	v40 =	vld [tilespmem:s20+$0x800];
	_ =	sdelay $0x1  }
0x95: {  	v41 =	vld [tilespmem:s20+$0x1000];
	_ =	sdelay $0x2  }
0x96: {  	v42 =	vsub.f32 v25, v13;
	v43 =	vsub.f32 v40, v14;
	_ =	sdelay $0x1  }
0x97: {  	v45 =	vmul.f32 v42, v42;
	v44 =	vsub.f32 v41, v15;
	v46 =	vmul.f32 v43, v43;
	_ =	sdelay $0x1  }
0x98: {  	v45 =	vadd.f32 v46, v45;
	v46 =	vmul.f32 v44, v44  }
0x99: {  	v47 =	vsub.f32 v25, v16  }
0x9a: {  	v40 =	vsub.f32 v40, v17;
	v45 =	vadd.f32 v46, v45  }
0x9b: {  	v25 =	vsub.f32 v41, v18;
	v41 =	vmul.f32 v47, v47  }
0x9c: {  	vm2 =	vle.f32 v45, $3.999999910e-02;
	vm0 =	vle.f32 v45, $9.999999770e-03;
	v45 =	vmul.f32 v40, v40  }
0x9d: {  	v46 =	vsel vm2, $0x1, v10;
	v48 =	vsel vm0, $0x1, v10;
	v49 =	vmpcnt.ones.xlane vm2  }
0x9e: {  	v50 =	vmpcnt.ones.xlane vm0;
	v41 =	vadd.f32 v45, v41;
	v45 =	vmul.f32 v25, v25;
	(xrf0) =	vadd.scan.msk.s32 $0xffff, v46  }
0x9f: {  	v32 =	vadd.s32 v32, v49;
	(xrf0) =	vadd.scan.msk.s32 $0xffff, v48  }
0xa0: {  	v35 =	vadd.s32 v35, v50;
	vm1 =	vlt.s32 v32, v28;
	v41 =	vadd.f32 v45, v41  }
0xa1: {  	v32 =	vsel vm1, v32, v28;
	vm1 =	vlt.s32 v35, v29  }
0xa2: {  	v35 =	vsel vm1, v35, v29;
	vm3 =	vle.f32 v41, $3.999999910e-02;
	vm1 =	vle.f32 v41, $9.999999770e-03  }
0xa3: {  	v41 =	vsel vm3, $0x1, v10;
	v45 =	vsel vm1, $0x1, v10;
	v46 =	vmpcnt.ones.xlane vm3  }
0xa4: {  	v48 =	vmpcnt.ones.xlane vm1;
	v49, _, _ =	vpop (xrf0);
	(xrf0) =	vadd.scan.msk.s32 $0xffff, v41  }
0xa5: {  	v41 =	vadd.s32 v36, v49;
	v30 =	vadd.s32 v30, v46;
	v36, _, _ =	vpop (xrf0)  }
0xa6: {  	v34 =	vadd.s32 v34, v48;
	vm4 =	vlt.s32 v41, v21;
	vm5 =	vlt.s32 v30, v31  }
0xa7: {  	vm2 =	vmand vm2, vm4;
	v30 =	vsel vm5, v30, v31;
	vm4 =	vlt.s32 v34, v33;
	(xrf0) =	vadd.scan.msk.s32 $0xffff, v45  }
0xa8: {  	v37 =	vadd.s32 v37, v36;
	v34 =	vsel vm4, v34, v33  }
0xa9: {  	vm4 =	vlt.s32 v37, v24  }
0xaa: {  	vm0 =	vmand vm0, vm4;
	v36, _, _ =	vpop (xrf0)  }
0xab: {  	v38 =	vadd.s32 v38, v36  }
0xac: {  	vm4 =	vlt.s32 v38, v26  }
0xad: {  	[tilespmem:v41+s2+$0x0] =	vst.idx.msk vm2, v42;
	vm3 =	vmand vm3, vm4;
	v36, _, _ =	vpop (xrf0)  }
0xae: {  	[tilespmem:v41+s3+$0x0] =	vst.idx.msk vm2, v43;
	v36 =	vadd.s32 v39, v36  }
0xaf: {  	[tilespmem:v41+s4+$0x0] =	vst.idx.msk vm2, v44;
	vm2 =	vlt.s32 v36, v27  }
0xb0: {  	[tilespmem:v37+s5+$0x0] =	vst.idx.msk vm0, v42;
	vm1 =	vmand vm1, vm2  }
0xb1: {  	[tilespmem:v37+s6+$0x0] =	vst.idx.msk vm0, v43  }
0xb2: {  	[tilespmem:v37+s7+$0x0] =	vst.idx.msk vm0, v44  }
.Ltmp2:
0xb3: {  	[tilespmem:v38+s2+$0x0] =	vst.idx.msk vm3, v47;
	(pc) =	sbr.rel @p0 .LBB2_7-.Ltmp2, $4  }
0xb4: {  	[tilespmem:v38+s3+$0x0] =	vst.idx.msk vm3, v40  }
0xb5: {  	[tilespmem:v38+s4+$0x0] =	vst.idx.msk vm3, v25  }
0xb6: {  	[tilespmem:v36+s5+$0x0] =	vst.idx.msk vm1, v47  }
0xb7: {  	[tilespmem:v36+s6+$0x0] =	vst.idx.msk vm1, v40  }
0xb8: {  	_ =	sdelay $0x2  }
0xb9: {  	v13 =	vsub.s32 v35, v22  }
0xba: {  	vm0 =	vgt.s32 v13, v9  }
0xbb: {  	[tilespmem:v36+s7+$0x0] =	vst.idx.msk vm1, v25;
	v14 =	vsub.s32 v32, v19;
	vm7 =	vgt.s32 v13, v11;
	v15 =	vsel vm0, $0x3F800000, v10  }
0xbc: {  	vm8 =	vgt.s32 v14, v9;
	v13 =	vsel vm7, $0x3F800000, v10;
	[tilespmem:s14+$0x6000] =	vst v15  }
0xbd: {  	vm9 =	vgt.s32 v14, v11;
	[tilespmem:s17+$0x6000] =	vst v13;
	v13 =	vsel vm8, $0x3F800000, v10  }
0xbe: {  	vm10 =	vgt.s32 v14, v12;
	v14 =	vsub.s32 v34, v23;
	[tilespmem:s13+$0x8C00] =	vst v13;
	v13 =	vsel vm9, $0x3F800000, v10  }
0xbf: {  	s11 =	sadd.s32 $0x1, s11;
	vm11 =	vgt.s32 v14, v9;
	[tilespmem:s13+$0x8C10] =	vst v13;
	v13 =	vsel vm10, $0x3F800000, v10  }
0xc0: {  	p0 =	sne.s32 s11, $0x20;
	vm12 =	vgt.s32 v14, v11;
	v15 =	vsel vm11, $0x3F800000, v10;
	[tilespmem:s15+$0x8C00] =	vst v13;
	v13 =	vsub.s32 v30, v20  }
.Ltmp3:
0xc1: {  	v14 =	vsel vm12, $0x3F800000, v10;
	[tilespmem:s14+$0x6020] =	vst v15;
	vm13 =	vgt.s32 v13, v9;
	(pc) =	sbr.rel @p0 .LBB2_6-.Ltmp3, $4  }
0xc2: {  	vm14 =	vgt.s32 v13, v11;
	[tilespmem:s18+$0x6000] =	vst v14;
	v14 =	vsel vm13, $0x3F800000, v10  }
0xc3: {  	vm15 =	vgt.s32 v13, v12;
	[tilespmem:s13+$0x8C30] =	vst v14;
	v14 =	vsel vm14, $0x3F800000, v10  }
0xc4: {  	v13 =	vsel vm15, $0x3F800000, v10;
	[tilespmem:s13+$0x8C40] =	vst v14  }
0xc5: {  	[tilespmem:s16+$0x8C00] =	vst v13  }
0xc6: {  	s11 =	simm.s32 $0x0;
	s12 =	rddreg [dreg:$0x4]  }
0xc7: {  	[hbm4b:s12+s11] =	stream.linear.scatter [tilespmem:s5], [sflag:$0x1], $0x800, $0x38;
	[tilespmem:$0x9800] =	vst v63  }
0xc8: {  	_ =	swait.ge [sflag:s0], $0x800  }
0xc9: {  	[sflag:s0] =	ssyncset.done $0x0  }
0xca: {  	s15 =	rddreg [dreg:$0x5];
	[sflag:s0] =	ssyncadd.s32 $0xFFFFF800  }
0xcb: {  	[hbm4b:s15+s11] =	stream.linear.scatter [tilespmem:s6], [sflag:$0x1], $0x800, $0x38;
	[tilespmem:$0x9800] =	vst v63  }
0xcc: {  	_ =	swait.ge [sflag:s0], $0x800  }
0xcd: {  	[sflag:s0] =	ssyncset.done $0x0  }
0xce: {  	s16 =	rddreg [dreg:$0x6];
	[sflag:s0] =	ssyncadd.s32 $0xFFFFF800  }
0xcf: {  	[hbm4b:s16+s11] =	stream.linear.scatter [tilespmem:s7], [sflag:$0x1], $0x800, $0x38;
	[tilespmem:$0x9800] =	vst v63  }
0xd0: {  	_ =	swait.ge [sflag:s0], $0x800  }
0xd1: {  	[sflag:s0] =	ssyncset.done $0x0  }
0xd2: {  	s17 =	rddreg [dreg:$0x7];
	[sflag:s0] =	ssyncadd.s32 $0xFFFFF800  }
0xd3: {  	[hbm4b:s17+s11] =	stream.linear.scatter [tilespmem:s8], [sflag:$0x1], $0x800, $0x38;
	[tilespmem:$0x9800] =	vst v63  }
0xd4: {  	_ =	swait.ge [sflag:s0], $0x800  }
0xd5: {  	s18 =	sld [smem:$0x7E8]  }
0xd6: {  	[sflag:s0] =	ssyncset.done $0x0  }
0xd7: {  	[sflag:s0] =	ssyncadd.s32 $0xFFFFF800  }
0xd8: {  	[hbm4b:s18+s11] =	stream.linear.scatter [tilespmem:s2], [sflag:$0x1], $0xC00, $0x38;
	[tilespmem:$0x9800] =	vst v63  }
0xd9: {  	_ =	swait.ge [sflag:s0], $0xC00  }
0xda: {  	s19 =	sld [smem:$0x7E9]  }
0xdb: {  	[sflag:s0] =	ssyncset.done $0x0  }
0xdc: {  	[sflag:s0] =	ssyncadd.s32 $0xFFFFF400  }
0xdd: {  	[hbm4b:s19+s11] =	stream.linear.scatter [tilespmem:s3], [sflag:$0x1], $0xC00, $0x38;
	[tilespmem:$0x9800] =	vst v63  }
0xde: {  	_ =	swait.ge [sflag:s0], $0xC00  }
0xdf: {  	s20 =	sld [smem:$0x7EA]  }
0xe0: {  	[sflag:s0] =	ssyncset.done $0x0  }
0xe1: {  	[sflag:s0] =	ssyncadd.s32 $0xFFFFF400  }
0xe2: {  	[hbm4b:s20+s11] =	stream.linear.scatter [tilespmem:s4], [sflag:$0x1], $0xC00, $0x38;
	[tilespmem:$0x9800] =	vst v63  }
0xe3: {  	_ =	swait.ge [sflag:s0], $0xC00  }
0xe4: {  	s21 =	sld [smem:$0x7EB]  }
0xe5: {  	[sflag:s0] =	ssyncset.done $0x0  }
0xe6: {  	[sflag:s0] =	ssyncadd.s32 $0xFFFFF400  }
0xe7: {  	[hbm4b:s21+s11] =	stream.linear.scatter [tilespmem:s9], [sflag:$0x1], $0xC00, $0x38;
	[tilespmem:$0x9800] =	vst v63  }
0xe8: {  	_ =	swait.ge [sflag:s0], $0xC00  }
0xe9: {  	[sflag:s0] =	ssyncset.done $0x0  }
0xea: {  	s12 =	simm.s32 $0x0;
	[sflag:s0] =	ssyncadd.s32 $0xFFFFF400  }
.LBB2_10:
0xeb: {  	_ = 	snop  }
0xec: {  	s13 =	sshll.u32 s12, $0x1  }
0xed: {  	s20 =	sand.u32 $0x7F0, s11;
	s14 =	sor.u32 s1, s13  }
0xee: {  	v19 =	vld [tilespmem:s20+$0x1800];
	s14 =	sand.u32 $0x70, s14  }
0xef: {  	v16 =	vld.idx.msk [tilespmem:v2+s14+$0x0 ss:$0x1], $0xffff  }
0xf0: {  	v17 =	vld.idx.msk [tilespmem:v3+s14+$0x0 ss:$0x1], $0xffff  }
0xf1: {  	v20 =	vld [tilespmem:s20+$0x2000]  }
0xf2: {  	v18 =	vld.idx.msk [tilespmem:v4+s14+$0x0 ss:$0x1], $0xffff  }
0xf3: {  	s13 =	sand.u32 $0xE, s13  }
0xf4: {  	v21 =	vld [tilespmem:s20+$0x2800];
	v15 =	vmov s13  }
0xf5: {  	v13 =	vperm.xlane v16, v15;
	v14 =	vperm.xlane v17, v15;
	_ =	sdelay $0x1  }
0xf6: {  	s13 =	sor.u32 $0x1, s13;
	v15 =	vperm.xlane v18, v15;
	v30 =	vsub.f32 v19, v13;
	v31 =	vsub.f32 v20, v14  }
0xf7: {  	v22 =	vmov s13  }
0xf8: {  	v32 =	vsub.f32 v21, v15;
	v23 =	vmul.f32 v30, v30;
	v24 =	vmul.f32 v31, v31  }
0xf9: {  	v16 =	vperm.xlane v16, v22  }
0xfa: {  	v17 =	vperm.xlane v17, v22;
	v26 =	vmul.f32 v32, v32;
	v23 =	vadd.f32 v24, v23  }
0xfb: {  	v18 =	vperm.xlane v18, v22;
	v38 =	vsub.f32 v19, v16  }
0xfc: {  	v25 =	vsub.f32 v20, v17;
	v19 =	vadd.f32 v26, v23  }
0xfd: {  	v22 =	vsub.f32 v21, v18  }
0xfe: {  	v20 =	vmul.f32 v38, v38;
	v21 =	vmul.f32 v25, v25;
	vm0 =	vle.f32 v19, $3.999999910e-02  }
0xff: {  	v23 =	vsel vm0, $0x1, v10  }
0x100: {  	v20 =	vadd.f32 v21, v20;
	v21 =	vmul.f32 v22, v22;
	(xrf0) =	vadd.scan.msk.s32 $0xffff, v23  }
0x101: {  	vm2 =	vle.f32 v19, $9.999999770e-03  }
0x102: {  	v20 =	vadd.f32 v21, v20;
	v19 =	vsel vm2, $0x1, v10  }
0x103: {  	s13 =	smul.u32 $0x60, s12;
	(xrf0) =	vadd.scan.msk.s32 $0xffff, v19  }
0x104: {  	vm1 =	vle.f32 v20, $3.999999910e-02  }
0x105: {  	s21 =	sadd.s32 $0xFFFFFFFF, s13;
	v21 =	vsel vm1, $0x1, v10  }
0x106: {  	s15 =	sadd.s32 $0x20, s13;
	v19 =	vmov s21;
	v23, _, _ =	vpop (xrf0);
	(xrf0) =	vadd.scan.msk.s32 $0xffff, v21  }
0x107: {  	s14 =	sshll.u32 s12, $0x6;
	vm3 =	vle.f32 v20, $9.999999770e-03;
	v21 =	vmov s15;
	v29 =	vadd.s32 v19, v23  }
0x108: {  	s16 =	sadd.s32 $0xFFFFFFFF, s14;
	v20 =	vsel vm3, $0x1, v10;
	vm4 =	vlt.s32 v29, v21  }
0x109: {  	s17 =	sor.u32 $0x10, s14;
	v23 =	vmov s16;
	v24, _, _ =	vpop (xrf0);
	(xrf0) =	vadd.scan.msk.s32 $0xffff, v20;
	vm4 =	vmand vm0, vm4  }
0x10a: {  	v26 =	vmov s17;
	v33 =	vadd.s32 v23, v24  }
0x10b: {  	s18 =	sadd.s32 $0x2F, s13;
	vm5 =	vlt.s32 v33, v26  }
0x10c: {  	s16 =	sadd.s32 $0x50, s13;
	v20 =	vmov s18;
	vm5 =	vmand vm2, vm5;
	v24, _, _ =	vpop (xrf0)  }
0x10d: {  	v27 =	vmov s16;
	v39 =	vadd.s32 v20, v24  }
0x10e: {  	s19 =	sor.u32 $0x1F, s14;
	vm6 =	vlt.s32 v39, v27  }
0x10f: {  	s18 =	sor.u32 $0x30, s14;
	v24 =	vmov s19;
	v34, _, _ =	vpop (xrf0);
	[tilespmem:v29+s2+$0x0] =	vst.idx.msk vm4, v30;
	vm6 =	vmand vm1, vm6  }
0x110: {  	v35 =	vmpcnt.ones.xlane vm0;
	v28 =	vmov s18;
	v37 =	vadd.s32 v24, v34;
	[tilespmem:v29+s3+$0x0] =	vst.idx.msk vm4, v31  }
0x111: {  	v62 =	vmpcnt.ones.xlane vm2;
	v40 =	vmpcnt.ones.xlane vm3;
	vm0 =	vlt.s32 v37, v28;
	[tilespmem:v29+s4+$0x0] =	vst.idx.msk vm4, v32  }
0x112: {  	v35 =	vadd.s32 v19, v35;
	vm0 =	vmand vm3, vm0;
	[tilespmem:v33+s5+$0x0] =	vst.idx.msk vm5, v30  }
0x113: {  	v34 =	vadd.s32 v23, v62;
	v63 =	vadd.s32 v24, v40;
	v29 =	vadd.s32 $0xFFFFFFFF, v21;
	[tilespmem:v33+s6+$0x0] =	vst.idx.msk vm5, v31  }
0x114: {  	v30 =	vadd.s32 $0xFFFFFFFF, v26;
	vm2 =	vlt.s32 v35, v29;
	v31 =	vmpcnt.ones.xlane vm1;
	[tilespmem:v33+s7+$0x0] =	vst.idx.msk vm5, v32  }
0x115: {  	vm1 =	vlt.s32 v34, v30;
	v35 =	vsel vm2, v35, v29;
	v32 =	vadd.s32 $0xFFFFFFFF, v27;
	[tilespmem:v39+s2+$0x0] =	vst.idx.msk vm6, v38  }
0x116: {  	v36 =	vsel vm1, v34, v30;
	v34 =	vadd.s32 $0xFFFFFFFF, v28;
	v31 =	vadd.s32 v20, v31;
	[tilespmem:v39+s3+$0x0] =	vst.idx.msk vm6, v25  }
0x117: {  	vm2 =	vlt.s32 v63, v34;
	vm1 =	vlt.s32 v31, v32;
	[tilespmem:v39+s4+$0x0] =	vst.idx.msk vm6, v22  }
0x118: {  	s19 =	simm.s32 $0x10;
	v33 =	vsel vm2, v63, v34;
	v31 =	vsel vm1, v31, v32;
	[tilespmem:v37+s5+$0x0] =	vst.idx.msk vm0, v38  }
.LBB2_11:
0x119: {  	p0 =	sne.s32 s19, $0x7F0;
	[tilespmem:v37+s6+$0x0] =	vst.idx.msk vm0, v25;
	v38 =	vmovc v35;
	v39 =	vmov v36;
	v40 =	vmov v31;
	v41 =	vmov v33;
	s20 =	smov.u32 s19;
	s19 =	sadd.s32 $0x10, s19  }
0x11a: {  	s20 =	sand.u32 $0x7F0, s20;
	[tilespmem:v37+s7+$0x0] =	vst.idx.msk vm0, v22  }
0x11b: {  	v22 =	vld [tilespmem:s20+$0x1800]  }
0x11c: {  	v25 =	vld [tilespmem:s20+$0x2000]  }
0x11d: {  	v37 =	vld [tilespmem:s20+$0x2800];
	_ =	sdelay $0x2  }
0x11e: {  	v42 =	vsub.f32 v22, v13  }
0x11f: {  	v43 =	vsub.f32 v25, v14  }
0x120: {  	v44 =	vsub.f32 v37, v15;
	v45 =	vmul.f32 v42, v42  }
0x121: {  	v46 =	vmul.f32 v43, v43  }
0x122: {  	v47 =	vmul.f32 v44, v44  }
0x123: {  	v45 =	vadd.f32 v46, v45  }
0x124: {  	v25 =	vsub.f32 v25, v17;
	v46 =	vsub.f32 v22, v16  }
0x125: {  	v45 =	vadd.f32 v47, v45  }
0x126: {  	v22 =	vsub.f32 v37, v18;
	v37 =	vmul.f32 v46, v46;
	v47 =	vmul.f32 v25, v25  }
0x127: {  	vm2 =	vle.f32 v45, $3.999999910e-02;
	vm0 =	vle.f32 v45, $9.999999770e-03  }
0x128: {  	v37 =	vadd.f32 v47, v37;
	v45 =	vsel vm2, $0x1, v10;
	v48 =	vsel vm0, $0x1, v10  }
0x129: {  	v49 =	vmul.f32 v22, v22;
	v47 =	vmpcnt.ones.xlane vm2;
	(xrf0) =	vadd.scan.msk.s32 $0xffff, v45  }
0x12a: {  	v45 =	vmpcnt.ones.xlane vm0;
	(xrf0) =	vadd.scan.msk.s32 $0xffff, v48  }
0x12b: {  	v37 =	vadd.f32 v49, v37;
	v35 =	vadd.s32 v35, v47  }
0x12c: {  	vm4 =	vlt.s32 v35, v29;
	v36 =	vadd.s32 v36, v45  }
0x12d: {  	vm3 =	vle.f32 v37, $3.999999910e-02;
	vm1 =	vle.f32 v37, $9.999999770e-03;
	vm5 =	vlt.s32 v36, v30  }
0x12e: {  	v50 =	vsel vm3, $0x1, v10;
	v45 =	vsel vm1, $0x1, v10;
	v47 =	vmpcnt.ones.xlane vm3  }
0x12f: {  	v35 =	vsel vm4, v35, v29;
	v48 =	vmpcnt.ones.xlane vm1;
	v36 =	vsel vm5, v36, v30;
	v49, _, _ =	vpop (xrf0);
	(xrf0) =	vadd.scan.msk.s32 $0xffff, v50  }
0x130: {  	v31 =	vadd.s32 v31, v47;
	v38 =	vadd.s32 v38, v49;
	v37, _, _ =	vpop (xrf0);
	(xrf0) =	vadd.scan.msk.s32 $0xffff, v45  }
0x131: {  	v33 =	vadd.s32 v33, v48;
	vm5 =	vlt.s32 v31, v32;
	vm4 =	vlt.s32 v38, v21  }
0x132: {  	v31 =	vsel vm5, v31, v32;
	vm2 =	vmand vm2, vm4;
	vm4 =	vlt.s32 v33, v34  }
0x133: {  	v39 =	vadd.s32 v39, v37;
	v33 =	vsel vm4, v33, v34  }
0x134: {  	vm4 =	vlt.s32 v39, v26  }
0x135: {  	vm4 =	vmand vm0, vm4;
	v37, _, _ =	vpop (xrf0)  }
0x136: {  	v40 =	vadd.s32 v40, v37;
	v37, _, _ =	vpop (xrf0)  }
0x137: {  	vm0 =	vlt.s32 v40, v27  }
0x138: {  	[tilespmem:v38+s2+$0x0] =	vst.idx.msk vm2, v42;
	vm3 =	vmand vm3, vm0  }
0x139: {  	v37 =	vadd.s32 v41, v37;
	[tilespmem:v38+s3+$0x0] =	vst.idx.msk vm2, v43  }
0x13a: {  	vm0 =	vlt.s32 v37, v28;
	[tilespmem:v38+s4+$0x0] =	vst.idx.msk vm2, v44  }
0x13b: {  	vm0 =	vmand vm1, vm0;
	[tilespmem:v39+s5+$0x0] =	vst.idx.msk vm4, v42  }
0x13c: {  	[tilespmem:v39+s6+$0x0] =	vst.idx.msk vm4, v43  }
.Ltmp4:
0x13d: {  	[tilespmem:v39+s7+$0x0] =	vst.idx.msk vm4, v44;
	(pc) =	sbr.rel @p0 .LBB2_11-.Ltmp4, $4  }
0x13e: {  	[tilespmem:v40+s2+$0x0] =	vst.idx.msk vm3, v46  }
0x13f: {  	[tilespmem:v40+s3+$0x0] =	vst.idx.msk vm3, v25  }
0x140: {  	[tilespmem:v40+s4+$0x0] =	vst.idx.msk vm3, v22  }
0x141: {  	[tilespmem:v37+s5+$0x0] =	vst.idx.msk vm0, v46  }
0x142: {  	_ =	sdelay $0x3  }
0x143: {  	v13 =	vsub.s32 v36, v23  }
0x144: {  	[tilespmem:v37+s6+$0x0] =	vst.idx.msk vm0, v25;
	vm1 =	vgt.s32 v13, v9  }
0x145: {  	v14 =	vsub.s32 v35, v19;
	[tilespmem:v37+s7+$0x0] =	vst.idx.msk vm0, v22;
	vm7 =	vgt.s32 v13, v11;
	v15 =	vsel vm1, $0x3F800000, v10  }
0x146: {  	vm8 =	vgt.s32 v14, v9;
	v13 =	vsel vm7, $0x3F800000, v10;
	[tilespmem:s14+$0x6000] =	vst v15  }
0x147: {  	vm9 =	vgt.s32 v14, v11;
	[tilespmem:s17+$0x6000] =	vst v13;
	v13 =	vsel vm8, $0x3F800000, v10  }
0x148: {  	vm10 =	vgt.s32 v14, v12;
	v14 =	vsub.s32 v33, v24;
	[tilespmem:s13+$0x8C00] =	vst v13;
	v13 =	vsel vm9, $0x3F800000, v10  }
0x149: {  	s12 =	sadd.s32 $0x1, s12;
	vm11 =	vgt.s32 v14, v9;
	[tilespmem:s13+$0x8C10] =	vst v13;
	v13 =	vsel vm10, $0x3F800000, v10  }
0x14a: {  	p0 =	sne.s32 s12, $0x20;
	vm12 =	vgt.s32 v14, v11;
	v15 =	vsel vm11, $0x3F800000, v10;
	[tilespmem:s15+$0x8C00] =	vst v13;
	v13 =	vsub.s32 v31, v20  }
.Ltmp5:
0x14b: {  	v14 =	vsel vm12, $0x3F800000, v10;
	[tilespmem:s14+$0x6020] =	vst v15;
	vm13 =	vgt.s32 v13, v9;
	(pc) =	sbr.rel @p0 .LBB2_10-.Ltmp5, $4  }
0x14c: {  	vm14 =	vgt.s32 v13, v11;
	[tilespmem:s18+$0x6000] =	vst v14;
	v14 =	vsel vm13, $0x3F800000, v10  }
0x14d: {  	vm15 =	vgt.s32 v13, v12;
	[tilespmem:s13+$0x8C30] =	vst v14;
	v14 =	vsel vm14, $0x3F800000, v10  }
0x14e: {  	v13 =	vsel vm15, $0x3F800000, v10;
	[tilespmem:s13+$0x8C40] =	vst v14  }
0x14f: {  	[tilespmem:s16+$0x8C00] =	vst v13  }
0x150: {  	s11 =	simm.s32 $0x0;
	s12 =	rddreg [dreg:$0x8]  }
0x151: {  	[hbm4b:s12+s11] =	stream.linear.scatter [tilespmem:s5], [sflag:$0x1], $0x800, $0x38;
	[tilespmem:$0x9800] =	vst v63  }
0x152: {  	_ =	swait.ge [sflag:s0], $0x800  }
0x153: {  	[sflag:s0] =	ssyncset.done $0x0  }
0x154: {  	s15 =	rddreg [dreg:$0x9];
	[sflag:s0] =	ssyncadd.s32 $0xFFFFF800  }
0x155: {  	[hbm4b:s15+s11] =	stream.linear.scatter [tilespmem:s6], [sflag:$0x1], $0x800, $0x38;
	[tilespmem:$0x9800] =	vst v63  }
0x156: {  	_ =	swait.ge [sflag:s0], $0x800  }
0x157: {  	[sflag:s0] =	ssyncset.done $0x0  }
0x158: {  	s16 =	rddreg [dreg:$0xa];
	[sflag:s0] =	ssyncadd.s32 $0xFFFFF800  }
0x159: {  	[hbm4b:s16+s11] =	stream.linear.scatter [tilespmem:s7], [sflag:$0x1], $0x800, $0x38;
	[tilespmem:$0x9800] =	vst v63  }
0x15a: {  	_ =	swait.ge [sflag:s0], $0x800  }
0x15b: {  	[sflag:s0] =	ssyncset.done $0x0  }
0x15c: {  	s17 =	rddreg [dreg:$0xb];
	[sflag:s0] =	ssyncadd.s32 $0xFFFFF800  }
0x15d: {  	[hbm4b:s17+s11] =	stream.linear.scatter [tilespmem:s8], [sflag:$0x1], $0x800, $0x38;
	[tilespmem:$0x9800] =	vst v63  }
0x15e: {  	_ =	swait.ge [sflag:s0], $0x800  }
0x15f: {  	s18 =	sld [smem:$0x7EC]  }
0x160: {  	[sflag:s0] =	ssyncset.done $0x0  }
0x161: {  	[sflag:s0] =	ssyncadd.s32 $0xFFFFF800  }
0x162: {  	[hbm4b:s18+s11] =	stream.linear.scatter [tilespmem:s2], [sflag:$0x1], $0xC00, $0x38;
	[tilespmem:$0x9800] =	vst v63  }
0x163: {  	_ =	swait.ge [sflag:s0], $0xC00  }
0x164: {  	s19 =	sld [smem:$0x7ED]  }
0x165: {  	[sflag:s0] =	ssyncset.done $0x0  }
0x166: {  	[sflag:s0] =	ssyncadd.s32 $0xFFFFF400  }
0x167: {  	[hbm4b:s19+s11] =	stream.linear.scatter [tilespmem:s3], [sflag:$0x1], $0xC00, $0x38;
	[tilespmem:$0x9800] =	vst v63  }
0x168: {  	_ =	swait.ge [sflag:s0], $0xC00  }
0x169: {  	s20 =	sld [smem:$0x7EE]  }
0x16a: {  	[sflag:s0] =	ssyncset.done $0x0  }
0x16b: {  	[sflag:s0] =	ssyncadd.s32 $0xFFFFF400  }
0x16c: {  	[hbm4b:s20+s11] =	stream.linear.scatter [tilespmem:s4], [sflag:$0x1], $0xC00, $0x38;
	[tilespmem:$0x9800] =	vst v63  }
0x16d: {  	_ =	swait.ge [sflag:s0], $0xC00  }
0x16e: {  	s21 =	sld [smem:$0x7EF]  }
0x16f: {  	[sflag:s0] =	ssyncset.done $0x0  }
0x170: {  	[sflag:s0] =	ssyncadd.s32 $0xFFFFF400  }
0x171: {  	[hbm4b:s21+s11] =	stream.linear.scatter [tilespmem:s9], [sflag:$0x1], $0xC00, $0x38;
	[tilespmem:$0x9800] =	vst v63  }
0x172: {  	_ =	swait.ge [sflag:s0], $0xC00  }
0x173: {  	[sflag:s0] =	ssyncset.done $0x0  }
0x174: {  	s12 =	simm.s32 $0x0;
	[sflag:s0] =	ssyncadd.s32 $0xFFFFF400  }
.LBB2_14:
0x175: {  	_ = 	snop  }
0x176: {  	s13 =	sshll.u32 s12, $0x1  }
0x177: {  	s20 =	sand.u32 $0x7F0, s11;
	s14 =	sor.u32 s1, s13  }
0x178: {  	v19 =	vld [tilespmem:s20+$0x3000];
	s14 =	sand.u32 $0x70, s14  }
0x179: {  	v16 =	vld.idx.msk [tilespmem:v5+s14+$0x0 ss:$0x1], $0xffff  }
0x17a: {  	v17 =	vld.idx.msk [tilespmem:v6+s14+$0x0 ss:$0x1], $0xffff  }
0x17b: {  	v20 =	vld [tilespmem:s20+$0x3800]  }
0x17c: {  	v18 =	vld.idx.msk [tilespmem:v7+s14+$0x0 ss:$0x1], $0xffff  }
0x17d: {  	s13 =	sand.u32 $0xE, s13  }
0x17e: {  	v21 =	vld [tilespmem:s20+$0x4000];
	v15 =	vmov s13  }
0x17f: {  	v13 =	vperm.xlane v16, v15;
	v14 =	vperm.xlane v17, v15;
	_ =	sdelay $0x1  }
0x180: {  	s13 =	sor.u32 $0x1, s13;
	v15 =	vperm.xlane v18, v15;
	v30 =	vsub.f32 v19, v13;
	v31 =	vsub.f32 v20, v14  }
0x181: {  	v22 =	vmov s13  }
0x182: {  	v32 =	vsub.f32 v21, v15;
	v23 =	vmul.f32 v30, v30;
	v24 =	vmul.f32 v31, v31  }
0x183: {  	v16 =	vperm.xlane v16, v22  }
0x184: {  	v17 =	vperm.xlane v17, v22;
	v26 =	vmul.f32 v32, v32;
	v23 =	vadd.f32 v24, v23  }
0x185: {  	v18 =	vperm.xlane v18, v22;
	v38 =	vsub.f32 v19, v16  }
0x186: {  	v25 =	vsub.f32 v20, v17;
	v19 =	vadd.f32 v26, v23  }
0x187: {  	v22 =	vsub.f32 v21, v18  }
0x188: {  	v20 =	vmul.f32 v38, v38;
	v21 =	vmul.f32 v25, v25;
	vm0 =	vle.f32 v19, $3.999999910e-02  }
0x189: {  	v23 =	vsel vm0, $0x1, v10  }
0x18a: {  	v20 =	vadd.f32 v21, v20;
	v21 =	vmul.f32 v22, v22;
	(xrf0) =	vadd.scan.msk.s32 $0xffff, v23  }
0x18b: {  	vm2 =	vle.f32 v19, $9.999999770e-03  }
0x18c: {  	v20 =	vadd.f32 v21, v20;
	v19 =	vsel vm2, $0x1, v10  }
0x18d: {  	s13 =	smul.u32 $0x60, s12;
	(xrf0) =	vadd.scan.msk.s32 $0xffff, v19  }
0x18e: {  	vm1 =	vle.f32 v20, $3.999999910e-02  }
0x18f: {  	s21 =	sadd.s32 $0xFFFFFFFF, s13;
	v21 =	vsel vm1, $0x1, v10  }
0x190: {  	s15 =	sadd.s32 $0x20, s13;
	v19 =	vmov s21;
	v23, _, _ =	vpop (xrf0);
	(xrf0) =	vadd.scan.msk.s32 $0xffff, v21  }
0x191: {  	s14 =	sshll.u32 s12, $0x6;
	vm3 =	vle.f32 v20, $9.999999770e-03;
	v21 =	vmov s15;
	v29 =	vadd.s32 v19, v23  }
0x192: {  	s16 =	sadd.s32 $0xFFFFFFFF, s14;
	v20 =	vsel vm3, $0x1, v10;
	vm4 =	vlt.s32 v29, v21  }
0x193: {  	s17 =	sor.u32 $0x10, s14;
	v23 =	vmov s16;
	v24, _, _ =	vpop (xrf0);
	(xrf0) =	vadd.scan.msk.s32 $0xffff, v20;
	vm4 =	vmand vm0, vm4  }
0x194: {  	v26 =	vmov s17;
	v33 =	vadd.s32 v23, v24  }
0x195: {  	s18 =	sadd.s32 $0x2F, s13;
	vm5 =	vlt.s32 v33, v26  }
0x196: {  	s16 =	sadd.s32 $0x50, s13;
	v20 =	vmov s18;
	vm5 =	vmand vm2, vm5;
	v24, _, _ =	vpop (xrf0)  }
0x197: {  	v27 =	vmov s16;
	v39 =	vadd.s32 v20, v24  }
0x198: {  	s19 =	sor.u32 $0x1F, s14;
	vm6 =	vlt.s32 v39, v27  }
0x199: {  	s18 =	sor.u32 $0x30, s14;
	v24 =	vmov s19;
	v34, _, _ =	vpop (xrf0);
	[tilespmem:v29+s2+$0x0] =	vst.idx.msk vm4, v30;
	vm6 =	vmand vm1, vm6  }
0x19a: {  	v35 =	vmpcnt.ones.xlane vm0;
	v28 =	vmov s18;
	v37 =	vadd.s32 v24, v34;
	[tilespmem:v29+s3+$0x0] =	vst.idx.msk vm4, v31  }
0x19b: {  	v62 =	vmpcnt.ones.xlane vm2;
	v40 =	vmpcnt.ones.xlane vm3;
	vm0 =	vlt.s32 v37, v28;
	[tilespmem:v29+s4+$0x0] =	vst.idx.msk vm4, v32  }
0x19c: {  	v35 =	vadd.s32 v19, v35;
	vm0 =	vmand vm3, vm0;
	[tilespmem:v33+s5+$0x0] =	vst.idx.msk vm5, v30  }
0x19d: {  	v34 =	vadd.s32 v23, v62;
	v63 =	vadd.s32 v24, v40;
	v29 =	vadd.s32 $0xFFFFFFFF, v21;
	[tilespmem:v33+s6+$0x0] =	vst.idx.msk vm5, v31  }
0x19e: {  	v30 =	vadd.s32 $0xFFFFFFFF, v26;
	vm2 =	vlt.s32 v35, v29;
	v31 =	vmpcnt.ones.xlane vm1;
	[tilespmem:v33+s7+$0x0] =	vst.idx.msk vm5, v32  }
0x19f: {  	vm1 =	vlt.s32 v34, v30;
	v35 =	vsel vm2, v35, v29;
	v32 =	vadd.s32 $0xFFFFFFFF, v27;
	[tilespmem:v39+s2+$0x0] =	vst.idx.msk vm6, v38  }
0x1a0: {  	v36 =	vsel vm1, v34, v30;
	v34 =	vadd.s32 $0xFFFFFFFF, v28;
	v31 =	vadd.s32 v20, v31;
	[tilespmem:v39+s3+$0x0] =	vst.idx.msk vm6, v25  }
0x1a1: {  	vm2 =	vlt.s32 v63, v34;
	vm1 =	vlt.s32 v31, v32;
	[tilespmem:v39+s4+$0x0] =	vst.idx.msk vm6, v22  }
0x1a2: {  	s19 =	simm.s32 $0x10;
	v33 =	vsel vm2, v63, v34;
	v31 =	vsel vm1, v31, v32;
	[tilespmem:v37+s5+$0x0] =	vst.idx.msk vm0, v38  }
.LBB2_15:
0x1a3: {  	p0 =	sne.s32 s19, $0x7F0;
	[tilespmem:v37+s6+$0x0] =	vst.idx.msk vm0, v25;
	v38 =	vmovc v35;
	v39 =	vmov v36;
	v40 =	vmov v31;
	v41 =	vmov v33;
	s20 =	smov.u32 s19;
	s19 =	sadd.s32 $0x10, s19  }
0x1a4: {  	s20 =	sand.u32 $0x7F0, s20;
	[tilespmem:v37+s7+$0x0] =	vst.idx.msk vm0, v22  }
0x1a5: {  	v22 =	vld [tilespmem:s20+$0x3000]  }
0x1a6: {  	v25 =	vld [tilespmem:s20+$0x3800]  }
0x1a7: {  	v37 =	vld [tilespmem:s20+$0x4000];
	_ =	sdelay $0x2  }
0x1a8: {  	v42 =	vsub.f32 v22, v13  }
0x1a9: {  	v43 =	vsub.f32 v25, v14  }
0x1aa: {  	v44 =	vsub.f32 v37, v15;
	v45 =	vmul.f32 v42, v42  }
0x1ab: {  	v46 =	vmul.f32 v43, v43  }
0x1ac: {  	v47 =	vmul.f32 v44, v44  }
0x1ad: {  	v45 =	vadd.f32 v46, v45  }
0x1ae: {  	v25 =	vsub.f32 v25, v17;
	v46 =	vsub.f32 v22, v16  }
0x1af: {  	v45 =	vadd.f32 v47, v45  }
0x1b0: {  	v22 =	vsub.f32 v37, v18;
	v37 =	vmul.f32 v46, v46;
	v47 =	vmul.f32 v25, v25  }
0x1b1: {  	vm2 =	vle.f32 v45, $3.999999910e-02;
	vm0 =	vle.f32 v45, $9.999999770e-03  }
0x1b2: {  	v37 =	vadd.f32 v47, v37;
	v45 =	vsel vm2, $0x1, v10;
	v48 =	vsel vm0, $0x1, v10  }
0x1b3: {  	v49 =	vmul.f32 v22, v22;
	v47 =	vmpcnt.ones.xlane vm2;
	(xrf0) =	vadd.scan.msk.s32 $0xffff, v45  }
0x1b4: {  	v45 =	vmpcnt.ones.xlane vm0;
	(xrf0) =	vadd.scan.msk.s32 $0xffff, v48  }
0x1b5: {  	v37 =	vadd.f32 v49, v37;
	v35 =	vadd.s32 v35, v47  }
0x1b6: {  	vm4 =	vlt.s32 v35, v29;
	v36 =	vadd.s32 v36, v45  }
0x1b7: {  	vm3 =	vle.f32 v37, $3.999999910e-02;
	vm1 =	vle.f32 v37, $9.999999770e-03;
	vm5 =	vlt.s32 v36, v30  }
0x1b8: {  	v50 =	vsel vm3, $0x1, v10;
	v45 =	vsel vm1, $0x1, v10;
	v47 =	vmpcnt.ones.xlane vm3  }
0x1b9: {  	v35 =	vsel vm4, v35, v29;
	v48 =	vmpcnt.ones.xlane vm1;
	v36 =	vsel vm5, v36, v30;
	v49, _, _ =	vpop (xrf0);
	(xrf0) =	vadd.scan.msk.s32 $0xffff, v50  }
0x1ba: {  	v31 =	vadd.s32 v31, v47;
	v38 =	vadd.s32 v38, v49;
	v37, _, _ =	vpop (xrf0);
	(xrf0) =	vadd.scan.msk.s32 $0xffff, v45  }
0x1bb: {  	v33 =	vadd.s32 v33, v48;
	vm5 =	vlt.s32 v31, v32;
	vm4 =	vlt.s32 v38, v21  }
0x1bc: {  	v31 =	vsel vm5, v31, v32;
	vm2 =	vmand vm2, vm4;
	vm4 =	vlt.s32 v33, v34  }
0x1bd: {  	v39 =	vadd.s32 v39, v37;
	v33 =	vsel vm4, v33, v34  }
0x1be: {  	vm4 =	vlt.s32 v39, v26  }
0x1bf: {  	vm4 =	vmand vm0, vm4;
	v37, _, _ =	vpop (xrf0)  }
0x1c0: {  	v40 =	vadd.s32 v40, v37;
	v37, _, _ =	vpop (xrf0)  }
0x1c1: {  	vm0 =	vlt.s32 v40, v27  }
0x1c2: {  	[tilespmem:v38+s2+$0x0] =	vst.idx.msk vm2, v42;
	vm3 =	vmand vm3, vm0  }
0x1c3: {  	v37 =	vadd.s32 v41, v37;
	[tilespmem:v38+s3+$0x0] =	vst.idx.msk vm2, v43  }
0x1c4: {  	vm0 =	vlt.s32 v37, v28;
	[tilespmem:v38+s4+$0x0] =	vst.idx.msk vm2, v44  }
0x1c5: {  	vm0 =	vmand vm1, vm0;
	[tilespmem:v39+s5+$0x0] =	vst.idx.msk vm4, v42  }
0x1c6: {  	[tilespmem:v39+s6+$0x0] =	vst.idx.msk vm4, v43  }
.Ltmp6:
0x1c7: {  	[tilespmem:v39+s7+$0x0] =	vst.idx.msk vm4, v44;
	(pc) =	sbr.rel @p0 .LBB2_15-.Ltmp6, $4  }
0x1c8: {  	[tilespmem:v40+s2+$0x0] =	vst.idx.msk vm3, v46  }
0x1c9: {  	[tilespmem:v40+s3+$0x0] =	vst.idx.msk vm3, v25  }
0x1ca: {  	[tilespmem:v40+s4+$0x0] =	vst.idx.msk vm3, v22  }
0x1cb: {  	[tilespmem:v37+s5+$0x0] =	vst.idx.msk vm0, v46  }
0x1cc: {  	_ =	sdelay $0x3  }
0x1cd: {  	v13 =	vsub.s32 v36, v23  }
0x1ce: {  	[tilespmem:v37+s6+$0x0] =	vst.idx.msk vm0, v25;
	vm1 =	vgt.s32 v13, v9  }
0x1cf: {  	v14 =	vsub.s32 v35, v19;
	[tilespmem:v37+s7+$0x0] =	vst.idx.msk vm0, v22;
	vm7 =	vgt.s32 v13, v11;
	v15 =	vsel vm1, $0x3F800000, v10  }
0x1d0: {  	vm8 =	vgt.s32 v14, v9;
	v13 =	vsel vm7, $0x3F800000, v10;
	[tilespmem:s14+$0x6000] =	vst v15  }
0x1d1: {  	vm9 =	vgt.s32 v14, v11;
	[tilespmem:s17+$0x6000] =	vst v13;
	v13 =	vsel vm8, $0x3F800000, v10  }
0x1d2: {  	vm10 =	vgt.s32 v14, v12;
	v14 =	vsub.s32 v33, v24;
	[tilespmem:s13+$0x8C00] =	vst v13;
	v13 =	vsel vm9, $0x3F800000, v10  }
0x1d3: {  	s12 =	sadd.s32 $0x1, s12;
	vm11 =	vgt.s32 v14, v9;
	[tilespmem:s13+$0x8C10] =	vst v13;
	v13 =	vsel vm10, $0x3F800000, v10  }
0x1d4: {  	p0 =	sne.s32 s12, $0x20;
	vm12 =	vgt.s32 v14, v11;
	v15 =	vsel vm11, $0x3F800000, v10;
	[tilespmem:s15+$0x8C00] =	vst v13;
	v13 =	vsub.s32 v31, v20  }
.Ltmp7:
0x1d5: {  	v14 =	vsel vm12, $0x3F800000, v10;
	[tilespmem:s14+$0x6020] =	vst v15;
	vm13 =	vgt.s32 v13, v9;
	(pc) =	sbr.rel @p0 .LBB2_14-.Ltmp7, $4  }
0x1d6: {  	vm14 =	vgt.s32 v13, v11;
	[tilespmem:s18+$0x6000] =	vst v14;
	v14 =	vsel vm13, $0x3F800000, v10  }
0x1d7: {  	vm15 =	vgt.s32 v13, v12;
	[tilespmem:s13+$0x8C30] =	vst v14;
	v14 =	vsel vm14, $0x3F800000, v10  }
0x1d8: {  	v13 =	vsel vm15, $0x3F800000, v10;
	[tilespmem:s13+$0x8C40] =	vst v14  }
0x1d9: {  	[tilespmem:s16+$0x8C00] =	vst v13  }
0x1da: {  	s11 =	simm.s32 $0x0;
	s12 =	rddreg [dreg:$0xc]  }
0x1db: {  	[hbm4b:s12+s11] =	stream.linear.scatter [tilespmem:s5], [sflag:$0x1], $0x800, $0x38;
	[tilespmem:$0x9800] =	vst v63  }
0x1dc: {  	_ =	swait.ge [sflag:s0], $0x800  }
0x1dd: {  	[sflag:s0] =	ssyncset.done $0x0  }
0x1de: {  	s15 =	rddreg [dreg:$0xd];
	[sflag:s0] =	ssyncadd.s32 $0xFFFFF800  }
0x1df: {  	[hbm4b:s15+s11] =	stream.linear.scatter [tilespmem:s6], [sflag:$0x1], $0x800, $0x38;
	[tilespmem:$0x9800] =	vst v63  }
0x1e0: {  	_ =	swait.ge [sflag:s0], $0x800  }
0x1e1: {  	[sflag:s0] =	ssyncset.done $0x0  }
0x1e2: {  	s16 =	rddreg [dreg:$0xe];
	[sflag:s0] =	ssyncadd.s32 $0xFFFFF800  }
0x1e3: {  	[hbm4b:s16+s11] =	stream.linear.scatter [tilespmem:s7], [sflag:$0x1], $0x800, $0x38;
	[tilespmem:$0x9800] =	vst v63  }
0x1e4: {  	_ =	swait.ge [sflag:s0], $0x800  }
0x1e5: {  	[sflag:s0] =	ssyncset.done $0x0  }
0x1e6: {  	s17 =	rddreg [dreg:$0xf];
	[sflag:s0] =	ssyncadd.s32 $0xFFFFF800  }
0x1e7: {  	[hbm4b:s17+s11] =	stream.linear.scatter [tilespmem:s8], [sflag:$0x1], $0x800, $0x38;
	[tilespmem:$0x9800] =	vst v63  }
0x1e8: {  	_ =	swait.ge [sflag:s0], $0x800  }
0x1e9: {  	s18 =	sld [smem:$0x7F0]  }
0x1ea: {  	[sflag:s0] =	ssyncset.done $0x0  }
0x1eb: {  	[sflag:s0] =	ssyncadd.s32 $0xFFFFF800  }
0x1ec: {  	[hbm4b:s18+s11] =	stream.linear.scatter [tilespmem:s2], [sflag:$0x1], $0xC00, $0x38;
	[tilespmem:$0x9800] =	vst v63  }
0x1ed: {  	_ =	swait.ge [sflag:s0], $0xC00  }
0x1ee: {  	s19 =	sld [smem:$0x7F1]  }
0x1ef: {  	[sflag:s0] =	ssyncset.done $0x0  }
0x1f0: {  	[sflag:s0] =	ssyncadd.s32 $0xFFFFF400  }
0x1f1: {  	[hbm4b:s19+s11] =	stream.linear.scatter [tilespmem:s3], [sflag:$0x1], $0xC00, $0x38;
	[tilespmem:$0x9800] =	vst v63  }
0x1f2: {  	_ =	swait.ge [sflag:s0], $0xC00  }
0x1f3: {  	s20 =	sld [smem:$0x7F2]  }
0x1f4: {  	[sflag:s0] =	ssyncset.done $0x0  }
0x1f5: {  	[sflag:s0] =	ssyncadd.s32 $0xFFFFF400  }
0x1f6: {  	[hbm4b:s20+s11] =	stream.linear.scatter [tilespmem:s4], [sflag:$0x1], $0xC00, $0x38;
	[tilespmem:$0x9800] =	vst v63  }
0x1f7: {  	_ =	swait.ge [sflag:s0], $0xC00  }
0x1f8: {  	s21 =	sld [smem:$0x7F3]  }
0x1f9: {  	[sflag:s0] =	ssyncset.done $0x0  }
0x1fa: {  	[sflag:s0] =	ssyncadd.s32 $0xFFFFF400  }
0x1fb: {  	[hbm4b:s21+s11] =	stream.linear.scatter [tilespmem:s9], [sflag:$0x1], $0xC00, $0x38;
	[tilespmem:$0x9800] =	vst v63  }
0x1fc: {  	_ =	swait.ge [sflag:s0], $0xC00  }
0x1fd: {  	[sflag:s0] =	ssyncset.done $0x0  }
0x1fe: {  	s12 =	simm.s32 $0x0;
	[sflag:s0] =	ssyncadd.s32 $0xFFFFF400  }
.LBB2_18:
0x1ff: {  	s13 =	sshll.u32 s12, $0x1  }
0x200: {  	s20 =	sand.u32 $0x7F0, s11;
	s14 =	sand.u32 $0x30, s13  }
0x201: {  	v19 =	vld [tilespmem:s20+$0x1800];
	s14 =	sor.u32 s1, s14  }
0x202: {  	v16 =	vld [tilespmem:s14+$0x0];
	s14 =	sand.u32 $0x70, s14  }
0x203: {  	v17 =	vld.idx.msk [tilespmem:v0+s14+$0x0 ss:$0x1], $0xffff  }
0x204: {  	v20 =	vld [tilespmem:s20+$0x2000]  }
0x205: {  	v18 =	vld.idx.msk [tilespmem:v1+s14+$0x0 ss:$0x1], $0xffff  }
0x206: {  	s13 =	sand.u32 $0xE, s13  }
0x207: {  	v21 =	vld [tilespmem:s20+$0x2800];
	v15 =	vmov s13  }
0x208: {  	v13 =	vperm.xlane v16, v15;
	v14 =	vperm.xlane v17, v15;
	_ =	sdelay $0x1  }
0x209: {  	s13 =	sor.u32 $0x1, s13;
	v15 =	vperm.xlane v18, v15;
	v30 =	vsub.f32 v19, v13;
	v31 =	vsub.f32 v20, v14  }
0x20a: {  	v22 =	vmov s13  }
0x20b: {  	v32 =	vsub.f32 v21, v15;
	v23 =	vmul.f32 v30, v30;
	v24 =	vmul.f32 v31, v31  }
0x20c: {  	v16 =	vperm.xlane v16, v22  }
0x20d: {  	v17 =	vperm.xlane v17, v22;
	v26 =	vmul.f32 v32, v32;
	v23 =	vadd.f32 v24, v23  }
0x20e: {  	v18 =	vperm.xlane v18, v22;
	v38 =	vsub.f32 v19, v16  }
0x20f: {  	v25 =	vsub.f32 v20, v17;
	v19 =	vadd.f32 v26, v23  }
0x210: {  	v22 =	vsub.f32 v21, v18  }
0x211: {  	v20 =	vmul.f32 v38, v38;
	v21 =	vmul.f32 v25, v25;
	vm0 =	vle.f32 v19, $3.999999910e-02  }
0x212: {  	v23 =	vsel vm0, $0x1, v10  }
0x213: {  	v20 =	vadd.f32 v21, v20;
	v21 =	vmul.f32 v22, v22;
	(xrf0) =	vadd.scan.msk.s32 $0xffff, v23  }
0x214: {  	vm2 =	vle.f32 v19, $9.999999770e-03  }
0x215: {  	v20 =	vadd.f32 v21, v20;
	v19 =	vsel vm2, $0x1, v10  }
0x216: {  	s13 =	smul.u32 $0x60, s12;
	(xrf0) =	vadd.scan.msk.s32 $0xffff, v19  }
0x217: {  	vm1 =	vle.f32 v20, $3.999999910e-02  }
0x218: {  	s21 =	sadd.s32 $0xFFFFFFFF, s13;
	v21 =	vsel vm1, $0x1, v10  }
0x219: {  	s15 =	sadd.s32 $0x20, s13;
	v19 =	vmov s21;
	v23, _, _ =	vpop (xrf0);
	(xrf0) =	vadd.scan.msk.s32 $0xffff, v21  }
0x21a: {  	s14 =	sshll.u32 s12, $0x6;
	vm3 =	vle.f32 v20, $9.999999770e-03;
	v21 =	vmov s15;
	v29 =	vadd.s32 v19, v23  }
0x21b: {  	s16 =	sadd.s32 $0xFFFFFFFF, s14;
	v20 =	vsel vm3, $0x1, v10;
	vm4 =	vlt.s32 v29, v21  }
0x21c: {  	s17 =	sor.u32 $0x10, s14;
	v23 =	vmov s16;
	v24, _, _ =	vpop (xrf0);
	(xrf0) =	vadd.scan.msk.s32 $0xffff, v20;
	vm4 =	vmand vm0, vm4  }
0x21d: {  	v26 =	vmov s17;
	v33 =	vadd.s32 v23, v24  }
0x21e: {  	s18 =	sadd.s32 $0x2F, s13;
	vm5 =	vlt.s32 v33, v26  }
0x21f: {  	s16 =	sadd.s32 $0x50, s13;
	v20 =	vmov s18;
	vm5 =	vmand vm2, vm5;
	v24, _, _ =	vpop (xrf0)  }
0x220: {  	v27 =	vmov s16;
	v39 =	vadd.s32 v20, v24  }
0x221: {  	s19 =	sor.u32 $0x1F, s14;
	vm6 =	vlt.s32 v39, v27  }
0x222: {  	s18 =	sor.u32 $0x30, s14;
	v24 =	vmov s19;
	v34, _, _ =	vpop (xrf0);
	[tilespmem:v29+s2+$0x0] =	vst.idx.msk vm4, v30;
	vm6 =	vmand vm1, vm6  }
0x223: {  	v35 =	vmpcnt.ones.xlane vm0;
	v28 =	vmov s18;
	v37 =	vadd.s32 v24, v34;
	[tilespmem:v29+s3+$0x0] =	vst.idx.msk vm4, v31  }
0x224: {  	v62 =	vmpcnt.ones.xlane vm2;
	v40 =	vmpcnt.ones.xlane vm3;
	vm0 =	vlt.s32 v37, v28;
	[tilespmem:v29+s4+$0x0] =	vst.idx.msk vm4, v32  }
0x225: {  	v35 =	vadd.s32 v19, v35;
	vm0 =	vmand vm3, vm0;
	[tilespmem:v33+s5+$0x0] =	vst.idx.msk vm5, v30  }
0x226: {  	v34 =	vadd.s32 v23, v62;
	v63 =	vadd.s32 v24, v40;
	v29 =	vadd.s32 $0xFFFFFFFF, v21;
	[tilespmem:v33+s6+$0x0] =	vst.idx.msk vm5, v31  }
0x227: {  	v30 =	vadd.s32 $0xFFFFFFFF, v26;
	vm2 =	vlt.s32 v35, v29;
	v31 =	vmpcnt.ones.xlane vm1;
	[tilespmem:v33+s7+$0x0] =	vst.idx.msk vm5, v32  }
0x228: {  	vm1 =	vlt.s32 v34, v30;
	v35 =	vsel vm2, v35, v29;
	v32 =	vadd.s32 $0xFFFFFFFF, v27;
	[tilespmem:v39+s2+$0x0] =	vst.idx.msk vm6, v38  }
0x229: {  	v36 =	vsel vm1, v34, v30;
	v34 =	vadd.s32 $0xFFFFFFFF, v28;
	v31 =	vadd.s32 v20, v31;
	[tilespmem:v39+s3+$0x0] =	vst.idx.msk vm6, v25  }
0x22a: {  	vm2 =	vlt.s32 v63, v34;
	vm1 =	vlt.s32 v31, v32;
	[tilespmem:v39+s4+$0x0] =	vst.idx.msk vm6, v22  }
0x22b: {  	s19 =	simm.s32 $0x10;
	v33 =	vsel vm2, v63, v34;
	v31 =	vsel vm1, v31, v32;
	[tilespmem:v37+s5+$0x0] =	vst.idx.msk vm0, v38  }
.LBB2_19:
0x22c: {  	p0 =	sne.s32 s19, $0x7F0;
	[tilespmem:v37+s6+$0x0] =	vst.idx.msk vm0, v25;
	v38 =	vmovc v35;
	v39 =	vmov v36;
	v40 =	vmov v31;
	v41 =	vmov v33;
	s20 =	smov.u32 s19;
	s19 =	sadd.s32 $0x10, s19  }
0x22d: {  	s20 =	sand.u32 $0x7F0, s20;
	[tilespmem:v37+s7+$0x0] =	vst.idx.msk vm0, v22  }
0x22e: {  	v22 =	vld [tilespmem:s20+$0x1800]  }
0x22f: {  	v25 =	vld [tilespmem:s20+$0x2000]  }
0x230: {  	v37 =	vld [tilespmem:s20+$0x2800];
	_ =	sdelay $0x2  }
0x231: {  	v42 =	vsub.f32 v22, v13  }
0x232: {  	v43 =	vsub.f32 v25, v14  }
0x233: {  	v44 =	vsub.f32 v37, v15;
	v45 =	vmul.f32 v42, v42  }
0x234: {  	v46 =	vmul.f32 v43, v43  }
0x235: {  	v47 =	vmul.f32 v44, v44  }
0x236: {  	v45 =	vadd.f32 v46, v45  }
0x237: {  	v25 =	vsub.f32 v25, v17;
	v46 =	vsub.f32 v22, v16  }
0x238: {  	v45 =	vadd.f32 v47, v45  }
0x239: {  	v22 =	vsub.f32 v37, v18;
	v37 =	vmul.f32 v46, v46;
	v47 =	vmul.f32 v25, v25  }
0x23a: {  	vm2 =	vle.f32 v45, $3.999999910e-02;
	vm0 =	vle.f32 v45, $9.999999770e-03  }
0x23b: {  	v37 =	vadd.f32 v47, v37;
	v45 =	vsel vm2, $0x1, v10;
	v48 =	vsel vm0, $0x1, v10  }
0x23c: {  	v49 =	vmul.f32 v22, v22;
	v47 =	vmpcnt.ones.xlane vm2;
	(xrf0) =	vadd.scan.msk.s32 $0xffff, v45  }
0x23d: {  	v45 =	vmpcnt.ones.xlane vm0;
	(xrf0) =	vadd.scan.msk.s32 $0xffff, v48  }
0x23e: {  	v37 =	vadd.f32 v49, v37;
	v35 =	vadd.s32 v35, v47  }
0x23f: {  	vm4 =	vlt.s32 v35, v29;
	v36 =	vadd.s32 v36, v45  }
0x240: {  	vm3 =	vle.f32 v37, $3.999999910e-02;
	vm1 =	vle.f32 v37, $9.999999770e-03;
	vm5 =	vlt.s32 v36, v30  }
0x241: {  	v50 =	vsel vm3, $0x1, v10;
	v45 =	vsel vm1, $0x1, v10;
	v47 =	vmpcnt.ones.xlane vm3  }
0x242: {  	v35 =	vsel vm4, v35, v29;
	v48 =	vmpcnt.ones.xlane vm1;
	v36 =	vsel vm5, v36, v30;
	v49, _, _ =	vpop (xrf0);
	(xrf0) =	vadd.scan.msk.s32 $0xffff, v50  }
0x243: {  	v31 =	vadd.s32 v31, v47;
	v38 =	vadd.s32 v38, v49;
	v37, _, _ =	vpop (xrf0);
	(xrf0) =	vadd.scan.msk.s32 $0xffff, v45  }
0x244: {  	v33 =	vadd.s32 v33, v48;
	vm5 =	vlt.s32 v31, v32;
	vm4 =	vlt.s32 v38, v21  }
0x245: {  	v31 =	vsel vm5, v31, v32;
	vm2 =	vmand vm2, vm4;
	vm4 =	vlt.s32 v33, v34  }
0x246: {  	v39 =	vadd.s32 v39, v37;
	v33 =	vsel vm4, v33, v34  }
0x247: {  	vm4 =	vlt.s32 v39, v26  }
0x248: {  	vm4 =	vmand vm0, vm4;
	v37, _, _ =	vpop (xrf0)  }
0x249: {  	v40 =	vadd.s32 v40, v37;
	v37, _, _ =	vpop (xrf0)  }
0x24a: {  	vm0 =	vlt.s32 v40, v27  }
0x24b: {  	[tilespmem:v38+s2+$0x0] =	vst.idx.msk vm2, v42;
	vm3 =	vmand vm3, vm0  }
0x24c: {  	v37 =	vadd.s32 v41, v37;
	[tilespmem:v38+s3+$0x0] =	vst.idx.msk vm2, v43  }
0x24d: {  	vm0 =	vlt.s32 v37, v28;
	[tilespmem:v38+s4+$0x0] =	vst.idx.msk vm2, v44  }
0x24e: {  	vm0 =	vmand vm1, vm0;
	[tilespmem:v39+s5+$0x0] =	vst.idx.msk vm4, v42  }
0x24f: {  	[tilespmem:v39+s6+$0x0] =	vst.idx.msk vm4, v43  }
.Ltmp8:
0x250: {  	[tilespmem:v39+s7+$0x0] =	vst.idx.msk vm4, v44;
	(pc) =	sbr.rel @p0 .LBB2_19-.Ltmp8, $4  }
0x251: {  	[tilespmem:v40+s2+$0x0] =	vst.idx.msk vm3, v46  }
0x252: {  	[tilespmem:v40+s3+$0x0] =	vst.idx.msk vm3, v25  }
0x253: {  	[tilespmem:v40+s4+$0x0] =	vst.idx.msk vm3, v22  }
0x254: {  	[tilespmem:v37+s5+$0x0] =	vst.idx.msk vm0, v46  }
0x255: {  	_ =	sdelay $0x3  }
0x256: {  	v13 =	vsub.s32 v36, v23  }
0x257: {  	[tilespmem:v37+s6+$0x0] =	vst.idx.msk vm0, v25;
	vm1 =	vgt.s32 v13, v9  }
0x258: {  	v14 =	vsub.s32 v35, v19;
	[tilespmem:v37+s7+$0x0] =	vst.idx.msk vm0, v22;
	vm7 =	vgt.s32 v13, v11;
	v15 =	vsel vm1, $0x3F800000, v10  }
0x259: {  	vm8 =	vgt.s32 v14, v9;
	v13 =	vsel vm7, $0x3F800000, v10;
	[tilespmem:s14+$0x6000] =	vst v15  }
0x25a: {  	vm9 =	vgt.s32 v14, v11;
	[tilespmem:s17+$0x6000] =	vst v13;
	v13 =	vsel vm8, $0x3F800000, v10  }
0x25b: {  	vm10 =	vgt.s32 v14, v12;
	v14 =	vsub.s32 v33, v24;
	[tilespmem:s13+$0x8C00] =	vst v13;
	v13 =	vsel vm9, $0x3F800000, v10  }
0x25c: {  	s12 =	sadd.s32 $0x1, s12;
	vm11 =	vgt.s32 v14, v9;
	[tilespmem:s13+$0x8C10] =	vst v13;
	v13 =	vsel vm10, $0x3F800000, v10  }
0x25d: {  	p0 =	sne.s32 s12, $0x20;
	vm12 =	vgt.s32 v14, v11;
	v15 =	vsel vm11, $0x3F800000, v10;
	[tilespmem:s15+$0x8C00] =	vst v13;
	v13 =	vsub.s32 v31, v20  }
.Ltmp9:
0x25e: {  	v14 =	vsel vm12, $0x3F800000, v10;
	[tilespmem:s14+$0x6020] =	vst v15;
	vm13 =	vgt.s32 v13, v9;
	(pc) =	sbr.rel @p0 .LBB2_18-.Ltmp9, $4  }
0x25f: {  	vm14 =	vgt.s32 v13, v11;
	[tilespmem:s18+$0x6000] =	vst v14;
	v14 =	vsel vm13, $0x3F800000, v10  }
0x260: {  	vm15 =	vgt.s32 v13, v12;
	[tilespmem:s13+$0x8C30] =	vst v14;
	v14 =	vsel vm14, $0x3F800000, v10  }
0x261: {  	v13 =	vsel vm15, $0x3F800000, v10;
	[tilespmem:s13+$0x8C40] =	vst v14  }
0x262: {  	[tilespmem:s16+$0x8C00] =	vst v13  }
0x263: {  	s11 =	simm.s32 $0x0;
	s12 =	rddreg [dreg:$0x10]  }
0x264: {  	[hbm4b:s12+s11] =	stream.linear.scatter [tilespmem:s5], [sflag:$0x1], $0x800, $0x38;
	[tilespmem:$0x9800] =	vst v63  }
0x265: {  	_ =	swait.ge [sflag:s0], $0x800  }
0x266: {  	[sflag:s0] =	ssyncset.done $0x0  }
0x267: {  	s15 =	rddreg [dreg:$0x11];
	[sflag:s0] =	ssyncadd.s32 $0xFFFFF800  }
0x268: {  	[hbm4b:s15+s11] =	stream.linear.scatter [tilespmem:s6], [sflag:$0x1], $0x800, $0x38;
	[tilespmem:$0x9800] =	vst v63  }
0x269: {  	_ =	swait.ge [sflag:s0], $0x800  }
0x26a: {  	[sflag:s0] =	ssyncset.done $0x0  }
0x26b: {  	s16 =	rddreg [dreg:$0x12];
	[sflag:s0] =	ssyncadd.s32 $0xFFFFF800  }
0x26c: {  	[hbm4b:s16+s11] =	stream.linear.scatter [tilespmem:s7], [sflag:$0x1], $0x800, $0x38;
	[tilespmem:$0x9800] =	vst v63  }
0x26d: {  	_ =	swait.ge [sflag:s0], $0x800  }
0x26e: {  	[sflag:s0] =	ssyncset.done $0x0  }
0x26f: {  	s17 =	rddreg [dreg:$0x13];
	[sflag:s0] =	ssyncadd.s32 $0xFFFFF800  }
0x270: {  	[hbm4b:s17+s11] =	stream.linear.scatter [tilespmem:s8], [sflag:$0x1], $0x800, $0x38;
	[tilespmem:$0x9800] =	vst v63  }
0x271: {  	_ =	swait.ge [sflag:s0], $0x800  }
0x272: {  	s18 =	sld [smem:$0x7F4]  }
0x273: {  	[sflag:s0] =	ssyncset.done $0x0  }
0x274: {  	[sflag:s0] =	ssyncadd.s32 $0xFFFFF800  }
0x275: {  	[hbm4b:s18+s11] =	stream.linear.scatter [tilespmem:s2], [sflag:$0x1], $0xC00, $0x38;
	[tilespmem:$0x9800] =	vst v63  }
0x276: {  	_ =	swait.ge [sflag:s0], $0xC00  }
0x277: {  	s19 =	sld [smem:$0x7F5]  }
0x278: {  	[sflag:s0] =	ssyncset.done $0x0  }
0x279: {  	[sflag:s0] =	ssyncadd.s32 $0xFFFFF400  }
0x27a: {  	[hbm4b:s19+s11] =	stream.linear.scatter [tilespmem:s3], [sflag:$0x1], $0xC00, $0x38;
	[tilespmem:$0x9800] =	vst v63  }
0x27b: {  	_ =	swait.ge [sflag:s0], $0xC00  }
0x27c: {  	s20 =	sld [smem:$0x7F6]  }
0x27d: {  	[sflag:s0] =	ssyncset.done $0x0  }
0x27e: {  	[sflag:s0] =	ssyncadd.s32 $0xFFFFF400  }
0x27f: {  	[hbm4b:s20+s11] =	stream.linear.scatter [tilespmem:s4], [sflag:$0x1], $0xC00, $0x38;
	[tilespmem:$0x9800] =	vst v63  }
0x280: {  	_ =	swait.ge [sflag:s0], $0xC00  }
0x281: {  	s21 =	sld [smem:$0x7F7]  }
0x282: {  	[sflag:s0] =	ssyncset.done $0x0  }
0x283: {  	[sflag:s0] =	ssyncadd.s32 $0xFFFFF400  }
0x284: {  	[hbm4b:s21+s11] =	stream.linear.scatter [tilespmem:s9], [sflag:$0x1], $0xC00, $0x38;
	[tilespmem:$0x9800] =	vst v63  }
0x285: {  	_ =	swait.ge [sflag:s0], $0xC00  }
0x286: {  	[sflag:s0] =	ssyncset.done $0x0  }
0x287: {  	s12 =	simm.s32 $0x0;
	[sflag:s0] =	ssyncadd.s32 $0xFFFFF400  }
.LBB2_22:
0x288: {  	s13 =	sshll.u32 s12, $0x1  }
0x289: {  	s20 =	sand.u32 $0x7F0, s11;
	s14 =	sand.u32 $0x30, s13  }
0x28a: {  	v19 =	vld [tilespmem:s20+$0x3000];
	s14 =	sor.u32 s1, s14  }
0x28b: {  	v16 =	vld [tilespmem:s14+$0x0];
	s14 =	sand.u32 $0x70, s14  }
0x28c: {  	v17 =	vld.idx.msk [tilespmem:v0+s14+$0x0 ss:$0x1], $0xffff  }
0x28d: {  	v20 =	vld [tilespmem:s20+$0x3800]  }
0x28e: {  	v18 =	vld.idx.msk [tilespmem:v1+s14+$0x0 ss:$0x1], $0xffff  }
0x28f: {  	s13 =	sand.u32 $0xE, s13  }
0x290: {  	v21 =	vld [tilespmem:s20+$0x4000];
	v15 =	vmov s13  }
0x291: {  	v13 =	vperm.xlane v16, v15;
	v14 =	vperm.xlane v17, v15;
	_ =	sdelay $0x1  }
0x292: {  	s13 =	sor.u32 $0x1, s13;
	v15 =	vperm.xlane v18, v15;
	v30 =	vsub.f32 v19, v13;
	v31 =	vsub.f32 v20, v14  }
0x293: {  	v22 =	vmov s13  }
0x294: {  	v32 =	vsub.f32 v21, v15;
	v23 =	vmul.f32 v30, v30;
	v24 =	vmul.f32 v31, v31  }
0x295: {  	v16 =	vperm.xlane v16, v22  }
0x296: {  	v17 =	vperm.xlane v17, v22;
	v26 =	vmul.f32 v32, v32;
	v23 =	vadd.f32 v24, v23  }
0x297: {  	v18 =	vperm.xlane v18, v22;
	v38 =	vsub.f32 v19, v16  }
0x298: {  	v25 =	vsub.f32 v20, v17;
	v19 =	vadd.f32 v26, v23  }
0x299: {  	v22 =	vsub.f32 v21, v18  }
0x29a: {  	v20 =	vmul.f32 v38, v38;
	v21 =	vmul.f32 v25, v25;
	vm0 =	vle.f32 v19, $3.999999910e-02  }
0x29b: {  	v23 =	vsel vm0, $0x1, v10  }
0x29c: {  	v20 =	vadd.f32 v21, v20;
	v21 =	vmul.f32 v22, v22;
	(xrf0) =	vadd.scan.msk.s32 $0xffff, v23  }
0x29d: {  	vm2 =	vle.f32 v19, $9.999999770e-03  }
0x29e: {  	v20 =	vadd.f32 v21, v20;
	v19 =	vsel vm2, $0x1, v10  }
0x29f: {  	s13 =	smul.u32 $0x60, s12;
	(xrf0) =	vadd.scan.msk.s32 $0xffff, v19  }
0x2a0: {  	vm1 =	vle.f32 v20, $3.999999910e-02  }
0x2a1: {  	s21 =	sadd.s32 $0xFFFFFFFF, s13;
	v21 =	vsel vm1, $0x1, v10  }
0x2a2: {  	s15 =	sadd.s32 $0x20, s13;
	v19 =	vmov s21;
	v23, _, _ =	vpop (xrf0);
	(xrf0) =	vadd.scan.msk.s32 $0xffff, v21  }
0x2a3: {  	s14 =	sshll.u32 s12, $0x6;
	vm3 =	vle.f32 v20, $9.999999770e-03;
	v21 =	vmov s15;
	v29 =	vadd.s32 v19, v23  }
0x2a4: {  	s16 =	sadd.s32 $0xFFFFFFFF, s14;
	v20 =	vsel vm3, $0x1, v10;
	vm4 =	vlt.s32 v29, v21  }
0x2a5: {  	s17 =	sor.u32 $0x10, s14;
	v23 =	vmov s16;
	v24, _, _ =	vpop (xrf0);
	(xrf0) =	vadd.scan.msk.s32 $0xffff, v20;
	vm4 =	vmand vm0, vm4  }
0x2a6: {  	v26 =	vmov s17;
	v33 =	vadd.s32 v23, v24  }
0x2a7: {  	s18 =	sadd.s32 $0x2F, s13;
	vm5 =	vlt.s32 v33, v26  }
0x2a8: {  	s16 =	sadd.s32 $0x50, s13;
	v20 =	vmov s18;
	vm5 =	vmand vm2, vm5;
	v24, _, _ =	vpop (xrf0)  }
0x2a9: {  	v27 =	vmov s16;
	v39 =	vadd.s32 v20, v24  }
0x2aa: {  	s19 =	sor.u32 $0x1F, s14;
	vm6 =	vlt.s32 v39, v27  }
0x2ab: {  	s18 =	sor.u32 $0x30, s14;
	v24 =	vmov s19;
	v34, _, _ =	vpop (xrf0);
	[tilespmem:v29+s2+$0x0] =	vst.idx.msk vm4, v30;
	vm6 =	vmand vm1, vm6  }
0x2ac: {  	v35 =	vmpcnt.ones.xlane vm0;
	v28 =	vmov s18;
	v37 =	vadd.s32 v24, v34;
	[tilespmem:v29+s3+$0x0] =	vst.idx.msk vm4, v31  }
0x2ad: {  	v62 =	vmpcnt.ones.xlane vm2;
	v40 =	vmpcnt.ones.xlane vm3;
	vm0 =	vlt.s32 v37, v28;
	[tilespmem:v29+s4+$0x0] =	vst.idx.msk vm4, v32  }
0x2ae: {  	v35 =	vadd.s32 v19, v35;
	vm0 =	vmand vm3, vm0;
	[tilespmem:v33+s5+$0x0] =	vst.idx.msk vm5, v30  }
0x2af: {  	v34 =	vadd.s32 v23, v62;
	v63 =	vadd.s32 v24, v40;
	v29 =	vadd.s32 $0xFFFFFFFF, v21;
	[tilespmem:v33+s6+$0x0] =	vst.idx.msk vm5, v31  }
0x2b0: {  	v30 =	vadd.s32 $0xFFFFFFFF, v26;
	vm2 =	vlt.s32 v35, v29;
	v31 =	vmpcnt.ones.xlane vm1;
	[tilespmem:v33+s7+$0x0] =	vst.idx.msk vm5, v32  }
0x2b1: {  	vm1 =	vlt.s32 v34, v30;
	v35 =	vsel vm2, v35, v29;
	v32 =	vadd.s32 $0xFFFFFFFF, v27;
	[tilespmem:v39+s2+$0x0] =	vst.idx.msk vm6, v38  }
0x2b2: {  	v36 =	vsel vm1, v34, v30;
	v34 =	vadd.s32 $0xFFFFFFFF, v28;
	v31 =	vadd.s32 v20, v31;
	[tilespmem:v39+s3+$0x0] =	vst.idx.msk vm6, v25  }
0x2b3: {  	vm2 =	vlt.s32 v63, v34;
	vm1 =	vlt.s32 v31, v32;
	[tilespmem:v39+s4+$0x0] =	vst.idx.msk vm6, v22  }
0x2b4: {  	s19 =	simm.s32 $0x10;
	v33 =	vsel vm2, v63, v34;
	v31 =	vsel vm1, v31, v32;
	[tilespmem:v37+s5+$0x0] =	vst.idx.msk vm0, v38  }
.LBB2_23:
0x2b5: {  	p0 =	sne.s32 s19, $0x7F0;
	[tilespmem:v37+s6+$0x0] =	vst.idx.msk vm0, v25;
	v38 =	vmovc v35;
	v39 =	vmov v36;
	v40 =	vmov v31;
	v41 =	vmov v33;
	s20 =	smov.u32 s19;
	s19 =	sadd.s32 $0x10, s19  }
0x2b6: {  	s20 =	sand.u32 $0x7F0, s20;
	[tilespmem:v37+s7+$0x0] =	vst.idx.msk vm0, v22  }
0x2b7: {  	v22 =	vld [tilespmem:s20+$0x3000]  }
0x2b8: {  	v25 =	vld [tilespmem:s20+$0x3800]  }
0x2b9: {  	v37 =	vld [tilespmem:s20+$0x4000];
	_ =	sdelay $0x2  }
0x2ba: {  	v42 =	vsub.f32 v22, v13  }
0x2bb: {  	v43 =	vsub.f32 v25, v14  }
0x2bc: {  	v44 =	vsub.f32 v37, v15;
	v45 =	vmul.f32 v42, v42  }
0x2bd: {  	v46 =	vmul.f32 v43, v43  }
0x2be: {  	v47 =	vmul.f32 v44, v44  }
0x2bf: {  	v45 =	vadd.f32 v46, v45  }
0x2c0: {  	v25 =	vsub.f32 v25, v17;
	v46 =	vsub.f32 v22, v16  }
0x2c1: {  	v45 =	vadd.f32 v47, v45  }
0x2c2: {  	v22 =	vsub.f32 v37, v18;
	v37 =	vmul.f32 v46, v46;
	v47 =	vmul.f32 v25, v25  }
0x2c3: {  	vm2 =	vle.f32 v45, $3.999999910e-02;
	vm0 =	vle.f32 v45, $9.999999770e-03  }
0x2c4: {  	v37 =	vadd.f32 v47, v37;
	v45 =	vsel vm2, $0x1, v10;
	v48 =	vsel vm0, $0x1, v10  }
0x2c5: {  	v49 =	vmul.f32 v22, v22;
	v47 =	vmpcnt.ones.xlane vm2;
	(xrf0) =	vadd.scan.msk.s32 $0xffff, v45  }
0x2c6: {  	v45 =	vmpcnt.ones.xlane vm0;
	(xrf0) =	vadd.scan.msk.s32 $0xffff, v48  }
0x2c7: {  	v37 =	vadd.f32 v49, v37;
	v35 =	vadd.s32 v35, v47  }
0x2c8: {  	vm4 =	vlt.s32 v35, v29;
	v36 =	vadd.s32 v36, v45  }
0x2c9: {  	vm3 =	vle.f32 v37, $3.999999910e-02;
	vm1 =	vle.f32 v37, $9.999999770e-03;
	vm5 =	vlt.s32 v36, v30  }
0x2ca: {  	v50 =	vsel vm3, $0x1, v10;
	v45 =	vsel vm1, $0x1, v10;
	v47 =	vmpcnt.ones.xlane vm3  }
0x2cb: {  	v35 =	vsel vm4, v35, v29;
	v48 =	vmpcnt.ones.xlane vm1;
	v36 =	vsel vm5, v36, v30;
	v49, _, _ =	vpop (xrf0);
	(xrf0) =	vadd.scan.msk.s32 $0xffff, v50  }
0x2cc: {  	v31 =	vadd.s32 v31, v47;
	v38 =	vadd.s32 v38, v49;
	v37, _, _ =	vpop (xrf0);
	(xrf0) =	vadd.scan.msk.s32 $0xffff, v45  }
0x2cd: {  	v33 =	vadd.s32 v33, v48;
	vm5 =	vlt.s32 v31, v32;
	vm4 =	vlt.s32 v38, v21  }
0x2ce: {  	v31 =	vsel vm5, v31, v32;
	vm2 =	vmand vm2, vm4;
	vm4 =	vlt.s32 v33, v34  }
0x2cf: {  	v39 =	vadd.s32 v39, v37;
	v33 =	vsel vm4, v33, v34  }
0x2d0: {  	vm4 =	vlt.s32 v39, v26  }
0x2d1: {  	vm4 =	vmand vm0, vm4;
	v37, _, _ =	vpop (xrf0)  }
0x2d2: {  	v40 =	vadd.s32 v40, v37;
	v37, _, _ =	vpop (xrf0)  }
0x2d3: {  	vm0 =	vlt.s32 v40, v27  }
0x2d4: {  	[tilespmem:v38+s2+$0x0] =	vst.idx.msk vm2, v42;
	vm3 =	vmand vm3, vm0  }
0x2d5: {  	v37 =	vadd.s32 v41, v37;
	[tilespmem:v38+s3+$0x0] =	vst.idx.msk vm2, v43  }
0x2d6: {  	vm0 =	vlt.s32 v37, v28;
	[tilespmem:v38+s4+$0x0] =	vst.idx.msk vm2, v44  }
0x2d7: {  	vm0 =	vmand vm1, vm0;
	[tilespmem:v39+s5+$0x0] =	vst.idx.msk vm4, v42  }
0x2d8: {  	[tilespmem:v39+s6+$0x0] =	vst.idx.msk vm4, v43  }
.Ltmp10:
0x2d9: {  	[tilespmem:v39+s7+$0x0] =	vst.idx.msk vm4, v44;
	(pc) =	sbr.rel @p0 .LBB2_23-.Ltmp10, $4  }
0x2da: {  	[tilespmem:v40+s2+$0x0] =	vst.idx.msk vm3, v46  }
0x2db: {  	[tilespmem:v40+s3+$0x0] =	vst.idx.msk vm3, v25  }
0x2dc: {  	[tilespmem:v40+s4+$0x0] =	vst.idx.msk vm3, v22  }
0x2dd: {  	[tilespmem:v37+s5+$0x0] =	vst.idx.msk vm0, v46  }
0x2de: {  	_ =	sdelay $0x3  }
0x2df: {  	v13 =	vsub.s32 v36, v23  }
0x2e0: {  	[tilespmem:v37+s6+$0x0] =	vst.idx.msk vm0, v25;
	vm1 =	vgt.s32 v13, v9  }
0x2e1: {  	v14 =	vsub.s32 v35, v19;
	[tilespmem:v37+s7+$0x0] =	vst.idx.msk vm0, v22;
	vm7 =	vgt.s32 v13, v11;
	v15 =	vsel vm1, $0x3F800000, v10  }
0x2e2: {  	vm8 =	vgt.s32 v14, v9;
	v13 =	vsel vm7, $0x3F800000, v10;
	[tilespmem:s14+$0x6000] =	vst v15  }
0x2e3: {  	vm9 =	vgt.s32 v14, v11;
	[tilespmem:s17+$0x6000] =	vst v13;
	v13 =	vsel vm8, $0x3F800000, v10  }
0x2e4: {  	vm10 =	vgt.s32 v14, v12;
	v14 =	vsub.s32 v33, v24;
	[tilespmem:s13+$0x8C00] =	vst v13;
	v13 =	vsel vm9, $0x3F800000, v10  }
0x2e5: {  	s12 =	sadd.s32 $0x1, s12;
	vm11 =	vgt.s32 v14, v9;
	[tilespmem:s13+$0x8C10] =	vst v13;
	v13 =	vsel vm10, $0x3F800000, v10  }
0x2e6: {  	p0 =	sne.s32 s12, $0x20;
	vm12 =	vgt.s32 v14, v11;
	v15 =	vsel vm11, $0x3F800000, v10;
	[tilespmem:s15+$0x8C00] =	vst v13;
	v13 =	vsub.s32 v31, v20  }
.Ltmp11:
0x2e7: {  	v14 =	vsel vm12, $0x3F800000, v10;
	[tilespmem:s14+$0x6020] =	vst v15;
	vm13 =	vgt.s32 v13, v9;
	(pc) =	sbr.rel @p0 .LBB2_22-.Ltmp11, $4  }
0x2e8: {  	vm14 =	vgt.s32 v13, v11;
	[tilespmem:s18+$0x6000] =	vst v14;
	v14 =	vsel vm13, $0x3F800000, v10  }
0x2e9: {  	vm15 =	vgt.s32 v13, v12;
	[tilespmem:s13+$0x8C30] =	vst v14;
	v14 =	vsel vm14, $0x3F800000, v10  }
0x2ea: {  	v13 =	vsel vm15, $0x3F800000, v10;
	[tilespmem:s13+$0x8C40] =	vst v14  }
0x2eb: {  	[tilespmem:s16+$0x8C00] =	vst v13  }
0x2ec: {  	s11 =	simm.s32 $0x0;
	s12 =	rddreg [dreg:$0x14]  }
0x2ed: {  	[hbm4b:s12+s11] =	stream.linear.scatter [tilespmem:s5], [sflag:$0x1], $0x800, $0x38;
	[tilespmem:$0x9800] =	vst v63  }
0x2ee: {  	_ =	swait.ge [sflag:s0], $0x800  }
0x2ef: {  	[sflag:s0] =	ssyncset.done $0x0  }
0x2f0: {  	s15 =	rddreg [dreg:$0x15];
	[sflag:s0] =	ssyncadd.s32 $0xFFFFF800  }
0x2f1: {  	[hbm4b:s15+s11] =	stream.linear.scatter [tilespmem:s6], [sflag:$0x1], $0x800, $0x38;
	[tilespmem:$0x9800] =	vst v63  }
0x2f2: {  	_ =	swait.ge [sflag:s0], $0x800  }
0x2f3: {  	[sflag:s0] =	ssyncset.done $0x0  }
0x2f4: {  	s16 =	rddreg [dreg:$0x16];
	[sflag:s0] =	ssyncadd.s32 $0xFFFFF800  }
0x2f5: {  	[hbm4b:s16+s11] =	stream.linear.scatter [tilespmem:s7], [sflag:$0x1], $0x800, $0x38;
	[tilespmem:$0x9800] =	vst v63  }
0x2f6: {  	_ =	swait.ge [sflag:s0], $0x800  }
0x2f7: {  	[sflag:s0] =	ssyncset.done $0x0  }
0x2f8: {  	s17 =	rddreg [dreg:$0x17];
	[sflag:s0] =	ssyncadd.s32 $0xFFFFF800  }
0x2f9: {  	[hbm4b:s17+s11] =	stream.linear.scatter [tilespmem:s8], [sflag:$0x1], $0x800, $0x38;
	[tilespmem:$0x9800] =	vst v63  }
0x2fa: {  	_ =	swait.ge [sflag:s0], $0x800  }
0x2fb: {  	s18 =	sld [smem:$0x7F8]  }
0x2fc: {  	[sflag:s0] =	ssyncset.done $0x0  }
0x2fd: {  	[sflag:s0] =	ssyncadd.s32 $0xFFFFF800  }
0x2fe: {  	[hbm4b:s18+s11] =	stream.linear.scatter [tilespmem:s2], [sflag:$0x1], $0xC00, $0x38;
	[tilespmem:$0x9800] =	vst v63  }
0x2ff: {  	_ =	swait.ge [sflag:s0], $0xC00  }
0x300: {  	s19 =	sld [smem:$0x7F9]  }
0x301: {  	[sflag:s0] =	ssyncset.done $0x0  }
0x302: {  	[sflag:s0] =	ssyncadd.s32 $0xFFFFF400  }
0x303: {  	[hbm4b:s19+s11] =	stream.linear.scatter [tilespmem:s3], [sflag:$0x1], $0xC00, $0x38;
	[tilespmem:$0x9800] =	vst v63  }
0x304: {  	_ =	swait.ge [sflag:s0], $0xC00  }
0x305: {  	s20 =	sld [smem:$0x7FA]  }
0x306: {  	[sflag:s0] =	ssyncset.done $0x0  }
0x307: {  	[sflag:s0] =	ssyncadd.s32 $0xFFFFF400  }
0x308: {  	[hbm4b:s20+s11] =	stream.linear.scatter [tilespmem:s4], [sflag:$0x1], $0xC00, $0x38;
	[tilespmem:$0x9800] =	vst v63  }
0x309: {  	_ =	swait.ge [sflag:s0], $0xC00  }
0x30a: {  	s21 =	sld [smem:$0x7FB]  }
0x30b: {  	[sflag:s0] =	ssyncset.done $0x0  }
0x30c: {  	[sflag:s0] =	ssyncadd.s32 $0xFFFFF400  }
0x30d: {  	[hbm4b:s21+s11] =	stream.linear.scatter [tilespmem:s9], [sflag:$0x1], $0xC00, $0x38;
	[tilespmem:$0x9800] =	vst v63  }
0x30e: {  	_ =	swait.ge [sflag:s0], $0xC00  }
0x30f: {  	[sflag:s0] =	ssyncset.done $0x0  }
0x310: {  	s12 =	simm.s32 $0x0;
	[sflag:s0] =	ssyncadd.s32 $0xFFFFF400  }
.LBB2_26:
0x311: {  	_ = 	snop  }
0x312: {  	s13 =	sshll.u32 s12, $0x1  }
0x313: {  	s14 =	sor.u32 s1, s13  }
0x314: {  	v19 =	vld [tilespmem:s11+$0x0];
	s14 =	sand.u32 $0x70, s14  }
0x315: {  	v16 =	vld.idx.msk [tilespmem:v2+s14+$0x0 ss:$0x1], $0xffff  }
0x316: {  	s20 =	sand.u32 $0x7F0, s11;
	v17 =	vld.idx.msk [tilespmem:v3+s14+$0x0 ss:$0x1], $0xffff  }
0x317: {  	v20 =	vld [tilespmem:s20+$0x800]  }
0x318: {  	v18 =	vld.idx.msk [tilespmem:v4+s14+$0x0 ss:$0x1], $0xffff  }
0x319: {  	s13 =	sand.u32 $0xE, s13  }
0x31a: {  	v21 =	vld [tilespmem:s20+$0x1000];
	v15 =	vmov s13  }
0x31b: {  	v13 =	vperm.xlane v16, v15;
	v14 =	vperm.xlane v17, v15;
	_ =	sdelay $0x1  }
0x31c: {  	s13 =	sor.u32 $0x1, s13;
	v15 =	vperm.xlane v18, v15;
	v28 =	vsub.f32 v19, v13;
	v29 =	vsub.f32 v20, v14  }
0x31d: {  	v22 =	vmov s13  }
0x31e: {  	v30 =	vsub.f32 v21, v15;
	v23 =	vmul.f32 v28, v28;
	v24 =	vmul.f32 v29, v29  }
0x31f: {  	v16 =	vperm.xlane v16, v22  }
0x320: {  	v17 =	vperm.xlane v17, v22;
	v23 =	vadd.f32 v24, v23;
	v24 =	vmul.f32 v30, v30  }
0x321: {  	v18 =	vperm.xlane v18, v22;
	v34 =	vsub.f32 v19, v16  }
0x322: {  	v37 =	vsub.f32 v20, v17;
	v19 =	vadd.f32 v24, v23  }
0x323: {  	v25 =	vsub.f32 v21, v18  }
0x324: {  	v20 =	vmul.f32 v34, v34;
	v21 =	vmul.f32 v37, v37;
	vm1 =	vle.f32 v19, $3.999999910e-02  }
0x325: {  	v22 =	vsel vm1, $0x1, v10  }
0x326: {  	v20 =	vadd.f32 v21, v20;
	v21 =	vmul.f32 v25, v25;
	(xrf0) =	vadd.scan.msk.s32 $0xffff, v22  }
0x327: {  	vm2 =	vle.f32 v19, $9.999999770e-03  }
0x328: {  	v20 =	vadd.f32 v21, v20;
	v19 =	vsel vm2, $0x1, v10  }
0x329: {  	s13 =	smul.u32 $0x60, s12;
	(xrf0) =	vadd.scan.msk.s32 $0xffff, v19  }
0x32a: {  	vm0 =	vle.f32 v20, $3.999999910e-02  }
0x32b: {  	s21 =	sadd.s32 $0xFFFFFFFF, s13;
	v21 =	vsel vm0, $0x1, v10  }
0x32c: {  	s15 =	sadd.s32 $0x20, s13;
	v19 =	vmov s21;
	v22, _, _ =	vpop (xrf0);
	(xrf0) =	vadd.scan.msk.s32 $0xffff, v21  }
0x32d: {  	s14 =	sshll.u32 s12, $0x6;
	vm3 =	vle.f32 v20, $9.999999770e-03;
	v21 =	vmov s15;
	v31 =	vadd.s32 v19, v22  }
0x32e: {  	s16 =	sadd.s32 $0xFFFFFFFF, s14;
	v20 =	vsel vm3, $0x1, v10;
	vm4 =	vlt.s32 v31, v21  }
0x32f: {  	s17 =	sor.u32 $0x10, s14;
	v22 =	vmov s16;
	v23, _, _ =	vpop (xrf0);
	(xrf0) =	vadd.scan.msk.s32 $0xffff, v20;
	vm4 =	vmand vm1, vm4  }
0x330: {  	v24 =	vmov s17;
	v32 =	vadd.s32 v22, v23  }
0x331: {  	s18 =	sadd.s32 $0x2F, s13;
	vm5 =	vlt.s32 v32, v24  }
0x332: {  	s16 =	sadd.s32 $0x50, s13;
	v20 =	vmov s18;
	vm5 =	vmand vm2, vm5;
	v23, _, _ =	vpop (xrf0)  }
0x333: {  	v26 =	vmov s16;
	v38 =	vadd.s32 v20, v23  }
0x334: {  	s19 =	sor.u32 $0x1F, s14;
	vm6 =	vlt.s32 v38, v26  }
0x335: {  	s18 =	sor.u32 $0x30, s14;
	v23 =	vmov s19;
	v33, _, _ =	vpop (xrf0);
	[tilespmem:v31+s2+$0x0] =	vst.idx.msk vm4, v28;
	vm6 =	vmand vm0, vm6  }
0x336: {  	v27 =	vmov s18;
	v36 =	vadd.s32 v23, v33;
	[tilespmem:v31+s3+$0x0] =	vst.idx.msk vm4, v29  }
0x337: {  	v63 =	vmpcnt.ones.xlane vm1;
	vm1 =	vlt.s32 v36, v27;
	[tilespmem:v31+s4+$0x0] =	vst.idx.msk vm4, v30  }
0x338: {  	v39 =	vmpcnt.ones.xlane vm3;
	vm1 =	vmand vm3, vm1;
	[tilespmem:v32+s5+$0x0] =	vst.idx.msk vm5, v28  }
0x339: {  	v33 =	vadd.s32 v19, v63;
	v31 =	vmpcnt.ones.xlane vm2;
	[tilespmem:v32+s6+$0x0] =	vst.idx.msk vm5, v29  }
0x33a: {  	v39 =	vadd.s32 v23, v39;
	v28 =	vadd.s32 $0xFFFFFFFF, v21;
	v29 =	vadd.s32 $0xFFFFFFFF, v24;
	[tilespmem:v32+s7+$0x0] =	vst.idx.msk vm5, v30  }
0x33b: {  	vm2 =	vlt.s32 v33, v28;
	v35 =	vadd.s32 v22, v31;
	v30 =	vmpcnt.ones.xlane vm0;
	[tilespmem:v38+s2+$0x0] =	vst.idx.msk vm6, v34  }
0x33c: {  	v31 =	vadd.s32 $0xFFFFFFFF, v26;
	vm15 =	vlt.s32 v35, v29;
	v32 =	vsel vm2, v33, v28;
	[tilespmem:v38+s3+$0x0] =	vst.idx.msk vm6, v37  }
0x33d: {  	v33 =	vadd.s32 $0xFFFFFFFF, v27;
	v35 =	vsel vm15, v35, v29;
	v30 =	vadd.s32 v20, v30;
	[tilespmem:v38+s4+$0x0] =	vst.idx.msk vm6, v25  }
0x33e: {  	vm2 =	vlt.s32 v39, v33;
	vm0 =	vlt.s32 v30, v31;
	[tilespmem:v36+s5+$0x0] =	vst.idx.msk vm1, v34  }
0x33f: {  	s20 =	simm.s32 $0x0;
	s19 =	simm.s32 $0x10;
	v30 =	vsel vm0, v30, v31;
	v34 =	vsel vm2, v39, v33;
	[tilespmem:v36+s6+$0x0] =	vst.idx.msk vm1, v37  }
.LBB2_27:
0x340: {  	p0 =	sne.s32 s19, $0x7F0  }
0x341: {  	[tilespmem:v36+s7+$0x0] =	vst.idx.msk vm1, v25;
	s20 =	sadd.s32 $0x10, s20;
	v36 =	vmovc v32;
	v37 =	vmov v35;
	v38 =	vmov v30;
	v39 =	vmov v34;
	s21 =	smov.u32 s19;
	s19 =	sadd.s32 $0x10, s19  }
0x342: {  	v25 =	vld [tilespmem:s20+$0x0];
	s21 =	sand.u32 $0x7F0, s21  }
0x343: {  	v40 =	vld [tilespmem:s21+$0x800];
	_ =	sdelay $0x1  }
0x344: {  	v41 =	vld [tilespmem:s21+$0x1000];
	_ =	sdelay $0x2  }
0x345: {  	v42 =	vsub.f32 v25, v13;
	v43 =	vsub.f32 v40, v14;
	_ =	sdelay $0x1  }
0x346: {  	v45 =	vmul.f32 v42, v42;
	v44 =	vsub.f32 v41, v15;
	v46 =	vmul.f32 v43, v43;
	_ =	sdelay $0x1  }
0x347: {  	v45 =	vadd.f32 v46, v45;
	v46 =	vmul.f32 v44, v44  }
0x348: {  	v47 =	vsub.f32 v25, v16  }
0x349: {  	v40 =	vsub.f32 v40, v17;
	v45 =	vadd.f32 v46, v45  }
0x34a: {  	v25 =	vsub.f32 v41, v18;
	v41 =	vmul.f32 v47, v47  }
0x34b: {  	vm2 =	vle.f32 v45, $3.999999910e-02;
	vm0 =	vle.f32 v45, $9.999999770e-03;
	v45 =	vmul.f32 v40, v40  }
0x34c: {  	v46 =	vsel vm2, $0x1, v10;
	v48 =	vsel vm0, $0x1, v10;
	v49 =	vmpcnt.ones.xlane vm2  }
0x34d: {  	v50 =	vmpcnt.ones.xlane vm0;
	v41 =	vadd.f32 v45, v41;
	v45 =	vmul.f32 v25, v25;
	(xrf0) =	vadd.scan.msk.s32 $0xffff, v46  }
0x34e: {  	v32 =	vadd.s32 v32, v49;
	(xrf0) =	vadd.scan.msk.s32 $0xffff, v48  }
0x34f: {  	v35 =	vadd.s32 v35, v50;
	vm1 =	vlt.s32 v32, v28;
	v41 =	vadd.f32 v45, v41  }
0x350: {  	v32 =	vsel vm1, v32, v28;
	vm1 =	vlt.s32 v35, v29  }
0x351: {  	v35 =	vsel vm1, v35, v29;
	vm3 =	vle.f32 v41, $3.999999910e-02;
	vm1 =	vle.f32 v41, $9.999999770e-03  }
0x352: {  	v41 =	vsel vm3, $0x1, v10;
	v45 =	vsel vm1, $0x1, v10;
	v46 =	vmpcnt.ones.xlane vm3  }
0x353: {  	v48 =	vmpcnt.ones.xlane vm1;
	v49, _, _ =	vpop (xrf0);
	(xrf0) =	vadd.scan.msk.s32 $0xffff, v41  }
0x354: {  	v41 =	vadd.s32 v36, v49;
	v30 =	vadd.s32 v30, v46;
	v36, _, _ =	vpop (xrf0)  }
0x355: {  	v34 =	vadd.s32 v34, v48;
	vm4 =	vlt.s32 v41, v21;
	vm5 =	vlt.s32 v30, v31  }
0x356: {  	vm2 =	vmand vm2, vm4;
	v30 =	vsel vm5, v30, v31;
	vm4 =	vlt.s32 v34, v33;
	(xrf0) =	vadd.scan.msk.s32 $0xffff, v45  }
0x357: {  	v37 =	vadd.s32 v37, v36;
	v34 =	vsel vm4, v34, v33  }
0x358: {  	vm4 =	vlt.s32 v37, v24  }
0x359: {  	vm0 =	vmand vm0, vm4;
	v36, _, _ =	vpop (xrf0)  }
0x35a: {  	v38 =	vadd.s32 v38, v36  }
0x35b: {  	vm4 =	vlt.s32 v38, v26  }
0x35c: {  	[tilespmem:v41+s2+$0x0] =	vst.idx.msk vm2, v42;
	vm3 =	vmand vm3, vm4;
	v36, _, _ =	vpop (xrf0)  }
0x35d: {  	[tilespmem:v41+s3+$0x0] =	vst.idx.msk vm2, v43;
	v36 =	vadd.s32 v39, v36  }
0x35e: {  	[tilespmem:v41+s4+$0x0] =	vst.idx.msk vm2, v44;
	vm2 =	vlt.s32 v36, v27  }
0x35f: {  	[tilespmem:v37+s5+$0x0] =	vst.idx.msk vm0, v42;
	vm1 =	vmand vm1, vm2  }
0x360: {  	[tilespmem:v37+s6+$0x0] =	vst.idx.msk vm0, v43  }
0x361: {  	[tilespmem:v37+s7+$0x0] =	vst.idx.msk vm0, v44  }
.Ltmp12:
0x362: {  	[tilespmem:v38+s2+$0x0] =	vst.idx.msk vm3, v47;
	(pc) =	sbr.rel @p0 .LBB2_27-.Ltmp12, $4  }
0x363: {  	[tilespmem:v38+s3+$0x0] =	vst.idx.msk vm3, v40  }
0x364: {  	[tilespmem:v38+s4+$0x0] =	vst.idx.msk vm3, v25  }
0x365: {  	[tilespmem:v36+s5+$0x0] =	vst.idx.msk vm1, v47  }
0x366: {  	[tilespmem:v36+s6+$0x0] =	vst.idx.msk vm1, v40  }
0x367: {  	_ =	sdelay $0x2  }
0x368: {  	v13 =	vsub.s32 v35, v22  }
0x369: {  	vm0 =	vgt.s32 v13, v9  }
0x36a: {  	[tilespmem:v36+s7+$0x0] =	vst.idx.msk vm1, v25;
	v14 =	vsub.s32 v32, v19;
	vm7 =	vgt.s32 v13, v11;
	v15 =	vsel vm0, $0x3F800000, v10  }
0x36b: {  	vm8 =	vgt.s32 v14, v9;
	v13 =	vsel vm7, $0x3F800000, v10;
	[tilespmem:s14+$0x6000] =	vst v15  }
0x36c: {  	vm9 =	vgt.s32 v14, v11;
	[tilespmem:s17+$0x6000] =	vst v13;
	v13 =	vsel vm8, $0x3F800000, v10  }
0x36d: {  	vm10 =	vgt.s32 v14, v12;
	v14 =	vsub.s32 v34, v23;
	[tilespmem:s13+$0x8C00] =	vst v13;
	v13 =	vsel vm9, $0x3F800000, v10  }
0x36e: {  	s12 =	sadd.s32 $0x1, s12;
	vm11 =	vgt.s32 v14, v9;
	[tilespmem:s13+$0x8C10] =	vst v13;
	v13 =	vsel vm10, $0x3F800000, v10  }
0x36f: {  	p0 =	sne.s32 s12, $0x20;
	vm12 =	vgt.s32 v14, v11;
	v15 =	vsel vm11, $0x3F800000, v10;
	[tilespmem:s15+$0x8C00] =	vst v13;
	v13 =	vsub.s32 v30, v20  }
.Ltmp13:
0x370: {  	v14 =	vsel vm12, $0x3F800000, v10;
	[tilespmem:s14+$0x6020] =	vst v15;
	vm13 =	vgt.s32 v13, v9;
	(pc) =	sbr.rel @p0 .LBB2_26-.Ltmp13, $4  }
0x371: {  	vm14 =	vgt.s32 v13, v11;
	[tilespmem:s18+$0x6000] =	vst v14;
	v14 =	vsel vm13, $0x3F800000, v10  }
0x372: {  	vm15 =	vgt.s32 v13, v12;
	[tilespmem:s13+$0x8C30] =	vst v14;
	v14 =	vsel vm14, $0x3F800000, v10  }
0x373: {  	v13 =	vsel vm15, $0x3F800000, v10;
	[tilespmem:s13+$0x8C40] =	vst v14  }
0x374: {  	[tilespmem:s16+$0x8C00] =	vst v13  }
0x375: {  	s11 =	simm.s32 $0x0;
	s12 =	rddreg [dreg:$0x18]  }
0x376: {  	[hbm4b:s12+s11] =	stream.linear.scatter [tilespmem:s5], [sflag:$0x1], $0x800, $0x38;
	[tilespmem:$0x9800] =	vst v63  }
0x377: {  	_ =	swait.ge [sflag:s0], $0x800  }
0x378: {  	[sflag:s0] =	ssyncset.done $0x0  }
0x379: {  	s18 =	rddreg [dreg:$0x19];
	[sflag:s0] =	ssyncadd.s32 $0xFFFFF800  }
0x37a: {  	[hbm4b:s18+s11] =	stream.linear.scatter [tilespmem:s6], [sflag:$0x1], $0x800, $0x38;
	[tilespmem:$0x9800] =	vst v63  }
0x37b: {  	_ =	swait.ge [sflag:s0], $0x800  }
0x37c: {  	[sflag:s0] =	ssyncset.done $0x0  }
0x37d: {  	s19 =	rddreg [dreg:$0x1a];
	[sflag:s0] =	ssyncadd.s32 $0xFFFFF800  }
0x37e: {  	[hbm4b:s19+s11] =	stream.linear.scatter [tilespmem:s7], [sflag:$0x1], $0x800, $0x38;
	[tilespmem:$0x9800] =	vst v63  }
0x37f: {  	_ =	swait.ge [sflag:s0], $0x800  }
0x380: {  	[sflag:s0] =	ssyncset.done $0x0  }
0x381: {  	s20 =	rddreg [dreg:$0x1b];
	[sflag:s0] =	ssyncadd.s32 $0xFFFFF800  }
0x382: {  	[hbm4b:s20+s11] =	stream.linear.scatter [tilespmem:s8], [sflag:$0x1], $0x800, $0x38;
	[tilespmem:$0x9800] =	vst v63  }
0x383: {  	_ =	swait.ge [sflag:s0], $0x800  }
0x384: {  	s21 =	sld [smem:$0x7FC]  }
0x385: {  	[sflag:s0] =	ssyncset.done $0x0  }
0x386: {  	[sflag:s0] =	ssyncadd.s32 $0xFFFFF800  }
0x387: {  	[hbm4b:s21+s11] =	stream.linear.scatter [tilespmem:s2], [sflag:$0x1], $0xC00, $0x38;
	[tilespmem:$0x9800] =	vst v63  }
0x388: {  	_ =	swait.ge [sflag:s0], $0xC00  }
0x389: {  	[sflag:s0] =	ssyncset.done $0x0  }
0x38a: {  	[sflag:s0] =	ssyncadd.s32 $0xFFFFF400  }
0x38b: {  	[hbm4b:s22+s11] =	stream.linear.scatter [tilespmem:s3], [sflag:$0x1], $0xC00, $0x38;
	[tilespmem:$0x9800] =	vst v63  }
0x38c: {  	_ =	swait.ge [sflag:s0], $0xC00  }
0x38d: {  	[sflag:s0] =	ssyncset.done $0x0  }
0x38e: {  	[sflag:s0] =	ssyncadd.s32 $0xFFFFF400  }
0x38f: {  	[hbm4b:s23+s11] =	stream.linear.scatter [tilespmem:s4], [sflag:$0x1], $0xC00, $0x38;
	[tilespmem:$0x9800] =	vst v63  }
0x390: {  	_ =	swait.ge [sflag:s0], $0xC00  }
0x391: {  	[sflag:s0] =	ssyncset.done $0x0  }
0x392: {  	[sflag:s0] =	ssyncadd.s32 $0xFFFFF400  }
0x393: {  	[hbm4b:s24+s11] =	stream.linear.scatter [tilespmem:s9], [sflag:$0x1], $0xC00, $0x38;
	[tilespmem:$0x9800] =	vst v63  }
0x394: {  	_ =	swait.ge [sflag:s0], $0xC00  }
0x395: {  	[sflag:s0] =	ssyncset.done $0x0  }
0x396: {  	s12 =	simm.s32 $0x0;
	[sflag:s0] =	ssyncadd.s32 $0xFFFFF400  }
.LBB2_30:
0x397: {  	_ = 	snop  }
0x398: {  	s13 =	sshll.u32 s12, $0x1  }
0x399: {  	s14 =	sor.u32 s1, s13  }
0x39a: {  	v19 =	vld [tilespmem:s11+$0x0];
	s14 =	sand.u32 $0x70, s14  }
0x39b: {  	v16 =	vld.idx.msk [tilespmem:v5+s14+$0x0 ss:$0x1], $0xffff  }
0x39c: {  	s20 =	sand.u32 $0x7F0, s11;
	v17 =	vld.idx.msk [tilespmem:v6+s14+$0x0 ss:$0x1], $0xffff  }
0x39d: {  	v20 =	vld [tilespmem:s20+$0x800]  }
0x39e: {  	v18 =	vld.idx.msk [tilespmem:v7+s14+$0x0 ss:$0x1], $0xffff  }
0x39f: {  	s13 =	sand.u32 $0xE, s13  }
0x3a0: {  	v21 =	vld [tilespmem:s20+$0x1000];
	v15 =	vmov s13  }
0x3a1: {  	v13 =	vperm.xlane v16, v15;
	v14 =	vperm.xlane v17, v15;
	_ =	sdelay $0x1  }
0x3a2: {  	s13 =	sor.u32 $0x1, s13;
	v15 =	vperm.xlane v18, v15;
	v28 =	vsub.f32 v19, v13;
	v29 =	vsub.f32 v20, v14  }
0x3a3: {  	v22 =	vmov s13  }
0x3a4: {  	v30 =	vsub.f32 v21, v15;
	v23 =	vmul.f32 v28, v28;
	v24 =	vmul.f32 v29, v29  }
0x3a5: {  	v16 =	vperm.xlane v16, v22  }
0x3a6: {  	v17 =	vperm.xlane v17, v22;
	v23 =	vadd.f32 v24, v23;
	v24 =	vmul.f32 v30, v30  }
0x3a7: {  	v18 =	vperm.xlane v18, v22;
	v34 =	vsub.f32 v19, v16  }
0x3a8: {  	v37 =	vsub.f32 v20, v17;
	v19 =	vadd.f32 v24, v23  }
0x3a9: {  	v25 =	vsub.f32 v21, v18  }
0x3aa: {  	v20 =	vmul.f32 v34, v34;
	v21 =	vmul.f32 v37, v37;
	vm1 =	vle.f32 v19, $3.999999910e-02  }
0x3ab: {  	v22 =	vsel vm1, $0x1, v10  }
0x3ac: {  	v20 =	vadd.f32 v21, v20;
	v21 =	vmul.f32 v25, v25;
	(xrf0) =	vadd.scan.msk.s32 $0xffff, v22  }
0x3ad: {  	vm2 =	vle.f32 v19, $9.999999770e-03  }
0x3ae: {  	v20 =	vadd.f32 v21, v20;
	v19 =	vsel vm2, $0x1, v10  }
0x3af: {  	s13 =	smul.u32 $0x60, s12;
	(xrf0) =	vadd.scan.msk.s32 $0xffff, v19  }
0x3b0: {  	vm0 =	vle.f32 v20, $3.999999910e-02  }
0x3b1: {  	s21 =	sadd.s32 $0xFFFFFFFF, s13;
	v21 =	vsel vm0, $0x1, v10  }
0x3b2: {  	s15 =	sadd.s32 $0x20, s13;
	v19 =	vmov s21;
	v22, _, _ =	vpop (xrf0);
	(xrf0) =	vadd.scan.msk.s32 $0xffff, v21  }
0x3b3: {  	s14 =	sshll.u32 s12, $0x6;
	vm3 =	vle.f32 v20, $9.999999770e-03;
	v21 =	vmov s15;
	v31 =	vadd.s32 v19, v22  }
0x3b4: {  	s16 =	sadd.s32 $0xFFFFFFFF, s14;
	v20 =	vsel vm3, $0x1, v10;
	vm4 =	vlt.s32 v31, v21  }
0x3b5: {  	s17 =	sor.u32 $0x10, s14;
	v22 =	vmov s16;
	v23, _, _ =	vpop (xrf0);
	(xrf0) =	vadd.scan.msk.s32 $0xffff, v20;
	vm4 =	vmand vm1, vm4  }
0x3b6: {  	v24 =	vmov s17;
	v32 =	vadd.s32 v22, v23  }
0x3b7: {  	s18 =	sadd.s32 $0x2F, s13;
	vm5 =	vlt.s32 v32, v24  }
0x3b8: {  	s16 =	sadd.s32 $0x50, s13;
	v20 =	vmov s18;
	vm5 =	vmand vm2, vm5;
	v23, _, _ =	vpop (xrf0)  }
0x3b9: {  	v26 =	vmov s16;
	v38 =	vadd.s32 v20, v23  }
0x3ba: {  	s19 =	sor.u32 $0x1F, s14;
	vm6 =	vlt.s32 v38, v26  }
0x3bb: {  	s18 =	sor.u32 $0x30, s14;
	v23 =	vmov s19;
	v33, _, _ =	vpop (xrf0);
	[tilespmem:v31+s2+$0x0] =	vst.idx.msk vm4, v28;
	vm6 =	vmand vm0, vm6  }
0x3bc: {  	v27 =	vmov s18;
	v36 =	vadd.s32 v23, v33;
	[tilespmem:v31+s3+$0x0] =	vst.idx.msk vm4, v29  }
0x3bd: {  	v63 =	vmpcnt.ones.xlane vm1;
	vm1 =	vlt.s32 v36, v27;
	[tilespmem:v31+s4+$0x0] =	vst.idx.msk vm4, v30  }
0x3be: {  	v39 =	vmpcnt.ones.xlane vm3;
	vm1 =	vmand vm3, vm1;
	[tilespmem:v32+s5+$0x0] =	vst.idx.msk vm5, v28  }
0x3bf: {  	v33 =	vadd.s32 v19, v63;
	v31 =	vmpcnt.ones.xlane vm2;
	[tilespmem:v32+s6+$0x0] =	vst.idx.msk vm5, v29  }
0x3c0: {  	v39 =	vadd.s32 v23, v39;
	v28 =	vadd.s32 $0xFFFFFFFF, v21;
	v29 =	vadd.s32 $0xFFFFFFFF, v24;
	[tilespmem:v32+s7+$0x0] =	vst.idx.msk vm5, v30  }
0x3c1: {  	vm2 =	vlt.s32 v33, v28;
	v35 =	vadd.s32 v22, v31;
	v30 =	vmpcnt.ones.xlane vm0;
	[tilespmem:v38+s2+$0x0] =	vst.idx.msk vm6, v34  }
0x3c2: {  	v31 =	vadd.s32 $0xFFFFFFFF, v26;
	vm15 =	vlt.s32 v35, v29;
	v32 =	vsel vm2, v33, v28;
	[tilespmem:v38+s3+$0x0] =	vst.idx.msk vm6, v37  }
0x3c3: {  	v33 =	vadd.s32 $0xFFFFFFFF, v27;
	v35 =	vsel vm15, v35, v29;
	v30 =	vadd.s32 v20, v30;
	[tilespmem:v38+s4+$0x0] =	vst.idx.msk vm6, v25  }
0x3c4: {  	vm2 =	vlt.s32 v39, v33;
	vm0 =	vlt.s32 v30, v31;
	[tilespmem:v36+s5+$0x0] =	vst.idx.msk vm1, v34  }
0x3c5: {  	s20 =	simm.s32 $0x0;
	s19 =	simm.s32 $0x10;
	v30 =	vsel vm0, v30, v31;
	v34 =	vsel vm2, v39, v33;
	[tilespmem:v36+s6+$0x0] =	vst.idx.msk vm1, v37  }
.LBB2_31:
0x3c6: {  	p0 =	sne.s32 s19, $0x7F0  }
0x3c7: {  	[tilespmem:v36+s7+$0x0] =	vst.idx.msk vm1, v25;
	s20 =	sadd.s32 $0x10, s20;
	v36 =	vmovc v32;
	v37 =	vmov v35;
	v38 =	vmov v30;
	v39 =	vmov v34;
	s21 =	smov.u32 s19;
	s19 =	sadd.s32 $0x10, s19  }
0x3c8: {  	v25 =	vld [tilespmem:s20+$0x0];
	s21 =	sand.u32 $0x7F0, s21  }
0x3c9: {  	v40 =	vld [tilespmem:s21+$0x800];
	_ =	sdelay $0x1  }
0x3ca: {  	v41 =	vld [tilespmem:s21+$0x1000];
	_ =	sdelay $0x2  }
0x3cb: {  	v42 =	vsub.f32 v25, v13;
	v43 =	vsub.f32 v40, v14;
	_ =	sdelay $0x1  }
0x3cc: {  	v45 =	vmul.f32 v42, v42;
	v44 =	vsub.f32 v41, v15;
	v46 =	vmul.f32 v43, v43;
	_ =	sdelay $0x1  }
0x3cd: {  	v45 =	vadd.f32 v46, v45;
	v46 =	vmul.f32 v44, v44  }
0x3ce: {  	v47 =	vsub.f32 v25, v16  }
0x3cf: {  	v40 =	vsub.f32 v40, v17;
	v45 =	vadd.f32 v46, v45  }
0x3d0: {  	v25 =	vsub.f32 v41, v18;
	v41 =	vmul.f32 v47, v47  }
0x3d1: {  	vm2 =	vle.f32 v45, $3.999999910e-02;
	vm0 =	vle.f32 v45, $9.999999770e-03;
	v45 =	vmul.f32 v40, v40  }
0x3d2: {  	v46 =	vsel vm2, $0x1, v10;
	v48 =	vsel vm0, $0x1, v10;
	v49 =	vmpcnt.ones.xlane vm2  }
0x3d3: {  	v50 =	vmpcnt.ones.xlane vm0;
	v41 =	vadd.f32 v45, v41;
	v45 =	vmul.f32 v25, v25;
	(xrf0) =	vadd.scan.msk.s32 $0xffff, v46  }
0x3d4: {  	v32 =	vadd.s32 v32, v49;
	(xrf0) =	vadd.scan.msk.s32 $0xffff, v48  }
0x3d5: {  	v35 =	vadd.s32 v35, v50;
	vm1 =	vlt.s32 v32, v28;
	v41 =	vadd.f32 v45, v41  }
0x3d6: {  	v32 =	vsel vm1, v32, v28;
	vm1 =	vlt.s32 v35, v29  }
0x3d7: {  	v35 =	vsel vm1, v35, v29;
	vm3 =	vle.f32 v41, $3.999999910e-02;
	vm1 =	vle.f32 v41, $9.999999770e-03  }
0x3d8: {  	v41 =	vsel vm3, $0x1, v10;
	v45 =	vsel vm1, $0x1, v10;
	v46 =	vmpcnt.ones.xlane vm3  }
0x3d9: {  	v48 =	vmpcnt.ones.xlane vm1;
	v49, _, _ =	vpop (xrf0);
	(xrf0) =	vadd.scan.msk.s32 $0xffff, v41  }
0x3da: {  	v41 =	vadd.s32 v36, v49;
	v30 =	vadd.s32 v30, v46;
	v36, _, _ =	vpop (xrf0)  }
0x3db: {  	v34 =	vadd.s32 v34, v48;
	vm4 =	vlt.s32 v41, v21;
	vm5 =	vlt.s32 v30, v31  }
0x3dc: {  	vm2 =	vmand vm2, vm4;
	v30 =	vsel vm5, v30, v31;
	vm4 =	vlt.s32 v34, v33;
	(xrf0) =	vadd.scan.msk.s32 $0xffff, v45  }
0x3dd: {  	v37 =	vadd.s32 v37, v36;
	v34 =	vsel vm4, v34, v33  }
0x3de: {  	vm4 =	vlt.s32 v37, v24  }
0x3df: {  	vm0 =	vmand vm0, vm4;
	v36, _, _ =	vpop (xrf0)  }
0x3e0: {  	v38 =	vadd.s32 v38, v36  }
0x3e1: {  	vm4 =	vlt.s32 v38, v26  }
0x3e2: {  	[tilespmem:v41+s2+$0x0] =	vst.idx.msk vm2, v42;
	vm3 =	vmand vm3, vm4;
	v36, _, _ =	vpop (xrf0)  }
0x3e3: {  	[tilespmem:v41+s3+$0x0] =	vst.idx.msk vm2, v43;
	v36 =	vadd.s32 v39, v36  }
0x3e4: {  	[tilespmem:v41+s4+$0x0] =	vst.idx.msk vm2, v44;
	vm2 =	vlt.s32 v36, v27  }
0x3e5: {  	[tilespmem:v37+s5+$0x0] =	vst.idx.msk vm0, v42;
	vm1 =	vmand vm1, vm2  }
0x3e6: {  	[tilespmem:v37+s6+$0x0] =	vst.idx.msk vm0, v43  }
0x3e7: {  	[tilespmem:v37+s7+$0x0] =	vst.idx.msk vm0, v44  }
.Ltmp14:
0x3e8: {  	[tilespmem:v38+s2+$0x0] =	vst.idx.msk vm3, v47;
	(pc) =	sbr.rel @p0 .LBB2_31-.Ltmp14, $4  }
0x3e9: {  	[tilespmem:v38+s3+$0x0] =	vst.idx.msk vm3, v40  }
0x3ea: {  	[tilespmem:v38+s4+$0x0] =	vst.idx.msk vm3, v25  }
0x3eb: {  	[tilespmem:v36+s5+$0x0] =	vst.idx.msk vm1, v47  }
0x3ec: {  	[tilespmem:v36+s6+$0x0] =	vst.idx.msk vm1, v40  }
0x3ed: {  	_ =	sdelay $0x2  }
0x3ee: {  	v13 =	vsub.s32 v35, v22  }
0x3ef: {  	vm0 =	vgt.s32 v13, v9  }
0x3f0: {  	[tilespmem:v36+s7+$0x0] =	vst.idx.msk vm1, v25;
	v14 =	vsub.s32 v32, v19;
	vm7 =	vgt.s32 v13, v11;
	v15 =	vsel vm0, $0x3F800000, v10  }
0x3f1: {  	vm8 =	vgt.s32 v14, v9;
	v13 =	vsel vm7, $0x3F800000, v10;
	[tilespmem:s14+$0x6000] =	vst v15  }
0x3f2: {  	vm9 =	vgt.s32 v14, v11;
	[tilespmem:s17+$0x6000] =	vst v13;
	v13 =	vsel vm8, $0x3F800000, v10  }
0x3f3: {  	vm10 =	vgt.s32 v14, v12;
	v14 =	vsub.s32 v34, v23;
	[tilespmem:s13+$0x8C00] =	vst v13;
	v13 =	vsel vm9, $0x3F800000, v10  }
0x3f4: {  	s12 =	sadd.s32 $0x1, s12;
	vm11 =	vgt.s32 v14, v9;
	[tilespmem:s13+$0x8C10] =	vst v13;
	v13 =	vsel vm10, $0x3F800000, v10  }
0x3f5: {  	p0 =	sne.s32 s12, $0x20;
	vm12 =	vgt.s32 v14, v11;
	v15 =	vsel vm11, $0x3F800000, v10;
	[tilespmem:s15+$0x8C00] =	vst v13;
	v13 =	vsub.s32 v30, v20  }
.Ltmp15:
0x3f6: {  	v14 =	vsel vm12, $0x3F800000, v10;
	[tilespmem:s14+$0x6020] =	vst v15;
	vm13 =	vgt.s32 v13, v9;
	(pc) =	sbr.rel @p0 .LBB2_30-.Ltmp15, $4  }
0x3f7: {  	vm14 =	vgt.s32 v13, v11;
	[tilespmem:s18+$0x6000] =	vst v14;
	v14 =	vsel vm13, $0x3F800000, v10  }
0x3f8: {  	vm15 =	vgt.s32 v13, v12;
	[tilespmem:s13+$0x8C30] =	vst v14;
	v14 =	vsel vm14, $0x3F800000, v10  }
0x3f9: {  	v13 =	vsel vm15, $0x3F800000, v10;
	[tilespmem:s13+$0x8C40] =	vst v14  }
0x3fa: {  	[tilespmem:s16+$0x8C00] =	vst v13  }
0x3fb: {  	s11 =	rddreg [dreg:$0x1c]  }
0x3fc: {  	[hbm4b:s11+s31] =	stream.linear.scatter [tilespmem:s5], [sflag:$0x1], $0x800, $0x38;
	[tilespmem:$0x9800] =	vst v63  }
0x3fd: {  	_ =	swait.ge [sflag:s0], $0x800  }
0x3fe: {  	[sflag:s0] =	ssyncset.done $0x0  }
0x3ff: {  	s19 =	rddreg [dreg:$0x1d];
	[sflag:s0] =	ssyncadd.s32 $0xFFFFF800  }
0x400: {  	[hbm4b:s19+s31] =	stream.linear.scatter [tilespmem:s6], [sflag:$0x1], $0x800, $0x38;
	[tilespmem:$0x9800] =	vst v63  }
0x401: {  	_ =	swait.ge [sflag:s0], $0x800  }
0x402: {  	[sflag:s0] =	ssyncset.done $0x0  }
0x403: {  	s20 =	rddreg [dreg:$0x1e];
	[sflag:s0] =	ssyncadd.s32 $0xFFFFF800  }
0x404: {  	[hbm4b:s20+s31] =	stream.linear.scatter [tilespmem:s7], [sflag:$0x1], $0x800, $0x38;
	[tilespmem:$0x9800] =	vst v63  }
0x405: {  	_ =	swait.ge [sflag:s0], $0x800  }
0x406: {  	[sflag:s0] =	ssyncset.done $0x0  }
0x407: {  	s21 =	rddreg [dreg:$0x1f];
	[sflag:s0] =	ssyncadd.s32 $0xFFFFF800  }
0x408: {  	[hbm4b:s21+s31] =	stream.linear.scatter [tilespmem:s8], [sflag:$0x1], $0x800, $0x38;
	[tilespmem:$0x9800] =	vst v63  }
0x409: {  	_ =	swait.ge [sflag:s0], $0x800  }
0x40a: {  	[sflag:s0] =	ssyncset.done $0x0  }
0x40b: {  	[sflag:s0] =	ssyncadd.s32 $0xFFFFF800  }
0x40c: {  	[hbm4b:s25+s31] =	stream.linear.scatter [tilespmem:s2], [sflag:$0x1], $0xC00, $0x38;
	[tilespmem:$0x9800] =	vst v63  }
0x40d: {  	_ =	swait.ge [sflag:s0], $0xC00  }
0x40e: {  	[sflag:s0] =	ssyncset.done $0x0  }
0x40f: {  	[sflag:s0] =	ssyncadd.s32 $0xFFFFF400  }
0x410: {  	[hbm4b:s26+s31] =	stream.linear.scatter [tilespmem:s3], [sflag:$0x1], $0xC00, $0x38;
	[tilespmem:$0x9800] =	vst v63  }
0x411: {  	_ =	swait.ge [sflag:s0], $0xC00  }
0x412: {  	[sflag:s0] =	ssyncset.done $0x0  }
0x413: {  	[sflag:s0] =	ssyncadd.s32 $0xFFFFF400  }
0x414: {  	[hbm4b:s28+s31] =	stream.linear.scatter [tilespmem:s4], [sflag:$0x1], $0xC00, $0x38;
	[tilespmem:$0x9800] =	vst v63  }
0x415: {  	s10 =	sadd.s32 $0x1, s10;
	_ =	swait.ge [sflag:s0], $0xC00  }
0x416: {  	p0 =	sne.s32 s10, s30;
	[sflag:s0] =	ssyncset.done $0x0  }
.Ltmp16:
0x417: {  	[sflag:s0] =	ssyncadd.s32 $0xFFFFF400;
	(pc) =	sbr.rel @p0 .LBB2_1-.Ltmp16, $4  }
0x418: {  	[hbm4b:s29+s31] =	stream.linear.scatter [tilespmem:s9], [sflag:$0x1], $0xC00, $0x38;
	[tilespmem:$0x9800] =	vst v63  }
0x419: {  	_ =	swait.ge [sflag:s0], $0xC00  }
0x41a: {  	[sflag:s0] =	ssyncset.done $0x0  }
0x41b: {  	[sflag:s0] =	ssyncadd.s32 $0xFFFFF400  }
0x41c: {  	_ =	sfence.sel $0x180000  }
0x41d: {  	[bflag:$0x0] =	sbarrier.arrive $0xFFFF  }
0x41e: {  	_ =	strace $0x90000047  }
0x41f: {  	s0 =	stileid.u32;
	[bflag:$0x2] =	sbarrier.arrive $0xFFFF  }
0x420: {  	p0 =	sne.s32 s0, $0x0;
	s0 =	rddreg [dreg:$0x3]  }
0x421: {  	s0 =	sadd.s32 @!p0 $0x100000, s0  }
0x422: {  	[sflag:s0] =	ssyncadd.tile.s32 @!p0 $0x1;
	_ =	shalt  }
.Lfunc_end2:
_tile_overlayer_lowered:
.L_overlay_start_2:
0x423: {  	(tag) =	ssettag $0x2  }
0x424: {  	s0 =	rddreg [dreg:$0x0];
	s2 =	stileid.u32  }
0x425: {  	s1 =	rddreg [dreg:$0x1];
	p0 =	sne.s32 s2, $0x0  }
0x426: {  	s3 =	rddreg [dreg:$0x2];
	[bflag:$0x3] =	sbarrier.arrive $0xFFFF;
	s2 =	simm.s32 @!p0 $0x1C01  }
0x427: {  	[timem:s3], [sflag:s2] =	dma.local @!p0 [hbm:s0], s1  }
0x428: {  	s0 =	simm.s32 @!p0 $0x1  }
0x429: {  	_ =	swait.ge @!p0 [sflag:s0], s1  }
0x42a: {  	s1 =	ssub.s32 @!p0 $0x0, s1;
	[sflag:s0] =	ssyncset.done @!p0 $0x0  }
0x42b: {  	[sflag:s0] =	ssyncadd.s32 @!p0 s1  }
0x42c: {  	[bflag:$0x3] =	sbarrier.arrive $0xFFFF  }
0x42d: {  	_ =	shalt  }

</sc_bundles>
